<compile_context>
chip_gen: v7x
topology: tpu7x:2x2x1
jax: 0.10.2.dev20260603
libtpu: 0.0.44.dev20260713+nightly
codegen_flags: <defaults>
</compile_context>

<pallas_src>
import functools

import jax
import jax.numpy as jnp
from jax import lax
from jax.experimental import pallas as pl
from jax.experimental.pallas import tpu as pltpu
from jax.experimental.pallas import tpu_sc as plsc

B, S, D = 4, 4096, 4096


def _fin_body(lg_ref, sot_ref, lab_ref, b_ref, loss_ref, pred_ref):
    lg = lg_ref[...] + b_ref[...]
    mask = sot_ref[...] != 0
    neg_inf = jnp.float32(-jnp.inf)
    ml = jnp.where(mask, lg, neg_inf)
    m = jnp.max(ml, axis=1, keepdims=True)
    m_safe = jnp.where(m == neg_inf, jnp.float32(0.0), m)
    su = jnp.sum(jnp.exp(ml - m_safe), axis=1, keepdims=True)
    lse = m_safe + jnp.log(su)

    iota = lax.broadcasted_iota(jnp.int32, (B, S), 1)
    big = jnp.int32(1 << 30)
    hit = ml == m
    idx = jnp.min(jnp.where(hit, iota, big), axis=1, keepdims=True)

    mi = mask.astype(jnp.int32)
    r = mi
    sh = 1
    while sh < S:
        zeros = jnp.zeros((B, sh), jnp.int32)
        r = r + jnp.concatenate([zeros, r[:, : S - sh]], axis=1)
        sh *= 2
    rank = r - 1
    pred = jnp.sum(jnp.where(iota == idx, rank, 0), axis=1, keepdims=True)

    lab = lab_ref[...]
    sel = mask & (rank == lab)
    exists = jnp.sum(sel.astype(jnp.int32), axis=1, keepdims=True) > 0
    chosen_sel = jnp.sum(jnp.where(sel, lg, jnp.float32(0.0)), axis=1,
                         keepdims=True)
    chosen = jnp.where(exists, chosen_sel, lg[:, 0:1])
    loss = jnp.sum(lse - chosen) * jnp.float32(1.0 / B)
    loss_ref[...] = loss.reshape(1, 1)
    pred_ref[...] = pred


def _finish(lg, sot, labels, b):
    return pl.pallas_call(
        _fin_body,
        in_specs=[
            pl.BlockSpec((B, S), lambda: (0, 0)),
            pl.BlockSpec((B, S), lambda: (0, 0)),
            pl.BlockSpec((B, 1), lambda: (0, 0)),
            pl.BlockSpec((1, 1), lambda: (0, 0)),
        ],
        out_specs=(
            pl.BlockSpec((1, 1), lambda: (0, 0)),
            pl.BlockSpec((B, 1), lambda: (0, 0)),
        ),
        out_shape=(
            jax.ShapeDtypeStruct((1, 1), jnp.float32),
            jax.ShapeDtypeStruct((B, 1), jnp.int32),
        ),
    )(lg, sot, labels.reshape(B, 1), b.reshape(1, 1))


_NC, _NS, _L = 2, 16, 16
_NW = _NC * _NS
_CHUNK = 8


def _sc_logits(x2d, sot_flat, w):
    nrows = B * S
    slots = nrows // _NW
    ngrp = slots // _L
    mesh = plsc.VectorSubcoreMesh(core_axis_name="c", subcore_axis_name="s")

    @functools.partial(
        pl.kernel,
        out_type=jax.ShapeDtypeStruct((nrows,), jnp.float32),
        mesh=mesh,
        compiler_params=pltpu.CompilerParams(needs_layout_passes=False),
        scratch_types=[
            pltpu.VMEM((slots,), jnp.int32),
            pltpu.VMEM((slots,), jnp.int32),
            pltpu.VMEM((D,), jnp.float32),
            pltpu.VMEM((_CHUNK, D), jnp.float32),
            pltpu.VMEM((_CHUNK, D), jnp.float32),
            pltpu.VMEM((slots,), jnp.float32),
            pltpu.SemaphoreType.DMA,
            pltpu.SemaphoreType.DMA,
        ],
    )
    def body(x_hbm, sot_hbm, w_hbm, out_hbm,
             mask_v, idx_v, w_v, buf0, buf1, out_v, sem0, sem1):
        wid = lax.axis_index("s") * _NC + lax.axis_index("c")
        base_glob = wid * slots
        pltpu.sync_copy(sot_hbm.at[pl.ds(base_glob, slots)], mask_v)
        pltpu.sync_copy(w_hbm, w_v)

        neg = jnp.full((_L,), -jnp.inf, jnp.float32)
        zero_i = jnp.zeros((_L,), jnp.int32)
        for i in range(ngrp):
            out_v[pl.ds(i * _L, _L)] = neg
            idx_v[pl.ds(i * _L, _L)] = zero_i

        lane = lax.iota(jnp.int32, _L)
        one_i = jnp.full((_L,), 1, jnp.int32)
        s_vec = jnp.full((_L,), S, jnp.int32)
        off = jnp.int32(0)
        for i in range(ngrp):
            m16 = mask_v[pl.ds(i * _L, _L)]
            gidx = lane + (base_glob + i * _L)
            keep = (m16 != zero_i) | (jnp.remainder(gidx, s_vec) == zero_i)
            cum = plsc.cumsum(jnp.where(keep, one_i, zero_i))
            plsc.store_scatter(idx_v, [cum - 1 + off], gidx, mask=keep)
            off = off + jnp.max(cum)
        total = off
        npairs = lax.div(total + jnp.int32(2 * _CHUNK - 1),
                         jnp.int32(2 * _CHUNK))

        @pl.when(npairs > 0)
        def _():
            pltpu.async_copy(x_hbm.at[idx_v.at[pl.ds(0, _CHUNK)]],
                             buf0, sem0)

        def compute8(buf):
            init = tuple(jnp.zeros((_L,), jnp.float32)
                         for _ in range(_CHUNK))

            def kbody(kk, accs_in):
                wk = w_v[pl.ds(kk, _L)]
                return tuple(accs_in[r] + buf[r, pl.ds(kk, _L)] * wk
                             for r in range(_CHUNK))
            accs = plsc.parallel_loop(
                0, D, step=_L, unroll=4, carry=init)(kbody)
            return [jnp.sum(a) for a in accs]

        def pair_body(gg, carry):
            g0 = gg * 2
            pltpu.async_copy(
                x_hbm.at[idx_v.at[pl.ds((g0 + 1) * _CHUNK, _CHUNK)]],
                buf1, sem1)
            pltpu.make_async_copy(
                x_hbm.at[idx_v.at[pl.ds(g0 * _CHUNK, _CHUNK)]],
                buf0, sem0).wait()
            res0 = compute8(buf0)

            @pl.when(gg + 1 < npairs)
            def _():
                pltpu.async_copy(
                    x_hbm.at[idx_v.at[pl.ds((g0 + 2) * _CHUNK, _CHUNK)]],
                    buf0, sem0)

            pltpu.make_async_copy(
                x_hbm.at[idx_v.at[pl.ds((g0 + 1) * _CHUNK, _CHUNK)]],
                buf1, sem1).wait()
            res1 = compute8(buf1)

            res = jnp.zeros((_L,), jnp.float32)
            zero_f = jnp.zeros((_L,), jnp.float32)
            for r, sc in enumerate(res0 + res1):
                rvec = jnp.full((_L,), r, jnp.int32)
                res = jnp.where(lane == rvec, zero_f + sc, res)
            slot16 = idx_v[pl.ds(gg * _L, _L)] - base_glob
            valid = (lane + gg * _L) < (zero_i + total)
            plsc.store_scatter(out_v, [slot16], res, mask=valid)
            return carry

        lax.fori_loop(0, npairs, pair_body, jnp.int32(0))
        pltpu.sync_copy(out_v, out_hbm.at[pl.ds(base_glob, slots)])

    return body(x2d, sot_flat, w)


def kernel(sequence_output, sot_positions, labels, w, b):
    x2d = sequence_output.reshape(B * S, D)
    lg = _sc_logits(x2d, sot_positions.reshape(B * S), w).reshape(B, S)
    loss, pred = _finish(lg, sot_positions, labels, b)
    return loss.reshape(()), pred.reshape(B), labels

# --- scband reference (transcript-rebuilt; emitter-appended) ---
"""Pipeline reference for scband-bert-replace-19980187861323 (READ-ONLY COPY).

The authoritative reference and input builder live on the scoring server;
editing this copy changes nothing except your own understanding.
"""

import jax, jax.numpy as jnp
import numpy as np


def setup_inputs(seed: int = 0) -> dict:
    key = jax.random.key(seed)
    k1, k2, k3, k4 = jax.random.split(key, 4)
    B, S, D = 4, 4096, 4096
    sequence_output = jax.random.normal(k1, (B, S, D), dtype=jnp.float32)
    # binary mask marking start-of-sentence tokens (nonzero positions are gathered)
    sot_positions = jax.random.randint(k2, (B, S), 0, 2).astype(jnp.int32)
    # label indexes into the gathered sot tokens; ~S/2 nonzeros so < 16 is always in range
    labels = jax.random.randint(k3, (B,), 0, 16).astype(jnp.int32)
    # classification head params: nn.Linear(hidden_size, 1)
    w = jax.random.normal(k4, (D,), dtype=jnp.float32) * 0.02
    b = jnp.zeros((), dtype=jnp.float32)
    return {"sequence_output": sequence_output, "sot_positions": sot_positions, "labels": labels, "w": w, "b": b}


def reference(sequence_output, sot_positions, labels, w, b):
    # Dropout is identity in eval mode.
    B = sequence_output.shape[0]
    rep_losses = []
    pred_labels = []
    true_labels = []
    for i in range(B):
        # labels are drawn from [0, 16) for every seed, so no row is ever
        # skipped and every row contributes exactly one entry.
        mask = sot_positions[i] != 0
        logits = sequence_output[i] @ w + b  # Linear(hidden_size, 1) then view(-1)
        masked_logits = jnp.where(mask, logits, -jnp.inf)
        rank = jnp.cumsum(mask.astype(jnp.int32)) - 1
        lab_pos = jnp.argmax(mask & (rank == labels[i]))
        # CrossEntropyLoss(logits.unsqueeze(0), label) = logsumexp(logits) - logits[label]
        rep_loss = jax.nn.logsumexp(masked_logits) - logits[lab_pos]
        rep_losses.append(rep_loss)
        true_labels.append(labels[i])
        pred_labels.append(rank[jnp.argmax(masked_logits)])
    replace_loss = jnp.mean(jnp.stack(rep_losses))
    return (replace_loss, jnp.stack(pred_labels), jnp.stack(true_labels))

if __name__ == "__main__":
    import jax
    _d = setup_inputs()
    print(jax.jit(kernel)(*tuple(_d.values())))

</pallas_src>

<mosaic_0001>
#map = affine_map<(d0, d1) -> (0, 0)>
#map1 = affine_map<(d0, d1) -> (0)>
module attributes {stable_mosaic.version = 14 : i64} {
  func.func @body(%arg0: i32, %arg1: i32, %arg2: memref<16384x4096xf32, #tpu.memory_space<hbm>>, %arg3: memref<16384xi32, #tpu.memory_space<hbm>>, %arg4: memref<4096xf32, #tpu.memory_space<hbm>>, %arg5: memref<16384xf32, #tpu.memory_space<hbm>>, %arg6: memref<512xi32, #tpu.memory_space<vmem>>, %arg7: memref<512xi32, #tpu.memory_space<vmem>>, %arg8: memref<4096xf32, #tpu.memory_space<vmem>>, %arg9: memref<8x4096xf32, #tpu.memory_space<vmem>>, %arg10: memref<8x4096xf32, #tpu.memory_space<vmem>>, %arg11: memref<512xf32, #tpu.memory_space<vmem>>, %arg12: memref<!tpu.dma_semaphore, #tpu.memory_space<semaphore_mem>>, %arg13: memref<!tpu.dma_semaphore, #tpu.memory_space<semaphore_mem>>) attributes {dimension_semantics = [#tpu.dimension_semantics<core_parallel>, #tpu.dimension_semantics<subcore_parallel>], iteration_bounds = array<i64: 2, 16>, scalar_prefetch = 0 : i64, scratch_operands = 8 : i64, tpu.core_type = #tpu.core_type<sc_vector_subcore>, window_params = [{transform_indices = #map}, {transform_indices = #map1}, {transform_indices = #map1}, {transform_indices = #map1}]} {
    %mul3A = arith.constant 2 : i32
    %mul3A_0 = arith.muli %arg1, %mul3A : i32
    %add3A = arith.addi %mul3A_0, %arg0 : i32
    %mul3A_1 = arith.constant 512 : i32
    %mul3A_2 = arith.muli %add3A, %mul3A_1 : i32
    "tpu.region"() ({
      %run_scoped3A = tpu.sem_alloc : memref<!tpu.dma_semaphore, #tpu.memory_space<semaphore_mem>>
      %dma_start3A = tpu.memref_slice %arg3[%mul3A_2] : memref<16384xi32, #tpu.memory_space<hbm>> -> memref<512xi32, #tpu.memory_space<hbm>>
      %dma_start3A_1646 = tpu.memref_slice %arg3[%mul3A_2] : memref<16384xi32, #tpu.memory_space<hbm>> -> memref<512xi32, #tpu.memory_space<hbm>>
      tpu.enqueue_dma source(%dma_start3A_1646 : memref<512xi32, #tpu.memory_space<hbm>>) target(%arg6 : memref<512xi32, #tpu.memory_space<vmem>>) target_semaphore(%run_scoped3A : memref<!tpu.dma_semaphore, #tpu.memory_space<semaphore_mem>>)
      %dma_wait3A = tpu.memref_slice %arg3[%mul3A_2] : memref<16384xi32, #tpu.memory_space<hbm>> -> memref<512xi32, #tpu.memory_space<hbm>>
      %dma_wait3A_1647 = tpu.memref_slice %arg3[%mul3A_2] : memref<16384xi32, #tpu.memory_space<hbm>> -> memref<512xi32, #tpu.memory_space<hbm>>
      tpu.wait_dma2 semaphore(%run_scoped3A : memref<!tpu.dma_semaphore, #tpu.memory_space<semaphore_mem>>) src(%dma_wait3A_1647 : memref<512xi32, #tpu.memory_space<hbm>>) dst(%arg6 : memref<512xi32, #tpu.memory_space<vmem>>)
      tpu.yield
    }) : () -> ()
    "tpu.region"() ({
      %run_scoped3A = tpu.sem_alloc : memref<!tpu.dma_semaphore, #tpu.memory_space<semaphore_mem>>
      tpu.enqueue_dma source(%arg4 : memref<4096xf32, #tpu.memory_space<hbm>>) target(%arg8 : memref<4096xf32, #tpu.memory_space<vmem>>) target_semaphore(%run_scoped3A : memref<!tpu.dma_semaphore, #tpu.memory_space<semaphore_mem>>)
      tpu.wait_dma2 semaphore(%run_scoped3A : memref<!tpu.dma_semaphore, #tpu.memory_space<semaphore_mem>>) src(%arg4 : memref<4096xf32, #tpu.memory_space<hbm>>) dst(%arg8 : memref<4096xf32, #tpu.memory_space<vmem>>)
      tpu.yield
    }) : () -> ()
    %broadcast_in_dim3A = arith.constant 0xFF800000 : f32
    %broadcast_in_dim3A_3 = vector.broadcast %broadcast_in_dim3A : f32 to vector<16xf32>
    %broadcast_in_dim3A_4 = arith.constant 0 : i32
    %broadcast_in_dim3A_5 = vector.broadcast %broadcast_in_dim3A_4 : i32 to vector<16xi32>
    %swap3A = arith.constant 0 : index
    %swap3A_6 = tpu.vector_load %arg11[%swap3A] {strides = array<i32>} : memref<512xf32, #tpu.memory_space<vmem>>, vector<16xf32>,
    tpu.vector_store %arg11[%swap3A], %broadcast_in_dim3A_3 {strides = array<i32>} : memref<512xf32, #tpu.memory_space<vmem>>, vector<16xf32>,
    %swap3A_7 = arith.constant 0 : index
    %swap3A_8 = tpu.vector_load %arg7[%swap3A_7] {strides = array<i32>} : memref<512xi32, #tpu.memory_space<vmem>>, vector<16xi32>,
    tpu.vector_store %arg7[%swap3A_7], %broadcast_in_dim3A_5 {strides = array<i32>} : memref<512xi32, #tpu.memory_space<vmem>>, vector<16xi32>,
    %swap3A_9 = arith.constant 16 : index
    %swap3A_10 = tpu.vector_load %arg11[%swap3A_9] {strides = array<i32>} : memref<512xf32, #tpu.memory_space<vmem>>, vector<16xf32>,
    tpu.vector_store %arg11[%swap3A_9], %broadcast_in_dim3A_3 {strides = array<i32>} : memref<512xf32, #tpu.memory_space<vmem>>, vector<16xf32>,
    %swap3A_11 = arith.constant 16 : index
    %swap3A_12 = tpu.vector_load %arg7[%swap3A_11] {strides = array<i32>} : memref<512xi32, #tpu.memory_space<vmem>>, vector<16xi32>,
    tpu.vector_store %arg7[%swap3A_11], %broadcast_in_dim3A_5 {strides = array<i32>} : memref<512xi32, #tpu.memory_space<vmem>>, vector<16xi32>,
    %swap3A_13 = arith.constant 32 : index
    %swap3A_14 = tpu.vector_load %arg11[%swap3A_13] {strides = array<i32>} : memref<512xf32, #tpu.memory_space<vmem>>, vector<16xf32>,
    tpu.vector_store %arg11[%swap3A_13], %broadcast_in_dim3A_3 {strides = array<i32>} : memref<512xf32, #tpu.memory_space<vmem>>, vector<16xf32>,
    %swap3A_15 = arith.constant 32 : index
    %swap3A_16 = tpu.vector_load %arg7[%swap3A_15] {strides = array<i32>} : memref<512xi32, #tpu.memory_space<vmem>>, vector<16xi32>,
    tpu.vector_store %arg7[%swap3A_15], %broadcast_in_dim3A_5 {strides = array<i32>} : memref<512xi32, #tpu.memory_space<vmem>>, vector<16xi32>,
    %swap3A_17 = arith.constant 48 : index
    %swap3A_18 = tpu.vector_load %arg11[%swap3A_17] {strides = array<i32>} : memref<512xf32, #tpu.memory_space<vmem>>, vector<16xf32>,
    tpu.vector_store %arg11[%swap3A_17], %broadcast_in_dim3A_3 {strides = array<i32>} : memref<512xf32, #tpu.memory_space<vmem>>, vector<16xf32>,
    %swap3A_19 = arith.constant 48 : index
    %swap3A_20 = tpu.vector_load %arg7[%swap3A_19] {strides = array<i32>} : memref<512xi32, #tpu.memory_space<vmem>>, vector<16xi32>,
    tpu.vector_store %arg7[%swap3A_19], %broadcast_in_dim3A_5 {strides = array<i32>} : memref<512xi32, #tpu.memory_space<vmem>>, vector<16xi32>,
    %swap3A_21 = arith.constant 64 : index
    %swap3A_22 = tpu.vector_load %arg11[%swap3A_21] {strides = array<i32>} : memref<512xf32, #tpu.memory_space<vmem>>, vector<16xf32>,
    tpu.vector_store %arg11[%swap3A_21], %broadcast_in_dim3A_3 {strides = array<i32>} : memref<512xf32, #tpu.memory_space<vmem>>, vector<16xf32>,
    %swap3A_23 = arith.constant 64 : index
    %swap3A_24 = tpu.vector_load %arg7[%swap3A_23] {strides = array<i32>} : memref<512xi32, #tpu.memory_space<vmem>>, vector<16xi32>,
    tpu.vector_store %arg7[%swap3A_23], %broadcast_in_dim3A_5 {strides = array<i32>} : memref<512xi32, #tpu.memory_space<vmem>>, vector<16xi32>,
    %swap3A_25 = arith.constant 80 : index
    %swap3A_26 = tpu.vector_load %arg11[%swap3A_25] {strides = array<i32>} : memref<512xf32, #tpu.memory_space<vmem>>, vector<16xf32>,
    tpu.vector_store %arg11[%swap3A_25], %broadcast_in_dim3A_3 {strides = array<i32>} : memref<512xf32, #tpu.memory_space<vmem>>, vector<16xf32>,
    %swap3A_27 = arith.constant 80 : index
    %swap3A_28 = tpu.vector_load %arg7[%swap3A_27] {strides = array<i32>} : memref<512xi32, #tpu.memory_space<vmem>>, vector<16xi32>,
    tpu.vector_store %arg7[%swap3A_27], %broadcast_in_dim3A_5 {strides = array<i32>} : memref<512xi32, #tpu.memory_space<vmem>>, vector<16xi32>,
    %swap3A_29 = arith.constant 96 : index
    %swap3A_30 = tpu.vector_load %arg11[%swap3A_29] {strides = array<i32>} : memref<512xf32, #tpu.memory_space<vmem>>, vector<16xf32>,
    tpu.vector_store %arg11[%swap3A_29], %broadcast_in_dim3A_3 {strides = array<i32>} : memref<512xf32, #tpu.memory_space<vmem>>, vector<16xf32>,
    %swap3A_31 = arith.constant 96 : index
    %swap3A_32 = tpu.vector_load %arg7[%swap3A_31] {strides = array<i32>} : memref<512xi32, #tpu.memory_space<vmem>>, vector<16xi32>,
    tpu.vector_store %arg7[%swap3A_31], %broadcast_in_dim3A_5 {strides = array<i32>} : memref<512xi32, #tpu.memory_space<vmem>>, vector<16xi32>,
    %swap3A_33 = arith.constant 112 : index
    %swap3A_34 = tpu.vector_load %arg11[%swap3A_33] {strides = array<i32>} : memref<512xf32, #tpu.memory_space<vmem>>, vector<16xf32>,
    tpu.vector_store %arg11[%swap3A_33], %broadcast_in_dim3A_3 {strides = array<i32>} : memref<512xf32, #tpu.memory_space<vmem>>, vector<16xf32>,
    %swap3A_35 = arith.constant 112 : index
    %swap3A_36 = tpu.vector_load %arg7[%swap3A_35] {strides = array<i32>} : memref<512xi32, #tpu.memory_space<vmem>>, vector<16xi32>,
    tpu.vector_store %arg7[%swap3A_35], %broadcast_in_dim3A_5 {strides = array<i32>} : memref<512xi32, #tpu.memory_space<vmem>>, vector<16xi32>,
    %swap3A_37 = arith.constant 128 : index
    %swap3A_38 = tpu.vector_load %arg11[%swap3A_37] {strides = array<i32>} : memref<512xf32, #tpu.memory_space<vmem>>, vector<16xf32>,
    tpu.vector_store %arg11[%swap3A_37], %broadcast_in_dim3A_3 {strides = array<i32>} : memref<512xf32, #tpu.memory_space<vmem>>, vector<16xf32>,
    %swap3A_39 = arith.constant 128 : index
    %swap3A_40 = tpu.vector_load %arg7[%swap3A_39] {strides = array<i32>} : memref<512xi32, #tpu.memory_space<vmem>>, vector<16xi32>,
    tpu.vector_store %arg7[%swap3A_39], %broadcast_in_dim3A_5 {strides = array<i32>} : memref<512xi32, #tpu.memory_space<vmem>>, vector<16xi32>,
    %swap3A_41 = arith.constant 144 : index
    %swap3A_42 = tpu.vector_load %arg11[%swap3A_41] {strides = array<i32>} : memref<512xf32, #tpu.memory_space<vmem>>, vector<16xf32>,
    tpu.vector_store %arg11[%swap3A_41], %broadcast_in_dim3A_3 {strides = array<i32>} : memref<512xf32, #tpu.memory_space<vmem>>, vector<16xf32>,
    %swap3A_43 = arith.constant 144 : index
    %swap3A_44 = tpu.vector_load %arg7[%swap3A_43] {strides = array<i32>} : memref<512xi32, #tpu.memory_space<vmem>>, vector<16xi32>,
    tpu.vector_store %arg7[%swap3A_43], %broadcast_in_dim3A_5 {strides = array<i32>} : memref<512xi32, #tpu.memory_space<vmem>>, vector<16xi32>,
    %swap3A_45 = arith.constant 160 : index
    %swap3A_46 = tpu.vector_load %arg11[%swap3A_45] {strides = array<i32>} : memref<512xf32, #tpu.memory_space<vmem>>, vector<16xf32>,
    tpu.vector_store %arg11[%swap3A_45], %broadcast_in_dim3A_3 {strides = array<i32>} : memref<512xf32, #tpu.memory_space<vmem>>, vector<16xf32>,
    %swap3A_47 = arith.constant 160 : index
    %swap3A_48 = tpu.vector_load %arg7[%swap3A_47] {strides = array<i32>} : memref<512xi32, #tpu.memory_space<vmem>>, vector<16xi32>,
    tpu.vector_store %arg7[%swap3A_47], %broadcast_in_dim3A_5 {strides = array<i32>} : memref<512xi32, #tpu.memory_space<vmem>>, vector<16xi32>,
    %swap3A_49 = arith.constant 176 : index
    %swap3A_50 = tpu.vector_load %arg11[%swap3A_49] {strides = array<i32>} : memref<512xf32, #tpu.memory_space<vmem>>, vector<16xf32>,
    tpu.vector_store %arg11[%swap3A_49], %broadcast_in_dim3A_3 {strides = array<i32>} : memref<512xf32, #tpu.memory_space<vmem>>, vector<16xf32>,
    %swap3A_51 = arith.constant 176 : index
    %swap3A_52 = tpu.vector_load %arg7[%swap3A_51] {strides = array<i32>} : memref<512xi32, #tpu.memory_space<vmem>>, vector<16xi32>,
    tpu.vector_store %arg7[%swap3A_51], %broadcast_in_dim3A_5 {strides = array<i32>} : memref<512xi32, #tpu.memory_space<vmem>>, vector<16xi32>,
    %swap3A_53 = arith.constant 192 : index
    %swap3A_54 = tpu.vector_load %arg11[%swap3A_53] {strides = array<i32>} : memref<512xf32, #tpu.memory_space<vmem>>, vector<16xf32>,
    tpu.vector_store %arg11[%swap3A_53], %broadcast_in_dim3A_3 {strides = array<i32>} : memref<512xf32, #tpu.memory_space<vmem>>, vector<16xf32>,
    %swap3A_55 = arith.constant 192 : index
    %swap3A_56 = tpu.vector_load %arg7[%swap3A_55] {strides = array<i32>} : memref<512xi32, #tpu.memory_space<vmem>>, vector<16xi32>,
    tpu.vector_store %arg7[%swap3A_55], %broadcast_in_dim3A_5 {strides = array<i32>} : memref<512xi32, #tpu.memory_space<vmem>>, vector<16xi32>,
    %swap3A_57 = arith.constant 208 : index
    %swap3A_58 = tpu.vector_load %arg11[%swap3A_57] {strides = array<i32>} : memref<512xf32, #tpu.memory_space<vmem>>, vector<16xf32>,
    tpu.vector_store %arg11[%swap3A_57], %broadcast_in_dim3A_3 {strides = array<i32>} : memref<512xf32, #tpu.memory_space<vmem>>, vector<16xf32>,
    %swap3A_59 = arith.constant 208 : index
    %swap3A_60 = tpu.vector_load %arg7[%swap3A_59] {strides = array<i32>} : memref<512xi32, #tpu.memory_space<vmem>>, vector<16xi32>,
    tpu.vector_store %arg7[%swap3A_59], %broadcast_in_dim3A_5 {strides = array<i32>} : memref<512xi32, #tpu.memory_space<vmem>>, vector<16xi32>,
    %swap3A_61 = arith.constant 224 : index
    %swap3A_62 = tpu.vector_load %arg11[%swap3A_61] {strides = array<i32>} : memref<512xf32, #tpu.memory_space<vmem>>, vector<16xf32>,
    tpu.vector_store %arg11[%swap3A_61], %broadcast_in_dim3A_3 {strides = array<i32>} : memref<512xf32, #tpu.memory_space<vmem>>, vector<16xf32>,
    %swap3A_63 = arith.constant 224 : index
    %swap3A_64 = tpu.vector_load %arg7[%swap3A_63] {strides = array<i32>} : memref<512xi32, #tpu.memory_space<vmem>>, vector<16xi32>,
    tpu.vector_store %arg7[%swap3A_63], %broadcast_in_dim3A_5 {strides = array<i32>} : memref<512xi32, #tpu.memory_space<vmem>>, vector<16xi32>,
    %swap3A_65 = arith.constant 240 : index
    %swap3A_66 = tpu.vector_load %arg11[%swap3A_65] {strides = array<i32>} : memref<512xf32, #tpu.memory_space<vmem>>, vector<16xf32>,
    tpu.vector_store %arg11[%swap3A_65], %broadcast_in_dim3A_3 {strides = array<i32>} : memref<512xf32, #tpu.memory_space<vmem>>, vector<16xf32>,
    %swap3A_67 = arith.constant 240 : index
    %swap3A_68 = tpu.vector_load %arg7[%swap3A_67] {strides = array<i32>} : memref<512xi32, #tpu.memory_space<vmem>>, vector<16xi32>,
    tpu.vector_store %arg7[%swap3A_67], %broadcast_in_dim3A_5 {strides = array<i32>} : memref<512xi32, #tpu.memory_space<vmem>>, vector<16xi32>,
    %swap3A_69 = arith.constant 256 : index
    %swap3A_70 = tpu.vector_load %arg11[%swap3A_69] {strides = array<i32>} : memref<512xf32, #tpu.memory_space<vmem>>, vector<16xf32>,
    tpu.vector_store %arg11[%swap3A_69], %broadcast_in_dim3A_3 {strides = array<i32>} : memref<512xf32, #tpu.memory_space<vmem>>, vector<16xf32>,
    %swap3A_71 = arith.constant 256 : index
    %swap3A_72 = tpu.vector_load %arg7[%swap3A_71] {strides = array<i32>} : memref<512xi32, #tpu.memory_space<vmem>>, vector<16xi32>,
    tpu.vector_store %arg7[%swap3A_71], %broadcast_in_dim3A_5 {strides = array<i32>} : memref<512xi32, #tpu.memory_space<vmem>>, vector<16xi32>,
    %swap3A_73 = arith.constant 272 : index
    %swap3A_74 = tpu.vector_load %arg11[%swap3A_73] {strides = array<i32>} : memref<512xf32, #tpu.memory_space<vmem>>, vector<16xf32>,
    tpu.vector_store %arg11[%swap3A_73], %broadcast_in_dim3A_3 {strides = array<i32>} : memref<512xf32, #tpu.memory_space<vmem>>, vector<16xf32>,
    %swap3A_75 = arith.constant 272 : index
    %swap3A_76 = tpu.vector_load %arg7[%swap3A_75] {strides = array<i32>} : memref<512xi32, #tpu.memory_space<vmem>>, vector<16xi32>,
    tpu.vector_store %arg7[%swap3A_75], %broadcast_in_dim3A_5 {strides = array<i32>} : memref<512xi32, #tpu.memory_space<vmem>>, vector<16xi32>,
    %swap3A_77 = arith.constant 288 : index
    %swap3A_78 = tpu.vector_load %arg11[%swap3A_77] {strides = array<i32>} : memref<512xf32, #tpu.memory_space<vmem>>, vector<16xf32>,
    tpu.vector_store %arg11[%swap3A_77], %broadcast_in_dim3A_3 {strides = array<i32>} : memref<512xf32, #tpu.memory_space<vmem>>, vector<16xf32>,
    %swap3A_79 = arith.constant 288 : index
    %swap3A_80 = tpu.vector_load %arg7[%swap3A_79] {strides = array<i32>} : memref<512xi32, #tpu.memory_space<vmem>>, vector<16xi32>,
    tpu.vector_store %arg7[%swap3A_79], %broadcast_in_dim3A_5 {strides = array<i32>} : memref<512xi32, #tpu.memory_space<vmem>>, vector<16xi32>,
    %swap3A_81 = arith.constant 304 : index
    %swap3A_82 = tpu.vector_load %arg11[%swap3A_81] {strides = array<i32>} : memref<512xf32, #tpu.memory_space<vmem>>, vector<16xf32>,
    tpu.vector_store %arg11[%swap3A_81], %broadcast_in_dim3A_3 {strides = array<i32>} : memref<512xf32, #tpu.memory_space<vmem>>, vector<16xf32>,
    %swap3A_83 = arith.constant 304 : index
    %swap3A_84 = tpu.vector_load %arg7[%swap3A_83] {strides = array<i32>} : memref<512xi32, #tpu.memory_space<vmem>>, vector<16xi32>,
    tpu.vector_store %arg7[%swap3A_83], %broadcast_in_dim3A_5 {strides = array<i32>} : memref<512xi32, #tpu.memory_space<vmem>>, vector<16xi32>,
    %swap3A_85 = arith.constant 320 : index
    %swap3A_86 = tpu.vector_load %arg11[%swap3A_85] {strides = array<i32>} : memref<512xf32, #tpu.memory_space<vmem>>, vector<16xf32>,
    tpu.vector_store %arg11[%swap3A_85], %broadcast_in_dim3A_3 {strides = array<i32>} : memref<512xf32, #tpu.memory_space<vmem>>, vector<16xf32>,
    %swap3A_87 = arith.constant 320 : index
    %swap3A_88 = tpu.vector_load %arg7[%swap3A_87] {strides = array<i32>} : memref<512xi32, #tpu.memory_space<vmem>>, vector<16xi32>,
    tpu.vector_store %arg7[%swap3A_87], %broadcast_in_dim3A_5 {strides = array<i32>} : memref<512xi32, #tpu.memory_space<vmem>>, vector<16xi32>,
    %swap3A_89 = arith.constant 336 : index
    %swap3A_90 = tpu.vector_load %arg11[%swap3A_89] {strides = array<i32>} : memref<512xf32, #tpu.memory_space<vmem>>, vector<16xf32>,
    tpu.vector_store %arg11[%swap3A_89], %broadcast_in_dim3A_3 {strides = array<i32>} : memref<512xf32, #tpu.memory_space<vmem>>, vector<16xf32>,
    %swap3A_91 = arith.constant 336 : index
    %swap3A_92 = tpu.vector_load %arg7[%swap3A_91] {strides = array<i32>} : memref<512xi32, #tpu.memory_space<vmem>>, vector<16xi32>,
    tpu.vector_store %arg7[%swap3A_91], %broadcast_in_dim3A_5 {strides = array<i32>} : memref<512xi32, #tpu.memory_space<vmem>>, vector<16xi32>,
    %swap3A_93 = arith.constant 352 : index
    %swap3A_94 = tpu.vector_load %arg11[%swap3A_93] {strides = array<i32>} : memref<512xf32, #tpu.memory_space<vmem>>, vector<16xf32>,
    tpu.vector_store %arg11[%swap3A_93], %broadcast_in_dim3A_3 {strides = array<i32>} : memref<512xf32, #tpu.memory_space<vmem>>, vector<16xf32>,
    %swap3A_95 = arith.constant 352 : index
    %swap3A_96 = tpu.vector_load %arg7[%swap3A_95] {strides = array<i32>} : memref<512xi32, #tpu.memory_space<vmem>>, vector<16xi32>,
    tpu.vector_store %arg7[%swap3A_95], %broadcast_in_dim3A_5 {strides = array<i32>} : memref<512xi32, #tpu.memory_space<vmem>>, vector<16xi32>,
    %swap3A_97 = arith.constant 368 : index
    %swap3A_98 = tpu.vector_load %arg11[%swap3A_97] {strides = array<i32>} : memref<512xf32, #tpu.memory_space<vmem>>, vector<16xf32>,
    tpu.vector_store %arg11[%swap3A_97], %broadcast_in_dim3A_3 {strides = array<i32>} : memref<512xf32, #tpu.memory_space<vmem>>, vector<16xf32>,
    %swap3A_99 = arith.constant 368 : index
    %swap3A_100 = tpu.vector_load %arg7[%swap3A_99] {strides = array<i32>} : memref<512xi32, #tpu.memory_space<vmem>>, vector<16xi32>,
    tpu.vector_store %arg7[%swap3A_99], %broadcast_in_dim3A_5 {strides = array<i32>} : memref<512xi32, #tpu.memory_space<vmem>>, vector<16xi32>,
    %swap3A_101 = arith.constant 384 : index
    %swap3A_102 = tpu.vector_load %arg11[%swap3A_101] {strides = array<i32>} : memref<512xf32, #tpu.memory_space<vmem>>, vector<16xf32>,
    tpu.vector_store %arg11[%swap3A_101], %broadcast_in_dim3A_3 {strides = array<i32>} : memref<512xf32, #tpu.memory_space<vmem>>, vector<16xf32>,
    %swap3A_103 = arith.constant 384 : index
    %swap3A_104 = tpu.vector_load %arg7[%swap3A_103] {strides = array<i32>} : memref<512xi32, #tpu.memory_space<vmem>>, vector<16xi32>,
    tpu.vector_store %arg7[%swap3A_103], %broadcast_in_dim3A_5 {strides = array<i32>} : memref<512xi32, #tpu.memory_space<vmem>>, vector<16xi32>,
    %swap3A_105 = arith.constant 400 : index
    %swap3A_106 = tpu.vector_load %arg11[%swap3A_105] {strides = array<i32>} : memref<512xf32, #tpu.memory_space<vmem>>, vector<16xf32>,
    tpu.vector_store %arg11[%swap3A_105], %broadcast_in_dim3A_3 {strides = array<i32>} : memref<512xf32, #tpu.memory_space<vmem>>, vector<16xf32>,
    %swap3A_107 = arith.constant 400 : index
    %swap3A_108 = tpu.vector_load %arg7[%swap3A_107] {strides = array<i32>} : memref<512xi32, #tpu.memory_space<vmem>>, vector<16xi32>,
    tpu.vector_store %arg7[%swap3A_107], %broadcast_in_dim3A_5 {strides = array<i32>} : memref<512xi32, #tpu.memory_space<vmem>>, vector<16xi32>,
    %swap3A_109 = arith.constant 416 : index
    %swap3A_110 = tpu.vector_load %arg11[%swap3A_109] {strides = array<i32>} : memref<512xf32, #tpu.memory_space<vmem>>, vector<16xf32>,
    tpu.vector_store %arg11[%swap3A_109], %broadcast_in_dim3A_3 {strides = array<i32>} : memref<512xf32, #tpu.memory_space<vmem>>, vector<16xf32>,
    %swap3A_111 = arith.constant 416 : index
    %swap3A_112 = tpu.vector_load %arg7[%swap3A_111] {strides = array<i32>} : memref<512xi32, #tpu.memory_space<vmem>>, vector<16xi32>,
    tpu.vector_store %arg7[%swap3A_111], %broadcast_in_dim3A_5 {strides = array<i32>} : memref<512xi32, #tpu.memory_space<vmem>>, vector<16xi32>,
    %swap3A_113 = arith.constant 432 : index
    %swap3A_114 = tpu.vector_load %arg11[%swap3A_113] {strides = array<i32>} : memref<512xf32, #tpu.memory_space<vmem>>, vector<16xf32>,
    tpu.vector_store %arg11[%swap3A_113], %broadcast_in_dim3A_3 {strides = array<i32>} : memref<512xf32, #tpu.memory_space<vmem>>, vector<16xf32>,
    %swap3A_115 = arith.constant 432 : index
    %swap3A_116 = tpu.vector_load %arg7[%swap3A_115] {strides = array<i32>} : memref<512xi32, #tpu.memory_space<vmem>>, vector<16xi32>,
    tpu.vector_store %arg7[%swap3A_115], %broadcast_in_dim3A_5 {strides = array<i32>} : memref<512xi32, #tpu.memory_space<vmem>>, vector<16xi32>,
    %swap3A_117 = arith.constant 448 : index
    %swap3A_118 = tpu.vector_load %arg11[%swap3A_117] {strides = array<i32>} : memref<512xf32, #tpu.memory_space<vmem>>, vector<16xf32>,
    tpu.vector_store %arg11[%swap3A_117], %broadcast_in_dim3A_3 {strides = array<i32>} : memref<512xf32, #tpu.memory_space<vmem>>, vector<16xf32>,
    %swap3A_119 = arith.constant 448 : index
    %swap3A_120 = tpu.vector_load %arg7[%swap3A_119] {strides = array<i32>} : memref<512xi32, #tpu.memory_space<vmem>>, vector<16xi32>,
    tpu.vector_store %arg7[%swap3A_119], %broadcast_in_dim3A_5 {strides = array<i32>} : memref<512xi32, #tpu.memory_space<vmem>>, vector<16xi32>,
    %swap3A_121 = arith.constant 464 : index
    %swap3A_122 = tpu.vector_load %arg11[%swap3A_121] {strides = array<i32>} : memref<512xf32, #tpu.memory_space<vmem>>, vector<16xf32>,
    tpu.vector_store %arg11[%swap3A_121], %broadcast_in_dim3A_3 {strides = array<i32>} : memref<512xf32, #tpu.memory_space<vmem>>, vector<16xf32>,
    %swap3A_123 = arith.constant 464 : index
    %swap3A_124 = tpu.vector_load %arg7[%swap3A_123] {strides = array<i32>} : memref<512xi32, #tpu.memory_space<vmem>>, vector<16xi32>,
    tpu.vector_store %arg7[%swap3A_123], %broadcast_in_dim3A_5 {strides = array<i32>} : memref<512xi32, #tpu.memory_space<vmem>>, vector<16xi32>,
    %swap3A_125 = arith.constant 480 : index
    %swap3A_126 = tpu.vector_load %arg11[%swap3A_125] {strides = array<i32>} : memref<512xf32, #tpu.memory_space<vmem>>, vector<16xf32>,
    tpu.vector_store %arg11[%swap3A_125], %broadcast_in_dim3A_3 {strides = array<i32>} : memref<512xf32, #tpu.memory_space<vmem>>, vector<16xf32>,
    %swap3A_127 = arith.constant 480 : index
    %swap3A_128 = tpu.vector_load %arg7[%swap3A_127] {strides = array<i32>} : memref<512xi32, #tpu.memory_space<vmem>>, vector<16xi32>,
    tpu.vector_store %arg7[%swap3A_127], %broadcast_in_dim3A_5 {strides = array<i32>} : memref<512xi32, #tpu.memory_space<vmem>>, vector<16xi32>,
    %swap3A_129 = arith.constant 496 : index
    %swap3A_130 = tpu.vector_load %arg11[%swap3A_129] {strides = array<i32>} : memref<512xf32, #tpu.memory_space<vmem>>, vector<16xf32>,
    tpu.vector_store %arg11[%swap3A_129], %broadcast_in_dim3A_3 {strides = array<i32>} : memref<512xf32, #tpu.memory_space<vmem>>, vector<16xf32>,
    %swap3A_131 = arith.constant 496 : index
    %swap3A_132 = tpu.vector_load %arg7[%swap3A_131] {strides = array<i32>} : memref<512xi32, #tpu.memory_space<vmem>>, vector<16xi32>,
    tpu.vector_store %arg7[%swap3A_131], %broadcast_in_dim3A_5 {strides = array<i32>} : memref<512xi32, #tpu.memory_space<vmem>>, vector<16xi32>,
    %iota3A = tpu.iota {dimensions = array<i32: 0>} : vector<16xi32>
    %broadcast_in_dim3A_133 = arith.constant 1 : i32
    %broadcast_in_dim3A_134 = vector.broadcast %broadcast_in_dim3A_133 : i32 to vector<16xi32>
    %broadcast_in_dim3A_135 = arith.constant 4096 : i32
    %broadcast_in_dim3A_136 = vector.broadcast %broadcast_in_dim3A_135 : i32 to vector<16xi32>
    %get3A = arith.constant 0 : index
    %get3A_137 = tpu.vector_load %arg6[%get3A] {strides = array<i32>} : memref<512xi32, #tpu.memory_space<vmem>>, vector<16xi32>,
    %add3A_138 = arith.constant 0 : i32
    %add3A_139 = arith.addi %mul3A_2, %add3A_138 : i32
    %add3A_140 = vector.broadcast %add3A_139 : i32 to vector<16xi32>
    %add3A_141 = arith.addi %iota3A, %add3A_140 : vector<16xi32>
    %ne3A = arith.cmpi ne, %get3A_137, %broadcast_in_dim3A_5 : vector<16xi32>
    %eq3A = arith.constant 0 : i32
    %eq3A_142 = vector.broadcast %eq3A : i32 to vector<16xi32>
    %eq3A_143 = arith.cmpi eq, %broadcast_in_dim3A_136, %eq3A_142 : vector<16xi32>
    %broadcast_in_dim3A_144 = arith.constant 1 : i32
    %broadcast_in_dim3A_145 = vector.broadcast %broadcast_in_dim3A_144 : i32 to vector<16xi32>
    %select_n3A = arith.select %eq3A_143, %broadcast_in_dim3A_145, %broadcast_in_dim3A_136 : vector<16xi1>, vector<16xi32>
    %rem3A = arith.remsi %add3A_141, %select_n3A : vector<16xi32>
    %ne3A_146 = arith.constant 0 : i32
    %ne3A_147 = vector.broadcast %ne3A_146 : i32 to vector<16xi32>
    %ne3A_148 = arith.cmpi ne, %rem3A, %ne3A_147 : vector<16xi32>
    %lt3A = arith.constant 0 : i32
    %lt3A_149 = vector.broadcast %lt3A : i32 to vector<16xi32>
    %lt3A_150 = arith.cmpi slt, %rem3A, %lt3A_149 : vector<16xi32>
    %lt3A_151 = arith.constant 0 : i32
    %lt3A_152 = vector.broadcast %lt3A_151 : i32 to vector<16xi32>
    %lt3A_153 = arith.cmpi slt, %select_n3A, %lt3A_152 : vector<16xi32>
    %ne3A_154 = arith.xori %lt3A_150, %lt3A_153 : vector<16xi1>
    %and3A = arith.andi %ne3A_154, %ne3A_148 : vector<16xi1>
    %add3A_155 = arith.addi %rem3A, %select_n3A : vector<16xi32>
    %select_n3A_156 = arith.select %and3A, %add3A_155, %rem3A : vector<16xi1>, vector<16xi32>
    %eq3A_157 = arith.cmpi eq, %select_n3A_156, %broadcast_in_dim3A_5 : vector<16xi32>
    %or3A = arith.ori %ne3A, %eq3A_157 : vector<16xi1>
    %select_n3A_158 = arith.select %or3A, %broadcast_in_dim3A_134, %broadcast_in_dim3A_5 : vector<16xi1>, vector<16xi32>
    %broadcast_in_dim3A_159 = arith.constant true
    %broadcast_in_dim3A_160 = vector.broadcast %broadcast_in_dim3A_159 : i1 to vector<16xi1>
    %masked_cumsum3A = tpu.scan <sum>, %select_n3A_158 masked %broadcast_in_dim3A_160 : vector<16xi32>, vector<16xi1> -> vector<16xi32>
    %sub3A = arith.constant 1 : i32
    %sub3A_161 = vector.broadcast %sub3A : i32 to vector<16xi32>
    %sub3A_162 = arith.subi %masked_cumsum3A, %sub3A_161 : vector<16xi32>
    %add3A_163 = arith.constant 0 : i32
    %add3A_164 = vector.broadcast %add3A_163 : i32 to vector<16xi32>
    %add3A_165 = arith.addi %sub3A_162, %add3A_164 : vector<16xi32>
    tpu.vector_store_idx %arg7[%add3A_165], %add3A_141 masked %or3A : memref<512xi32, #tpu.memory_space<vmem>>[vector<16xi32>], vector<16xi32>, vector<16xi1>
    %reduce_max3A = arith.constant true
    %reduce_max3A_166 = vector.broadcast %reduce_max3A : i1 to vector<16xi1>
    %reduce_max3A_167 = arith.constant -2147483648 : i32
    %reduce_max3A_168 = vector.broadcast %reduce_max3A_167 : i32 to vector<16xi32>
    %reduce_max3A_169 = arith.xori %masked_cumsum3A, %reduce_max3A_168 : vector<16xi32>
    %reduce_max3A_170 = tpu.scan <max>, %reduce_max3A_169 masked %reduce_max3A_166 : vector<16xi32>, vector<16xi1> -> vector<16xi32>
    %reduce_max3A_171 = arith.xori %reduce_max3A_170, %reduce_max3A_168 : vector<16xi32>
    %reduce_max3A_172 = vector.extract %reduce_max3A_171[15] : i32 from vector<16xi32>
    %add3A_173 = arith.constant 0 : i32
    %add3A_174 = arith.addi %add3A_173, %reduce_max3A_172 : i32
    %get3A_175 = arith.constant 16 : index
    %get3A_176 = tpu.vector_load %arg6[%get3A_175] {strides = array<i32>} : memref<512xi32, #tpu.memory_space<vmem>>, vector<16xi32>,
    %add3A_177 = arith.constant 16 : i32
    %add3A_178 = arith.addi %mul3A_2, %add3A_177 : i32
    %add3A_179 = vector.broadcast %add3A_178 : i32 to vector<16xi32>
    %add3A_180 = arith.addi %iota3A, %add3A_179 : vector<16xi32>
    %ne3A_181 = arith.cmpi ne, %get3A_176, %broadcast_in_dim3A_5 : vector<16xi32>
    %eq3A_182 = arith.constant 0 : i32
    %eq3A_183 = vector.broadcast %eq3A_182 : i32 to vector<16xi32>
    %eq3A_184 = arith.cmpi eq, %broadcast_in_dim3A_136, %eq3A_183 : vector<16xi32>
    %broadcast_in_dim3A_185 = arith.constant 1 : i32
    %broadcast_in_dim3A_186 = vector.broadcast %broadcast_in_dim3A_185 : i32 to vector<16xi32>
    %select_n3A_187 = arith.select %eq3A_184, %broadcast_in_dim3A_186, %broadcast_in_dim3A_136 : vector<16xi1>, vector<16xi32>
    %rem3A_188 = arith.remsi %add3A_180, %select_n3A_187 : vector<16xi32>
    %ne3A_189 = arith.constant 0 : i32
    %ne3A_190 = vector.broadcast %ne3A_189 : i32 to vector<16xi32>
    %ne3A_191 = arith.cmpi ne, %rem3A_188, %ne3A_190 : vector<16xi32>
    %lt3A_192 = arith.constant 0 : i32
    %lt3A_193 = vector.broadcast %lt3A_192 : i32 to vector<16xi32>
    %lt3A_194 = arith.cmpi slt, %rem3A_188, %lt3A_193 : vector<16xi32>
    %lt3A_195 = arith.constant 0 : i32
    %lt3A_196 = vector.broadcast %lt3A_195 : i32 to vector<16xi32>
    %lt3A_197 = arith.cmpi slt, %select_n3A_187, %lt3A_196 : vector<16xi32>
    %ne3A_198 = arith.xori %lt3A_194, %lt3A_197 : vector<16xi1>
    %and3A_199 = arith.andi %ne3A_198, %ne3A_191 : vector<16xi1>
    %add3A_200 = arith.addi %rem3A_188, %select_n3A_187 : vector<16xi32>
    %select_n3A_201 = arith.select %and3A_199, %add3A_200, %rem3A_188 : vector<16xi1>, vector<16xi32>
    %eq3A_202 = arith.cmpi eq, %select_n3A_201, %broadcast_in_dim3A_5 : vector<16xi32>
    %or3A_203 = arith.ori %ne3A_181, %eq3A_202 : vector<16xi1>
    %select_n3A_204 = arith.select %or3A_203, %broadcast_in_dim3A_134, %broadcast_in_dim3A_5 : vector<16xi1>, vector<16xi32>
    %broadcast_in_dim3A_205 = arith.constant true
    %broadcast_in_dim3A_206 = vector.broadcast %broadcast_in_dim3A_205 : i1 to vector<16xi1>
    %masked_cumsum3A_207 = tpu.scan <sum>, %select_n3A_204 masked %broadcast_in_dim3A_206 : vector<16xi32>, vector<16xi1> -> vector<16xi32>
    %sub3A_208 = arith.constant 1 : i32
    %sub3A_209 = vector.broadcast %sub3A_208 : i32 to vector<16xi32>
    %sub3A_210 = arith.subi %masked_cumsum3A_207, %sub3A_209 : vector<16xi32>
    %add3A_211 = vector.broadcast %add3A_174 : i32 to vector<16xi32>
    %add3A_212 = arith.addi %sub3A_210, %add3A_211 : vector<16xi32>
    tpu.vector_store_idx %arg7[%add3A_212], %add3A_180 masked %or3A_203 : memref<512xi32, #tpu.memory_space<vmem>>[vector<16xi32>], vector<16xi32>, vector<16xi1>
    %reduce_max3A_213 = arith.constant true
    %reduce_max3A_214 = vector.broadcast %reduce_max3A_213 : i1 to vector<16xi1>
    %reduce_max3A_215 = arith.constant -2147483648 : i32
    %reduce_max3A_216 = vector.broadcast %reduce_max3A_215 : i32 to vector<16xi32>
    %reduce_max3A_217 = arith.xori %masked_cumsum3A_207, %reduce_max3A_216 : vector<16xi32>
    %reduce_max3A_218 = tpu.scan <max>, %reduce_max3A_217 masked %reduce_max3A_214 : vector<16xi32>, vector<16xi1> -> vector<16xi32>
    %reduce_max3A_219 = arith.xori %reduce_max3A_218, %reduce_max3A_216 : vector<16xi32>
    %reduce_max3A_220 = vector.extract %reduce_max3A_219[15] : i32 from vector<16xi32>
    %add3A_221 = arith.addi %add3A_174, %reduce_max3A_220 : i32
    %get3A_222 = arith.constant 32 : index
    %get3A_223 = tpu.vector_load %arg6[%get3A_222] {strides = array<i32>} : memref<512xi32, #tpu.memory_space<vmem>>, vector<16xi32>,
    %add3A_224 = arith.constant 32 : i32
    %add3A_225 = arith.addi %mul3A_2, %add3A_224 : i32
    %add3A_226 = vector.broadcast %add3A_225 : i32 to vector<16xi32>
    %add3A_227 = arith.addi %iota3A, %add3A_226 : vector<16xi32>
    %ne3A_228 = arith.cmpi ne, %get3A_223, %broadcast_in_dim3A_5 : vector<16xi32>
    %eq3A_229 = arith.constant 0 : i32
    %eq3A_230 = vector.broadcast %eq3A_229 : i32 to vector<16xi32>
    %eq3A_231 = arith.cmpi eq, %broadcast_in_dim3A_136, %eq3A_230 : vector<16xi32>
    %broadcast_in_dim3A_232 = arith.constant 1 : i32
    %broadcast_in_dim3A_233 = vector.broadcast %broadcast_in_dim3A_232 : i32 to vector<16xi32>
    %select_n3A_234 = arith.select %eq3A_231, %broadcast_in_dim3A_233, %broadcast_in_dim3A_136 : vector<16xi1>, vector<16xi32>
    %rem3A_235 = arith.remsi %add3A_227, %select_n3A_234 : vector<16xi32>
    %ne3A_236 = arith.constant 0 : i32
    %ne3A_237 = vector.broadcast %ne3A_236 : i32 to vector<16xi32>
    %ne3A_238 = arith.cmpi ne, %rem3A_235, %ne3A_237 : vector<16xi32>
    %lt3A_239 = arith.constant 0 : i32
    %lt3A_240 = vector.broadcast %lt3A_239 : i32 to vector<16xi32>
    %lt3A_241 = arith.cmpi slt, %rem3A_235, %lt3A_240 : vector<16xi32>
    %lt3A_242 = arith.constant 0 : i32
    %lt3A_243 = vector.broadcast %lt3A_242 : i32 to vector<16xi32>
    %lt3A_244 = arith.cmpi slt, %select_n3A_234, %lt3A_243 : vector<16xi32>
    %ne3A_245 = arith.xori %lt3A_241, %lt3A_244 : vector<16xi1>
    %and3A_246 = arith.andi %ne3A_245, %ne3A_238 : vector<16xi1>
    %add3A_247 = arith.addi %rem3A_235, %select_n3A_234 : vector<16xi32>
    %select_n3A_248 = arith.select %and3A_246, %add3A_247, %rem3A_235 : vector<16xi1>, vector<16xi32>
    %eq3A_249 = arith.cmpi eq, %select_n3A_248, %broadcast_in_dim3A_5 : vector<16xi32>
    %or3A_250 = arith.ori %ne3A_228, %eq3A_249 : vector<16xi1>
    %select_n3A_251 = arith.select %or3A_250, %broadcast_in_dim3A_134, %broadcast_in_dim3A_5 : vector<16xi1>, vector<16xi32>
    %broadcast_in_dim3A_252 = arith.constant true
    %broadcast_in_dim3A_253 = vector.broadcast %broadcast_in_dim3A_252 : i1 to vector<16xi1>
    %masked_cumsum3A_254 = tpu.scan <sum>, %select_n3A_251 masked %broadcast_in_dim3A_253 : vector<16xi32>, vector<16xi1> -> vector<16xi32>
    %sub3A_255 = arith.constant 1 : i32
    %sub3A_256 = vector.broadcast %sub3A_255 : i32 to vector<16xi32>
    %sub3A_257 = arith.subi %masked_cumsum3A_254, %sub3A_256 : vector<16xi32>
    %add3A_258 = vector.broadcast %add3A_221 : i32 to vector<16xi32>
    %add3A_259 = arith.addi %sub3A_257, %add3A_258 : vector<16xi32>
    tpu.vector_store_idx %arg7[%add3A_259], %add3A_227 masked %or3A_250 : memref<512xi32, #tpu.memory_space<vmem>>[vector<16xi32>], vector<16xi32>, vector<16xi1>
    %reduce_max3A_260 = arith.constant true
    %reduce_max3A_261 = vector.broadcast %reduce_max3A_260 : i1 to vector<16xi1>
    %reduce_max3A_262 = arith.constant -2147483648 : i32
    %reduce_max3A_263 = vector.broadcast %reduce_max3A_262 : i32 to vector<16xi32>
    %reduce_max3A_264 = arith.xori %masked_cumsum3A_254, %reduce_max3A_263 : vector<16xi32>
    %reduce_max3A_265 = tpu.scan <max>, %reduce_max3A_264 masked %reduce_max3A_261 : vector<16xi32>, vector<16xi1> -> vector<16xi32>
    %reduce_max3A_266 = arith.xori %reduce_max3A_265, %reduce_max3A_263 : vector<16xi32>
    %reduce_max3A_267 = vector.extract %reduce_max3A_266[15] : i32 from vector<16xi32>
    %add3A_268 = arith.addi %add3A_221, %reduce_max3A_267 : i32
    %get3A_269 = arith.constant 48 : index
    %get3A_270 = tpu.vector_load %arg6[%get3A_269] {strides = array<i32>} : memref<512xi32, #tpu.memory_space<vmem>>, vector<16xi32>,
    %add3A_271 = arith.constant 48 : i32
    %add3A_272 = arith.addi %mul3A_2, %add3A_271 : i32
    %add3A_273 = vector.broadcast %add3A_272 : i32 to vector<16xi32>
    %add3A_274 = arith.addi %iota3A, %add3A_273 : vector<16xi32>
    %ne3A_275 = arith.cmpi ne, %get3A_270, %broadcast_in_dim3A_5 : vector<16xi32>
    %eq3A_276 = arith.constant 0 : i32
    %eq3A_277 = vector.broadcast %eq3A_276 : i32 to vector<16xi32>
    %eq3A_278 = arith.cmpi eq, %broadcast_in_dim3A_136, %eq3A_277 : vector<16xi32>
    %broadcast_in_dim3A_279 = arith.constant 1 : i32
    %broadcast_in_dim3A_280 = vector.broadcast %broadcast_in_dim3A_279 : i32 to vector<16xi32>
    %select_n3A_281 = arith.select %eq3A_278, %broadcast_in_dim3A_280, %broadcast_in_dim3A_136 : vector<16xi1>, vector<16xi32>
    %rem3A_282 = arith.remsi %add3A_274, %select_n3A_281 : vector<16xi32>
    %ne3A_283 = arith.constant 0 : i32
    %ne3A_284 = vector.broadcast %ne3A_283 : i32 to vector<16xi32>
    %ne3A_285 = arith.cmpi ne, %rem3A_282, %ne3A_284 : vector<16xi32>
    %lt3A_286 = arith.constant 0 : i32
    %lt3A_287 = vector.broadcast %lt3A_286 : i32 to vector<16xi32>
    %lt3A_288 = arith.cmpi slt, %rem3A_282, %lt3A_287 : vector<16xi32>
    %lt3A_289 = arith.constant 0 : i32
    %lt3A_290 = vector.broadcast %lt3A_289 : i32 to vector<16xi32>
    %lt3A_291 = arith.cmpi slt, %select_n3A_281, %lt3A_290 : vector<16xi32>
    %ne3A_292 = arith.xori %lt3A_288, %lt3A_291 : vector<16xi1>
    %and3A_293 = arith.andi %ne3A_292, %ne3A_285 : vector<16xi1>
    %add3A_294 = arith.addi %rem3A_282, %select_n3A_281 : vector<16xi32>
    %select_n3A_295 = arith.select %and3A_293, %add3A_294, %rem3A_282 : vector<16xi1>, vector<16xi32>
    %eq3A_296 = arith.cmpi eq, %select_n3A_295, %broadcast_in_dim3A_5 : vector<16xi32>
    %or3A_297 = arith.ori %ne3A_275, %eq3A_296 : vector<16xi1>
    %select_n3A_298 = arith.select %or3A_297, %broadcast_in_dim3A_134, %broadcast_in_dim3A_5 : vector<16xi1>, vector<16xi32>
    %broadcast_in_dim3A_299 = arith.constant true
    %broadcast_in_dim3A_300 = vector.broadcast %broadcast_in_dim3A_299 : i1 to vector<16xi1>
    %masked_cumsum3A_301 = tpu.scan <sum>, %select_n3A_298 masked %broadcast_in_dim3A_300 : vector<16xi32>, vector<16xi1> -> vector<16xi32>
    %sub3A_302 = arith.constant 1 : i32
    %sub3A_303 = vector.broadcast %sub3A_302 : i32 to vector<16xi32>
    %sub3A_304 = arith.subi %masked_cumsum3A_301, %sub3A_303 : vector<16xi32>
    %add3A_305 = vector.broadcast %add3A_268 : i32 to vector<16xi32>
    %add3A_306 = arith.addi %sub3A_304, %add3A_305 : vector<16xi32>
    tpu.vector_store_idx %arg7[%add3A_306], %add3A_274 masked %or3A_297 : memref<512xi32, #tpu.memory_space<vmem>>[vector<16xi32>], vector<16xi32>, vector<16xi1>
    %reduce_max3A_307 = arith.constant true
    %reduce_max3A_308 = vector.broadcast %reduce_max3A_307 : i1 to vector<16xi1>
    %reduce_max3A_309 = arith.constant -2147483648 : i32
    %reduce_max3A_310 = vector.broadcast %reduce_max3A_309 : i32 to vector<16xi32>
    %reduce_max3A_311 = arith.xori %masked_cumsum3A_301, %reduce_max3A_310 : vector<16xi32>
    %reduce_max3A_312 = tpu.scan <max>, %reduce_max3A_311 masked %reduce_max3A_308 : vector<16xi32>, vector<16xi1> -> vector<16xi32>
    %reduce_max3A_313 = arith.xori %reduce_max3A_312, %reduce_max3A_310 : vector<16xi32>
    %reduce_max3A_314 = vector.extract %reduce_max3A_313[15] : i32 from vector<16xi32>
    %add3A_315 = arith.addi %add3A_268, %reduce_max3A_314 : i32
    %get3A_316 = arith.constant 64 : index
    %get3A_317 = tpu.vector_load %arg6[%get3A_316] {strides = array<i32>} : memref<512xi32, #tpu.memory_space<vmem>>, vector<16xi32>,
    %add3A_318 = arith.constant 64 : i32
    %add3A_319 = arith.addi %mul3A_2, %add3A_318 : i32
    %add3A_320 = vector.broadcast %add3A_319 : i32 to vector<16xi32>
    %add3A_321 = arith.addi %iota3A, %add3A_320 : vector<16xi32>
    %ne3A_322 = arith.cmpi ne, %get3A_317, %broadcast_in_dim3A_5 : vector<16xi32>
    %eq3A_323 = arith.constant 0 : i32
    %eq3A_324 = vector.broadcast %eq3A_323 : i32 to vector<16xi32>
    %eq3A_325 = arith.cmpi eq, %broadcast_in_dim3A_136, %eq3A_324 : vector<16xi32>
    %broadcast_in_dim3A_326 = arith.constant 1 : i32
    %broadcast_in_dim3A_327 = vector.broadcast %broadcast_in_dim3A_326 : i32 to vector<16xi32>
    %select_n3A_328 = arith.select %eq3A_325, %broadcast_in_dim3A_327, %broadcast_in_dim3A_136 : vector<16xi1>, vector<16xi32>
    %rem3A_329 = arith.remsi %add3A_321, %select_n3A_328 : vector<16xi32>
    %ne3A_330 = arith.constant 0 : i32
    %ne3A_331 = vector.broadcast %ne3A_330 : i32 to vector<16xi32>
    %ne3A_332 = arith.cmpi ne, %rem3A_329, %ne3A_331 : vector<16xi32>
    %lt3A_333 = arith.constant 0 : i32
    %lt3A_334 = vector.broadcast %lt3A_333 : i32 to vector<16xi32>
    %lt3A_335 = arith.cmpi slt, %rem3A_329, %lt3A_334 : vector<16xi32>
    %lt3A_336 = arith.constant 0 : i32
    %lt3A_337 = vector.broadcast %lt3A_336 : i32 to vector<16xi32>
    %lt3A_338 = arith.cmpi slt, %select_n3A_328, %lt3A_337 : vector<16xi32>
    %ne3A_339 = arith.xori %lt3A_335, %lt3A_338 : vector<16xi1>
    %and3A_340 = arith.andi %ne3A_339, %ne3A_332 : vector<16xi1>
    %add3A_341 = arith.addi %rem3A_329, %select_n3A_328 : vector<16xi32>
    %select_n3A_342 = arith.select %and3A_340, %add3A_341, %rem3A_329 : vector<16xi1>, vector<16xi32>
    %eq3A_343 = arith.cmpi eq, %select_n3A_342, %broadcast_in_dim3A_5 : vector<16xi32>
    %or3A_344 = arith.ori %ne3A_322, %eq3A_343 : vector<16xi1>
    %select_n3A_345 = arith.select %or3A_344, %broadcast_in_dim3A_134, %broadcast_in_dim3A_5 : vector<16xi1>, vector<16xi32>
    %broadcast_in_dim3A_346 = arith.constant true
    %broadcast_in_dim3A_347 = vector.broadcast %broadcast_in_dim3A_346 : i1 to vector<16xi1>
    %masked_cumsum3A_348 = tpu.scan <sum>, %select_n3A_345 masked %broadcast_in_dim3A_347 : vector<16xi32>, vector<16xi1> -> vector<16xi32>
    %sub3A_349 = arith.constant 1 : i32
    %sub3A_350 = vector.broadcast %sub3A_349 : i32 to vector<16xi32>
    %sub3A_351 = arith.subi %masked_cumsum3A_348, %sub3A_350 : vector<16xi32>
    %add3A_352 = vector.broadcast %add3A_315 : i32 to vector<16xi32>
    %add3A_353 = arith.addi %sub3A_351, %add3A_352 : vector<16xi32>
    tpu.vector_store_idx %arg7[%add3A_353], %add3A_321 masked %or3A_344 : memref<512xi32, #tpu.memory_space<vmem>>[vector<16xi32>], vector<16xi32>, vector<16xi1>
    %reduce_max3A_354 = arith.constant true
    %reduce_max3A_355 = vector.broadcast %reduce_max3A_354 : i1 to vector<16xi1>
    %reduce_max3A_356 = arith.constant -2147483648 : i32
    %reduce_max3A_357 = vector.broadcast %reduce_max3A_356 : i32 to vector<16xi32>
    %reduce_max3A_358 = arith.xori %masked_cumsum3A_348, %reduce_max3A_357 : vector<16xi32>
    %reduce_max3A_359 = tpu.scan <max>, %reduce_max3A_358 masked %reduce_max3A_355 : vector<16xi32>, vector<16xi1> -> vector<16xi32>
    %reduce_max3A_360 = arith.xori %reduce_max3A_359, %reduce_max3A_357 : vector<16xi32>
    %reduce_max3A_361 = vector.extract %reduce_max3A_360[15] : i32 from vector<16xi32>
    %add3A_362 = arith.addi %add3A_315, %reduce_max3A_361 : i32
    %get3A_363 = arith.constant 80 : index
    %get3A_364 = tpu.vector_load %arg6[%get3A_363] {strides = array<i32>} : memref<512xi32, #tpu.memory_space<vmem>>, vector<16xi32>,
    %add3A_365 = arith.constant 80 : i32
    %add3A_366 = arith.addi %mul3A_2, %add3A_365 : i32
    %add3A_367 = vector.broadcast %add3A_366 : i32 to vector<16xi32>
    %add3A_368 = arith.addi %iota3A, %add3A_367 : vector<16xi32>
    %ne3A_369 = arith.cmpi ne, %get3A_364, %broadcast_in_dim3A_5 : vector<16xi32>
    %eq3A_370 = arith.constant 0 : i32
    %eq3A_371 = vector.broadcast %eq3A_370 : i32 to vector<16xi32>
    %eq3A_372 = arith.cmpi eq, %broadcast_in_dim3A_136, %eq3A_371 : vector<16xi32>
    %broadcast_in_dim3A_373 = arith.constant 1 : i32
    %broadcast_in_dim3A_374 = vector.broadcast %broadcast_in_dim3A_373 : i32 to vector<16xi32>
    %select_n3A_375 = arith.select %eq3A_372, %broadcast_in_dim3A_374, %broadcast_in_dim3A_136 : vector<16xi1>, vector<16xi32>
    %rem3A_376 = arith.remsi %add3A_368, %select_n3A_375 : vector<16xi32>
    %ne3A_377 = arith.constant 0 : i32
    %ne3A_378 = vector.broadcast %ne3A_377 : i32 to vector<16xi32>
    %ne3A_379 = arith.cmpi ne, %rem3A_376, %ne3A_378 : vector<16xi32>
    %lt3A_380 = arith.constant 0 : i32
    %lt3A_381 = vector.broadcast %lt3A_380 : i32 to vector<16xi32>
    %lt3A_382 = arith.cmpi slt, %rem3A_376, %lt3A_381 : vector<16xi32>
    %lt3A_383 = arith.constant 0 : i32
    %lt3A_384 = vector.broadcast %lt3A_383 : i32 to vector<16xi32>
    %lt3A_385 = arith.cmpi slt, %select_n3A_375, %lt3A_384 : vector<16xi32>
    %ne3A_386 = arith.xori %lt3A_382, %lt3A_385 : vector<16xi1>
    %and3A_387 = arith.andi %ne3A_386, %ne3A_379 : vector<16xi1>
    %add3A_388 = arith.addi %rem3A_376, %select_n3A_375 : vector<16xi32>
    %select_n3A_389 = arith.select %and3A_387, %add3A_388, %rem3A_376 : vector<16xi1>, vector<16xi32>
    %eq3A_390 = arith.cmpi eq, %select_n3A_389, %broadcast_in_dim3A_5 : vector<16xi32>
    %or3A_391 = arith.ori %ne3A_369, %eq3A_390 : vector<16xi1>
    %select_n3A_392 = arith.select %or3A_391, %broadcast_in_dim3A_134, %broadcast_in_dim3A_5 : vector<16xi1>, vector<16xi32>
    %broadcast_in_dim3A_393 = arith.constant true
    %broadcast_in_dim3A_394 = vector.broadcast %broadcast_in_dim3A_393 : i1 to vector<16xi1>
    %masked_cumsum3A_395 = tpu.scan <sum>, %select_n3A_392 masked %broadcast_in_dim3A_394 : vector<16xi32>, vector<16xi1> -> vector<16xi32>
    %sub3A_396 = arith.constant 1 : i32
    %sub3A_397 = vector.broadcast %sub3A_396 : i32 to vector<16xi32>
    %sub3A_398 = arith.subi %masked_cumsum3A_395, %sub3A_397 : vector<16xi32>
    %add3A_399 = vector.broadcast %add3A_362 : i32 to vector<16xi32>
    %add3A_400 = arith.addi %sub3A_398, %add3A_399 : vector<16xi32>
    tpu.vector_store_idx %arg7[%add3A_400], %add3A_368 masked %or3A_391 : memref<512xi32, #tpu.memory_space<vmem>>[vector<16xi32>], vector<16xi32>, vector<16xi1>
    %reduce_max3A_401 = arith.constant true
    %reduce_max3A_402 = vector.broadcast %reduce_max3A_401 : i1 to vector<16xi1>
    %reduce_max3A_403 = arith.constant -2147483648 : i32
    %reduce_max3A_404 = vector.broadcast %reduce_max3A_403 : i32 to vector<16xi32>
    %reduce_max3A_405 = arith.xori %masked_cumsum3A_395, %reduce_max3A_404 : vector<16xi32>
    %reduce_max3A_406 = tpu.scan <max>, %reduce_max3A_405 masked %reduce_max3A_402 : vector<16xi32>, vector<16xi1> -> vector<16xi32>
    %reduce_max3A_407 = arith.xori %reduce_max3A_406, %reduce_max3A_404 : vector<16xi32>
    %reduce_max3A_408 = vector.extract %reduce_max3A_407[15] : i32 from vector<16xi32>
    %add3A_409 = arith.addi %add3A_362, %reduce_max3A_408 : i32
    %get3A_410 = arith.constant 96 : index
    %get3A_411 = tpu.vector_load %arg6[%get3A_410] {strides = array<i32>} : memref<512xi32, #tpu.memory_space<vmem>>, vector<16xi32>,
    %add3A_412 = arith.constant 96 : i32
    %add3A_413 = arith.addi %mul3A_2, %add3A_412 : i32
    %add3A_414 = vector.broadcast %add3A_413 : i32 to vector<16xi32>
    %add3A_415 = arith.addi %iota3A, %add3A_414 : vector<16xi32>
    %ne3A_416 = arith.cmpi ne, %get3A_411, %broadcast_in_dim3A_5 : vector<16xi32>
    %eq3A_417 = arith.constant 0 : i32
    %eq3A_418 = vector.broadcast %eq3A_417 : i32 to vector<16xi32>
    %eq3A_419 = arith.cmpi eq, %broadcast_in_dim3A_136, %eq3A_418 : vector<16xi32>
    %broadcast_in_dim3A_420 = arith.constant 1 : i32
    %broadcast_in_dim3A_421 = vector.broadcast %broadcast_in_dim3A_420 : i32 to vector<16xi32>
    %select_n3A_422 = arith.select %eq3A_419, %broadcast_in_dim3A_421, %broadcast_in_dim3A_136 : vector<16xi1>, vector<16xi32>
    %rem3A_423 = arith.remsi %add3A_415, %select_n3A_422 : vector<16xi32>
    %ne3A_424 = arith.constant 0 : i32
    %ne3A_425 = vector.broadcast %ne3A_424 : i32 to vector<16xi32>
    %ne3A_426 = arith.cmpi ne, %rem3A_423, %ne3A_425 : vector<16xi32>
    %lt3A_427 = arith.constant 0 : i32
    %lt3A_428 = vector.broadcast %lt3A_427 : i32 to vector<16xi32>
    %lt3A_429 = arith.cmpi slt, %rem3A_423, %lt3A_428 : vector<16xi32>
    %lt3A_430 = arith.constant 0 : i32
    %lt3A_431 = vector.broadcast %lt3A_430 : i32 to vector<16xi32>
    %lt3A_432 = arith.cmpi slt, %select_n3A_422, %lt3A_431 : vector<16xi32>
    %ne3A_433 = arith.xori %lt3A_429, %lt3A_432 : vector<16xi1>
    %and3A_434 = arith.andi %ne3A_433, %ne3A_426 : vector<16xi1>
    %add3A_435 = arith.addi %rem3A_423, %select_n3A_422 : vector<16xi32>
    %select_n3A_436 = arith.select %and3A_434, %add3A_435, %rem3A_423 : vector<16xi1>, vector<16xi32>
    %eq3A_437 = arith.cmpi eq, %select_n3A_436, %broadcast_in_dim3A_5 : vector<16xi32>
    %or3A_438 = arith.ori %ne3A_416, %eq3A_437 : vector<16xi1>
    %select_n3A_439 = arith.select %or3A_438, %broadcast_in_dim3A_134, %broadcast_in_dim3A_5 : vector<16xi1>, vector<16xi32>
    %broadcast_in_dim3A_440 = arith.constant true
    %broadcast_in_dim3A_441 = vector.broadcast %broadcast_in_dim3A_440 : i1 to vector<16xi1>
    %masked_cumsum3A_442 = tpu.scan <sum>, %select_n3A_439 masked %broadcast_in_dim3A_441 : vector<16xi32>, vector<16xi1> -> vector<16xi32>
    %sub3A_443 = arith.constant 1 : i32
    %sub3A_444 = vector.broadcast %sub3A_443 : i32 to vector<16xi32>
    %sub3A_445 = arith.subi %masked_cumsum3A_442, %sub3A_444 : vector<16xi32>
    %add3A_446 = vector.broadcast %add3A_409 : i32 to vector<16xi32>
    %add3A_447 = arith.addi %sub3A_445, %add3A_446 : vector<16xi32>
    tpu.vector_store_idx %arg7[%add3A_447], %add3A_415 masked %or3A_438 : memref<512xi32, #tpu.memory_space<vmem>>[vector<16xi32>], vector<16xi32>, vector<16xi1>
    %reduce_max3A_448 = arith.constant true
    %reduce_max3A_449 = vector.broadcast %reduce_max3A_448 : i1 to vector<16xi1>
    %reduce_max3A_450 = arith.constant -2147483648 : i32
    %reduce_max3A_451 = vector.broadcast %reduce_max3A_450 : i32 to vector<16xi32>
    %reduce_max3A_452 = arith.xori %masked_cumsum3A_442, %reduce_max3A_451 : vector<16xi32>
    %reduce_max3A_453 = tpu.scan <max>, %reduce_max3A_452 masked %reduce_max3A_449 : vector<16xi32>, vector<16xi1> -> vector<16xi32>
    %reduce_max3A_454 = arith.xori %reduce_max3A_453, %reduce_max3A_451 : vector<16xi32>
    %reduce_max3A_455 = vector.extract %reduce_max3A_454[15] : i32 from vector<16xi32>
    %add3A_456 = arith.addi %add3A_409, %reduce_max3A_455 : i32
    %get3A_457 = arith.constant 112 : index
    %get3A_458 = tpu.vector_load %arg6[%get3A_457] {strides = array<i32>} : memref<512xi32, #tpu.memory_space<vmem>>, vector<16xi32>,
    %add3A_459 = arith.constant 112 : i32
    %add3A_460 = arith.addi %mul3A_2, %add3A_459 : i32
    %add3A_461 = vector.broadcast %add3A_460 : i32 to vector<16xi32>
    %add3A_462 = arith.addi %iota3A, %add3A_461 : vector<16xi32>
    %ne3A_463 = arith.cmpi ne, %get3A_458, %broadcast_in_dim3A_5 : vector<16xi32>
    %eq3A_464 = arith.constant 0 : i32
    %eq3A_465 = vector.broadcast %eq3A_464 : i32 to vector<16xi32>
    %eq3A_466 = arith.cmpi eq, %broadcast_in_dim3A_136, %eq3A_465 : vector<16xi32>
    %broadcast_in_dim3A_467 = arith.constant 1 : i32
    %broadcast_in_dim3A_468 = vector.broadcast %broadcast_in_dim3A_467 : i32 to vector<16xi32>
    %select_n3A_469 = arith.select %eq3A_466, %broadcast_in_dim3A_468, %broadcast_in_dim3A_136 : vector<16xi1>, vector<16xi32>
    %rem3A_470 = arith.remsi %add3A_462, %select_n3A_469 : vector<16xi32>
    %ne3A_471 = arith.constant 0 : i32
    %ne3A_472 = vector.broadcast %ne3A_471 : i32 to vector<16xi32>
    %ne3A_473 = arith.cmpi ne, %rem3A_470, %ne3A_472 : vector<16xi32>
    %lt3A_474 = arith.constant 0 : i32
    %lt3A_475 = vector.broadcast %lt3A_474 : i32 to vector<16xi32>
    %lt3A_476 = arith.cmpi slt, %rem3A_470, %lt3A_475 : vector<16xi32>
    %lt3A_477 = arith.constant 0 : i32
    %lt3A_478 = vector.broadcast %lt3A_477 : i32 to vector<16xi32>
    %lt3A_479 = arith.cmpi slt, %select_n3A_469, %lt3A_478 : vector<16xi32>
    %ne3A_480 = arith.xori %lt3A_476, %lt3A_479 : vector<16xi1>
    %and3A_481 = arith.andi %ne3A_480, %ne3A_473 : vector<16xi1>
    %add3A_482 = arith.addi %rem3A_470, %select_n3A_469 : vector<16xi32>
    %select_n3A_483 = arith.select %and3A_481, %add3A_482, %rem3A_470 : vector<16xi1>, vector<16xi32>
    %eq3A_484 = arith.cmpi eq, %select_n3A_483, %broadcast_in_dim3A_5 : vector<16xi32>
    %or3A_485 = arith.ori %ne3A_463, %eq3A_484 : vector<16xi1>
    %select_n3A_486 = arith.select %or3A_485, %broadcast_in_dim3A_134, %broadcast_in_dim3A_5 : vector<16xi1>, vector<16xi32>
    %broadcast_in_dim3A_487 = arith.constant true
    %broadcast_in_dim3A_488 = vector.broadcast %broadcast_in_dim3A_487 : i1 to vector<16xi1>
    %masked_cumsum3A_489 = tpu.scan <sum>, %select_n3A_486 masked %broadcast_in_dim3A_488 : vector<16xi32>, vector<16xi1> -> vector<16xi32>
    %sub3A_490 = arith.constant 1 : i32
    %sub3A_491 = vector.broadcast %sub3A_490 : i32 to vector<16xi32>
    %sub3A_492 = arith.subi %masked_cumsum3A_489, %sub3A_491 : vector<16xi32>
    %add3A_493 = vector.broadcast %add3A_456 : i32 to vector<16xi32>
    %add3A_494 = arith.addi %sub3A_492, %add3A_493 : vector<16xi32>
    tpu.vector_store_idx %arg7[%add3A_494], %add3A_462 masked %or3A_485 : memref<512xi32, #tpu.memory_space<vmem>>[vector<16xi32>], vector<16xi32>, vector<16xi1>
    %reduce_max3A_495 = arith.constant true
    %reduce_max3A_496 = vector.broadcast %reduce_max3A_495 : i1 to vector<16xi1>
    %reduce_max3A_497 = arith.constant -2147483648 : i32
    %reduce_max3A_498 = vector.broadcast %reduce_max3A_497 : i32 to vector<16xi32>
    %reduce_max3A_499 = arith.xori %masked_cumsum3A_489, %reduce_max3A_498 : vector<16xi32>
    %reduce_max3A_500 = tpu.scan <max>, %reduce_max3A_499 masked %reduce_max3A_496 : vector<16xi32>, vector<16xi1> -> vector<16xi32>
    %reduce_max3A_501 = arith.xori %reduce_max3A_500, %reduce_max3A_498 : vector<16xi32>
    %reduce_max3A_502 = vector.extract %reduce_max3A_501[15] : i32 from vector<16xi32>
    %add3A_503 = arith.addi %add3A_456, %reduce_max3A_502 : i32
    %get3A_504 = arith.constant 128 : index
    %get3A_505 = tpu.vector_load %arg6[%get3A_504] {strides = array<i32>} : memref<512xi32, #tpu.memory_space<vmem>>, vector<16xi32>,
    %add3A_506 = arith.constant 128 : i32
    %add3A_507 = arith.addi %mul3A_2, %add3A_506 : i32
    %add3A_508 = vector.broadcast %add3A_507 : i32 to vector<16xi32>
    %add3A_509 = arith.addi %iota3A, %add3A_508 : vector<16xi32>
    %ne3A_510 = arith.cmpi ne, %get3A_505, %broadcast_in_dim3A_5 : vector<16xi32>
    %eq3A_511 = arith.constant 0 : i32
    %eq3A_512 = vector.broadcast %eq3A_511 : i32 to vector<16xi32>
    %eq3A_513 = arith.cmpi eq, %broadcast_in_dim3A_136, %eq3A_512 : vector<16xi32>
    %broadcast_in_dim3A_514 = arith.constant 1 : i32
    %broadcast_in_dim3A_515 = vector.broadcast %broadcast_in_dim3A_514 : i32 to vector<16xi32>
    %select_n3A_516 = arith.select %eq3A_513, %broadcast_in_dim3A_515, %broadcast_in_dim3A_136 : vector<16xi1>, vector<16xi32>
    %rem3A_517 = arith.remsi %add3A_509, %select_n3A_516 : vector<16xi32>
    %ne3A_518 = arith.constant 0 : i32
    %ne3A_519 = vector.broadcast %ne3A_518 : i32 to vector<16xi32>
    %ne3A_520 = arith.cmpi ne, %rem3A_517, %ne3A_519 : vector<16xi32>
    %lt3A_521 = arith.constant 0 : i32
    %lt3A_522 = vector.broadcast %lt3A_521 : i32 to vector<16xi32>
    %lt3A_523 = arith.cmpi slt, %rem3A_517, %lt3A_522 : vector<16xi32>
    %lt3A_524 = arith.constant 0 : i32
    %lt3A_525 = vector.broadcast %lt3A_524 : i32 to vector<16xi32>
    %lt3A_526 = arith.cmpi slt, %select_n3A_516, %lt3A_525 : vector<16xi32>
    %ne3A_527 = arith.xori %lt3A_523, %lt3A_526 : vector<16xi1>
    %and3A_528 = arith.andi %ne3A_527, %ne3A_520 : vector<16xi1>
    %add3A_529 = arith.addi %rem3A_517, %select_n3A_516 : vector<16xi32>
    %select_n3A_530 = arith.select %and3A_528, %add3A_529, %rem3A_517 : vector<16xi1>, vector<16xi32>
    %eq3A_531 = arith.cmpi eq, %select_n3A_530, %broadcast_in_dim3A_5 : vector<16xi32>
    %or3A_532 = arith.ori %ne3A_510, %eq3A_531 : vector<16xi1>
    %select_n3A_533 = arith.select %or3A_532, %broadcast_in_dim3A_134, %broadcast_in_dim3A_5 : vector<16xi1>, vector<16xi32>
    %broadcast_in_dim3A_534 = arith.constant true
    %broadcast_in_dim3A_535 = vector.broadcast %broadcast_in_dim3A_534 : i1 to vector<16xi1>
    %masked_cumsum3A_536 = tpu.scan <sum>, %select_n3A_533 masked %broadcast_in_dim3A_535 : vector<16xi32>, vector<16xi1> -> vector<16xi32>
    %sub3A_537 = arith.constant 1 : i32
    %sub3A_538 = vector.broadcast %sub3A_537 : i32 to vector<16xi32>
    %sub3A_539 = arith.subi %masked_cumsum3A_536, %sub3A_538 : vector<16xi32>
    %add3A_540 = vector.broadcast %add3A_503 : i32 to vector<16xi32>
    %add3A_541 = arith.addi %sub3A_539, %add3A_540 : vector<16xi32>
    tpu.vector_store_idx %arg7[%add3A_541], %add3A_509 masked %or3A_532 : memref<512xi32, #tpu.memory_space<vmem>>[vector<16xi32>], vector<16xi32>, vector<16xi1>
    %reduce_max3A_542 = arith.constant true
    %reduce_max3A_543 = vector.broadcast %reduce_max3A_542 : i1 to vector<16xi1>
    %reduce_max3A_544 = arith.constant -2147483648 : i32
    %reduce_max3A_545 = vector.broadcast %reduce_max3A_544 : i32 to vector<16xi32>
    %reduce_max3A_546 = arith.xori %masked_cumsum3A_536, %reduce_max3A_545 : vector<16xi32>
    %reduce_max3A_547 = tpu.scan <max>, %reduce_max3A_546 masked %reduce_max3A_543 : vector<16xi32>, vector<16xi1> -> vector<16xi32>
    %reduce_max3A_548 = arith.xori %reduce_max3A_547, %reduce_max3A_545 : vector<16xi32>
    %reduce_max3A_549 = vector.extract %reduce_max3A_548[15] : i32 from vector<16xi32>
    %add3A_550 = arith.addi %add3A_503, %reduce_max3A_549 : i32
    %get3A_551 = arith.constant 144 : index
    %get3A_552 = tpu.vector_load %arg6[%get3A_551] {strides = array<i32>} : memref<512xi32, #tpu.memory_space<vmem>>, vector<16xi32>,
    %add3A_553 = arith.constant 144 : i32
    %add3A_554 = arith.addi %mul3A_2, %add3A_553 : i32
    %add3A_555 = vector.broadcast %add3A_554 : i32 to vector<16xi32>
    %add3A_556 = arith.addi %iota3A, %add3A_555 : vector<16xi32>
    %ne3A_557 = arith.cmpi ne, %get3A_552, %broadcast_in_dim3A_5 : vector<16xi32>
    %eq3A_558 = arith.constant 0 : i32
    %eq3A_559 = vector.broadcast %eq3A_558 : i32 to vector<16xi32>
    %eq3A_560 = arith.cmpi eq, %broadcast_in_dim3A_136, %eq3A_559 : vector<16xi32>
    %broadcast_in_dim3A_561 = arith.constant 1 : i32
    %broadcast_in_dim3A_562 = vector.broadcast %broadcast_in_dim3A_561 : i32 to vector<16xi32>
    %select_n3A_563 = arith.select %eq3A_560, %broadcast_in_dim3A_562, %broadcast_in_dim3A_136 : vector<16xi1>, vector<16xi32>
    %rem3A_564 = arith.remsi %add3A_556, %select_n3A_563 : vector<16xi32>
    %ne3A_565 = arith.constant 0 : i32
    %ne3A_566 = vector.broadcast %ne3A_565 : i32 to vector<16xi32>
    %ne3A_567 = arith.cmpi ne, %rem3A_564, %ne3A_566 : vector<16xi32>
    %lt3A_568 = arith.constant 0 : i32
    %lt3A_569 = vector.broadcast %lt3A_568 : i32 to vector<16xi32>
    %lt3A_570 = arith.cmpi slt, %rem3A_564, %lt3A_569 : vector<16xi32>
    %lt3A_571 = arith.constant 0 : i32
    %lt3A_572 = vector.broadcast %lt3A_571 : i32 to vector<16xi32>
    %lt3A_573 = arith.cmpi slt, %select_n3A_563, %lt3A_572 : vector<16xi32>
    %ne3A_574 = arith.xori %lt3A_570, %lt3A_573 : vector<16xi1>
    %and3A_575 = arith.andi %ne3A_574, %ne3A_567 : vector<16xi1>
    %add3A_576 = arith.addi %rem3A_564, %select_n3A_563 : vector<16xi32>
    %select_n3A_577 = arith.select %and3A_575, %add3A_576, %rem3A_564 : vector<16xi1>, vector<16xi32>
    %eq3A_578 = arith.cmpi eq, %select_n3A_577, %broadcast_in_dim3A_5 : vector<16xi32>
    %or3A_579 = arith.ori %ne3A_557, %eq3A_578 : vector<16xi1>
    %select_n3A_580 = arith.select %or3A_579, %broadcast_in_dim3A_134, %broadcast_in_dim3A_5 : vector<16xi1>, vector<16xi32>
    %broadcast_in_dim3A_581 = arith.constant true
    %broadcast_in_dim3A_582 = vector.broadcast %broadcast_in_dim3A_581 : i1 to vector<16xi1>
    %masked_cumsum3A_583 = tpu.scan <sum>, %select_n3A_580 masked %broadcast_in_dim3A_582 : vector<16xi32>, vector<16xi1> -> vector<16xi32>
    %sub3A_584 = arith.constant 1 : i32
    %sub3A_585 = vector.broadcast %sub3A_584 : i32 to vector<16xi32>
    %sub3A_586 = arith.subi %masked_cumsum3A_583, %sub3A_585 : vector<16xi32>
    %add3A_587 = vector.broadcast %add3A_550 : i32 to vector<16xi32>
    %add3A_588 = arith.addi %sub3A_586, %add3A_587 : vector<16xi32>
    tpu.vector_store_idx %arg7[%add3A_588], %add3A_556 masked %or3A_579 : memref<512xi32, #tpu.memory_space<vmem>>[vector<16xi32>], vector<16xi32>, vector<16xi1>
    %reduce_max3A_589 = arith.constant true
    %reduce_max3A_590 = vector.broadcast %reduce_max3A_589 : i1 to vector<16xi1>
    %reduce_max3A_591 = arith.constant -2147483648 : i32
    %reduce_max3A_592 = vector.broadcast %reduce_max3A_591 : i32 to vector<16xi32>
    %reduce_max3A_593 = arith.xori %masked_cumsum3A_583, %reduce_max3A_592 : vector<16xi32>
    %reduce_max3A_594 = tpu.scan <max>, %reduce_max3A_593 masked %reduce_max3A_590 : vector<16xi32>, vector<16xi1> -> vector<16xi32>
    %reduce_max3A_595 = arith.xori %reduce_max3A_594, %reduce_max3A_592 : vector<16xi32>
    %reduce_max3A_596 = vector.extract %reduce_max3A_595[15] : i32 from vector<16xi32>
    %add3A_597 = arith.addi %add3A_550, %reduce_max3A_596 : i32
    %get3A_598 = arith.constant 160 : index
    %get3A_599 = tpu.vector_load %arg6[%get3A_598] {strides = array<i32>} : memref<512xi32, #tpu.memory_space<vmem>>, vector<16xi32>,
    %add3A_600 = arith.constant 160 : i32
    %add3A_601 = arith.addi %mul3A_2, %add3A_600 : i32
    %add3A_602 = vector.broadcast %add3A_601 : i32 to vector<16xi32>
    %add3A_603 = arith.addi %iota3A, %add3A_602 : vector<16xi32>
    %ne3A_604 = arith.cmpi ne, %get3A_599, %broadcast_in_dim3A_5 : vector<16xi32>
    %eq3A_605 = arith.constant 0 : i32
    %eq3A_606 = vector.broadcast %eq3A_605 : i32 to vector<16xi32>
    %eq3A_607 = arith.cmpi eq, %broadcast_in_dim3A_136, %eq3A_606 : vector<16xi32>
    %broadcast_in_dim3A_608 = arith.constant 1 : i32
    %broadcast_in_dim3A_609 = vector.broadcast %broadcast_in_dim3A_608 : i32 to vector<16xi32>
    %select_n3A_610 = arith.select %eq3A_607, %broadcast_in_dim3A_609, %broadcast_in_dim3A_136 : vector<16xi1>, vector<16xi32>
    %rem3A_611 = arith.remsi %add3A_603, %select_n3A_610 : vector<16xi32>
    %ne3A_612 = arith.constant 0 : i32
    %ne3A_613 = vector.broadcast %ne3A_612 : i32 to vector<16xi32>
    %ne3A_614 = arith.cmpi ne, %rem3A_611, %ne3A_613 : vector<16xi32>
    %lt3A_615 = arith.constant 0 : i32
    %lt3A_616 = vector.broadcast %lt3A_615 : i32 to vector<16xi32>
    %lt3A_617 = arith.cmpi slt, %rem3A_611, %lt3A_616 : vector<16xi32>
    %lt3A_618 = arith.constant 0 : i32
    %lt3A_619 = vector.broadcast %lt3A_618 : i32 to vector<16xi32>
    %lt3A_620 = arith.cmpi slt, %select_n3A_610, %lt3A_619 : vector<16xi32>
    %ne3A_621 = arith.xori %lt3A_617, %lt3A_620 : vector<16xi1>
    %and3A_622 = arith.andi %ne3A_621, %ne3A_614 : vector<16xi1>
    %add3A_623 = arith.addi %rem3A_611, %select_n3A_610 : vector<16xi32>
    %select_n3A_624 = arith.select %and3A_622, %add3A_623, %rem3A_611 : vector<16xi1>, vector<16xi32>
    %eq3A_625 = arith.cmpi eq, %select_n3A_624, %broadcast_in_dim3A_5 : vector<16xi32>
    %or3A_626 = arith.ori %ne3A_604, %eq3A_625 : vector<16xi1>
    %select_n3A_627 = arith.select %or3A_626, %broadcast_in_dim3A_134, %broadcast_in_dim3A_5 : vector<16xi1>, vector<16xi32>
    %broadcast_in_dim3A_628 = arith.constant true
    %broadcast_in_dim3A_629 = vector.broadcast %broadcast_in_dim3A_628 : i1 to vector<16xi1>
    %masked_cumsum3A_630 = tpu.scan <sum>, %select_n3A_627 masked %broadcast_in_dim3A_629 : vector<16xi32>, vector<16xi1> -> vector<16xi32>
    %sub3A_631 = arith.constant 1 : i32
    %sub3A_632 = vector.broadcast %sub3A_631 : i32 to vector<16xi32>
    %sub3A_633 = arith.subi %masked_cumsum3A_630, %sub3A_632 : vector<16xi32>
    %add3A_634 = vector.broadcast %add3A_597 : i32 to vector<16xi32>
    %add3A_635 = arith.addi %sub3A_633, %add3A_634 : vector<16xi32>
    tpu.vector_store_idx %arg7[%add3A_635], %add3A_603 masked %or3A_626 : memref<512xi32, #tpu.memory_space<vmem>>[vector<16xi32>], vector<16xi32>, vector<16xi1>
    %reduce_max3A_636 = arith.constant true
    %reduce_max3A_637 = vector.broadcast %reduce_max3A_636 : i1 to vector<16xi1>
    %reduce_max3A_638 = arith.constant -2147483648 : i32
    %reduce_max3A_639 = vector.broadcast %reduce_max3A_638 : i32 to vector<16xi32>
    %reduce_max3A_640 = arith.xori %masked_cumsum3A_630, %reduce_max3A_639 : vector<16xi32>
    %reduce_max3A_641 = tpu.scan <max>, %reduce_max3A_640 masked %reduce_max3A_637 : vector<16xi32>, vector<16xi1> -> vector<16xi32>
    %reduce_max3A_642 = arith.xori %reduce_max3A_641, %reduce_max3A_639 : vector<16xi32>
    %reduce_max3A_643 = vector.extract %reduce_max3A_642[15] : i32 from vector<16xi32>
    %add3A_644 = arith.addi %add3A_597, %reduce_max3A_643 : i32
    %get3A_645 = arith.constant 176 : index
    %get3A_646 = tpu.vector_load %arg6[%get3A_645] {strides = array<i32>} : memref<512xi32, #tpu.memory_space<vmem>>, vector<16xi32>,
    %add3A_647 = arith.constant 176 : i32
    %add3A_648 = arith.addi %mul3A_2, %add3A_647 : i32
    %add3A_649 = vector.broadcast %add3A_648 : i32 to vector<16xi32>
    %add3A_650 = arith.addi %iota3A, %add3A_649 : vector<16xi32>
    %ne3A_651 = arith.cmpi ne, %get3A_646, %broadcast_in_dim3A_5 : vector<16xi32>
    %eq3A_652 = arith.constant 0 : i32
    %eq3A_653 = vector.broadcast %eq3A_652 : i32 to vector<16xi32>
    %eq3A_654 = arith.cmpi eq, %broadcast_in_dim3A_136, %eq3A_653 : vector<16xi32>
    %broadcast_in_dim3A_655 = arith.constant 1 : i32
    %broadcast_in_dim3A_656 = vector.broadcast %broadcast_in_dim3A_655 : i32 to vector<16xi32>
    %select_n3A_657 = arith.select %eq3A_654, %broadcast_in_dim3A_656, %broadcast_in_dim3A_136 : vector<16xi1>, vector<16xi32>
    %rem3A_658 = arith.remsi %add3A_650, %select_n3A_657 : vector<16xi32>
    %ne3A_659 = arith.constant 0 : i32
    %ne3A_660 = vector.broadcast %ne3A_659 : i32 to vector<16xi32>
    %ne3A_661 = arith.cmpi ne, %rem3A_658, %ne3A_660 : vector<16xi32>
    %lt3A_662 = arith.constant 0 : i32
    %lt3A_663 = vector.broadcast %lt3A_662 : i32 to vector<16xi32>
    %lt3A_664 = arith.cmpi slt, %rem3A_658, %lt3A_663 : vector<16xi32>
    %lt3A_665 = arith.constant 0 : i32
    %lt3A_666 = vector.broadcast %lt3A_665 : i32 to vector<16xi32>
    %lt3A_667 = arith.cmpi slt, %select_n3A_657, %lt3A_666 : vector<16xi32>
    %ne3A_668 = arith.xori %lt3A_664, %lt3A_667 : vector<16xi1>
    %and3A_669 = arith.andi %ne3A_668, %ne3A_661 : vector<16xi1>
    %add3A_670 = arith.addi %rem3A_658, %select_n3A_657 : vector<16xi32>
    %select_n3A_671 = arith.select %and3A_669, %add3A_670, %rem3A_658 : vector<16xi1>, vector<16xi32>
    %eq3A_672 = arith.cmpi eq, %select_n3A_671, %broadcast_in_dim3A_5 : vector<16xi32>
    %or3A_673 = arith.ori %ne3A_651, %eq3A_672 : vector<16xi1>
    %select_n3A_674 = arith.select %or3A_673, %broadcast_in_dim3A_134, %broadcast_in_dim3A_5 : vector<16xi1>, vector<16xi32>
    %broadcast_in_dim3A_675 = arith.constant true
    %broadcast_in_dim3A_676 = vector.broadcast %broadcast_in_dim3A_675 : i1 to vector<16xi1>
    %masked_cumsum3A_677 = tpu.scan <sum>, %select_n3A_674 masked %broadcast_in_dim3A_676 : vector<16xi32>, vector<16xi1> -> vector<16xi32>
    %sub3A_678 = arith.constant 1 : i32
    %sub3A_679 = vector.broadcast %sub3A_678 : i32 to vector<16xi32>
    %sub3A_680 = arith.subi %masked_cumsum3A_677, %sub3A_679 : vector<16xi32>
    %add3A_681 = vector.broadcast %add3A_644 : i32 to vector<16xi32>
    %add3A_682 = arith.addi %sub3A_680, %add3A_681 : vector<16xi32>
    tpu.vector_store_idx %arg7[%add3A_682], %add3A_650 masked %or3A_673 : memref<512xi32, #tpu.memory_space<vmem>>[vector<16xi32>], vector<16xi32>, vector<16xi1>
    %reduce_max3A_683 = arith.constant true
    %reduce_max3A_684 = vector.broadcast %reduce_max3A_683 : i1 to vector<16xi1>
    %reduce_max3A_685 = arith.constant -2147483648 : i32
    %reduce_max3A_686 = vector.broadcast %reduce_max3A_685 : i32 to vector<16xi32>
    %reduce_max3A_687 = arith.xori %masked_cumsum3A_677, %reduce_max3A_686 : vector<16xi32>
    %reduce_max3A_688 = tpu.scan <max>, %reduce_max3A_687 masked %reduce_max3A_684 : vector<16xi32>, vector<16xi1> -> vector<16xi32>
    %reduce_max3A_689 = arith.xori %reduce_max3A_688, %reduce_max3A_686 : vector<16xi32>
    %reduce_max3A_690 = vector.extract %reduce_max3A_689[15] : i32 from vector<16xi32>
    %add3A_691 = arith.addi %add3A_644, %reduce_max3A_690 : i32
    %get3A_692 = arith.constant 192 : index
    %get3A_693 = tpu.vector_load %arg6[%get3A_692] {strides = array<i32>} : memref<512xi32, #tpu.memory_space<vmem>>, vector<16xi32>,
    %add3A_694 = arith.constant 192 : i32
    %add3A_695 = arith.addi %mul3A_2, %add3A_694 : i32
    %add3A_696 = vector.broadcast %add3A_695 : i32 to vector<16xi32>
    %add3A_697 = arith.addi %iota3A, %add3A_696 : vector<16xi32>
    %ne3A_698 = arith.cmpi ne, %get3A_693, %broadcast_in_dim3A_5 : vector<16xi32>
    %eq3A_699 = arith.constant 0 : i32
    %eq3A_700 = vector.broadcast %eq3A_699 : i32 to vector<16xi32>
    %eq3A_701 = arith.cmpi eq, %broadcast_in_dim3A_136, %eq3A_700 : vector<16xi32>
    %broadcast_in_dim3A_702 = arith.constant 1 : i32
    %broadcast_in_dim3A_703 = vector.broadcast %broadcast_in_dim3A_702 : i32 to vector<16xi32>
    %select_n3A_704 = arith.select %eq3A_701, %broadcast_in_dim3A_703, %broadcast_in_dim3A_136 : vector<16xi1>, vector<16xi32>
    %rem3A_705 = arith.remsi %add3A_697, %select_n3A_704 : vector<16xi32>
    %ne3A_706 = arith.constant 0 : i32
    %ne3A_707 = vector.broadcast %ne3A_706 : i32 to vector<16xi32>
    %ne3A_708 = arith.cmpi ne, %rem3A_705, %ne3A_707 : vector<16xi32>
    %lt3A_709 = arith.constant 0 : i32
    %lt3A_710 = vector.broadcast %lt3A_709 : i32 to vector<16xi32>
    %lt3A_711 = arith.cmpi slt, %rem3A_705, %lt3A_710 : vector<16xi32>
    %lt3A_712 = arith.constant 0 : i32
    %lt3A_713 = vector.broadcast %lt3A_712 : i32 to vector<16xi32>
    %lt3A_714 = arith.cmpi slt, %select_n3A_704, %lt3A_713 : vector<16xi32>
    %ne3A_715 = arith.xori %lt3A_711, %lt3A_714 : vector<16xi1>
    %and3A_716 = arith.andi %ne3A_715, %ne3A_708 : vector<16xi1>
    %add3A_717 = arith.addi %rem3A_705, %select_n3A_704 : vector<16xi32>
    %select_n3A_718 = arith.select %and3A_716, %add3A_717, %rem3A_705 : vector<16xi1>, vector<16xi32>
    %eq3A_719 = arith.cmpi eq, %select_n3A_718, %broadcast_in_dim3A_5 : vector<16xi32>
    %or3A_720 = arith.ori %ne3A_698, %eq3A_719 : vector<16xi1>
    %select_n3A_721 = arith.select %or3A_720, %broadcast_in_dim3A_134, %broadcast_in_dim3A_5 : vector<16xi1>, vector<16xi32>
    %broadcast_in_dim3A_722 = arith.constant true
    %broadcast_in_dim3A_723 = vector.broadcast %broadcast_in_dim3A_722 : i1 to vector<16xi1>
    %masked_cumsum3A_724 = tpu.scan <sum>, %select_n3A_721 masked %broadcast_in_dim3A_723 : vector<16xi32>, vector<16xi1> -> vector<16xi32>
    %sub3A_725 = arith.constant 1 : i32
    %sub3A_726 = vector.broadcast %sub3A_725 : i32 to vector<16xi32>
    %sub3A_727 = arith.subi %masked_cumsum3A_724, %sub3A_726 : vector<16xi32>
    %add3A_728 = vector.broadcast %add3A_691 : i32 to vector<16xi32>
    %add3A_729 = arith.addi %sub3A_727, %add3A_728 : vector<16xi32>
    tpu.vector_store_idx %arg7[%add3A_729], %add3A_697 masked %or3A_720 : memref<512xi32, #tpu.memory_space<vmem>>[vector<16xi32>], vector<16xi32>, vector<16xi1>
    %reduce_max3A_730 = arith.constant true
    %reduce_max3A_731 = vector.broadcast %reduce_max3A_730 : i1 to vector<16xi1>
    %reduce_max3A_732 = arith.constant -2147483648 : i32
    %reduce_max3A_733 = vector.broadcast %reduce_max3A_732 : i32 to vector<16xi32>
    %reduce_max3A_734 = arith.xori %masked_cumsum3A_724, %reduce_max3A_733 : vector<16xi32>
    %reduce_max3A_735 = tpu.scan <max>, %reduce_max3A_734 masked %reduce_max3A_731 : vector<16xi32>, vector<16xi1> -> vector<16xi32>
    %reduce_max3A_736 = arith.xori %reduce_max3A_735, %reduce_max3A_733 : vector<16xi32>
    %reduce_max3A_737 = vector.extract %reduce_max3A_736[15] : i32 from vector<16xi32>
    %add3A_738 = arith.addi %add3A_691, %reduce_max3A_737 : i32
    %get3A_739 = arith.constant 208 : index
    %get3A_740 = tpu.vector_load %arg6[%get3A_739] {strides = array<i32>} : memref<512xi32, #tpu.memory_space<vmem>>, vector<16xi32>,
    %add3A_741 = arith.constant 208 : i32
    %add3A_742 = arith.addi %mul3A_2, %add3A_741 : i32
    %add3A_743 = vector.broadcast %add3A_742 : i32 to vector<16xi32>
    %add3A_744 = arith.addi %iota3A, %add3A_743 : vector<16xi32>
    %ne3A_745 = arith.cmpi ne, %get3A_740, %broadcast_in_dim3A_5 : vector<16xi32>
    %eq3A_746 = arith.constant 0 : i32
    %eq3A_747 = vector.broadcast %eq3A_746 : i32 to vector<16xi32>
    %eq3A_748 = arith.cmpi eq, %broadcast_in_dim3A_136, %eq3A_747 : vector<16xi32>
    %broadcast_in_dim3A_749 = arith.constant 1 : i32
    %broadcast_in_dim3A_750 = vector.broadcast %broadcast_in_dim3A_749 : i32 to vector<16xi32>
    %select_n3A_751 = arith.select %eq3A_748, %broadcast_in_dim3A_750, %broadcast_in_dim3A_136 : vector<16xi1>, vector<16xi32>
    %rem3A_752 = arith.remsi %add3A_744, %select_n3A_751 : vector<16xi32>
    %ne3A_753 = arith.constant 0 : i32
    %ne3A_754 = vector.broadcast %ne3A_753 : i32 to vector<16xi32>
    %ne3A_755 = arith.cmpi ne, %rem3A_752, %ne3A_754 : vector<16xi32>
    %lt3A_756 = arith.constant 0 : i32
    %lt3A_757 = vector.broadcast %lt3A_756 : i32 to vector<16xi32>
    %lt3A_758 = arith.cmpi slt, %rem3A_752, %lt3A_757 : vector<16xi32>
    %lt3A_759 = arith.constant 0 : i32
    %lt3A_760 = vector.broadcast %lt3A_759 : i32 to vector<16xi32>
    %lt3A_761 = arith.cmpi slt, %select_n3A_751, %lt3A_760 : vector<16xi32>
    %ne3A_762 = arith.xori %lt3A_758, %lt3A_761 : vector<16xi1>
    %and3A_763 = arith.andi %ne3A_762, %ne3A_755 : vector<16xi1>
    %add3A_764 = arith.addi %rem3A_752, %select_n3A_751 : vector<16xi32>
    %select_n3A_765 = arith.select %and3A_763, %add3A_764, %rem3A_752 : vector<16xi1>, vector<16xi32>
    %eq3A_766 = arith.cmpi eq, %select_n3A_765, %broadcast_in_dim3A_5 : vector<16xi32>
    %or3A_767 = arith.ori %ne3A_745, %eq3A_766 : vector<16xi1>
    %select_n3A_768 = arith.select %or3A_767, %broadcast_in_dim3A_134, %broadcast_in_dim3A_5 : vector<16xi1>, vector<16xi32>
    %broadcast_in_dim3A_769 = arith.constant true
    %broadcast_in_dim3A_770 = vector.broadcast %broadcast_in_dim3A_769 : i1 to vector<16xi1>
    %masked_cumsum3A_771 = tpu.scan <sum>, %select_n3A_768 masked %broadcast_in_dim3A_770 : vector<16xi32>, vector<16xi1> -> vector<16xi32>
    %sub3A_772 = arith.constant 1 : i32
    %sub3A_773 = vector.broadcast %sub3A_772 : i32 to vector<16xi32>
    %sub3A_774 = arith.subi %masked_cumsum3A_771, %sub3A_773 : vector<16xi32>
    %add3A_775 = vector.broadcast %add3A_738 : i32 to vector<16xi32>
    %add3A_776 = arith.addi %sub3A_774, %add3A_775 : vector<16xi32>
    tpu.vector_store_idx %arg7[%add3A_776], %add3A_744 masked %or3A_767 : memref<512xi32, #tpu.memory_space<vmem>>[vector<16xi32>], vector<16xi32>, vector<16xi1>
    %reduce_max3A_777 = arith.constant true
    %reduce_max3A_778 = vector.broadcast %reduce_max3A_777 : i1 to vector<16xi1>
    %reduce_max3A_779 = arith.constant -2147483648 : i32
    %reduce_max3A_780 = vector.broadcast %reduce_max3A_779 : i32 to vector<16xi32>
    %reduce_max3A_781 = arith.xori %masked_cumsum3A_771, %reduce_max3A_780 : vector<16xi32>
    %reduce_max3A_782 = tpu.scan <max>, %reduce_max3A_781 masked %reduce_max3A_778 : vector<16xi32>, vector<16xi1> -> vector<16xi32>
    %reduce_max3A_783 = arith.xori %reduce_max3A_782, %reduce_max3A_780 : vector<16xi32>
    %reduce_max3A_784 = vector.extract %reduce_max3A_783[15] : i32 from vector<16xi32>
    %add3A_785 = arith.addi %add3A_738, %reduce_max3A_784 : i32
    %get3A_786 = arith.constant 224 : index
    %get3A_787 = tpu.vector_load %arg6[%get3A_786] {strides = array<i32>} : memref<512xi32, #tpu.memory_space<vmem>>, vector<16xi32>,
    %add3A_788 = arith.constant 224 : i32
    %add3A_789 = arith.addi %mul3A_2, %add3A_788 : i32
    %add3A_790 = vector.broadcast %add3A_789 : i32 to vector<16xi32>
    %add3A_791 = arith.addi %iota3A, %add3A_790 : vector<16xi32>
    %ne3A_792 = arith.cmpi ne, %get3A_787, %broadcast_in_dim3A_5 : vector<16xi32>
    %eq3A_793 = arith.constant 0 : i32
    %eq3A_794 = vector.broadcast %eq3A_793 : i32 to vector<16xi32>
    %eq3A_795 = arith.cmpi eq, %broadcast_in_dim3A_136, %eq3A_794 : vector<16xi32>
    %broadcast_in_dim3A_796 = arith.constant 1 : i32
    %broadcast_in_dim3A_797 = vector.broadcast %broadcast_in_dim3A_796 : i32 to vector<16xi32>
    %select_n3A_798 = arith.select %eq3A_795, %broadcast_in_dim3A_797, %broadcast_in_dim3A_136 : vector<16xi1>, vector<16xi32>
    %rem3A_799 = arith.remsi %add3A_791, %select_n3A_798 : vector<16xi32>
    %ne3A_800 = arith.constant 0 : i32
    %ne3A_801 = vector.broadcast %ne3A_800 : i32 to vector<16xi32>
    %ne3A_802 = arith.cmpi ne, %rem3A_799, %ne3A_801 : vector<16xi32>
    %lt3A_803 = arith.constant 0 : i32
    %lt3A_804 = vector.broadcast %lt3A_803 : i32 to vector<16xi32>
    %lt3A_805 = arith.cmpi slt, %rem3A_799, %lt3A_804 : vector<16xi32>
    %lt3A_806 = arith.constant 0 : i32
    %lt3A_807 = vector.broadcast %lt3A_806 : i32 to vector<16xi32>
    %lt3A_808 = arith.cmpi slt, %select_n3A_798, %lt3A_807 : vector<16xi32>
    %ne3A_809 = arith.xori %lt3A_805, %lt3A_808 : vector<16xi1>
    %and3A_810 = arith.andi %ne3A_809, %ne3A_802 : vector<16xi1>
    %add3A_811 = arith.addi %rem3A_799, %select_n3A_798 : vector<16xi32>
    %select_n3A_812 = arith.select %and3A_810, %add3A_811, %rem3A_799 : vector<16xi1>, vector<16xi32>
    %eq3A_813 = arith.cmpi eq, %select_n3A_812, %broadcast_in_dim3A_5 : vector<16xi32>
    %or3A_814 = arith.ori %ne3A_792, %eq3A_813 : vector<16xi1>
    %select_n3A_815 = arith.select %or3A_814, %broadcast_in_dim3A_134, %broadcast_in_dim3A_5 : vector<16xi1>, vector<16xi32>
    %broadcast_in_dim3A_816 = arith.constant true
    %broadcast_in_dim3A_817 = vector.broadcast %broadcast_in_dim3A_816 : i1 to vector<16xi1>
    %masked_cumsum3A_818 = tpu.scan <sum>, %select_n3A_815 masked %broadcast_in_dim3A_817 : vector<16xi32>, vector<16xi1> -> vector<16xi32>
    %sub3A_819 = arith.constant 1 : i32
    %sub3A_820 = vector.broadcast %sub3A_819 : i32 to vector<16xi32>
    %sub3A_821 = arith.subi %masked_cumsum3A_818, %sub3A_820 : vector<16xi32>
    %add3A_822 = vector.broadcast %add3A_785 : i32 to vector<16xi32>
    %add3A_823 = arith.addi %sub3A_821, %add3A_822 : vector<16xi32>
    tpu.vector_store_idx %arg7[%add3A_823], %add3A_791 masked %or3A_814 : memref<512xi32, #tpu.memory_space<vmem>>[vector<16xi32>], vector<16xi32>, vector<16xi1>
    %reduce_max3A_824 = arith.constant true
    %reduce_max3A_825 = vector.broadcast %reduce_max3A_824 : i1 to vector<16xi1>
    %reduce_max3A_826 = arith.constant -2147483648 : i32
    %reduce_max3A_827 = vector.broadcast %reduce_max3A_826 : i32 to vector<16xi32>
    %reduce_max3A_828 = arith.xori %masked_cumsum3A_818, %reduce_max3A_827 : vector<16xi32>
    %reduce_max3A_829 = tpu.scan <max>, %reduce_max3A_828 masked %reduce_max3A_825 : vector<16xi32>, vector<16xi1> -> vector<16xi32>
    %reduce_max3A_830 = arith.xori %reduce_max3A_829, %reduce_max3A_827 : vector<16xi32>
    %reduce_max3A_831 = vector.extract %reduce_max3A_830[15] : i32 from vector<16xi32>
    %add3A_832 = arith.addi %add3A_785, %reduce_max3A_831 : i32
    %get3A_833 = arith.constant 240 : index
    %get3A_834 = tpu.vector_load %arg6[%get3A_833] {strides = array<i32>} : memref<512xi32, #tpu.memory_space<vmem>>, vector<16xi32>,
    %add3A_835 = arith.constant 240 : i32
    %add3A_836 = arith.addi %mul3A_2, %add3A_835 : i32
    %add3A_837 = vector.broadcast %add3A_836 : i32 to vector<16xi32>
    %add3A_838 = arith.addi %iota3A, %add3A_837 : vector<16xi32>
    %ne3A_839 = arith.cmpi ne, %get3A_834, %broadcast_in_dim3A_5 : vector<16xi32>
    %eq3A_840 = arith.constant 0 : i32
    %eq3A_841 = vector.broadcast %eq3A_840 : i32 to vector<16xi32>
    %eq3A_842 = arith.cmpi eq, %broadcast_in_dim3A_136, %eq3A_841 : vector<16xi32>
    %broadcast_in_dim3A_843 = arith.constant 1 : i32
    %broadcast_in_dim3A_844 = vector.broadcast %broadcast_in_dim3A_843 : i32 to vector<16xi32>
    %select_n3A_845 = arith.select %eq3A_842, %broadcast_in_dim3A_844, %broadcast_in_dim3A_136 : vector<16xi1>, vector<16xi32>
    %rem3A_846 = arith.remsi %add3A_838, %select_n3A_845 : vector<16xi32>
    %ne3A_847 = arith.constant 0 : i32
    %ne3A_848 = vector.broadcast %ne3A_847 : i32 to vector<16xi32>
    %ne3A_849 = arith.cmpi ne, %rem3A_846, %ne3A_848 : vector<16xi32>
    %lt3A_850 = arith.constant 0 : i32
    %lt3A_851 = vector.broadcast %lt3A_850 : i32 to vector<16xi32>
    %lt3A_852 = arith.cmpi slt, %rem3A_846, %lt3A_851 : vector<16xi32>
    %lt3A_853 = arith.constant 0 : i32
    %lt3A_854 = vector.broadcast %lt3A_853 : i32 to vector<16xi32>
    %lt3A_855 = arith.cmpi slt, %select_n3A_845, %lt3A_854 : vector<16xi32>
    %ne3A_856 = arith.xori %lt3A_852, %lt3A_855 : vector<16xi1>
    %and3A_857 = arith.andi %ne3A_856, %ne3A_849 : vector<16xi1>
    %add3A_858 = arith.addi %rem3A_846, %select_n3A_845 : vector<16xi32>
    %select_n3A_859 = arith.select %and3A_857, %add3A_858, %rem3A_846 : vector<16xi1>, vector<16xi32>
    %eq3A_860 = arith.cmpi eq, %select_n3A_859, %broadcast_in_dim3A_5 : vector<16xi32>
    %or3A_861 = arith.ori %ne3A_839, %eq3A_860 : vector<16xi1>
    %select_n3A_862 = arith.select %or3A_861, %broadcast_in_dim3A_134, %broadcast_in_dim3A_5 : vector<16xi1>, vector<16xi32>
    %broadcast_in_dim3A_863 = arith.constant true
    %broadcast_in_dim3A_864 = vector.broadcast %broadcast_in_dim3A_863 : i1 to vector<16xi1>
    %masked_cumsum3A_865 = tpu.scan <sum>, %select_n3A_862 masked %broadcast_in_dim3A_864 : vector<16xi32>, vector<16xi1> -> vector<16xi32>
    %sub3A_866 = arith.constant 1 : i32
    %sub3A_867 = vector.broadcast %sub3A_866 : i32 to vector<16xi32>
    %sub3A_868 = arith.subi %masked_cumsum3A_865, %sub3A_867 : vector<16xi32>
    %add3A_869 = vector.broadcast %add3A_832 : i32 to vector<16xi32>
    %add3A_870 = arith.addi %sub3A_868, %add3A_869 : vector<16xi32>
    tpu.vector_store_idx %arg7[%add3A_870], %add3A_838 masked %or3A_861 : memref<512xi32, #tpu.memory_space<vmem>>[vector<16xi32>], vector<16xi32>, vector<16xi1>
    %reduce_max3A_871 = arith.constant true
    %reduce_max3A_872 = vector.broadcast %reduce_max3A_871 : i1 to vector<16xi1>
    %reduce_max3A_873 = arith.constant -2147483648 : i32
    %reduce_max3A_874 = vector.broadcast %reduce_max3A_873 : i32 to vector<16xi32>
    %reduce_max3A_875 = arith.xori %masked_cumsum3A_865, %reduce_max3A_874 : vector<16xi32>
    %reduce_max3A_876 = tpu.scan <max>, %reduce_max3A_875 masked %reduce_max3A_872 : vector<16xi32>, vector<16xi1> -> vector<16xi32>
    %reduce_max3A_877 = arith.xori %reduce_max3A_876, %reduce_max3A_874 : vector<16xi32>
    %reduce_max3A_878 = vector.extract %reduce_max3A_877[15] : i32 from vector<16xi32>
    %add3A_879 = arith.addi %add3A_832, %reduce_max3A_878 : i32
    %get3A_880 = arith.constant 256 : index
    %get3A_881 = tpu.vector_load %arg6[%get3A_880] {strides = array<i32>} : memref<512xi32, #tpu.memory_space<vmem>>, vector<16xi32>,
    %add3A_882 = arith.constant 256 : i32
    %add3A_883 = arith.addi %mul3A_2, %add3A_882 : i32
    %add3A_884 = vector.broadcast %add3A_883 : i32 to vector<16xi32>
    %add3A_885 = arith.addi %iota3A, %add3A_884 : vector<16xi32>
    %ne3A_886 = arith.cmpi ne, %get3A_881, %broadcast_in_dim3A_5 : vector<16xi32>
    %eq3A_887 = arith.constant 0 : i32
    %eq3A_888 = vector.broadcast %eq3A_887 : i32 to vector<16xi32>
    %eq3A_889 = arith.cmpi eq, %broadcast_in_dim3A_136, %eq3A_888 : vector<16xi32>
    %broadcast_in_dim3A_890 = arith.constant 1 : i32
    %broadcast_in_dim3A_891 = vector.broadcast %broadcast_in_dim3A_890 : i32 to vector<16xi32>
    %select_n3A_892 = arith.select %eq3A_889, %broadcast_in_dim3A_891, %broadcast_in_dim3A_136 : vector<16xi1>, vector<16xi32>
    %rem3A_893 = arith.remsi %add3A_885, %select_n3A_892 : vector<16xi32>
    %ne3A_894 = arith.constant 0 : i32
    %ne3A_895 = vector.broadcast %ne3A_894 : i32 to vector<16xi32>
    %ne3A_896 = arith.cmpi ne, %rem3A_893, %ne3A_895 : vector<16xi32>
    %lt3A_897 = arith.constant 0 : i32
    %lt3A_898 = vector.broadcast %lt3A_897 : i32 to vector<16xi32>
    %lt3A_899 = arith.cmpi slt, %rem3A_893, %lt3A_898 : vector<16xi32>
    %lt3A_900 = arith.constant 0 : i32
    %lt3A_901 = vector.broadcast %lt3A_900 : i32 to vector<16xi32>
    %lt3A_902 = arith.cmpi slt, %select_n3A_892, %lt3A_901 : vector<16xi32>
    %ne3A_903 = arith.xori %lt3A_899, %lt3A_902 : vector<16xi1>
    %and3A_904 = arith.andi %ne3A_903, %ne3A_896 : vector<16xi1>
    %add3A_905 = arith.addi %rem3A_893, %select_n3A_892 : vector<16xi32>
    %select_n3A_906 = arith.select %and3A_904, %add3A_905, %rem3A_893 : vector<16xi1>, vector<16xi32>
    %eq3A_907 = arith.cmpi eq, %select_n3A_906, %broadcast_in_dim3A_5 : vector<16xi32>
    %or3A_908 = arith.ori %ne3A_886, %eq3A_907 : vector<16xi1>
    %select_n3A_909 = arith.select %or3A_908, %broadcast_in_dim3A_134, %broadcast_in_dim3A_5 : vector<16xi1>, vector<16xi32>
    %broadcast_in_dim3A_910 = arith.constant true
    %broadcast_in_dim3A_911 = vector.broadcast %broadcast_in_dim3A_910 : i1 to vector<16xi1>
    %masked_cumsum3A_912 = tpu.scan <sum>, %select_n3A_909 masked %broadcast_in_dim3A_911 : vector<16xi32>, vector<16xi1> -> vector<16xi32>
    %sub3A_913 = arith.constant 1 : i32
    %sub3A_914 = vector.broadcast %sub3A_913 : i32 to vector<16xi32>
    %sub3A_915 = arith.subi %masked_cumsum3A_912, %sub3A_914 : vector<16xi32>
    %add3A_916 = vector.broadcast %add3A_879 : i32 to vector<16xi32>
    %add3A_917 = arith.addi %sub3A_915, %add3A_916 : vector<16xi32>
    tpu.vector_store_idx %arg7[%add3A_917], %add3A_885 masked %or3A_908 : memref<512xi32, #tpu.memory_space<vmem>>[vector<16xi32>], vector<16xi32>, vector<16xi1>
    %reduce_max3A_918 = arith.constant true
    %reduce_max3A_919 = vector.broadcast %reduce_max3A_918 : i1 to vector<16xi1>
    %reduce_max3A_920 = arith.constant -2147483648 : i32
    %reduce_max3A_921 = vector.broadcast %reduce_max3A_920 : i32 to vector<16xi32>
    %reduce_max3A_922 = arith.xori %masked_cumsum3A_912, %reduce_max3A_921 : vector<16xi32>
    %reduce_max3A_923 = tpu.scan <max>, %reduce_max3A_922 masked %reduce_max3A_919 : vector<16xi32>, vector<16xi1> -> vector<16xi32>
    %reduce_max3A_924 = arith.xori %reduce_max3A_923, %reduce_max3A_921 : vector<16xi32>
    %reduce_max3A_925 = vector.extract %reduce_max3A_924[15] : i32 from vector<16xi32>
    %add3A_926 = arith.addi %add3A_879, %reduce_max3A_925 : i32
    %get3A_927 = arith.constant 272 : index
    %get3A_928 = tpu.vector_load %arg6[%get3A_927] {strides = array<i32>} : memref<512xi32, #tpu.memory_space<vmem>>, vector<16xi32>,
    %add3A_929 = arith.constant 272 : i32
    %add3A_930 = arith.addi %mul3A_2, %add3A_929 : i32
    %add3A_931 = vector.broadcast %add3A_930 : i32 to vector<16xi32>
    %add3A_932 = arith.addi %iota3A, %add3A_931 : vector<16xi32>
    %ne3A_933 = arith.cmpi ne, %get3A_928, %broadcast_in_dim3A_5 : vector<16xi32>
    %eq3A_934 = arith.constant 0 : i32
    %eq3A_935 = vector.broadcast %eq3A_934 : i32 to vector<16xi32>
    %eq3A_936 = arith.cmpi eq, %broadcast_in_dim3A_136, %eq3A_935 : vector<16xi32>
    %broadcast_in_dim3A_937 = arith.constant 1 : i32
    %broadcast_in_dim3A_938 = vector.broadcast %broadcast_in_dim3A_937 : i32 to vector<16xi32>
    %select_n3A_939 = arith.select %eq3A_936, %broadcast_in_dim3A_938, %broadcast_in_dim3A_136 : vector<16xi1>, vector<16xi32>
    %rem3A_940 = arith.remsi %add3A_932, %select_n3A_939 : vector<16xi32>
    %ne3A_941 = arith.constant 0 : i32
    %ne3A_942 = vector.broadcast %ne3A_941 : i32 to vector<16xi32>
    %ne3A_943 = arith.cmpi ne, %rem3A_940, %ne3A_942 : vector<16xi32>
    %lt3A_944 = arith.constant 0 : i32
    %lt3A_945 = vector.broadcast %lt3A_944 : i32 to vector<16xi32>
    %lt3A_946 = arith.cmpi slt, %rem3A_940, %lt3A_945 : vector<16xi32>
    %lt3A_947 = arith.constant 0 : i32
    %lt3A_948 = vector.broadcast %lt3A_947 : i32 to vector<16xi32>
    %lt3A_949 = arith.cmpi slt, %select_n3A_939, %lt3A_948 : vector<16xi32>
    %ne3A_950 = arith.xori %lt3A_946, %lt3A_949 : vector<16xi1>
    %and3A_951 = arith.andi %ne3A_950, %ne3A_943 : vector<16xi1>
    %add3A_952 = arith.addi %rem3A_940, %select_n3A_939 : vector<16xi32>
    %select_n3A_953 = arith.select %and3A_951, %add3A_952, %rem3A_940 : vector<16xi1>, vector<16xi32>
    %eq3A_954 = arith.cmpi eq, %select_n3A_953, %broadcast_in_dim3A_5 : vector<16xi32>
    %or3A_955 = arith.ori %ne3A_933, %eq3A_954 : vector<16xi1>
    %select_n3A_956 = arith.select %or3A_955, %broadcast_in_dim3A_134, %broadcast_in_dim3A_5 : vector<16xi1>, vector<16xi32>
    %broadcast_in_dim3A_957 = arith.constant true
    %broadcast_in_dim3A_958 = vector.broadcast %broadcast_in_dim3A_957 : i1 to vector<16xi1>
    %masked_cumsum3A_959 = tpu.scan <sum>, %select_n3A_956 masked %broadcast_in_dim3A_958 : vector<16xi32>, vector<16xi1> -> vector<16xi32>
    %sub3A_960 = arith.constant 1 : i32
    %sub3A_961 = vector.broadcast %sub3A_960 : i32 to vector<16xi32>
    %sub3A_962 = arith.subi %masked_cumsum3A_959, %sub3A_961 : vector<16xi32>
    %add3A_963 = vector.broadcast %add3A_926 : i32 to vector<16xi32>
    %add3A_964 = arith.addi %sub3A_962, %add3A_963 : vector<16xi32>
    tpu.vector_store_idx %arg7[%add3A_964], %add3A_932 masked %or3A_955 : memref<512xi32, #tpu.memory_space<vmem>>[vector<16xi32>], vector<16xi32>, vector<16xi1>
    %reduce_max3A_965 = arith.constant true
    %reduce_max3A_966 = vector.broadcast %reduce_max3A_965 : i1 to vector<16xi1>
    %reduce_max3A_967 = arith.constant -2147483648 : i32
    %reduce_max3A_968 = vector.broadcast %reduce_max3A_967 : i32 to vector<16xi32>
    %reduce_max3A_969 = arith.xori %masked_cumsum3A_959, %reduce_max3A_968 : vector<16xi32>
    %reduce_max3A_970 = tpu.scan <max>, %reduce_max3A_969 masked %reduce_max3A_966 : vector<16xi32>, vector<16xi1> -> vector<16xi32>
    %reduce_max3A_971 = arith.xori %reduce_max3A_970, %reduce_max3A_968 : vector<16xi32>
    %reduce_max3A_972 = vector.extract %reduce_max3A_971[15] : i32 from vector<16xi32>
    %add3A_973 = arith.addi %add3A_926, %reduce_max3A_972 : i32
    %get3A_974 = arith.constant 288 : index
    %get3A_975 = tpu.vector_load %arg6[%get3A_974] {strides = array<i32>} : memref<512xi32, #tpu.memory_space<vmem>>, vector<16xi32>,
    %add3A_976 = arith.constant 288 : i32
    %add3A_977 = arith.addi %mul3A_2, %add3A_976 : i32
    %add3A_978 = vector.broadcast %add3A_977 : i32 to vector<16xi32>
    %add3A_979 = arith.addi %iota3A, %add3A_978 : vector<16xi32>
    %ne3A_980 = arith.cmpi ne, %get3A_975, %broadcast_in_dim3A_5 : vector<16xi32>
    %eq3A_981 = arith.constant 0 : i32
    %eq3A_982 = vector.broadcast %eq3A_981 : i32 to vector<16xi32>
    %eq3A_983 = arith.cmpi eq, %broadcast_in_dim3A_136, %eq3A_982 : vector<16xi32>
    %broadcast_in_dim3A_984 = arith.constant 1 : i32
    %broadcast_in_dim3A_985 = vector.broadcast %broadcast_in_dim3A_984 : i32 to vector<16xi32>
    %select_n3A_986 = arith.select %eq3A_983, %broadcast_in_dim3A_985, %broadcast_in_dim3A_136 : vector<16xi1>, vector<16xi32>
    %rem3A_987 = arith.remsi %add3A_979, %select_n3A_986 : vector<16xi32>
    %ne3A_988 = arith.constant 0 : i32
    %ne3A_989 = vector.broadcast %ne3A_988 : i32 to vector<16xi32>
    %ne3A_990 = arith.cmpi ne, %rem3A_987, %ne3A_989 : vector<16xi32>
    %lt3A_991 = arith.constant 0 : i32
    %lt3A_992 = vector.broadcast %lt3A_991 : i32 to vector<16xi32>
    %lt3A_993 = arith.cmpi slt, %rem3A_987, %lt3A_992 : vector<16xi32>
    %lt3A_994 = arith.constant 0 : i32
    %lt3A_995 = vector.broadcast %lt3A_994 : i32 to vector<16xi32>
    %lt3A_996 = arith.cmpi slt, %select_n3A_986, %lt3A_995 : vector<16xi32>
    %ne3A_997 = arith.xori %lt3A_993, %lt3A_996 : vector<16xi1>
    %and3A_998 = arith.andi %ne3A_997, %ne3A_990 : vector<16xi1>
    %add3A_999 = arith.addi %rem3A_987, %select_n3A_986 : vector<16xi32>
    %select_n3A_1000 = arith.select %and3A_998, %add3A_999, %rem3A_987 : vector<16xi1>, vector<16xi32>
    %eq3A_1001 = arith.cmpi eq, %select_n3A_1000, %broadcast_in_dim3A_5 : vector<16xi32>
    %or3A_1002 = arith.ori %ne3A_980, %eq3A_1001 : vector<16xi1>
    %select_n3A_1003 = arith.select %or3A_1002, %broadcast_in_dim3A_134, %broadcast_in_dim3A_5 : vector<16xi1>, vector<16xi32>
    %broadcast_in_dim3A_1004 = arith.constant true
    %broadcast_in_dim3A_1005 = vector.broadcast %broadcast_in_dim3A_1004 : i1 to vector<16xi1>
    %masked_cumsum3A_1006 = tpu.scan <sum>, %select_n3A_1003 masked %broadcast_in_dim3A_1005 : vector<16xi32>, vector<16xi1> -> vector<16xi32>
    %sub3A_1007 = arith.constant 1 : i32
    %sub3A_1008 = vector.broadcast %sub3A_1007 : i32 to vector<16xi32>
    %sub3A_1009 = arith.subi %masked_cumsum3A_1006, %sub3A_1008 : vector<16xi32>
    %add3A_1010 = vector.broadcast %add3A_973 : i32 to vector<16xi32>
    %add3A_1011 = arith.addi %sub3A_1009, %add3A_1010 : vector<16xi32>
    tpu.vector_store_idx %arg7[%add3A_1011], %add3A_979 masked %or3A_1002 : memref<512xi32, #tpu.memory_space<vmem>>[vector<16xi32>], vector<16xi32>, vector<16xi1>
    %reduce_max3A_1012 = arith.constant true
    %reduce_max3A_1013 = vector.broadcast %reduce_max3A_1012 : i1 to vector<16xi1>
    %reduce_max3A_1014 = arith.constant -2147483648 : i32
    %reduce_max3A_1015 = vector.broadcast %reduce_max3A_1014 : i32 to vector<16xi32>
    %reduce_max3A_1016 = arith.xori %masked_cumsum3A_1006, %reduce_max3A_1015 : vector<16xi32>
    %reduce_max3A_1017 = tpu.scan <max>, %reduce_max3A_1016 masked %reduce_max3A_1013 : vector<16xi32>, vector<16xi1> -> vector<16xi32>
    %reduce_max3A_1018 = arith.xori %reduce_max3A_1017, %reduce_max3A_1015 : vector<16xi32>
    %reduce_max3A_1019 = vector.extract %reduce_max3A_1018[15] : i32 from vector<16xi32>
    %add3A_1020 = arith.addi %add3A_973, %reduce_max3A_1019 : i32
    %get3A_1021 = arith.constant 304 : index
    %get3A_1022 = tpu.vector_load %arg6[%get3A_1021] {strides = array<i32>} : memref<512xi32, #tpu.memory_space<vmem>>, vector<16xi32>,
    %add3A_1023 = arith.constant 304 : i32
    %add3A_1024 = arith.addi %mul3A_2, %add3A_1023 : i32
    %add3A_1025 = vector.broadcast %add3A_1024 : i32 to vector<16xi32>
    %add3A_1026 = arith.addi %iota3A, %add3A_1025 : vector<16xi32>
    %ne3A_1027 = arith.cmpi ne, %get3A_1022, %broadcast_in_dim3A_5 : vector<16xi32>
    %eq3A_1028 = arith.constant 0 : i32
    %eq3A_1029 = vector.broadcast %eq3A_1028 : i32 to vector<16xi32>
    %eq3A_1030 = arith.cmpi eq, %broadcast_in_dim3A_136, %eq3A_1029 : vector<16xi32>
    %broadcast_in_dim3A_1031 = arith.constant 1 : i32
    %broadcast_in_dim3A_1032 = vector.broadcast %broadcast_in_dim3A_1031 : i32 to vector<16xi32>
    %select_n3A_1033 = arith.select %eq3A_1030, %broadcast_in_dim3A_1032, %broadcast_in_dim3A_136 : vector<16xi1>, vector<16xi32>
    %rem3A_1034 = arith.remsi %add3A_1026, %select_n3A_1033 : vector<16xi32>
    %ne3A_1035 = arith.constant 0 : i32
    %ne3A_1036 = vector.broadcast %ne3A_1035 : i32 to vector<16xi32>
    %ne3A_1037 = arith.cmpi ne, %rem3A_1034, %ne3A_1036 : vector<16xi32>
    %lt3A_1038 = arith.constant 0 : i32
    %lt3A_1039 = vector.broadcast %lt3A_1038 : i32 to vector<16xi32>
    %lt3A_1040 = arith.cmpi slt, %rem3A_1034, %lt3A_1039 : vector<16xi32>
    %lt3A_1041 = arith.constant 0 : i32
    %lt3A_1042 = vector.broadcast %lt3A_1041 : i32 to vector<16xi32>
    %lt3A_1043 = arith.cmpi slt, %select_n3A_1033, %lt3A_1042 : vector<16xi32>
    %ne3A_1044 = arith.xori %lt3A_1040, %lt3A_1043 : vector<16xi1>
    %and3A_1045 = arith.andi %ne3A_1044, %ne3A_1037 : vector<16xi1>
    %add3A_1046 = arith.addi %rem3A_1034, %select_n3A_1033 : vector<16xi32>
    %select_n3A_1047 = arith.select %and3A_1045, %add3A_1046, %rem3A_1034 : vector<16xi1>, vector<16xi32>
    %eq3A_1048 = arith.cmpi eq, %select_n3A_1047, %broadcast_in_dim3A_5 : vector<16xi32>
    %or3A_1049 = arith.ori %ne3A_1027, %eq3A_1048 : vector<16xi1>
    %select_n3A_1050 = arith.select %or3A_1049, %broadcast_in_dim3A_134, %broadcast_in_dim3A_5 : vector<16xi1>, vector<16xi32>
    %broadcast_in_dim3A_1051 = arith.constant true
    %broadcast_in_dim3A_1052 = vector.broadcast %broadcast_in_dim3A_1051 : i1 to vector<16xi1>
    %masked_cumsum3A_1053 = tpu.scan <sum>, %select_n3A_1050 masked %broadcast_in_dim3A_1052 : vector<16xi32>, vector<16xi1> -> vector<16xi32>
    %sub3A_1054 = arith.constant 1 : i32
    %sub3A_1055 = vector.broadcast %sub3A_1054 : i32 to vector<16xi32>
    %sub3A_1056 = arith.subi %masked_cumsum3A_1053, %sub3A_1055 : vector<16xi32>
    %add3A_1057 = vector.broadcast %add3A_1020 : i32 to vector<16xi32>
    %add3A_1058 = arith.addi %sub3A_1056, %add3A_1057 : vector<16xi32>
    tpu.vector_store_idx %arg7[%add3A_1058], %add3A_1026 masked %or3A_1049 : memref<512xi32, #tpu.memory_space<vmem>>[vector<16xi32>], vector<16xi32>, vector<16xi1>
    %reduce_max3A_1059 = arith.constant true
    %reduce_max3A_1060 = vector.broadcast %reduce_max3A_1059 : i1 to vector<16xi1>
    %reduce_max3A_1061 = arith.constant -2147483648 : i32
    %reduce_max3A_1062 = vector.broadcast %reduce_max3A_1061 : i32 to vector<16xi32>
    %reduce_max3A_1063 = arith.xori %masked_cumsum3A_1053, %reduce_max3A_1062 : vector<16xi32>
    %reduce_max3A_1064 = tpu.scan <max>, %reduce_max3A_1063 masked %reduce_max3A_1060 : vector<16xi32>, vector<16xi1> -> vector<16xi32>
    %reduce_max3A_1065 = arith.xori %reduce_max3A_1064, %reduce_max3A_1062 : vector<16xi32>
    %reduce_max3A_1066 = vector.extract %reduce_max3A_1065[15] : i32 from vector<16xi32>
    %add3A_1067 = arith.addi %add3A_1020, %reduce_max3A_1066 : i32
    %get3A_1068 = arith.constant 320 : index
    %get3A_1069 = tpu.vector_load %arg6[%get3A_1068] {strides = array<i32>} : memref<512xi32, #tpu.memory_space<vmem>>, vector<16xi32>,
    %add3A_1070 = arith.constant 320 : i32
    %add3A_1071 = arith.addi %mul3A_2, %add3A_1070 : i32
    %add3A_1072 = vector.broadcast %add3A_1071 : i32 to vector<16xi32>
    %add3A_1073 = arith.addi %iota3A, %add3A_1072 : vector<16xi32>
    %ne3A_1074 = arith.cmpi ne, %get3A_1069, %broadcast_in_dim3A_5 : vector<16xi32>
    %eq3A_1075 = arith.constant 0 : i32
    %eq3A_1076 = vector.broadcast %eq3A_1075 : i32 to vector<16xi32>
    %eq3A_1077 = arith.cmpi eq, %broadcast_in_dim3A_136, %eq3A_1076 : vector<16xi32>
    %broadcast_in_dim3A_1078 = arith.constant 1 : i32
    %broadcast_in_dim3A_1079 = vector.broadcast %broadcast_in_dim3A_1078 : i32 to vector<16xi32>
    %select_n3A_1080 = arith.select %eq3A_1077, %broadcast_in_dim3A_1079, %broadcast_in_dim3A_136 : vector<16xi1>, vector<16xi32>
    %rem3A_1081 = arith.remsi %add3A_1073, %select_n3A_1080 : vector<16xi32>
    %ne3A_1082 = arith.constant 0 : i32
    %ne3A_1083 = vector.broadcast %ne3A_1082 : i32 to vector<16xi32>
    %ne3A_1084 = arith.cmpi ne, %rem3A_1081, %ne3A_1083 : vector<16xi32>
    %lt3A_1085 = arith.constant 0 : i32
    %lt3A_1086 = vector.broadcast %lt3A_1085 : i32 to vector<16xi32>
    %lt3A_1087 = arith.cmpi slt, %rem3A_1081, %lt3A_1086 : vector<16xi32>
    %lt3A_1088 = arith.constant 0 : i32
    %lt3A_1089 = vector.broadcast %lt3A_1088 : i32 to vector<16xi32>
    %lt3A_1090 = arith.cmpi slt, %select_n3A_1080, %lt3A_1089 : vector<16xi32>
    %ne3A_1091 = arith.xori %lt3A_1087, %lt3A_1090 : vector<16xi1>
    %and3A_1092 = arith.andi %ne3A_1091, %ne3A_1084 : vector<16xi1>
    %add3A_1093 = arith.addi %rem3A_1081, %select_n3A_1080 : vector<16xi32>
    %select_n3A_1094 = arith.select %and3A_1092, %add3A_1093, %rem3A_1081 : vector<16xi1>, vector<16xi32>
    %eq3A_1095 = arith.cmpi eq, %select_n3A_1094, %broadcast_in_dim3A_5 : vector<16xi32>
    %or3A_1096 = arith.ori %ne3A_1074, %eq3A_1095 : vector<16xi1>
    %select_n3A_1097 = arith.select %or3A_1096, %broadcast_in_dim3A_134, %broadcast_in_dim3A_5 : vector<16xi1>, vector<16xi32>
    %broadcast_in_dim3A_1098 = arith.constant true
    %broadcast_in_dim3A_1099 = vector.broadcast %broadcast_in_dim3A_1098 : i1 to vector<16xi1>
    %masked_cumsum3A_1100 = tpu.scan <sum>, %select_n3A_1097 masked %broadcast_in_dim3A_1099 : vector<16xi32>, vector<16xi1> -> vector<16xi32>
    %sub3A_1101 = arith.constant 1 : i32
    %sub3A_1102 = vector.broadcast %sub3A_1101 : i32 to vector<16xi32>
    %sub3A_1103 = arith.subi %masked_cumsum3A_1100, %sub3A_1102 : vector<16xi32>
    %add3A_1104 = vector.broadcast %add3A_1067 : i32 to vector<16xi32>
    %add3A_1105 = arith.addi %sub3A_1103, %add3A_1104 : vector<16xi32>
    tpu.vector_store_idx %arg7[%add3A_1105], %add3A_1073 masked %or3A_1096 : memref<512xi32, #tpu.memory_space<vmem>>[vector<16xi32>], vector<16xi32>, vector<16xi1>
    %reduce_max3A_1106 = arith.constant true
    %reduce_max3A_1107 = vector.broadcast %reduce_max3A_1106 : i1 to vector<16xi1>
    %reduce_max3A_1108 = arith.constant -2147483648 : i32
    %reduce_max3A_1109 = vector.broadcast %reduce_max3A_1108 : i32 to vector<16xi32>
    %reduce_max3A_1110 = arith.xori %masked_cumsum3A_1100, %reduce_max3A_1109 : vector<16xi32>
    %reduce_max3A_1111 = tpu.scan <max>, %reduce_max3A_1110 masked %reduce_max3A_1107 : vector<16xi32>, vector<16xi1> -> vector<16xi32>
    %reduce_max3A_1112 = arith.xori %reduce_max3A_1111, %reduce_max3A_1109 : vector<16xi32>
    %reduce_max3A_1113 = vector.extract %reduce_max3A_1112[15] : i32 from vector<16xi32>
    %add3A_1114 = arith.addi %add3A_1067, %reduce_max3A_1113 : i32
    %get3A_1115 = arith.constant 336 : index
    %get3A_1116 = tpu.vector_load %arg6[%get3A_1115] {strides = array<i32>} : memref<512xi32, #tpu.memory_space<vmem>>, vector<16xi32>,
    %add3A_1117 = arith.constant 336 : i32
    %add3A_1118 = arith.addi %mul3A_2, %add3A_1117 : i32
    %add3A_1119 = vector.broadcast %add3A_1118 : i32 to vector<16xi32>
    %add3A_1120 = arith.addi %iota3A, %add3A_1119 : vector<16xi32>
    %ne3A_1121 = arith.cmpi ne, %get3A_1116, %broadcast_in_dim3A_5 : vector<16xi32>
    %eq3A_1122 = arith.constant 0 : i32
    %eq3A_1123 = vector.broadcast %eq3A_1122 : i32 to vector<16xi32>
    %eq3A_1124 = arith.cmpi eq, %broadcast_in_dim3A_136, %eq3A_1123 : vector<16xi32>
    %broadcast_in_dim3A_1125 = arith.constant 1 : i32
    %broadcast_in_dim3A_1126 = vector.broadcast %broadcast_in_dim3A_1125 : i32 to vector<16xi32>
    %select_n3A_1127 = arith.select %eq3A_1124, %broadcast_in_dim3A_1126, %broadcast_in_dim3A_136 : vector<16xi1>, vector<16xi32>
    %rem3A_1128 = arith.remsi %add3A_1120, %select_n3A_1127 : vector<16xi32>
    %ne3A_1129 = arith.constant 0 : i32
    %ne3A_1130 = vector.broadcast %ne3A_1129 : i32 to vector<16xi32>
    %ne3A_1131 = arith.cmpi ne, %rem3A_1128, %ne3A_1130 : vector<16xi32>
    %lt3A_1132 = arith.constant 0 : i32
    %lt3A_1133 = vector.broadcast %lt3A_1132 : i32 to vector<16xi32>
    %lt3A_1134 = arith.cmpi slt, %rem3A_1128, %lt3A_1133 : vector<16xi32>
    %lt3A_1135 = arith.constant 0 : i32
    %lt3A_1136 = vector.broadcast %lt3A_1135 : i32 to vector<16xi32>
    %lt3A_1137 = arith.cmpi slt, %select_n3A_1127, %lt3A_1136 : vector<16xi32>
    %ne3A_1138 = arith.xori %lt3A_1134, %lt3A_1137 : vector<16xi1>
    %and3A_1139 = arith.andi %ne3A_1138, %ne3A_1131 : vector<16xi1>
    %add3A_1140 = arith.addi %rem3A_1128, %select_n3A_1127 : vector<16xi32>
    %select_n3A_1141 = arith.select %and3A_1139, %add3A_1140, %rem3A_1128 : vector<16xi1>, vector<16xi32>
    %eq3A_1142 = arith.cmpi eq, %select_n3A_1141, %broadcast_in_dim3A_5 : vector<16xi32>
    %or3A_1143 = arith.ori %ne3A_1121, %eq3A_1142 : vector<16xi1>
    %select_n3A_1144 = arith.select %or3A_1143, %broadcast_in_dim3A_134, %broadcast_in_dim3A_5 : vector<16xi1>, vector<16xi32>
    %broadcast_in_dim3A_1145 = arith.constant true
    %broadcast_in_dim3A_1146 = vector.broadcast %broadcast_in_dim3A_1145 : i1 to vector<16xi1>
    %masked_cumsum3A_1147 = tpu.scan <sum>, %select_n3A_1144 masked %broadcast_in_dim3A_1146 : vector<16xi32>, vector<16xi1> -> vector<16xi32>
    %sub3A_1148 = arith.constant 1 : i32
    %sub3A_1149 = vector.broadcast %sub3A_1148 : i32 to vector<16xi32>
    %sub3A_1150 = arith.subi %masked_cumsum3A_1147, %sub3A_1149 : vector<16xi32>
    %add3A_1151 = vector.broadcast %add3A_1114 : i32 to vector<16xi32>
    %add3A_1152 = arith.addi %sub3A_1150, %add3A_1151 : vector<16xi32>
    tpu.vector_store_idx %arg7[%add3A_1152], %add3A_1120 masked %or3A_1143 : memref<512xi32, #tpu.memory_space<vmem>>[vector<16xi32>], vector<16xi32>, vector<16xi1>
    %reduce_max3A_1153 = arith.constant true
    %reduce_max3A_1154 = vector.broadcast %reduce_max3A_1153 : i1 to vector<16xi1>
    %reduce_max3A_1155 = arith.constant -2147483648 : i32
    %reduce_max3A_1156 = vector.broadcast %reduce_max3A_1155 : i32 to vector<16xi32>
    %reduce_max3A_1157 = arith.xori %masked_cumsum3A_1147, %reduce_max3A_1156 : vector<16xi32>
    %reduce_max3A_1158 = tpu.scan <max>, %reduce_max3A_1157 masked %reduce_max3A_1154 : vector<16xi32>, vector<16xi1> -> vector<16xi32>
    %reduce_max3A_1159 = arith.xori %reduce_max3A_1158, %reduce_max3A_1156 : vector<16xi32>
    %reduce_max3A_1160 = vector.extract %reduce_max3A_1159[15] : i32 from vector<16xi32>
    %add3A_1161 = arith.addi %add3A_1114, %reduce_max3A_1160 : i32
    %get3A_1162 = arith.constant 352 : index
    %get3A_1163 = tpu.vector_load %arg6[%get3A_1162] {strides = array<i32>} : memref<512xi32, #tpu.memory_space<vmem>>, vector<16xi32>,
    %add3A_1164 = arith.constant 352 : i32
    %add3A_1165 = arith.addi %mul3A_2, %add3A_1164 : i32
    %add3A_1166 = vector.broadcast %add3A_1165 : i32 to vector<16xi32>
    %add3A_1167 = arith.addi %iota3A, %add3A_1166 : vector<16xi32>
    %ne3A_1168 = arith.cmpi ne, %get3A_1163, %broadcast_in_dim3A_5 : vector<16xi32>
    %eq3A_1169 = arith.constant 0 : i32
    %eq3A_1170 = vector.broadcast %eq3A_1169 : i32 to vector<16xi32>
    %eq3A_1171 = arith.cmpi eq, %broadcast_in_dim3A_136, %eq3A_1170 : vector<16xi32>
    %broadcast_in_dim3A_1172 = arith.constant 1 : i32
    %broadcast_in_dim3A_1173 = vector.broadcast %broadcast_in_dim3A_1172 : i32 to vector<16xi32>
    %select_n3A_1174 = arith.select %eq3A_1171, %broadcast_in_dim3A_1173, %broadcast_in_dim3A_136 : vector<16xi1>, vector<16xi32>
    %rem3A_1175 = arith.remsi %add3A_1167, %select_n3A_1174 : vector<16xi32>
    %ne3A_1176 = arith.constant 0 : i32
    %ne3A_1177 = vector.broadcast %ne3A_1176 : i32 to vector<16xi32>
    %ne3A_1178 = arith.cmpi ne, %rem3A_1175, %ne3A_1177 : vector<16xi32>
    %lt3A_1179 = arith.constant 0 : i32
    %lt3A_1180 = vector.broadcast %lt3A_1179 : i32 to vector<16xi32>
    %lt3A_1181 = arith.cmpi slt, %rem3A_1175, %lt3A_1180 : vector<16xi32>
    %lt3A_1182 = arith.constant 0 : i32
    %lt3A_1183 = vector.broadcast %lt3A_1182 : i32 to vector<16xi32>
    %lt3A_1184 = arith.cmpi slt, %select_n3A_1174, %lt3A_1183 : vector<16xi32>
    %ne3A_1185 = arith.xori %lt3A_1181, %lt3A_1184 : vector<16xi1>
    %and3A_1186 = arith.andi %ne3A_1185, %ne3A_1178 : vector<16xi1>
    %add3A_1187 = arith.addi %rem3A_1175, %select_n3A_1174 : vector<16xi32>
    %select_n3A_1188 = arith.select %and3A_1186, %add3A_1187, %rem3A_1175 : vector<16xi1>, vector<16xi32>
    %eq3A_1189 = arith.cmpi eq, %select_n3A_1188, %broadcast_in_dim3A_5 : vector<16xi32>
    %or3A_1190 = arith.ori %ne3A_1168, %eq3A_1189 : vector<16xi1>
    %select_n3A_1191 = arith.select %or3A_1190, %broadcast_in_dim3A_134, %broadcast_in_dim3A_5 : vector<16xi1>, vector<16xi32>
    %broadcast_in_dim3A_1192 = arith.constant true
    %broadcast_in_dim3A_1193 = vector.broadcast %broadcast_in_dim3A_1192 : i1 to vector<16xi1>
    %masked_cumsum3A_1194 = tpu.scan <sum>, %select_n3A_1191 masked %broadcast_in_dim3A_1193 : vector<16xi32>, vector<16xi1> -> vector<16xi32>
    %sub3A_1195 = arith.constant 1 : i32
    %sub3A_1196 = vector.broadcast %sub3A_1195 : i32 to vector<16xi32>
    %sub3A_1197 = arith.subi %masked_cumsum3A_1194, %sub3A_1196 : vector<16xi32>
    %add3A_1198 = vector.broadcast %add3A_1161 : i32 to vector<16xi32>
    %add3A_1199 = arith.addi %sub3A_1197, %add3A_1198 : vector<16xi32>
    tpu.vector_store_idx %arg7[%add3A_1199], %add3A_1167 masked %or3A_1190 : memref<512xi32, #tpu.memory_space<vmem>>[vector<16xi32>], vector<16xi32>, vector<16xi1>
    %reduce_max3A_1200 = arith.constant true
    %reduce_max3A_1201 = vector.broadcast %reduce_max3A_1200 : i1 to vector<16xi1>
    %reduce_max3A_1202 = arith.constant -2147483648 : i32
    %reduce_max3A_1203 = vector.broadcast %reduce_max3A_1202 : i32 to vector<16xi32>
    %reduce_max3A_1204 = arith.xori %masked_cumsum3A_1194, %reduce_max3A_1203 : vector<16xi32>
    %reduce_max3A_1205 = tpu.scan <max>, %reduce_max3A_1204 masked %reduce_max3A_1201 : vector<16xi32>, vector<16xi1> -> vector<16xi32>
    %reduce_max3A_1206 = arith.xori %reduce_max3A_1205, %reduce_max3A_1203 : vector<16xi32>
    %reduce_max3A_1207 = vector.extract %reduce_max3A_1206[15] : i32 from vector<16xi32>
    %add3A_1208 = arith.addi %add3A_1161, %reduce_max3A_1207 : i32
    %get3A_1209 = arith.constant 368 : index
    %get3A_1210 = tpu.vector_load %arg6[%get3A_1209] {strides = array<i32>} : memref<512xi32, #tpu.memory_space<vmem>>, vector<16xi32>,
    %add3A_1211 = arith.constant 368 : i32
    %add3A_1212 = arith.addi %mul3A_2, %add3A_1211 : i32
    %add3A_1213 = vector.broadcast %add3A_1212 : i32 to vector<16xi32>
    %add3A_1214 = arith.addi %iota3A, %add3A_1213 : vector<16xi32>
    %ne3A_1215 = arith.cmpi ne, %get3A_1210, %broadcast_in_dim3A_5 : vector<16xi32>
    %eq3A_1216 = arith.constant 0 : i32
    %eq3A_1217 = vector.broadcast %eq3A_1216 : i32 to vector<16xi32>
    %eq3A_1218 = arith.cmpi eq, %broadcast_in_dim3A_136, %eq3A_1217 : vector<16xi32>
    %broadcast_in_dim3A_1219 = arith.constant 1 : i32
    %broadcast_in_dim3A_1220 = vector.broadcast %broadcast_in_dim3A_1219 : i32 to vector<16xi32>
    %select_n3A_1221 = arith.select %eq3A_1218, %broadcast_in_dim3A_1220, %broadcast_in_dim3A_136 : vector<16xi1>, vector<16xi32>
    %rem3A_1222 = arith.remsi %add3A_1214, %select_n3A_1221 : vector<16xi32>
    %ne3A_1223 = arith.constant 0 : i32
    %ne3A_1224 = vector.broadcast %ne3A_1223 : i32 to vector<16xi32>
    %ne3A_1225 = arith.cmpi ne, %rem3A_1222, %ne3A_1224 : vector<16xi32>
    %lt3A_1226 = arith.constant 0 : i32
    %lt3A_1227 = vector.broadcast %lt3A_1226 : i32 to vector<16xi32>
    %lt3A_1228 = arith.cmpi slt, %rem3A_1222, %lt3A_1227 : vector<16xi32>
    %lt3A_1229 = arith.constant 0 : i32
    %lt3A_1230 = vector.broadcast %lt3A_1229 : i32 to vector<16xi32>
    %lt3A_1231 = arith.cmpi slt, %select_n3A_1221, %lt3A_1230 : vector<16xi32>
    %ne3A_1232 = arith.xori %lt3A_1228, %lt3A_1231 : vector<16xi1>
    %and3A_1233 = arith.andi %ne3A_1232, %ne3A_1225 : vector<16xi1>
    %add3A_1234 = arith.addi %rem3A_1222, %select_n3A_1221 : vector<16xi32>
    %select_n3A_1235 = arith.select %and3A_1233, %add3A_1234, %rem3A_1222 : vector<16xi1>, vector<16xi32>
    %eq3A_1236 = arith.cmpi eq, %select_n3A_1235, %broadcast_in_dim3A_5 : vector<16xi32>
    %or3A_1237 = arith.ori %ne3A_1215, %eq3A_1236 : vector<16xi1>
    %select_n3A_1238 = arith.select %or3A_1237, %broadcast_in_dim3A_134, %broadcast_in_dim3A_5 : vector<16xi1>, vector<16xi32>
    %broadcast_in_dim3A_1239 = arith.constant true
    %broadcast_in_dim3A_1240 = vector.broadcast %broadcast_in_dim3A_1239 : i1 to vector<16xi1>
    %masked_cumsum3A_1241 = tpu.scan <sum>, %select_n3A_1238 masked %broadcast_in_dim3A_1240 : vector<16xi32>, vector<16xi1> -> vector<16xi32>
    %sub3A_1242 = arith.constant 1 : i32
    %sub3A_1243 = vector.broadcast %sub3A_1242 : i32 to vector<16xi32>
    %sub3A_1244 = arith.subi %masked_cumsum3A_1241, %sub3A_1243 : vector<16xi32>
    %add3A_1245 = vector.broadcast %add3A_1208 : i32 to vector<16xi32>
    %add3A_1246 = arith.addi %sub3A_1244, %add3A_1245 : vector<16xi32>
    tpu.vector_store_idx %arg7[%add3A_1246], %add3A_1214 masked %or3A_1237 : memref<512xi32, #tpu.memory_space<vmem>>[vector<16xi32>], vector<16xi32>, vector<16xi1>
    %reduce_max3A_1247 = arith.constant true
    %reduce_max3A_1248 = vector.broadcast %reduce_max3A_1247 : i1 to vector<16xi1>
    %reduce_max3A_1249 = arith.constant -2147483648 : i32
    %reduce_max3A_1250 = vector.broadcast %reduce_max3A_1249 : i32 to vector<16xi32>
    %reduce_max3A_1251 = arith.xori %masked_cumsum3A_1241, %reduce_max3A_1250 : vector<16xi32>
    %reduce_max3A_1252 = tpu.scan <max>, %reduce_max3A_1251 masked %reduce_max3A_1248 : vector<16xi32>, vector<16xi1> -> vector<16xi32>
    %reduce_max3A_1253 = arith.xori %reduce_max3A_1252, %reduce_max3A_1250 : vector<16xi32>
    %reduce_max3A_1254 = vector.extract %reduce_max3A_1253[15] : i32 from vector<16xi32>
    %add3A_1255 = arith.addi %add3A_1208, %reduce_max3A_1254 : i32
    %get3A_1256 = arith.constant 384 : index
    %get3A_1257 = tpu.vector_load %arg6[%get3A_1256] {strides = array<i32>} : memref<512xi32, #tpu.memory_space<vmem>>, vector<16xi32>,
    %add3A_1258 = arith.constant 384 : i32
    %add3A_1259 = arith.addi %mul3A_2, %add3A_1258 : i32
    %add3A_1260 = vector.broadcast %add3A_1259 : i32 to vector<16xi32>
    %add3A_1261 = arith.addi %iota3A, %add3A_1260 : vector<16xi32>
    %ne3A_1262 = arith.cmpi ne, %get3A_1257, %broadcast_in_dim3A_5 : vector<16xi32>
    %eq3A_1263 = arith.constant 0 : i32
    %eq3A_1264 = vector.broadcast %eq3A_1263 : i32 to vector<16xi32>
    %eq3A_1265 = arith.cmpi eq, %broadcast_in_dim3A_136, %eq3A_1264 : vector<16xi32>
    %broadcast_in_dim3A_1266 = arith.constant 1 : i32
    %broadcast_in_dim3A_1267 = vector.broadcast %broadcast_in_dim3A_1266 : i32 to vector<16xi32>
    %select_n3A_1268 = arith.select %eq3A_1265, %broadcast_in_dim3A_1267, %broadcast_in_dim3A_136 : vector<16xi1>, vector<16xi32>
    %rem3A_1269 = arith.remsi %add3A_1261, %select_n3A_1268 : vector<16xi32>
    %ne3A_1270 = arith.constant 0 : i32
    %ne3A_1271 = vector.broadcast %ne3A_1270 : i32 to vector<16xi32>
    %ne3A_1272 = arith.cmpi ne, %rem3A_1269, %ne3A_1271 : vector<16xi32>
    %lt3A_1273 = arith.constant 0 : i32
    %lt3A_1274 = vector.broadcast %lt3A_1273 : i32 to vector<16xi32>
    %lt3A_1275 = arith.cmpi slt, %rem3A_1269, %lt3A_1274 : vector<16xi32>
    %lt3A_1276 = arith.constant 0 : i32
    %lt3A_1277 = vector.broadcast %lt3A_1276 : i32 to vector<16xi32>
    %lt3A_1278 = arith.cmpi slt, %select_n3A_1268, %lt3A_1277 : vector<16xi32>
    %ne3A_1279 = arith.xori %lt3A_1275, %lt3A_1278 : vector<16xi1>
    %and3A_1280 = arith.andi %ne3A_1279, %ne3A_1272 : vector<16xi1>
    %add3A_1281 = arith.addi %rem3A_1269, %select_n3A_1268 : vector<16xi32>
    %select_n3A_1282 = arith.select %and3A_1280, %add3A_1281, %rem3A_1269 : vector<16xi1>, vector<16xi32>
    %eq3A_1283 = arith.cmpi eq, %select_n3A_1282, %broadcast_in_dim3A_5 : vector<16xi32>
    %or3A_1284 = arith.ori %ne3A_1262, %eq3A_1283 : vector<16xi1>
    %select_n3A_1285 = arith.select %or3A_1284, %broadcast_in_dim3A_134, %broadcast_in_dim3A_5 : vector<16xi1>, vector<16xi32>
    %broadcast_in_dim3A_1286 = arith.constant true
    %broadcast_in_dim3A_1287 = vector.broadcast %broadcast_in_dim3A_1286 : i1 to vector<16xi1>
    %masked_cumsum3A_1288 = tpu.scan <sum>, %select_n3A_1285 masked %broadcast_in_dim3A_1287 : vector<16xi32>, vector<16xi1> -> vector<16xi32>
    %sub3A_1289 = arith.constant 1 : i32
    %sub3A_1290 = vector.broadcast %sub3A_1289 : i32 to vector<16xi32>
    %sub3A_1291 = arith.subi %masked_cumsum3A_1288, %sub3A_1290 : vector<16xi32>
    %add3A_1292 = vector.broadcast %add3A_1255 : i32 to vector<16xi32>
    %add3A_1293 = arith.addi %sub3A_1291, %add3A_1292 : vector<16xi32>
    tpu.vector_store_idx %arg7[%add3A_1293], %add3A_1261 masked %or3A_1284 : memref<512xi32, #tpu.memory_space<vmem>>[vector<16xi32>], vector<16xi32>, vector<16xi1>
    %reduce_max3A_1294 = arith.constant true
    %reduce_max3A_1295 = vector.broadcast %reduce_max3A_1294 : i1 to vector<16xi1>
    %reduce_max3A_1296 = arith.constant -2147483648 : i32
    %reduce_max3A_1297 = vector.broadcast %reduce_max3A_1296 : i32 to vector<16xi32>
    %reduce_max3A_1298 = arith.xori %masked_cumsum3A_1288, %reduce_max3A_1297 : vector<16xi32>
    %reduce_max3A_1299 = tpu.scan <max>, %reduce_max3A_1298 masked %reduce_max3A_1295 : vector<16xi32>, vector<16xi1> -> vector<16xi32>
    %reduce_max3A_1300 = arith.xori %reduce_max3A_1299, %reduce_max3A_1297 : vector<16xi32>
    %reduce_max3A_1301 = vector.extract %reduce_max3A_1300[15] : i32 from vector<16xi32>
    %add3A_1302 = arith.addi %add3A_1255, %reduce_max3A_1301 : i32
    %get3A_1303 = arith.constant 400 : index
    %get3A_1304 = tpu.vector_load %arg6[%get3A_1303] {strides = array<i32>} : memref<512xi32, #tpu.memory_space<vmem>>, vector<16xi32>,
    %add3A_1305 = arith.constant 400 : i32
    %add3A_1306 = arith.addi %mul3A_2, %add3A_1305 : i32
    %add3A_1307 = vector.broadcast %add3A_1306 : i32 to vector<16xi32>
    %add3A_1308 = arith.addi %iota3A, %add3A_1307 : vector<16xi32>
    %ne3A_1309 = arith.cmpi ne, %get3A_1304, %broadcast_in_dim3A_5 : vector<16xi32>
    %eq3A_1310 = arith.constant 0 : i32
    %eq3A_1311 = vector.broadcast %eq3A_1310 : i32 to vector<16xi32>
    %eq3A_1312 = arith.cmpi eq, %broadcast_in_dim3A_136, %eq3A_1311 : vector<16xi32>
    %broadcast_in_dim3A_1313 = arith.constant 1 : i32
    %broadcast_in_dim3A_1314 = vector.broadcast %broadcast_in_dim3A_1313 : i32 to vector<16xi32>
    %select_n3A_1315 = arith.select %eq3A_1312, %broadcast_in_dim3A_1314, %broadcast_in_dim3A_136 : vector<16xi1>, vector<16xi32>
    %rem3A_1316 = arith.remsi %add3A_1308, %select_n3A_1315 : vector<16xi32>
    %ne3A_1317 = arith.constant 0 : i32
    %ne3A_1318 = vector.broadcast %ne3A_1317 : i32 to vector<16xi32>
    %ne3A_1319 = arith.cmpi ne, %rem3A_1316, %ne3A_1318 : vector<16xi32>
    %lt3A_1320 = arith.constant 0 : i32
    %lt3A_1321 = vector.broadcast %lt3A_1320 : i32 to vector<16xi32>
    %lt3A_1322 = arith.cmpi slt, %rem3A_1316, %lt3A_1321 : vector<16xi32>
    %lt3A_1323 = arith.constant 0 : i32
    %lt3A_1324 = vector.broadcast %lt3A_1323 : i32 to vector<16xi32>
    %lt3A_1325 = arith.cmpi slt, %select_n3A_1315, %lt3A_1324 : vector<16xi32>
    %ne3A_1326 = arith.xori %lt3A_1322, %lt3A_1325 : vector<16xi1>
    %and3A_1327 = arith.andi %ne3A_1326, %ne3A_1319 : vector<16xi1>
    %add3A_1328 = arith.addi %rem3A_1316, %select_n3A_1315 : vector<16xi32>
    %select_n3A_1329 = arith.select %and3A_1327, %add3A_1328, %rem3A_1316 : vector<16xi1>, vector<16xi32>
    %eq3A_1330 = arith.cmpi eq, %select_n3A_1329, %broadcast_in_dim3A_5 : vector<16xi32>
    %or3A_1331 = arith.ori %ne3A_1309, %eq3A_1330 : vector<16xi1>
    %select_n3A_1332 = arith.select %or3A_1331, %broadcast_in_dim3A_134, %broadcast_in_dim3A_5 : vector<16xi1>, vector<16xi32>
    %broadcast_in_dim3A_1333 = arith.constant true
    %broadcast_in_dim3A_1334 = vector.broadcast %broadcast_in_dim3A_1333 : i1 to vector<16xi1>
    %masked_cumsum3A_1335 = tpu.scan <sum>, %select_n3A_1332 masked %broadcast_in_dim3A_1334 : vector<16xi32>, vector<16xi1> -> vector<16xi32>
    %sub3A_1336 = arith.constant 1 : i32
    %sub3A_1337 = vector.broadcast %sub3A_1336 : i32 to vector<16xi32>
    %sub3A_1338 = arith.subi %masked_cumsum3A_1335, %sub3A_1337 : vector<16xi32>
    %add3A_1339 = vector.broadcast %add3A_1302 : i32 to vector<16xi32>
    %add3A_1340 = arith.addi %sub3A_1338, %add3A_1339 : vector<16xi32>
    tpu.vector_store_idx %arg7[%add3A_1340], %add3A_1308 masked %or3A_1331 : memref<512xi32, #tpu.memory_space<vmem>>[vector<16xi32>], vector<16xi32>, vector<16xi1>
    %reduce_max3A_1341 = arith.constant true
    %reduce_max3A_1342 = vector.broadcast %reduce_max3A_1341 : i1 to vector<16xi1>
    %reduce_max3A_1343 = arith.constant -2147483648 : i32
    %reduce_max3A_1344 = vector.broadcast %reduce_max3A_1343 : i32 to vector<16xi32>
    %reduce_max3A_1345 = arith.xori %masked_cumsum3A_1335, %reduce_max3A_1344 : vector<16xi32>
    %reduce_max3A_1346 = tpu.scan <max>, %reduce_max3A_1345 masked %reduce_max3A_1342 : vector<16xi32>, vector<16xi1> -> vector<16xi32>
    %reduce_max3A_1347 = arith.xori %reduce_max3A_1346, %reduce_max3A_1344 : vector<16xi32>
    %reduce_max3A_1348 = vector.extract %reduce_max3A_1347[15] : i32 from vector<16xi32>
    %add3A_1349 = arith.addi %add3A_1302, %reduce_max3A_1348 : i32
    %get3A_1350 = arith.constant 416 : index
    %get3A_1351 = tpu.vector_load %arg6[%get3A_1350] {strides = array<i32>} : memref<512xi32, #tpu.memory_space<vmem>>, vector<16xi32>,
    %add3A_1352 = arith.constant 416 : i32
    %add3A_1353 = arith.addi %mul3A_2, %add3A_1352 : i32
    %add3A_1354 = vector.broadcast %add3A_1353 : i32 to vector<16xi32>
    %add3A_1355 = arith.addi %iota3A, %add3A_1354 : vector<16xi32>
    %ne3A_1356 = arith.cmpi ne, %get3A_1351, %broadcast_in_dim3A_5 : vector<16xi32>
    %eq3A_1357 = arith.constant 0 : i32
    %eq3A_1358 = vector.broadcast %eq3A_1357 : i32 to vector<16xi32>
    %eq3A_1359 = arith.cmpi eq, %broadcast_in_dim3A_136, %eq3A_1358 : vector<16xi32>
    %broadcast_in_dim3A_1360 = arith.constant 1 : i32
    %broadcast_in_dim3A_1361 = vector.broadcast %broadcast_in_dim3A_1360 : i32 to vector<16xi32>
    %select_n3A_1362 = arith.select %eq3A_1359, %broadcast_in_dim3A_1361, %broadcast_in_dim3A_136 : vector<16xi1>, vector<16xi32>
    %rem3A_1363 = arith.remsi %add3A_1355, %select_n3A_1362 : vector<16xi32>
    %ne3A_1364 = arith.constant 0 : i32
    %ne3A_1365 = vector.broadcast %ne3A_1364 : i32 to vector<16xi32>
    %ne3A_1366 = arith.cmpi ne, %rem3A_1363, %ne3A_1365 : vector<16xi32>
    %lt3A_1367 = arith.constant 0 : i32
    %lt3A_1368 = vector.broadcast %lt3A_1367 : i32 to vector<16xi32>
    %lt3A_1369 = arith.cmpi slt, %rem3A_1363, %lt3A_1368 : vector<16xi32>
    %lt3A_1370 = arith.constant 0 : i32
    %lt3A_1371 = vector.broadcast %lt3A_1370 : i32 to vector<16xi32>
    %lt3A_1372 = arith.cmpi slt, %select_n3A_1362, %lt3A_1371 : vector<16xi32>
    %ne3A_1373 = arith.xori %lt3A_1369, %lt3A_1372 : vector<16xi1>
    %and3A_1374 = arith.andi %ne3A_1373, %ne3A_1366 : vector<16xi1>
    %add3A_1375 = arith.addi %rem3A_1363, %select_n3A_1362 : vector<16xi32>
    %select_n3A_1376 = arith.select %and3A_1374, %add3A_1375, %rem3A_1363 : vector<16xi1>, vector<16xi32>
    %eq3A_1377 = arith.cmpi eq, %select_n3A_1376, %broadcast_in_dim3A_5 : vector<16xi32>
    %or3A_1378 = arith.ori %ne3A_1356, %eq3A_1377 : vector<16xi1>
    %select_n3A_1379 = arith.select %or3A_1378, %broadcast_in_dim3A_134, %broadcast_in_dim3A_5 : vector<16xi1>, vector<16xi32>
    %broadcast_in_dim3A_1380 = arith.constant true
    %broadcast_in_dim3A_1381 = vector.broadcast %broadcast_in_dim3A_1380 : i1 to vector<16xi1>
    %masked_cumsum3A_1382 = tpu.scan <sum>, %select_n3A_1379 masked %broadcast_in_dim3A_1381 : vector<16xi32>, vector<16xi1> -> vector<16xi32>
    %sub3A_1383 = arith.constant 1 : i32
    %sub3A_1384 = vector.broadcast %sub3A_1383 : i32 to vector<16xi32>
    %sub3A_1385 = arith.subi %masked_cumsum3A_1382, %sub3A_1384 : vector<16xi32>
    %add3A_1386 = vector.broadcast %add3A_1349 : i32 to vector<16xi32>
    %add3A_1387 = arith.addi %sub3A_1385, %add3A_1386 : vector<16xi32>
    tpu.vector_store_idx %arg7[%add3A_1387], %add3A_1355 masked %or3A_1378 : memref<512xi32, #tpu.memory_space<vmem>>[vector<16xi32>], vector<16xi32>, vector<16xi1>
    %reduce_max3A_1388 = arith.constant true
    %reduce_max3A_1389 = vector.broadcast %reduce_max3A_1388 : i1 to vector<16xi1>
    %reduce_max3A_1390 = arith.constant -2147483648 : i32
    %reduce_max3A_1391 = vector.broadcast %reduce_max3A_1390 : i32 to vector<16xi32>
    %reduce_max3A_1392 = arith.xori %masked_cumsum3A_1382, %reduce_max3A_1391 : vector<16xi32>
    %reduce_max3A_1393 = tpu.scan <max>, %reduce_max3A_1392 masked %reduce_max3A_1389 : vector<16xi32>, vector<16xi1> -> vector<16xi32>
    %reduce_max3A_1394 = arith.xori %reduce_max3A_1393, %reduce_max3A_1391 : vector<16xi32>
    %reduce_max3A_1395 = vector.extract %reduce_max3A_1394[15] : i32 from vector<16xi32>
    %add3A_1396 = arith.addi %add3A_1349, %reduce_max3A_1395 : i32
    %get3A_1397 = arith.constant 432 : index
    %get3A_1398 = tpu.vector_load %arg6[%get3A_1397] {strides = array<i32>} : memref<512xi32, #tpu.memory_space<vmem>>, vector<16xi32>,
    %add3A_1399 = arith.constant 432 : i32
    %add3A_1400 = arith.addi %mul3A_2, %add3A_1399 : i32
    %add3A_1401 = vector.broadcast %add3A_1400 : i32 to vector<16xi32>
    %add3A_1402 = arith.addi %iota3A, %add3A_1401 : vector<16xi32>
    %ne3A_1403 = arith.cmpi ne, %get3A_1398, %broadcast_in_dim3A_5 : vector<16xi32>
    %eq3A_1404 = arith.constant 0 : i32
    %eq3A_1405 = vector.broadcast %eq3A_1404 : i32 to vector<16xi32>
    %eq3A_1406 = arith.cmpi eq, %broadcast_in_dim3A_136, %eq3A_1405 : vector<16xi32>
    %broadcast_in_dim3A_1407 = arith.constant 1 : i32
    %broadcast_in_dim3A_1408 = vector.broadcast %broadcast_in_dim3A_1407 : i32 to vector<16xi32>
    %select_n3A_1409 = arith.select %eq3A_1406, %broadcast_in_dim3A_1408, %broadcast_in_dim3A_136 : vector<16xi1>, vector<16xi32>
    %rem3A_1410 = arith.remsi %add3A_1402, %select_n3A_1409 : vector<16xi32>
    %ne3A_1411 = arith.constant 0 : i32
    %ne3A_1412 = vector.broadcast %ne3A_1411 : i32 to vector<16xi32>
    %ne3A_1413 = arith.cmpi ne, %rem3A_1410, %ne3A_1412 : vector<16xi32>
    %lt3A_1414 = arith.constant 0 : i32
    %lt3A_1415 = vector.broadcast %lt3A_1414 : i32 to vector<16xi32>
    %lt3A_1416 = arith.cmpi slt, %rem3A_1410, %lt3A_1415 : vector<16xi32>
    %lt3A_1417 = arith.constant 0 : i32
    %lt3A_1418 = vector.broadcast %lt3A_1417 : i32 to vector<16xi32>
    %lt3A_1419 = arith.cmpi slt, %select_n3A_1409, %lt3A_1418 : vector<16xi32>
    %ne3A_1420 = arith.xori %lt3A_1416, %lt3A_1419 : vector<16xi1>
    %and3A_1421 = arith.andi %ne3A_1420, %ne3A_1413 : vector<16xi1>
    %add3A_1422 = arith.addi %rem3A_1410, %select_n3A_1409 : vector<16xi32>
    %select_n3A_1423 = arith.select %and3A_1421, %add3A_1422, %rem3A_1410 : vector<16xi1>, vector<16xi32>
    %eq3A_1424 = arith.cmpi eq, %select_n3A_1423, %broadcast_in_dim3A_5 : vector<16xi32>
    %or3A_1425 = arith.ori %ne3A_1403, %eq3A_1424 : vector<16xi1>
    %select_n3A_1426 = arith.select %or3A_1425, %broadcast_in_dim3A_134, %broadcast_in_dim3A_5 : vector<16xi1>, vector<16xi32>
    %broadcast_in_dim3A_1427 = arith.constant true
    %broadcast_in_dim3A_1428 = vector.broadcast %broadcast_in_dim3A_1427 : i1 to vector<16xi1>
    %masked_cumsum3A_1429 = tpu.scan <sum>, %select_n3A_1426 masked %broadcast_in_dim3A_1428 : vector<16xi32>, vector<16xi1> -> vector<16xi32>
    %sub3A_1430 = arith.constant 1 : i32
    %sub3A_1431 = vector.broadcast %sub3A_1430 : i32 to vector<16xi32>
    %sub3A_1432 = arith.subi %masked_cumsum3A_1429, %sub3A_1431 : vector<16xi32>
    %add3A_1433 = vector.broadcast %add3A_1396 : i32 to vector<16xi32>
    %add3A_1434 = arith.addi %sub3A_1432, %add3A_1433 : vector<16xi32>
    tpu.vector_store_idx %arg7[%add3A_1434], %add3A_1402 masked %or3A_1425 : memref<512xi32, #tpu.memory_space<vmem>>[vector<16xi32>], vector<16xi32>, vector<16xi1>
    %reduce_max3A_1435 = arith.constant true
    %reduce_max3A_1436 = vector.broadcast %reduce_max3A_1435 : i1 to vector<16xi1>
    %reduce_max3A_1437 = arith.constant -2147483648 : i32
    %reduce_max3A_1438 = vector.broadcast %reduce_max3A_1437 : i32 to vector<16xi32>
    %reduce_max3A_1439 = arith.xori %masked_cumsum3A_1429, %reduce_max3A_1438 : vector<16xi32>
    %reduce_max3A_1440 = tpu.scan <max>, %reduce_max3A_1439 masked %reduce_max3A_1436 : vector<16xi32>, vector<16xi1> -> vector<16xi32>
    %reduce_max3A_1441 = arith.xori %reduce_max3A_1440, %reduce_max3A_1438 : vector<16xi32>
    %reduce_max3A_1442 = vector.extract %reduce_max3A_1441[15] : i32 from vector<16xi32>
    %add3A_1443 = arith.addi %add3A_1396, %reduce_max3A_1442 : i32
    %get3A_1444 = arith.constant 448 : index
    %get3A_1445 = tpu.vector_load %arg6[%get3A_1444] {strides = array<i32>} : memref<512xi32, #tpu.memory_space<vmem>>, vector<16xi32>,
    %add3A_1446 = arith.constant 448 : i32
    %add3A_1447 = arith.addi %mul3A_2, %add3A_1446 : i32
    %add3A_1448 = vector.broadcast %add3A_1447 : i32 to vector<16xi32>
    %add3A_1449 = arith.addi %iota3A, %add3A_1448 : vector<16xi32>
    %ne3A_1450 = arith.cmpi ne, %get3A_1445, %broadcast_in_dim3A_5 : vector<16xi32>
    %eq3A_1451 = arith.constant 0 : i32
    %eq3A_1452 = vector.broadcast %eq3A_1451 : i32 to vector<16xi32>
    %eq3A_1453 = arith.cmpi eq, %broadcast_in_dim3A_136, %eq3A_1452 : vector<16xi32>
    %broadcast_in_dim3A_1454 = arith.constant 1 : i32
    %broadcast_in_dim3A_1455 = vector.broadcast %broadcast_in_dim3A_1454 : i32 to vector<16xi32>
    %select_n3A_1456 = arith.select %eq3A_1453, %broadcast_in_dim3A_1455, %broadcast_in_dim3A_136 : vector<16xi1>, vector<16xi32>
    %rem3A_1457 = arith.remsi %add3A_1449, %select_n3A_1456 : vector<16xi32>
    %ne3A_1458 = arith.constant 0 : i32
    %ne3A_1459 = vector.broadcast %ne3A_1458 : i32 to vector<16xi32>
    %ne3A_1460 = arith.cmpi ne, %rem3A_1457, %ne3A_1459 : vector<16xi32>
    %lt3A_1461 = arith.constant 0 : i32
    %lt3A_1462 = vector.broadcast %lt3A_1461 : i32 to vector<16xi32>
    %lt3A_1463 = arith.cmpi slt, %rem3A_1457, %lt3A_1462 : vector<16xi32>
    %lt3A_1464 = arith.constant 0 : i32
    %lt3A_1465 = vector.broadcast %lt3A_1464 : i32 to vector<16xi32>
    %lt3A_1466 = arith.cmpi slt, %select_n3A_1456, %lt3A_1465 : vector<16xi32>
    %ne3A_1467 = arith.xori %lt3A_1463, %lt3A_1466 : vector<16xi1>
    %and3A_1468 = arith.andi %ne3A_1467, %ne3A_1460 : vector<16xi1>
    %add3A_1469 = arith.addi %rem3A_1457, %select_n3A_1456 : vector<16xi32>
    %select_n3A_1470 = arith.select %and3A_1468, %add3A_1469, %rem3A_1457 : vector<16xi1>, vector<16xi32>
    %eq3A_1471 = arith.cmpi eq, %select_n3A_1470, %broadcast_in_dim3A_5 : vector<16xi32>
    %or3A_1472 = arith.ori %ne3A_1450, %eq3A_1471 : vector<16xi1>
    %select_n3A_1473 = arith.select %or3A_1472, %broadcast_in_dim3A_134, %broadcast_in_dim3A_5 : vector<16xi1>, vector<16xi32>
    %broadcast_in_dim3A_1474 = arith.constant true
    %broadcast_in_dim3A_1475 = vector.broadcast %broadcast_in_dim3A_1474 : i1 to vector<16xi1>
    %masked_cumsum3A_1476 = tpu.scan <sum>, %select_n3A_1473 masked %broadcast_in_dim3A_1475 : vector<16xi32>, vector<16xi1> -> vector<16xi32>
    %sub3A_1477 = arith.constant 1 : i32
    %sub3A_1478 = vector.broadcast %sub3A_1477 : i32 to vector<16xi32>
    %sub3A_1479 = arith.subi %masked_cumsum3A_1476, %sub3A_1478 : vector<16xi32>
    %add3A_1480 = vector.broadcast %add3A_1443 : i32 to vector<16xi32>
    %add3A_1481 = arith.addi %sub3A_1479, %add3A_1480 : vector<16xi32>
    tpu.vector_store_idx %arg7[%add3A_1481], %add3A_1449 masked %or3A_1472 : memref<512xi32, #tpu.memory_space<vmem>>[vector<16xi32>], vector<16xi32>, vector<16xi1>
    %reduce_max3A_1482 = arith.constant true
    %reduce_max3A_1483 = vector.broadcast %reduce_max3A_1482 : i1 to vector<16xi1>
    %reduce_max3A_1484 = arith.constant -2147483648 : i32
    %reduce_max3A_1485 = vector.broadcast %reduce_max3A_1484 : i32 to vector<16xi32>
    %reduce_max3A_1486 = arith.xori %masked_cumsum3A_1476, %reduce_max3A_1485 : vector<16xi32>
    %reduce_max3A_1487 = tpu.scan <max>, %reduce_max3A_1486 masked %reduce_max3A_1483 : vector<16xi32>, vector<16xi1> -> vector<16xi32>
    %reduce_max3A_1488 = arith.xori %reduce_max3A_1487, %reduce_max3A_1485 : vector<16xi32>
    %reduce_max3A_1489 = vector.extract %reduce_max3A_1488[15] : i32 from vector<16xi32>
    %add3A_1490 = arith.addi %add3A_1443, %reduce_max3A_1489 : i32
    %get3A_1491 = arith.constant 464 : index
    %get3A_1492 = tpu.vector_load %arg6[%get3A_1491] {strides = array<i32>} : memref<512xi32, #tpu.memory_space<vmem>>, vector<16xi32>,
    %add3A_1493 = arith.constant 464 : i32
    %add3A_1494 = arith.addi %mul3A_2, %add3A_1493 : i32
    %add3A_1495 = vector.broadcast %add3A_1494 : i32 to vector<16xi32>
    %add3A_1496 = arith.addi %iota3A, %add3A_1495 : vector<16xi32>
    %ne3A_1497 = arith.cmpi ne, %get3A_1492, %broadcast_in_dim3A_5 : vector<16xi32>
    %eq3A_1498 = arith.constant 0 : i32
    %eq3A_1499 = vector.broadcast %eq3A_1498 : i32 to vector<16xi32>
    %eq3A_1500 = arith.cmpi eq, %broadcast_in_dim3A_136, %eq3A_1499 : vector<16xi32>
    %broadcast_in_dim3A_1501 = arith.constant 1 : i32
    %broadcast_in_dim3A_1502 = vector.broadcast %broadcast_in_dim3A_1501 : i32 to vector<16xi32>
    %select_n3A_1503 = arith.select %eq3A_1500, %broadcast_in_dim3A_1502, %broadcast_in_dim3A_136 : vector<16xi1>, vector<16xi32>
    %rem3A_1504 = arith.remsi %add3A_1496, %select_n3A_1503 : vector<16xi32>
    %ne3A_1505 = arith.constant 0 : i32
    %ne3A_1506 = vector.broadcast %ne3A_1505 : i32 to vector<16xi32>
    %ne3A_1507 = arith.cmpi ne, %rem3A_1504, %ne3A_1506 : vector<16xi32>
    %lt3A_1508 = arith.constant 0 : i32
    %lt3A_1509 = vector.broadcast %lt3A_1508 : i32 to vector<16xi32>
    %lt3A_1510 = arith.cmpi slt, %rem3A_1504, %lt3A_1509 : vector<16xi32>
    %lt3A_1511 = arith.constant 0 : i32
    %lt3A_1512 = vector.broadcast %lt3A_1511 : i32 to vector<16xi32>
    %lt3A_1513 = arith.cmpi slt, %select_n3A_1503, %lt3A_1512 : vector<16xi32>
    %ne3A_1514 = arith.xori %lt3A_1510, %lt3A_1513 : vector<16xi1>
    %and3A_1515 = arith.andi %ne3A_1514, %ne3A_1507 : vector<16xi1>
    %add3A_1516 = arith.addi %rem3A_1504, %select_n3A_1503 : vector<16xi32>
    %select_n3A_1517 = arith.select %and3A_1515, %add3A_1516, %rem3A_1504 : vector<16xi1>, vector<16xi32>
    %eq3A_1518 = arith.cmpi eq, %select_n3A_1517, %broadcast_in_dim3A_5 : vector<16xi32>
    %or3A_1519 = arith.ori %ne3A_1497, %eq3A_1518 : vector<16xi1>
    %select_n3A_1520 = arith.select %or3A_1519, %broadcast_in_dim3A_134, %broadcast_in_dim3A_5 : vector<16xi1>, vector<16xi32>
    %broadcast_in_dim3A_1521 = arith.constant true
    %broadcast_in_dim3A_1522 = vector.broadcast %broadcast_in_dim3A_1521 : i1 to vector<16xi1>
    %masked_cumsum3A_1523 = tpu.scan <sum>, %select_n3A_1520 masked %broadcast_in_dim3A_1522 : vector<16xi32>, vector<16xi1> -> vector<16xi32>
    %sub3A_1524 = arith.constant 1 : i32
    %sub3A_1525 = vector.broadcast %sub3A_1524 : i32 to vector<16xi32>
    %sub3A_1526 = arith.subi %masked_cumsum3A_1523, %sub3A_1525 : vector<16xi32>
    %add3A_1527 = vector.broadcast %add3A_1490 : i32 to vector<16xi32>
    %add3A_1528 = arith.addi %sub3A_1526, %add3A_1527 : vector<16xi32>
    tpu.vector_store_idx %arg7[%add3A_1528], %add3A_1496 masked %or3A_1519 : memref<512xi32, #tpu.memory_space<vmem>>[vector<16xi32>], vector<16xi32>, vector<16xi1>
    %reduce_max3A_1529 = arith.constant true
    %reduce_max3A_1530 = vector.broadcast %reduce_max3A_1529 : i1 to vector<16xi1>
    %reduce_max3A_1531 = arith.constant -2147483648 : i32
    %reduce_max3A_1532 = vector.broadcast %reduce_max3A_1531 : i32 to vector<16xi32>
    %reduce_max3A_1533 = arith.xori %masked_cumsum3A_1523, %reduce_max3A_1532 : vector<16xi32>
    %reduce_max3A_1534 = tpu.scan <max>, %reduce_max3A_1533 masked %reduce_max3A_1530 : vector<16xi32>, vector<16xi1> -> vector<16xi32>
    %reduce_max3A_1535 = arith.xori %reduce_max3A_1534, %reduce_max3A_1532 : vector<16xi32>
    %reduce_max3A_1536 = vector.extract %reduce_max3A_1535[15] : i32 from vector<16xi32>
    %add3A_1537 = arith.addi %add3A_1490, %reduce_max3A_1536 : i32
    %get3A_1538 = arith.constant 480 : index
    %get3A_1539 = tpu.vector_load %arg6[%get3A_1538] {strides = array<i32>} : memref<512xi32, #tpu.memory_space<vmem>>, vector<16xi32>,
    %add3A_1540 = arith.constant 480 : i32
    %add3A_1541 = arith.addi %mul3A_2, %add3A_1540 : i32
    %add3A_1542 = vector.broadcast %add3A_1541 : i32 to vector<16xi32>
    %add3A_1543 = arith.addi %iota3A, %add3A_1542 : vector<16xi32>
    %ne3A_1544 = arith.cmpi ne, %get3A_1539, %broadcast_in_dim3A_5 : vector<16xi32>
    %eq3A_1545 = arith.constant 0 : i32
    %eq3A_1546 = vector.broadcast %eq3A_1545 : i32 to vector<16xi32>
    %eq3A_1547 = arith.cmpi eq, %broadcast_in_dim3A_136, %eq3A_1546 : vector<16xi32>
    %broadcast_in_dim3A_1548 = arith.constant 1 : i32
    %broadcast_in_dim3A_1549 = vector.broadcast %broadcast_in_dim3A_1548 : i32 to vector<16xi32>
    %select_n3A_1550 = arith.select %eq3A_1547, %broadcast_in_dim3A_1549, %broadcast_in_dim3A_136 : vector<16xi1>, vector<16xi32>
    %rem3A_1551 = arith.remsi %add3A_1543, %select_n3A_1550 : vector<16xi32>
    %ne3A_1552 = arith.constant 0 : i32
    %ne3A_1553 = vector.broadcast %ne3A_1552 : i32 to vector<16xi32>
    %ne3A_1554 = arith.cmpi ne, %rem3A_1551, %ne3A_1553 : vector<16xi32>
    %lt3A_1555 = arith.constant 0 : i32
    %lt3A_1556 = vector.broadcast %lt3A_1555 : i32 to vector<16xi32>
    %lt3A_1557 = arith.cmpi slt, %rem3A_1551, %lt3A_1556 : vector<16xi32>
    %lt3A_1558 = arith.constant 0 : i32
    %lt3A_1559 = vector.broadcast %lt3A_1558 : i32 to vector<16xi32>
    %lt3A_1560 = arith.cmpi slt, %select_n3A_1550, %lt3A_1559 : vector<16xi32>
    %ne3A_1561 = arith.xori %lt3A_1557, %lt3A_1560 : vector<16xi1>
    %and3A_1562 = arith.andi %ne3A_1561, %ne3A_1554 : vector<16xi1>
    %add3A_1563 = arith.addi %rem3A_1551, %select_n3A_1550 : vector<16xi32>
    %select_n3A_1564 = arith.select %and3A_1562, %add3A_1563, %rem3A_1551 : vector<16xi1>, vector<16xi32>
    %eq3A_1565 = arith.cmpi eq, %select_n3A_1564, %broadcast_in_dim3A_5 : vector<16xi32>
    %or3A_1566 = arith.ori %ne3A_1544, %eq3A_1565 : vector<16xi1>
    %select_n3A_1567 = arith.select %or3A_1566, %broadcast_in_dim3A_134, %broadcast_in_dim3A_5 : vector<16xi1>, vector<16xi32>
    %broadcast_in_dim3A_1568 = arith.constant true
    %broadcast_in_dim3A_1569 = vector.broadcast %broadcast_in_dim3A_1568 : i1 to vector<16xi1>
    %masked_cumsum3A_1570 = tpu.scan <sum>, %select_n3A_1567 masked %broadcast_in_dim3A_1569 : vector<16xi32>, vector<16xi1> -> vector<16xi32>
    %sub3A_1571 = arith.constant 1 : i32
    %sub3A_1572 = vector.broadcast %sub3A_1571 : i32 to vector<16xi32>
    %sub3A_1573 = arith.subi %masked_cumsum3A_1570, %sub3A_1572 : vector<16xi32>
    %add3A_1574 = vector.broadcast %add3A_1537 : i32 to vector<16xi32>
    %add3A_1575 = arith.addi %sub3A_1573, %add3A_1574 : vector<16xi32>
    tpu.vector_store_idx %arg7[%add3A_1575], %add3A_1543 masked %or3A_1566 : memref<512xi32, #tpu.memory_space<vmem>>[vector<16xi32>], vector<16xi32>, vector<16xi1>
    %reduce_max3A_1576 = arith.constant true
    %reduce_max3A_1577 = vector.broadcast %reduce_max3A_1576 : i1 to vector<16xi1>
    %reduce_max3A_1578 = arith.constant -2147483648 : i32
    %reduce_max3A_1579 = vector.broadcast %reduce_max3A_1578 : i32 to vector<16xi32>
    %reduce_max3A_1580 = arith.xori %masked_cumsum3A_1570, %reduce_max3A_1579 : vector<16xi32>
    %reduce_max3A_1581 = tpu.scan <max>, %reduce_max3A_1580 masked %reduce_max3A_1577 : vector<16xi32>, vector<16xi1> -> vector<16xi32>
    %reduce_max3A_1582 = arith.xori %reduce_max3A_1581, %reduce_max3A_1579 : vector<16xi32>
    %reduce_max3A_1583 = vector.extract %reduce_max3A_1582[15] : i32 from vector<16xi32>
    %add3A_1584 = arith.addi %add3A_1537, %reduce_max3A_1583 : i32
    %get3A_1585 = arith.constant 496 : index
    %get3A_1586 = tpu.vector_load %arg6[%get3A_1585] {strides = array<i32>} : memref<512xi32, #tpu.memory_space<vmem>>, vector<16xi32>,
    %add3A_1587 = arith.constant 496 : i32
    %add3A_1588 = arith.addi %mul3A_2, %add3A_1587 : i32
    %add3A_1589 = vector.broadcast %add3A_1588 : i32 to vector<16xi32>
    %add3A_1590 = arith.addi %iota3A, %add3A_1589 : vector<16xi32>
    %ne3A_1591 = arith.cmpi ne, %get3A_1586, %broadcast_in_dim3A_5 : vector<16xi32>
    %eq3A_1592 = arith.constant 0 : i32
    %eq3A_1593 = vector.broadcast %eq3A_1592 : i32 to vector<16xi32>
    %eq3A_1594 = arith.cmpi eq, %broadcast_in_dim3A_136, %eq3A_1593 : vector<16xi32>
    %broadcast_in_dim3A_1595 = arith.constant 1 : i32
    %broadcast_in_dim3A_1596 = vector.broadcast %broadcast_in_dim3A_1595 : i32 to vector<16xi32>
    %select_n3A_1597 = arith.select %eq3A_1594, %broadcast_in_dim3A_1596, %broadcast_in_dim3A_136 : vector<16xi1>, vector<16xi32>
    %rem3A_1598 = arith.remsi %add3A_1590, %select_n3A_1597 : vector<16xi32>
    %ne3A_1599 = arith.constant 0 : i32
    %ne3A_1600 = vector.broadcast %ne3A_1599 : i32 to vector<16xi32>
    %ne3A_1601 = arith.cmpi ne, %rem3A_1598, %ne3A_1600 : vector<16xi32>
    %lt3A_1602 = arith.constant 0 : i32
    %lt3A_1603 = vector.broadcast %lt3A_1602 : i32 to vector<16xi32>
    %lt3A_1604 = arith.cmpi slt, %rem3A_1598, %lt3A_1603 : vector<16xi32>
    %lt3A_1605 = arith.constant 0 : i32
    %lt3A_1606 = vector.broadcast %lt3A_1605 : i32 to vector<16xi32>
    %lt3A_1607 = arith.cmpi slt, %select_n3A_1597, %lt3A_1606 : vector<16xi32>
    %ne3A_1608 = arith.xori %lt3A_1604, %lt3A_1607 : vector<16xi1>
    %and3A_1609 = arith.andi %ne3A_1608, %ne3A_1601 : vector<16xi1>
    %add3A_1610 = arith.addi %rem3A_1598, %select_n3A_1597 : vector<16xi32>
    %select_n3A_1611 = arith.select %and3A_1609, %add3A_1610, %rem3A_1598 : vector<16xi1>, vector<16xi32>
    %eq3A_1612 = arith.cmpi eq, %select_n3A_1611, %broadcast_in_dim3A_5 : vector<16xi32>
    %or3A_1613 = arith.ori %ne3A_1591, %eq3A_1612 : vector<16xi1>
    %select_n3A_1614 = arith.select %or3A_1613, %broadcast_in_dim3A_134, %broadcast_in_dim3A_5 : vector<16xi1>, vector<16xi32>
    %broadcast_in_dim3A_1615 = arith.constant true
    %broadcast_in_dim3A_1616 = vector.broadcast %broadcast_in_dim3A_1615 : i1 to vector<16xi1>
    %masked_cumsum3A_1617 = tpu.scan <sum>, %select_n3A_1614 masked %broadcast_in_dim3A_1616 : vector<16xi32>, vector<16xi1> -> vector<16xi32>
    %sub3A_1618 = arith.constant 1 : i32
    %sub3A_1619 = vector.broadcast %sub3A_1618 : i32 to vector<16xi32>
    %sub3A_1620 = arith.subi %masked_cumsum3A_1617, %sub3A_1619 : vector<16xi32>
    %add3A_1621 = vector.broadcast %add3A_1584 : i32 to vector<16xi32>
    %add3A_1622 = arith.addi %sub3A_1620, %add3A_1621 : vector<16xi32>
    tpu.vector_store_idx %arg7[%add3A_1622], %add3A_1590 masked %or3A_1613 : memref<512xi32, #tpu.memory_space<vmem>>[vector<16xi32>], vector<16xi32>, vector<16xi1>
    %reduce_max3A_1623 = arith.constant true
    %reduce_max3A_1624 = vector.broadcast %reduce_max3A_1623 : i1 to vector<16xi1>
    %reduce_max3A_1625 = arith.constant -2147483648 : i32
    %reduce_max3A_1626 = vector.broadcast %reduce_max3A_1625 : i32 to vector<16xi32>
    %reduce_max3A_1627 = arith.xori %masked_cumsum3A_1617, %reduce_max3A_1626 : vector<16xi32>
    %reduce_max3A_1628 = tpu.scan <max>, %reduce_max3A_1627 masked %reduce_max3A_1624 : vector<16xi32>, vector<16xi1> -> vector<16xi32>
    %reduce_max3A_1629 = arith.xori %reduce_max3A_1628, %reduce_max3A_1626 : vector<16xi32>
    %reduce_max3A_1630 = vector.extract %reduce_max3A_1629[15] : i32 from vector<16xi32>
    %add3A_1631 = arith.addi %add3A_1584, %reduce_max3A_1630 : i32
    %add3A_1632 = arith.constant 15 : i32
    %add3A_1633 = arith.addi %add3A_1631, %add3A_1632 : i32
    %div3A = arith.constant 16 : i32
    %div3A_1634 = arith.divsi %add3A_1633, %div3A : i32
    %gt3A = arith.constant 0 : i32
    %gt3A_1635 = arith.cmpi sgt, %div3A_1634, %gt3A : i32
    %convert_element_type3A = arith.extui %gt3A_1635 : i1 to i32
    %cond3A = arith.constant 0 : i32
    %cond3A_1636 = arith.cmpi ne, %convert_element_type3A, %cond3A : i32
    scf.if %cond3A_1636 {
      %dma_start3A = arith.constant 0 : i32
      %dma_start3A_1646 = tpu.memref_slice %arg7[%dma_start3A] : memref<512xi32, #tpu.memory_space<vmem>> -> memref<8xi32, #tpu.memory_space<vmem>>
      %dma_start3A_1647 = arith.constant 0 : i32
      %dma_start3A_1648 = arith.constant 0 : i32
      %dma_start3A_1649 = tpu.memref_slice %arg2[%dma_start3A_1647, %dma_start3A_1648] : memref<16384x4096xf32, #tpu.memory_space<hbm>> -> memref<16384x4096xf32, #tpu.memory_space<hbm>>
      tpu.enqueue_indirect_dma source(%dma_start3A_1649 : memref<16384x4096xf32, #tpu.memory_space<hbm>>) target(%arg9 : memref<8x4096xf32, #tpu.memory_space<vmem>>) offsets(%dma_start3A_1646 : memref<8xi32, #tpu.memory_space<vmem>>) semaphore(%arg12 : memref<!tpu.dma_semaphore, #tpu.memory_space<semaphore_mem>>)
    } else {
    }
    %while3A = arith.constant 0 : i32
    %while3A_1637 = arith.constant 0 : i32
    %while3A_1638 = arith.subi %div3A_1634, %while3A_1637 : i32
    %while3A_1639 = arith.addi %while3A_1637, %while3A_1638 : i32
    %while3A_1640 = arith.constant 1 : i32
    %while3A_1641 = arith.divsi %while3A_1638, %while3A_1640 : i32
    %while3A_1642 = arith.muli %while3A_1641, %while3A_1640 : i32
    %while3A_1643 = arith.addi %while3A_1637, %while3A_1642 : i32
    %while3A_1644 = arith.constant 1 : i32
    scf.for %while3A_1646 = %while3A_1637 to %while3A_1643 step %while3A_1644  : i32 {
      %mul3A_1647 = arith.constant 2 : i32
      %mul3A_1648 = arith.muli %while3A_1646, %mul3A_1647 : i32
      %add3A_1649 = arith.constant 1 : i32
      %add3A_1650 = arith.addi %mul3A_1648, %add3A_1649 : i32
      %mul3A_1651 = arith.constant 8 : i32
      %mul3A_1652 = arith.muli %add3A_1650, %mul3A_1651 : i32
      %dma_start3A = tpu.memref_slice %arg7[%mul3A_1652] : memref<512xi32, #tpu.memory_space<vmem>> -> memref<8xi32, #tpu.memory_space<vmem>>
      %dma_start3A_1653 = arith.constant 0 : i32
      %dma_start3A_1654 = arith.constant 0 : i32
      %dma_start3A_1655 = tpu.memref_slice %arg2[%dma_start3A_1653, %dma_start3A_1654] : memref<16384x4096xf32, #tpu.memory_space<hbm>> -> memref<16384x4096xf32, #tpu.memory_space<hbm>>
      tpu.enqueue_indirect_dma source(%dma_start3A_1655 : memref<16384x4096xf32, #tpu.memory_space<hbm>>) target(%arg10 : memref<8x4096xf32, #tpu.memory_space<vmem>>) offsets(%dma_start3A : memref<8xi32, #tpu.memory_space<vmem>>) semaphore(%arg13 : memref<!tpu.dma_semaphore, #tpu.memory_space<semaphore_mem>>)
      %mul3A_1656 = arith.constant 8 : i32
      %mul3A_1657 = arith.muli %mul3A_1648, %mul3A_1656 : i32
      %dma_wait3A = tpu.memref_slice %arg7[%mul3A_1657] : memref<512xi32, #tpu.memory_space<vmem>> -> memref<8xi32, #tpu.memory_space<vmem>>
      %dma_wait3A_1658 = arith.constant 0 : i32
      %dma_wait3A_1659 = arith.constant 0 : i32
      %dma_wait3A_1660 = tpu.memref_slice %arg2[%dma_wait3A_1658, %dma_wait3A_1659] : memref<16384x4096xf32, #tpu.memory_space<hbm>> -> memref<16384x4096xf32, #tpu.memory_space<hbm>>
      tpu.wait_indirect_dma semaphore(%arg12 : memref<!tpu.dma_semaphore, #tpu.memory_space<semaphore_mem>>) src(%dma_wait3A_1660 : memref<16384x4096xf32, #tpu.memory_space<hbm>>) dst(%arg9 : memref<8x4096xf32, #tpu.memory_space<vmem>>)
      %broadcast_in_dim3A_1661 = arith.constant 0.000000e+00 : f32
      %broadcast_in_dim3A_1662 = vector.broadcast %broadcast_in_dim3A_1661 : f32 to vector<16xf32>
      %broadcast_in_dim3A_1663 = arith.constant 0.000000e+00 : f32
      %broadcast_in_dim3A_1664 = vector.broadcast %broadcast_in_dim3A_1663 : f32 to vector<16xf32>
      %broadcast_in_dim3A_1665 = arith.constant 0.000000e+00 : f32
      %broadcast_in_dim3A_1666 = vector.broadcast %broadcast_in_dim3A_1665 : f32 to vector<16xf32>
      %broadcast_in_dim3A_1667 = arith.constant 0.000000e+00 : f32
      %broadcast_in_dim3A_1668 = vector.broadcast %broadcast_in_dim3A_1667 : f32 to vector<16xf32>
      %broadcast_in_dim3A_1669 = arith.constant 0.000000e+00 : f32
      %broadcast_in_dim3A_1670 = vector.broadcast %broadcast_in_dim3A_1669 : f32 to vector<16xf32>
      %broadcast_in_dim3A_1671 = arith.constant 0.000000e+00 : f32
      %broadcast_in_dim3A_1672 = vector.broadcast %broadcast_in_dim3A_1671 : f32 to vector<16xf32>
      %broadcast_in_dim3A_1673 = arith.constant 0.000000e+00 : f32
      %broadcast_in_dim3A_1674 = vector.broadcast %broadcast_in_dim3A_1673 : f32 to vector<16xf32>
      %broadcast_in_dim3A_1675 = arith.constant 0.000000e+00 : f32
      %broadcast_in_dim3A_1676 = vector.broadcast %broadcast_in_dim3A_1675 : f32 to vector<16xf32>
      %parallel_loop3A = arith.constant 0 : i32
      %parallel_loop3A_1677 = arith.constant 4096 : i32
      %parallel_loop3A_1678 = arith.constant 16 : i32
      %parallel_loop3A_1679:8 = scf.for %parallel_loop3A_1890 = %parallel_loop3A to %parallel_loop3A_1677 step %parallel_loop3A_1678 iter_args(%parallel_loop3A_1891 = %broadcast_in_dim3A_1662, %parallel_loop3A_1892 = %broadcast_in_dim3A_1664, %parallel_loop3A_1893 = %broadcast_in_dim3A_1666, %parallel_loop3A_1894 = %broadcast_in_dim3A_1668, %parallel_loop3A_1895 = %broadcast_in_dim3A_1670, %parallel_loop3A_1896 = %broadcast_in_dim3A_1672, %parallel_loop3A_1897 = %broadcast_in_dim3A_1674, %parallel_loop3A_1898 = %broadcast_in_dim3A_1676) -> (vector<16xf32>, vector<16xf32>, vector<16xf32>, vector<16xf32>, vector<16xf32>, vector<16xf32>, vector<16xf32>, vector<16xf32>)  : i32 {
        %parallel_loop3A_1899 = arith.index_cast %parallel_loop3A_1890 : i32 to index
        %parallel_loop3A_1900 = tpu.vector_load %arg8[%parallel_loop3A_1899] {strides = array<i32>} : memref<4096xf32, #tpu.memory_space<vmem>>, vector<16xf32>,
        %parallel_loop3A_1901 = arith.constant 0 : i32
        %parallel_loop3A_1902 = arith.index_cast %parallel_loop3A_1901 : i32 to index
        %parallel_loop3A_1903 = arith.index_cast %parallel_loop3A_1890 : i32 to index
        %parallel_loop3A_1904 = tpu.vector_load %arg9[%parallel_loop3A_1902, %parallel_loop3A_1903] {strides = array<i32>} : memref<8x4096xf32, #tpu.memory_space<vmem>>, vector<16xf32>,
        %parallel_loop3A_1905 = arith.mulf %parallel_loop3A_1904, %parallel_loop3A_1900 : vector<16xf32>
        %parallel_loop3A_1906 = arith.addf %parallel_loop3A_1891, %parallel_loop3A_1905 : vector<16xf32>
        %parallel_loop3A_1907 = arith.constant 1 : i32
        %parallel_loop3A_1908 = arith.index_cast %parallel_loop3A_1907 : i32 to index
        %parallel_loop3A_1909 = arith.index_cast %parallel_loop3A_1890 : i32 to index
        %parallel_loop3A_1910 = tpu.vector_load %arg9[%parallel_loop3A_1908, %parallel_loop3A_1909] {strides = array<i32>} : memref<8x4096xf32, #tpu.memory_space<vmem>>, vector<16xf32>,
        %parallel_loop3A_1911 = arith.mulf %parallel_loop3A_1910, %parallel_loop3A_1900 : vector<16xf32>
        %parallel_loop3A_1912 = arith.addf %parallel_loop3A_1892, %parallel_loop3A_1911 : vector<16xf32>
        %parallel_loop3A_1913 = arith.constant 2 : i32
        %parallel_loop3A_1914 = arith.index_cast %parallel_loop3A_1913 : i32 to index
        %parallel_loop3A_1915 = arith.index_cast %parallel_loop3A_1890 : i32 to index
        %parallel_loop3A_1916 = tpu.vector_load %arg9[%parallel_loop3A_1914, %parallel_loop3A_1915] {strides = array<i32>} : memref<8x4096xf32, #tpu.memory_space<vmem>>, vector<16xf32>,
        %parallel_loop3A_1917 = arith.mulf %parallel_loop3A_1916, %parallel_loop3A_1900 : vector<16xf32>
        %parallel_loop3A_1918 = arith.addf %parallel_loop3A_1893, %parallel_loop3A_1917 : vector<16xf32>
        %parallel_loop3A_1919 = arith.constant 3 : i32
        %parallel_loop3A_1920 = arith.index_cast %parallel_loop3A_1919 : i32 to index
        %parallel_loop3A_1921 = arith.index_cast %parallel_loop3A_1890 : i32 to index
        %parallel_loop3A_1922 = tpu.vector_load %arg9[%parallel_loop3A_1920, %parallel_loop3A_1921] {strides = array<i32>} : memref<8x4096xf32, #tpu.memory_space<vmem>>, vector<16xf32>,
        %parallel_loop3A_1923 = arith.mulf %parallel_loop3A_1922, %parallel_loop3A_1900 : vector<16xf32>
        %parallel_loop3A_1924 = arith.addf %parallel_loop3A_1894, %parallel_loop3A_1923 : vector<16xf32>
        %parallel_loop3A_1925 = arith.constant 4 : i32
        %parallel_loop3A_1926 = arith.index_cast %parallel_loop3A_1925 : i32 to index
        %parallel_loop3A_1927 = arith.index_cast %parallel_loop3A_1890 : i32 to index
        %parallel_loop3A_1928 = tpu.vector_load %arg9[%parallel_loop3A_1926, %parallel_loop3A_1927] {strides = array<i32>} : memref<8x4096xf32, #tpu.memory_space<vmem>>, vector<16xf32>,
        %parallel_loop3A_1929 = arith.mulf %parallel_loop3A_1928, %parallel_loop3A_1900 : vector<16xf32>
        %parallel_loop3A_1930 = arith.addf %parallel_loop3A_1895, %parallel_loop3A_1929 : vector<16xf32>
        %parallel_loop3A_1931 = arith.constant 5 : i32
        %parallel_loop3A_1932 = arith.index_cast %parallel_loop3A_1931 : i32 to index
        %parallel_loop3A_1933 = arith.index_cast %parallel_loop3A_1890 : i32 to index
        %parallel_loop3A_1934 = tpu.vector_load %arg9[%parallel_loop3A_1932, %parallel_loop3A_1933] {strides = array<i32>} : memref<8x4096xf32, #tpu.memory_space<vmem>>, vector<16xf32>,
        %parallel_loop3A_1935 = arith.mulf %parallel_loop3A_1934, %parallel_loop3A_1900 : vector<16xf32>
        %parallel_loop3A_1936 = arith.addf %parallel_loop3A_1896, %parallel_loop3A_1935 : vector<16xf32>
        %parallel_loop3A_1937 = arith.constant 6 : i32
        %parallel_loop3A_1938 = arith.index_cast %parallel_loop3A_1937 : i32 to index
        %parallel_loop3A_1939 = arith.index_cast %parallel_loop3A_1890 : i32 to index
        %parallel_loop3A_1940 = tpu.vector_load %arg9[%parallel_loop3A_1938, %parallel_loop3A_1939] {strides = array<i32>} : memref<8x4096xf32, #tpu.memory_space<vmem>>, vector<16xf32>,
        %parallel_loop3A_1941 = arith.mulf %parallel_loop3A_1940, %parallel_loop3A_1900 : vector<16xf32>
        %parallel_loop3A_1942 = arith.addf %parallel_loop3A_1897, %parallel_loop3A_1941 : vector<16xf32>
        %parallel_loop3A_1943 = arith.constant 7 : i32
        %parallel_loop3A_1944 = arith.index_cast %parallel_loop3A_1943 : i32 to index
        %parallel_loop3A_1945 = arith.index_cast %parallel_loop3A_1890 : i32 to index
        %parallel_loop3A_1946 = tpu.vector_load %arg9[%parallel_loop3A_1944, %parallel_loop3A_1945] {strides = array<i32>} : memref<8x4096xf32, #tpu.memory_space<vmem>>, vector<16xf32>,
        %parallel_loop3A_1947 = arith.mulf %parallel_loop3A_1946, %parallel_loop3A_1900 : vector<16xf32>
        %parallel_loop3A_1948 = arith.addf %parallel_loop3A_1898, %parallel_loop3A_1947 : vector<16xf32>
        scf.yield %parallel_loop3A_1906, %parallel_loop3A_1912, %parallel_loop3A_1918, %parallel_loop3A_1924, %parallel_loop3A_1930, %parallel_loop3A_1936, %parallel_loop3A_1942, %parallel_loop3A_1948 : vector<16xf32>, vector<16xf32>, vector<16xf32>, vector<16xf32>, vector<16xf32>, vector<16xf32>, vector<16xf32>, vector<16xf32>
      } {sc.loop_unroll_factor = 4 : i64, sc.parallel_access}
      %reduce_sum3A = arith.constant true
      %reduce_sum3A_1680 = vector.broadcast %reduce_sum3A : i1 to vector<16xi1>
      %reduce_sum3A_1681 = tpu.scan <sum>, %parallel_loop3A_1679#0 masked %reduce_sum3A_1680 : vector<16xf32>, vector<16xi1> -> vector<16xf32>
      %reduce_sum3A_1682 = vector.extract %reduce_sum3A_1681[15] : f32 from vector<16xf32>
      %reduce_sum3A_1683 = arith.constant true
      %reduce_sum3A_1684 = vector.broadcast %reduce_sum3A_1683 : i1 to vector<16xi1>
      %reduce_sum3A_1685 = tpu.scan <sum>, %parallel_loop3A_1679#1 masked %reduce_sum3A_1684 : vector<16xf32>, vector<16xi1> -> vector<16xf32>
      %reduce_sum3A_1686 = vector.extract %reduce_sum3A_1685[15] : f32 from vector<16xf32>
      %reduce_sum3A_1687 = arith.constant true
      %reduce_sum3A_1688 = vector.broadcast %reduce_sum3A_1687 : i1 to vector<16xi1>
      %reduce_sum3A_1689 = tpu.scan <sum>, %parallel_loop3A_1679#2 masked %reduce_sum3A_1688 : vector<16xf32>, vector<16xi1> -> vector<16xf32>
      %reduce_sum3A_1690 = vector.extract %reduce_sum3A_1689[15] : f32 from vector<16xf32>
      %reduce_sum3A_1691 = arith.constant true
      %reduce_sum3A_1692 = vector.broadcast %reduce_sum3A_1691 : i1 to vector<16xi1>
      %reduce_sum3A_1693 = tpu.scan <sum>, %parallel_loop3A_1679#3 masked %reduce_sum3A_1692 : vector<16xf32>, vector<16xi1> -> vector<16xf32>
      %reduce_sum3A_1694 = vector.extract %reduce_sum3A_1693[15] : f32 from vector<16xf32>
      %reduce_sum3A_1695 = arith.constant true
      %reduce_sum3A_1696 = vector.broadcast %reduce_sum3A_1695 : i1 to vector<16xi1>
      %reduce_sum3A_1697 = tpu.scan <sum>, %parallel_loop3A_1679#4 masked %reduce_sum3A_1696 : vector<16xf32>, vector<16xi1> -> vector<16xf32>
      %reduce_sum3A_1698 = vector.extract %reduce_sum3A_1697[15] : f32 from vector<16xf32>
      %reduce_sum3A_1699 = arith.constant true
      %reduce_sum3A_1700 = vector.broadcast %reduce_sum3A_1699 : i1 to vector<16xi1>
      %reduce_sum3A_1701 = tpu.scan <sum>, %parallel_loop3A_1679#5 masked %reduce_sum3A_1700 : vector<16xf32>, vector<16xi1> -> vector<16xf32>
      %reduce_sum3A_1702 = vector.extract %reduce_sum3A_1701[15] : f32 from vector<16xf32>
      %reduce_sum3A_1703 = arith.constant true
      %reduce_sum3A_1704 = vector.broadcast %reduce_sum3A_1703 : i1 to vector<16xi1>
      %reduce_sum3A_1705 = tpu.scan <sum>, %parallel_loop3A_1679#6 masked %reduce_sum3A_1704 : vector<16xf32>, vector<16xi1> -> vector<16xf32>
      %reduce_sum3A_1706 = vector.extract %reduce_sum3A_1705[15] : f32 from vector<16xf32>
      %reduce_sum3A_1707 = arith.constant true
      %reduce_sum3A_1708 = vector.broadcast %reduce_sum3A_1707 : i1 to vector<16xi1>
      %reduce_sum3A_1709 = tpu.scan <sum>, %parallel_loop3A_1679#7 masked %reduce_sum3A_1708 : vector<16xf32>, vector<16xi1> -> vector<16xf32>
      %reduce_sum3A_1710 = vector.extract %reduce_sum3A_1709[15] : f32 from vector<16xf32>
      %add3A_1711 = arith.constant 1 : i32
      %add3A_1712 = arith.addi %while3A_1646, %add3A_1711 : i32
      %lt3A_1713 = arith.cmpi slt, %add3A_1712, %div3A_1634 : i32
      %convert_element_type3A_1714 = arith.extui %lt3A_1713 : i1 to i32
      %cond3A_1715 = arith.constant 0 : i32
      %cond3A_1716 = arith.cmpi ne, %convert_element_type3A_1714, %cond3A_1715 : i32
      scf.if %cond3A_1716 {
        %add3A_1890 = arith.constant 2 : i32
        %add3A_1891 = arith.addi %mul3A_1648, %add3A_1890 : i32
        %mul3A_1892 = arith.constant 8 : i32
        %mul3A_1893 = arith.muli %add3A_1891, %mul3A_1892 : i32
        %dma_start3A_1894 = tpu.memref_slice %arg7[%mul3A_1893] : memref<512xi32, #tpu.memory_space<vmem>> -> memref<8xi32, #tpu.memory_space<vmem>>
        %dma_start3A_1895 = arith.constant 0 : i32
        %dma_start3A_1896 = arith.constant 0 : i32
        %dma_start3A_1897 = tpu.memref_slice %arg2[%dma_start3A_1895, %dma_start3A_1896] : memref<16384x4096xf32, #tpu.memory_space<hbm>> -> memref<16384x4096xf32, #tpu.memory_space<hbm>>
        tpu.enqueue_indirect_dma source(%dma_start3A_1897 : memref<16384x4096xf32, #tpu.memory_space<hbm>>) target(%arg9 : memref<8x4096xf32, #tpu.memory_space<vmem>>) offsets(%dma_start3A_1894 : memref<8xi32, #tpu.memory_space<vmem>>) semaphore(%arg12 : memref<!tpu.dma_semaphore, #tpu.memory_space<semaphore_mem>>)
      } else {
      }
      %add3A_1717 = arith.constant 1 : i32
      %add3A_1718 = arith.addi %mul3A_1648, %add3A_1717 : i32
      %mul3A_1719 = arith.constant 8 : i32
      %mul3A_1720 = arith.muli %add3A_1718, %mul3A_1719 : i32
      %dma_wait3A_1721 = tpu.memref_slice %arg7[%mul3A_1720] : memref<512xi32, #tpu.memory_space<vmem>> -> memref<8xi32, #tpu.memory_space<vmem>>
      %dma_wait3A_1722 = arith.constant 0 : i32
      %dma_wait3A_1723 = arith.constant 0 : i32
      %dma_wait3A_1724 = tpu.memref_slice %arg2[%dma_wait3A_1722, %dma_wait3A_1723] : memref<16384x4096xf32, #tpu.memory_space<hbm>> -> memref<16384x4096xf32, #tpu.memory_space<hbm>>
      tpu.wait_indirect_dma semaphore(%arg13 : memref<!tpu.dma_semaphore, #tpu.memory_space<semaphore_mem>>) src(%dma_wait3A_1724 : memref<16384x4096xf32, #tpu.memory_space<hbm>>) dst(%arg10 : memref<8x4096xf32, #tpu.memory_space<vmem>>)
      %broadcast_in_dim3A_1725 = arith.constant 0.000000e+00 : f32
      %broadcast_in_dim3A_1726 = vector.broadcast %broadcast_in_dim3A_1725 : f32 to vector<16xf32>
      %broadcast_in_dim3A_1727 = arith.constant 0.000000e+00 : f32
      %broadcast_in_dim3A_1728 = vector.broadcast %broadcast_in_dim3A_1727 : f32 to vector<16xf32>
      %broadcast_in_dim3A_1729 = arith.constant 0.000000e+00 : f32
      %broadcast_in_dim3A_1730 = vector.broadcast %broadcast_in_dim3A_1729 : f32 to vector<16xf32>
      %broadcast_in_dim3A_1731 = arith.constant 0.000000e+00 : f32
      %broadcast_in_dim3A_1732 = vector.broadcast %broadcast_in_dim3A_1731 : f32 to vector<16xf32>
      %broadcast_in_dim3A_1733 = arith.constant 0.000000e+00 : f32
      %broadcast_in_dim3A_1734 = vector.broadcast %broadcast_in_dim3A_1733 : f32 to vector<16xf32>
      %broadcast_in_dim3A_1735 = arith.constant 0.000000e+00 : f32
      %broadcast_in_dim3A_1736 = vector.broadcast %broadcast_in_dim3A_1735 : f32 to vector<16xf32>
      %broadcast_in_dim3A_1737 = arith.constant 0.000000e+00 : f32
      %broadcast_in_dim3A_1738 = vector.broadcast %broadcast_in_dim3A_1737 : f32 to vector<16xf32>
      %broadcast_in_dim3A_1739 = arith.constant 0.000000e+00 : f32
      %broadcast_in_dim3A_1740 = vector.broadcast %broadcast_in_dim3A_1739 : f32 to vector<16xf32>
      %parallel_loop3A_1741 = arith.constant 0 : i32
      %parallel_loop3A_1742 = arith.constant 4096 : i32
      %parallel_loop3A_1743 = arith.constant 16 : i32
      %parallel_loop3A_1744:8 = scf.for %parallel_loop3A_1890 = %parallel_loop3A_1741 to %parallel_loop3A_1742 step %parallel_loop3A_1743 iter_args(%parallel_loop3A_1891 = %broadcast_in_dim3A_1726, %parallel_loop3A_1892 = %broadcast_in_dim3A_1728, %parallel_loop3A_1893 = %broadcast_in_dim3A_1730, %parallel_loop3A_1894 = %broadcast_in_dim3A_1732, %parallel_loop3A_1895 = %broadcast_in_dim3A_1734, %parallel_loop3A_1896 = %broadcast_in_dim3A_1736, %parallel_loop3A_1897 = %broadcast_in_dim3A_1738, %parallel_loop3A_1898 = %broadcast_in_dim3A_1740) -> (vector<16xf32>, vector<16xf32>, vector<16xf32>, vector<16xf32>, vector<16xf32>, vector<16xf32>, vector<16xf32>, vector<16xf32>)  : i32 {
        %parallel_loop3A_1899 = arith.index_cast %parallel_loop3A_1890 : i32 to index
        %parallel_loop3A_1900 = tpu.vector_load %arg8[%parallel_loop3A_1899] {strides = array<i32>} : memref<4096xf32, #tpu.memory_space<vmem>>, vector<16xf32>,
        %parallel_loop3A_1901 = arith.constant 0 : i32
        %parallel_loop3A_1902 = arith.index_cast %parallel_loop3A_1901 : i32 to index
        %parallel_loop3A_1903 = arith.index_cast %parallel_loop3A_1890 : i32 to index
        %parallel_loop3A_1904 = tpu.vector_load %arg10[%parallel_loop3A_1902, %parallel_loop3A_1903] {strides = array<i32>} : memref<8x4096xf32, #tpu.memory_space<vmem>>, vector<16xf32>,
        %parallel_loop3A_1905 = arith.mulf %parallel_loop3A_1904, %parallel_loop3A_1900 : vector<16xf32>
        %parallel_loop3A_1906 = arith.addf %parallel_loop3A_1891, %parallel_loop3A_1905 : vector<16xf32>
        %parallel_loop3A_1907 = arith.constant 1 : i32
        %parallel_loop3A_1908 = arith.index_cast %parallel_loop3A_1907 : i32 to index
        %parallel_loop3A_1909 = arith.index_cast %parallel_loop3A_1890 : i32 to index
        %parallel_loop3A_1910 = tpu.vector_load %arg10[%parallel_loop3A_1908, %parallel_loop3A_1909] {strides = array<i32>} : memref<8x4096xf32, #tpu.memory_space<vmem>>, vector<16xf32>,
        %parallel_loop3A_1911 = arith.mulf %parallel_loop3A_1910, %parallel_loop3A_1900 : vector<16xf32>
        %parallel_loop3A_1912 = arith.addf %parallel_loop3A_1892, %parallel_loop3A_1911 : vector<16xf32>
        %parallel_loop3A_1913 = arith.constant 2 : i32
        %parallel_loop3A_1914 = arith.index_cast %parallel_loop3A_1913 : i32 to index
        %parallel_loop3A_1915 = arith.index_cast %parallel_loop3A_1890 : i32 to index
        %parallel_loop3A_1916 = tpu.vector_load %arg10[%parallel_loop3A_1914, %parallel_loop3A_1915] {strides = array<i32>} : memref<8x4096xf32, #tpu.memory_space<vmem>>, vector<16xf32>,
        %parallel_loop3A_1917 = arith.mulf %parallel_loop3A_1916, %parallel_loop3A_1900 : vector<16xf32>
        %parallel_loop3A_1918 = arith.addf %parallel_loop3A_1893, %parallel_loop3A_1917 : vector<16xf32>
        %parallel_loop3A_1919 = arith.constant 3 : i32
        %parallel_loop3A_1920 = arith.index_cast %parallel_loop3A_1919 : i32 to index
        %parallel_loop3A_1921 = arith.index_cast %parallel_loop3A_1890 : i32 to index
        %parallel_loop3A_1922 = tpu.vector_load %arg10[%parallel_loop3A_1920, %parallel_loop3A_1921] {strides = array<i32>} : memref<8x4096xf32, #tpu.memory_space<vmem>>, vector<16xf32>,
        %parallel_loop3A_1923 = arith.mulf %parallel_loop3A_1922, %parallel_loop3A_1900 : vector<16xf32>
        %parallel_loop3A_1924 = arith.addf %parallel_loop3A_1894, %parallel_loop3A_1923 : vector<16xf32>
        %parallel_loop3A_1925 = arith.constant 4 : i32
        %parallel_loop3A_1926 = arith.index_cast %parallel_loop3A_1925 : i32 to index
        %parallel_loop3A_1927 = arith.index_cast %parallel_loop3A_1890 : i32 to index
        %parallel_loop3A_1928 = tpu.vector_load %arg10[%parallel_loop3A_1926, %parallel_loop3A_1927] {strides = array<i32>} : memref<8x4096xf32, #tpu.memory_space<vmem>>, vector<16xf32>,
        %parallel_loop3A_1929 = arith.mulf %parallel_loop3A_1928, %parallel_loop3A_1900 : vector<16xf32>
        %parallel_loop3A_1930 = arith.addf %parallel_loop3A_1895, %parallel_loop3A_1929 : vector<16xf32>
        %parallel_loop3A_1931 = arith.constant 5 : i32
        %parallel_loop3A_1932 = arith.index_cast %parallel_loop3A_1931 : i32 to index
        %parallel_loop3A_1933 = arith.index_cast %parallel_loop3A_1890 : i32 to index
        %parallel_loop3A_1934 = tpu.vector_load %arg10[%parallel_loop3A_1932, %parallel_loop3A_1933] {strides = array<i32>} : memref<8x4096xf32, #tpu.memory_space<vmem>>, vector<16xf32>,
        %parallel_loop3A_1935 = arith.mulf %parallel_loop3A_1934, %parallel_loop3A_1900 : vector<16xf32>
        %parallel_loop3A_1936 = arith.addf %parallel_loop3A_1896, %parallel_loop3A_1935 : vector<16xf32>
        %parallel_loop3A_1937 = arith.constant 6 : i32
        %parallel_loop3A_1938 = arith.index_cast %parallel_loop3A_1937 : i32 to index
        %parallel_loop3A_1939 = arith.index_cast %parallel_loop3A_1890 : i32 to index
        %parallel_loop3A_1940 = tpu.vector_load %arg10[%parallel_loop3A_1938, %parallel_loop3A_1939] {strides = array<i32>} : memref<8x4096xf32, #tpu.memory_space<vmem>>, vector<16xf32>,
        %parallel_loop3A_1941 = arith.mulf %parallel_loop3A_1940, %parallel_loop3A_1900 : vector<16xf32>
        %parallel_loop3A_1942 = arith.addf %parallel_loop3A_1897, %parallel_loop3A_1941 : vector<16xf32>
        %parallel_loop3A_1943 = arith.constant 7 : i32
        %parallel_loop3A_1944 = arith.index_cast %parallel_loop3A_1943 : i32 to index
        %parallel_loop3A_1945 = arith.index_cast %parallel_loop3A_1890 : i32 to index
        %parallel_loop3A_1946 = tpu.vector_load %arg10[%parallel_loop3A_1944, %parallel_loop3A_1945] {strides = array<i32>} : memref<8x4096xf32, #tpu.memory_space<vmem>>, vector<16xf32>,
        %parallel_loop3A_1947 = arith.mulf %parallel_loop3A_1946, %parallel_loop3A_1900 : vector<16xf32>
        %parallel_loop3A_1948 = arith.addf %parallel_loop3A_1898, %parallel_loop3A_1947 : vector<16xf32>
        scf.yield %parallel_loop3A_1906, %parallel_loop3A_1912, %parallel_loop3A_1918, %parallel_loop3A_1924, %parallel_loop3A_1930, %parallel_loop3A_1936, %parallel_loop3A_1942, %parallel_loop3A_1948 : vector<16xf32>, vector<16xf32>, vector<16xf32>, vector<16xf32>, vector<16xf32>, vector<16xf32>, vector<16xf32>, vector<16xf32>
      } {sc.loop_unroll_factor = 4 : i64, sc.parallel_access}
      %reduce_sum3A_1745 = arith.constant true
      %reduce_sum3A_1746 = vector.broadcast %reduce_sum3A_1745 : i1 to vector<16xi1>
      %reduce_sum3A_1747 = tpu.scan <sum>, %parallel_loop3A_1744#0 masked %reduce_sum3A_1746 : vector<16xf32>, vector<16xi1> -> vector<16xf32>
      %reduce_sum3A_1748 = vector.extract %reduce_sum3A_1747[15] : f32 from vector<16xf32>
      %reduce_sum3A_1749 = arith.constant true
      %reduce_sum3A_1750 = vector.broadcast %reduce_sum3A_1749 : i1 to vector<16xi1>
      %reduce_sum3A_1751 = tpu.scan <sum>, %parallel_loop3A_1744#1 masked %reduce_sum3A_1750 : vector<16xf32>, vector<16xi1> -> vector<16xf32>
      %reduce_sum3A_1752 = vector.extract %reduce_sum3A_1751[15] : f32 from vector<16xf32>
      %reduce_sum3A_1753 = arith.constant true
      %reduce_sum3A_1754 = vector.broadcast %reduce_sum3A_1753 : i1 to vector<16xi1>
      %reduce_sum3A_1755 = tpu.scan <sum>, %parallel_loop3A_1744#2 masked %reduce_sum3A_1754 : vector<16xf32>, vector<16xi1> -> vector<16xf32>
      %reduce_sum3A_1756 = vector.extract %reduce_sum3A_1755[15] : f32 from vector<16xf32>
      %reduce_sum3A_1757 = arith.constant true
      %reduce_sum3A_1758 = vector.broadcast %reduce_sum3A_1757 : i1 to vector<16xi1>
      %reduce_sum3A_1759 = tpu.scan <sum>, %parallel_loop3A_1744#3 masked %reduce_sum3A_1758 : vector<16xf32>, vector<16xi1> -> vector<16xf32>
      %reduce_sum3A_1760 = vector.extract %reduce_sum3A_1759[15] : f32 from vector<16xf32>
      %reduce_sum3A_1761 = arith.constant true
      %reduce_sum3A_1762 = vector.broadcast %reduce_sum3A_1761 : i1 to vector<16xi1>
      %reduce_sum3A_1763 = tpu.scan <sum>, %parallel_loop3A_1744#4 masked %reduce_sum3A_1762 : vector<16xf32>, vector<16xi1> -> vector<16xf32>
      %reduce_sum3A_1764 = vector.extract %reduce_sum3A_1763[15] : f32 from vector<16xf32>
      %reduce_sum3A_1765 = arith.constant true
      %reduce_sum3A_1766 = vector.broadcast %reduce_sum3A_1765 : i1 to vector<16xi1>
      %reduce_sum3A_1767 = tpu.scan <sum>, %parallel_loop3A_1744#5 masked %reduce_sum3A_1766 : vector<16xf32>, vector<16xi1> -> vector<16xf32>
      %reduce_sum3A_1768 = vector.extract %reduce_sum3A_1767[15] : f32 from vector<16xf32>
      %reduce_sum3A_1769 = arith.constant true
      %reduce_sum3A_1770 = vector.broadcast %reduce_sum3A_1769 : i1 to vector<16xi1>
      %reduce_sum3A_1771 = tpu.scan <sum>, %parallel_loop3A_1744#6 masked %reduce_sum3A_1770 : vector<16xf32>, vector<16xi1> -> vector<16xf32>
      %reduce_sum3A_1772 = vector.extract %reduce_sum3A_1771[15] : f32 from vector<16xf32>
      %reduce_sum3A_1773 = arith.constant true
      %reduce_sum3A_1774 = vector.broadcast %reduce_sum3A_1773 : i1 to vector<16xi1>
      %reduce_sum3A_1775 = tpu.scan <sum>, %parallel_loop3A_1744#7 masked %reduce_sum3A_1774 : vector<16xf32>, vector<16xi1> -> vector<16xf32>
      %reduce_sum3A_1776 = vector.extract %reduce_sum3A_1775[15] : f32 from vector<16xf32>
      %broadcast_in_dim3A_1777 = arith.constant 0.000000e+00 : f32
      %broadcast_in_dim3A_1778 = vector.broadcast %broadcast_in_dim3A_1777 : f32 to vector<16xf32>
      %broadcast_in_dim3A_1779 = arith.constant 0.000000e+00 : f32
      %broadcast_in_dim3A_1780 = vector.broadcast %broadcast_in_dim3A_1779 : f32 to vector<16xf32>
      %broadcast_in_dim3A_1781 = arith.constant 0 : i32
      %broadcast_in_dim3A_1782 = vector.broadcast %broadcast_in_dim3A_1781 : i32 to vector<16xi32>
      %eq3A_1783 = arith.cmpi eq, %iota3A, %broadcast_in_dim3A_1782 : vector<16xi32>
      %add3A_1784 = vector.broadcast %reduce_sum3A_1682 : f32 to vector<16xf32>
      %add3A_1785 = arith.addf %broadcast_in_dim3A_1780, %add3A_1784 : vector<16xf32>
      %select_n3A_1786 = arith.select %eq3A_1783, %add3A_1785, %broadcast_in_dim3A_1778 : vector<16xi1>, vector<16xf32>
      %broadcast_in_dim3A_1787 = arith.constant 1 : i32
      %broadcast_in_dim3A_1788 = vector.broadcast %broadcast_in_dim3A_1787 : i32 to vector<16xi32>
      %eq3A_1789 = arith.cmpi eq, %iota3A, %broadcast_in_dim3A_1788 : vector<16xi32>
      %add3A_1790 = vector.broadcast %reduce_sum3A_1686 : f32 to vector<16xf32>
      %add3A_1791 = arith.addf %broadcast_in_dim3A_1780, %add3A_1790 : vector<16xf32>
      %select_n3A_1792 = arith.select %eq3A_1789, %add3A_1791, %select_n3A_1786 : vector<16xi1>, vector<16xf32>
      %broadcast_in_dim3A_1793 = arith.constant 2 : i32
      %broadcast_in_dim3A_1794 = vector.broadcast %broadcast_in_dim3A_1793 : i32 to vector<16xi32>
      %eq3A_1795 = arith.cmpi eq, %iota3A, %broadcast_in_dim3A_1794 : vector<16xi32>
      %add3A_1796 = vector.broadcast %reduce_sum3A_1690 : f32 to vector<16xf32>
      %add3A_1797 = arith.addf %broadcast_in_dim3A_1780, %add3A_1796 : vector<16xf32>
      %select_n3A_1798 = arith.select %eq3A_1795, %add3A_1797, %select_n3A_1792 : vector<16xi1>, vector<16xf32>
      %broadcast_in_dim3A_1799 = arith.constant 3 : i32
      %broadcast_in_dim3A_1800 = vector.broadcast %broadcast_in_dim3A_1799 : i32 to vector<16xi32>
      %eq3A_1801 = arith.cmpi eq, %iota3A, %broadcast_in_dim3A_1800 : vector<16xi32>
      %add3A_1802 = vector.broadcast %reduce_sum3A_1694 : f32 to vector<16xf32>
      %add3A_1803 = arith.addf %broadcast_in_dim3A_1780, %add3A_1802 : vector<16xf32>
      %select_n3A_1804 = arith.select %eq3A_1801, %add3A_1803, %select_n3A_1798 : vector<16xi1>, vector<16xf32>
      %broadcast_in_dim3A_1805 = arith.constant 4 : i32
      %broadcast_in_dim3A_1806 = vector.broadcast %broadcast_in_dim3A_1805 : i32 to vector<16xi32>
      %eq3A_1807 = arith.cmpi eq, %iota3A, %broadcast_in_dim3A_1806 : vector<16xi32>
      %add3A_1808 = vector.broadcast %reduce_sum3A_1698 : f32 to vector<16xf32>
      %add3A_1809 = arith.addf %broadcast_in_dim3A_1780, %add3A_1808 : vector<16xf32>
      %select_n3A_1810 = arith.select %eq3A_1807, %add3A_1809, %select_n3A_1804 : vector<16xi1>, vector<16xf32>
      %broadcast_in_dim3A_1811 = arith.constant 5 : i32
      %broadcast_in_dim3A_1812 = vector.broadcast %broadcast_in_dim3A_1811 : i32 to vector<16xi32>
      %eq3A_1813 = arith.cmpi eq, %iota3A, %broadcast_in_dim3A_1812 : vector<16xi32>
      %add3A_1814 = vector.broadcast %reduce_sum3A_1702 : f32 to vector<16xf32>
      %add3A_1815 = arith.addf %broadcast_in_dim3A_1780, %add3A_1814 : vector<16xf32>
      %select_n3A_1816 = arith.select %eq3A_1813, %add3A_1815, %select_n3A_1810 : vector<16xi1>, vector<16xf32>
      %broadcast_in_dim3A_1817 = arith.constant 6 : i32
      %broadcast_in_dim3A_1818 = vector.broadcast %broadcast_in_dim3A_1817 : i32 to vector<16xi32>
      %eq3A_1819 = arith.cmpi eq, %iota3A, %broadcast_in_dim3A_1818 : vector<16xi32>
      %add3A_1820 = vector.broadcast %reduce_sum3A_1706 : f32 to vector<16xf32>
      %add3A_1821 = arith.addf %broadcast_in_dim3A_1780, %add3A_1820 : vector<16xf32>
      %select_n3A_1822 = arith.select %eq3A_1819, %add3A_1821, %select_n3A_1816 : vector<16xi1>, vector<16xf32>
      %broadcast_in_dim3A_1823 = arith.constant 7 : i32
      %broadcast_in_dim3A_1824 = vector.broadcast %broadcast_in_dim3A_1823 : i32 to vector<16xi32>
      %eq3A_1825 = arith.cmpi eq, %iota3A, %broadcast_in_dim3A_1824 : vector<16xi32>
      %add3A_1826 = vector.broadcast %reduce_sum3A_1710 : f32 to vector<16xf32>
      %add3A_1827 = arith.addf %broadcast_in_dim3A_1780, %add3A_1826 : vector<16xf32>
      %select_n3A_1828 = arith.select %eq3A_1825, %add3A_1827, %select_n3A_1822 : vector<16xi1>, vector<16xf32>
      %broadcast_in_dim3A_1829 = arith.constant 8 : i32
      %broadcast_in_dim3A_1830 = vector.broadcast %broadcast_in_dim3A_1829 : i32 to vector<16xi32>
      %eq3A_1831 = arith.cmpi eq, %iota3A, %broadcast_in_dim3A_1830 : vector<16xi32>
      %add3A_1832 = vector.broadcast %reduce_sum3A_1748 : f32 to vector<16xf32>
      %add3A_1833 = arith.addf %broadcast_in_dim3A_1780, %add3A_1832 : vector<16xf32>
      %select_n3A_1834 = arith.select %eq3A_1831, %add3A_1833, %select_n3A_1828 : vector<16xi1>, vector<16xf32>
      %broadcast_in_dim3A_1835 = arith.constant 9 : i32
      %broadcast_in_dim3A_1836 = vector.broadcast %broadcast_in_dim3A_1835 : i32 to vector<16xi32>
      %eq3A_1837 = arith.cmpi eq, %iota3A, %broadcast_in_dim3A_1836 : vector<16xi32>
      %add3A_1838 = vector.broadcast %reduce_sum3A_1752 : f32 to vector<16xf32>
      %add3A_1839 = arith.addf %broadcast_in_dim3A_1780, %add3A_1838 : vector<16xf32>
      %select_n3A_1840 = arith.select %eq3A_1837, %add3A_1839, %select_n3A_1834 : vector<16xi1>, vector<16xf32>
      %broadcast_in_dim3A_1841 = arith.constant 10 : i32
      %broadcast_in_dim3A_1842 = vector.broadcast %broadcast_in_dim3A_1841 : i32 to vector<16xi32>
      %eq3A_1843 = arith.cmpi eq, %iota3A, %broadcast_in_dim3A_1842 : vector<16xi32>
      %add3A_1844 = vector.broadcast %reduce_sum3A_1756 : f32 to vector<16xf32>
      %add3A_1845 = arith.addf %broadcast_in_dim3A_1780, %add3A_1844 : vector<16xf32>
      %select_n3A_1846 = arith.select %eq3A_1843, %add3A_1845, %select_n3A_1840 : vector<16xi1>, vector<16xf32>
      %broadcast_in_dim3A_1847 = arith.constant 11 : i32
      %broadcast_in_dim3A_1848 = vector.broadcast %broadcast_in_dim3A_1847 : i32 to vector<16xi32>
      %eq3A_1849 = arith.cmpi eq, %iota3A, %broadcast_in_dim3A_1848 : vector<16xi32>
      %add3A_1850 = vector.broadcast %reduce_sum3A_1760 : f32 to vector<16xf32>
      %add3A_1851 = arith.addf %broadcast_in_dim3A_1780, %add3A_1850 : vector<16xf32>
      %select_n3A_1852 = arith.select %eq3A_1849, %add3A_1851, %select_n3A_1846 : vector<16xi1>, vector<16xf32>
      %broadcast_in_dim3A_1853 = arith.constant 12 : i32
      %broadcast_in_dim3A_1854 = vector.broadcast %broadcast_in_dim3A_1853 : i32 to vector<16xi32>
      %eq3A_1855 = arith.cmpi eq, %iota3A, %broadcast_in_dim3A_1854 : vector<16xi32>
      %add3A_1856 = vector.broadcast %reduce_sum3A_1764 : f32 to vector<16xf32>
      %add3A_1857 = arith.addf %broadcast_in_dim3A_1780, %add3A_1856 : vector<16xf32>
      %select_n3A_1858 = arith.select %eq3A_1855, %add3A_1857, %select_n3A_1852 : vector<16xi1>, vector<16xf32>
      %broadcast_in_dim3A_1859 = arith.constant 13 : i32
      %broadcast_in_dim3A_1860 = vector.broadcast %broadcast_in_dim3A_1859 : i32 to vector<16xi32>
      %eq3A_1861 = arith.cmpi eq, %iota3A, %broadcast_in_dim3A_1860 : vector<16xi32>
      %add3A_1862 = vector.broadcast %reduce_sum3A_1768 : f32 to vector<16xf32>
      %add3A_1863 = arith.addf %broadcast_in_dim3A_1780, %add3A_1862 : vector<16xf32>
      %select_n3A_1864 = arith.select %eq3A_1861, %add3A_1863, %select_n3A_1858 : vector<16xi1>, vector<16xf32>
      %broadcast_in_dim3A_1865 = arith.constant 14 : i32
      %broadcast_in_dim3A_1866 = vector.broadcast %broadcast_in_dim3A_1865 : i32 to vector<16xi32>
      %eq3A_1867 = arith.cmpi eq, %iota3A, %broadcast_in_dim3A_1866 : vector<16xi32>
      %add3A_1868 = vector.broadcast %reduce_sum3A_1772 : f32 to vector<16xf32>
      %add3A_1869 = arith.addf %broadcast_in_dim3A_1780, %add3A_1868 : vector<16xf32>
      %select_n3A_1870 = arith.select %eq3A_1867, %add3A_1869, %select_n3A_1864 : vector<16xi1>, vector<16xf32>
      %broadcast_in_dim3A_1871 = arith.constant 15 : i32
      %broadcast_in_dim3A_1872 = vector.broadcast %broadcast_in_dim3A_1871 : i32 to vector<16xi32>
      %eq3A_1873 = arith.cmpi eq, %iota3A, %broadcast_in_dim3A_1872 : vector<16xi32>
      %add3A_1874 = vector.broadcast %reduce_sum3A_1776 : f32 to vector<16xf32>
      %add3A_1875 = arith.addf %broadcast_in_dim3A_1780, %add3A_1874 : vector<16xf32>
      %select_n3A_1876 = arith.select %eq3A_1873, %add3A_1875, %select_n3A_1870 : vector<16xi1>, vector<16xf32>
      %mul3A_1877 = arith.constant 16 : i32
      %mul3A_1878 = arith.muli %while3A_1646, %mul3A_1877 : i32
      %get3A_1879 = arith.index_cast %mul3A_1878 : i32 to index
      %get3A_1880 = tpu.vector_load %arg7[%get3A_1879] {strides = array<i32>} : memref<512xi32, #tpu.memory_space<vmem>>, vector<16xi32>,
      %sub3A_1881 = vector.broadcast %mul3A_2 : i32 to vector<16xi32>
      %sub3A_1882 = arith.subi %get3A_1880, %sub3A_1881 : vector<16xi32>
      %mul3A_1883 = arith.constant 16 : i32
      %mul3A_1884 = arith.muli %while3A_1646, %mul3A_1883 : i32
      %add3A_1885 = vector.broadcast %mul3A_1884 : i32 to vector<16xi32>
      %add3A_1886 = arith.addi %iota3A, %add3A_1885 : vector<16xi32>
      %add3A_1887 = vector.broadcast %add3A_1631 : i32 to vector<16xi32>
      %add3A_1888 = arith.addi %broadcast_in_dim3A_5, %add3A_1887 : vector<16xi32>
      %lt3A_1889 = arith.cmpi slt, %add3A_1886, %add3A_1888 : vector<16xi32>
      tpu.vector_store_idx %arg11[%sub3A_1882], %select_n3A_1876 masked %lt3A_1889 : memref<512xf32, #tpu.memory_space<vmem>>[vector<16xi32>], vector<16xf32>, vector<16xi1>
    }
    %while3A_1645 = arith.constant 1 : i32
    scf.for %while3A_1646 = %while3A_1643 to %while3A_1639 step %while3A_1645  : i32 {
      %mul3A_1647 = arith.constant 2 : i32
      %mul3A_1648 = arith.muli %while3A_1646, %mul3A_1647 : i32
      %add3A_1649 = arith.constant 1 : i32
      %add3A_1650 = arith.addi %mul3A_1648, %add3A_1649 : i32
      %mul3A_1651 = arith.constant 8 : i32
      %mul3A_1652 = arith.muli %add3A_1650, %mul3A_1651 : i32
      %dma_start3A = tpu.memref_slice %arg7[%mul3A_1652] : memref<512xi32, #tpu.memory_space<vmem>> -> memref<8xi32, #tpu.memory_space<vmem>>
      %dma_start3A_1653 = arith.constant 0 : i32
      %dma_start3A_1654 = arith.constant 0 : i32
      %dma_start3A_1655 = tpu.memref_slice %arg2[%dma_start3A_1653, %dma_start3A_1654] : memref<16384x4096xf32, #tpu.memory_space<hbm>> -> memref<16384x4096xf32, #tpu.memory_space<hbm>>
      tpu.enqueue_indirect_dma source(%dma_start3A_1655 : memref<16384x4096xf32, #tpu.memory_space<hbm>>) target(%arg10 : memref<8x4096xf32, #tpu.memory_space<vmem>>) offsets(%dma_start3A : memref<8xi32, #tpu.memory_space<vmem>>) semaphore(%arg13 : memref<!tpu.dma_semaphore, #tpu.memory_space<semaphore_mem>>)
      %mul3A_1656 = arith.constant 8 : i32
      %mul3A_1657 = arith.muli %mul3A_1648, %mul3A_1656 : i32
      %dma_wait3A = tpu.memref_slice %arg7[%mul3A_1657] : memref<512xi32, #tpu.memory_space<vmem>> -> memref<8xi32, #tpu.memory_space<vmem>>
      %dma_wait3A_1658 = arith.constant 0 : i32
      %dma_wait3A_1659 = arith.constant 0 : i32
      %dma_wait3A_1660 = tpu.memref_slice %arg2[%dma_wait3A_1658, %dma_wait3A_1659] : memref<16384x4096xf32, #tpu.memory_space<hbm>> -> memref<16384x4096xf32, #tpu.memory_space<hbm>>
      tpu.wait_indirect_dma semaphore(%arg12 : memref<!tpu.dma_semaphore, #tpu.memory_space<semaphore_mem>>) src(%dma_wait3A_1660 : memref<16384x4096xf32, #tpu.memory_space<hbm>>) dst(%arg9 : memref<8x4096xf32, #tpu.memory_space<vmem>>)
      %broadcast_in_dim3A_1661 = arith.constant 0.000000e+00 : f32
      %broadcast_in_dim3A_1662 = vector.broadcast %broadcast_in_dim3A_1661 : f32 to vector<16xf32>
      %broadcast_in_dim3A_1663 = arith.constant 0.000000e+00 : f32
      %broadcast_in_dim3A_1664 = vector.broadcast %broadcast_in_dim3A_1663 : f32 to vector<16xf32>
      %broadcast_in_dim3A_1665 = arith.constant 0.000000e+00 : f32
      %broadcast_in_dim3A_1666 = vector.broadcast %broadcast_in_dim3A_1665 : f32 to vector<16xf32>
      %broadcast_in_dim3A_1667 = arith.constant 0.000000e+00 : f32
      %broadcast_in_dim3A_1668 = vector.broadcast %broadcast_in_dim3A_1667 : f32 to vector<16xf32>
      %broadcast_in_dim3A_1669 = arith.constant 0.000000e+00 : f32
      %broadcast_in_dim3A_1670 = vector.broadcast %broadcast_in_dim3A_1669 : f32 to vector<16xf32>
      %broadcast_in_dim3A_1671 = arith.constant 0.000000e+00 : f32
      %broadcast_in_dim3A_1672 = vector.broadcast %broadcast_in_dim3A_1671 : f32 to vector<16xf32>
      %broadcast_in_dim3A_1673 = arith.constant 0.000000e+00 : f32
      %broadcast_in_dim3A_1674 = vector.broadcast %broadcast_in_dim3A_1673 : f32 to vector<16xf32>
      %broadcast_in_dim3A_1675 = arith.constant 0.000000e+00 : f32
      %broadcast_in_dim3A_1676 = vector.broadcast %broadcast_in_dim3A_1675 : f32 to vector<16xf32>
      %parallel_loop3A = arith.constant 0 : i32
      %parallel_loop3A_1677 = arith.constant 4096 : i32
      %parallel_loop3A_1678 = arith.constant 16 : i32
      %parallel_loop3A_1679:8 = scf.for %parallel_loop3A_1890 = %parallel_loop3A to %parallel_loop3A_1677 step %parallel_loop3A_1678 iter_args(%parallel_loop3A_1891 = %broadcast_in_dim3A_1662, %parallel_loop3A_1892 = %broadcast_in_dim3A_1664, %parallel_loop3A_1893 = %broadcast_in_dim3A_1666, %parallel_loop3A_1894 = %broadcast_in_dim3A_1668, %parallel_loop3A_1895 = %broadcast_in_dim3A_1670, %parallel_loop3A_1896 = %broadcast_in_dim3A_1672, %parallel_loop3A_1897 = %broadcast_in_dim3A_1674, %parallel_loop3A_1898 = %broadcast_in_dim3A_1676) -> (vector<16xf32>, vector<16xf32>, vector<16xf32>, vector<16xf32>, vector<16xf32>, vector<16xf32>, vector<16xf32>, vector<16xf32>)  : i32 {
        %parallel_loop3A_1899 = arith.index_cast %parallel_loop3A_1890 : i32 to index
        %parallel_loop3A_1900 = tpu.vector_load %arg8[%parallel_loop3A_1899] {strides = array<i32>} : memref<4096xf32, #tpu.memory_space<vmem>>, vector<16xf32>,
        %parallel_loop3A_1901 = arith.constant 0 : i32
        %parallel_loop3A_1902 = arith.index_cast %parallel_loop3A_1901 : i32 to index
        %parallel_loop3A_1903 = arith.index_cast %parallel_loop3A_1890 : i32 to index
        %parallel_loop3A_1904 = tpu.vector_load %arg9[%parallel_loop3A_1902, %parallel_loop3A_1903] {strides = array<i32>} : memref<8x4096xf32, #tpu.memory_space<vmem>>, vector<16xf32>,
        %parallel_loop3A_1905 = arith.mulf %parallel_loop3A_1904, %parallel_loop3A_1900 : vector<16xf32>
        %parallel_loop3A_1906 = arith.addf %parallel_loop3A_1891, %parallel_loop3A_1905 : vector<16xf32>
        %parallel_loop3A_1907 = arith.constant 1 : i32
        %parallel_loop3A_1908 = arith.index_cast %parallel_loop3A_1907 : i32 to index
        %parallel_loop3A_1909 = arith.index_cast %parallel_loop3A_1890 : i32 to index
        %parallel_loop3A_1910 = tpu.vector_load %arg9[%parallel_loop3A_1908, %parallel_loop3A_1909] {strides = array<i32>} : memref<8x4096xf32, #tpu.memory_space<vmem>>, vector<16xf32>,
        %parallel_loop3A_1911 = arith.mulf %parallel_loop3A_1910, %parallel_loop3A_1900 : vector<16xf32>
        %parallel_loop3A_1912 = arith.addf %parallel_loop3A_1892, %parallel_loop3A_1911 : vector<16xf32>
        %parallel_loop3A_1913 = arith.constant 2 : i32
        %parallel_loop3A_1914 = arith.index_cast %parallel_loop3A_1913 : i32 to index
        %parallel_loop3A_1915 = arith.index_cast %parallel_loop3A_1890 : i32 to index
        %parallel_loop3A_1916 = tpu.vector_load %arg9[%parallel_loop3A_1914, %parallel_loop3A_1915] {strides = array<i32>} : memref<8x4096xf32, #tpu.memory_space<vmem>>, vector<16xf32>,
        %parallel_loop3A_1917 = arith.mulf %parallel_loop3A_1916, %parallel_loop3A_1900 : vector<16xf32>
        %parallel_loop3A_1918 = arith.addf %parallel_loop3A_1893, %parallel_loop3A_1917 : vector<16xf32>
        %parallel_loop3A_1919 = arith.constant 3 : i32
        %parallel_loop3A_1920 = arith.index_cast %parallel_loop3A_1919 : i32 to index
        %parallel_loop3A_1921 = arith.index_cast %parallel_loop3A_1890 : i32 to index
        %parallel_loop3A_1922 = tpu.vector_load %arg9[%parallel_loop3A_1920, %parallel_loop3A_1921] {strides = array<i32>} : memref<8x4096xf32, #tpu.memory_space<vmem>>, vector<16xf32>,
        %parallel_loop3A_1923 = arith.mulf %parallel_loop3A_1922, %parallel_loop3A_1900 : vector<16xf32>
        %parallel_loop3A_1924 = arith.addf %parallel_loop3A_1894, %parallel_loop3A_1923 : vector<16xf32>
        %parallel_loop3A_1925 = arith.constant 4 : i32
        %parallel_loop3A_1926 = arith.index_cast %parallel_loop3A_1925 : i32 to index
        %parallel_loop3A_1927 = arith.index_cast %parallel_loop3A_1890 : i32 to index
        %parallel_loop3A_1928 = tpu.vector_load %arg9[%parallel_loop3A_1926, %parallel_loop3A_1927] {strides = array<i32>} : memref<8x4096xf32, #tpu.memory_space<vmem>>, vector<16xf32>,
        %parallel_loop3A_1929 = arith.mulf %parallel_loop3A_1928, %parallel_loop3A_1900 : vector<16xf32>
        %parallel_loop3A_1930 = arith.addf %parallel_loop3A_1895, %parallel_loop3A_1929 : vector<16xf32>
        %parallel_loop3A_1931 = arith.constant 5 : i32
        %parallel_loop3A_1932 = arith.index_cast %parallel_loop3A_1931 : i32 to index
        %parallel_loop3A_1933 = arith.index_cast %parallel_loop3A_1890 : i32 to index
        %parallel_loop3A_1934 = tpu.vector_load %arg9[%parallel_loop3A_1932, %parallel_loop3A_1933] {strides = array<i32>} : memref<8x4096xf32, #tpu.memory_space<vmem>>, vector<16xf32>,
        %parallel_loop3A_1935 = arith.mulf %parallel_loop3A_1934, %parallel_loop3A_1900 : vector<16xf32>
        %parallel_loop3A_1936 = arith.addf %parallel_loop3A_1896, %parallel_loop3A_1935 : vector<16xf32>
        %parallel_loop3A_1937 = arith.constant 6 : i32
        %parallel_loop3A_1938 = arith.index_cast %parallel_loop3A_1937 : i32 to index
        %parallel_loop3A_1939 = arith.index_cast %parallel_loop3A_1890 : i32 to index
        %parallel_loop3A_1940 = tpu.vector_load %arg9[%parallel_loop3A_1938, %parallel_loop3A_1939] {strides = array<i32>} : memref<8x4096xf32, #tpu.memory_space<vmem>>, vector<16xf32>,
        %parallel_loop3A_1941 = arith.mulf %parallel_loop3A_1940, %parallel_loop3A_1900 : vector<16xf32>
        %parallel_loop3A_1942 = arith.addf %parallel_loop3A_1897, %parallel_loop3A_1941 : vector<16xf32>
        %parallel_loop3A_1943 = arith.constant 7 : i32
        %parallel_loop3A_1944 = arith.index_cast %parallel_loop3A_1943 : i32 to index
        %parallel_loop3A_1945 = arith.index_cast %parallel_loop3A_1890 : i32 to index
        %parallel_loop3A_1946 = tpu.vector_load %arg9[%parallel_loop3A_1944, %parallel_loop3A_1945] {strides = array<i32>} : memref<8x4096xf32, #tpu.memory_space<vmem>>, vector<16xf32>,
        %parallel_loop3A_1947 = arith.mulf %parallel_loop3A_1946, %parallel_loop3A_1900 : vector<16xf32>
        %parallel_loop3A_1948 = arith.addf %parallel_loop3A_1898, %parallel_loop3A_1947 : vector<16xf32>
        scf.yield %parallel_loop3A_1906, %parallel_loop3A_1912, %parallel_loop3A_1918, %parallel_loop3A_1924, %parallel_loop3A_1930, %parallel_loop3A_1936, %parallel_loop3A_1942, %parallel_loop3A_1948 : vector<16xf32>, vector<16xf32>, vector<16xf32>, vector<16xf32>, vector<16xf32>, vector<16xf32>, vector<16xf32>, vector<16xf32>
      } {sc.loop_unroll_factor = 4 : i64, sc.parallel_access}
      %reduce_sum3A = arith.constant true
      %reduce_sum3A_1680 = vector.broadcast %reduce_sum3A : i1 to vector<16xi1>
      %reduce_sum3A_1681 = tpu.scan <sum>, %parallel_loop3A_1679#0 masked %reduce_sum3A_1680 : vector<16xf32>, vector<16xi1> -> vector<16xf32>
      %reduce_sum3A_1682 = vector.extract %reduce_sum3A_1681[15] : f32 from vector<16xf32>
      %reduce_sum3A_1683 = arith.constant true
      %reduce_sum3A_1684 = vector.broadcast %reduce_sum3A_1683 : i1 to vector<16xi1>
      %reduce_sum3A_1685 = tpu.scan <sum>, %parallel_loop3A_1679#1 masked %reduce_sum3A_1684 : vector<16xf32>, vector<16xi1> -> vector<16xf32>
      %reduce_sum3A_1686 = vector.extract %reduce_sum3A_1685[15] : f32 from vector<16xf32>
      %reduce_sum3A_1687 = arith.constant true
      %reduce_sum3A_1688 = vector.broadcast %reduce_sum3A_1687 : i1 to vector<16xi1>
      %reduce_sum3A_1689 = tpu.scan <sum>, %parallel_loop3A_1679#2 masked %reduce_sum3A_1688 : vector<16xf32>, vector<16xi1> -> vector<16xf32>
      %reduce_sum3A_1690 = vector.extract %reduce_sum3A_1689[15] : f32 from vector<16xf32>
      %reduce_sum3A_1691 = arith.constant true
      %reduce_sum3A_1692 = vector.broadcast %reduce_sum3A_1691 : i1 to vector<16xi1>
      %reduce_sum3A_1693 = tpu.scan <sum>, %parallel_loop3A_1679#3 masked %reduce_sum3A_1692 : vector<16xf32>, vector<16xi1> -> vector<16xf32>
      %reduce_sum3A_1694 = vector.extract %reduce_sum3A_1693[15] : f32 from vector<16xf32>
      %reduce_sum3A_1695 = arith.constant true
      %reduce_sum3A_1696 = vector.broadcast %reduce_sum3A_1695 : i1 to vector<16xi1>
      %reduce_sum3A_1697 = tpu.scan <sum>, %parallel_loop3A_1679#4 masked %reduce_sum3A_1696 : vector<16xf32>, vector<16xi1> -> vector<16xf32>
      %reduce_sum3A_1698 = vector.extract %reduce_sum3A_1697[15] : f32 from vector<16xf32>
      %reduce_sum3A_1699 = arith.constant true
      %reduce_sum3A_1700 = vector.broadcast %reduce_sum3A_1699 : i1 to vector<16xi1>
      %reduce_sum3A_1701 = tpu.scan <sum>, %parallel_loop3A_1679#5 masked %reduce_sum3A_1700 : vector<16xf32>, vector<16xi1> -> vector<16xf32>
      %reduce_sum3A_1702 = vector.extract %reduce_sum3A_1701[15] : f32 from vector<16xf32>
      %reduce_sum3A_1703 = arith.constant true
      %reduce_sum3A_1704 = vector.broadcast %reduce_sum3A_1703 : i1 to vector<16xi1>
      %reduce_sum3A_1705 = tpu.scan <sum>, %parallel_loop3A_1679#6 masked %reduce_sum3A_1704 : vector<16xf32>, vector<16xi1> -> vector<16xf32>
      %reduce_sum3A_1706 = vector.extract %reduce_sum3A_1705[15] : f32 from vector<16xf32>
      %reduce_sum3A_1707 = arith.constant true
      %reduce_sum3A_1708 = vector.broadcast %reduce_sum3A_1707 : i1 to vector<16xi1>
      %reduce_sum3A_1709 = tpu.scan <sum>, %parallel_loop3A_1679#7 masked %reduce_sum3A_1708 : vector<16xf32>, vector<16xi1> -> vector<16xf32>
      %reduce_sum3A_1710 = vector.extract %reduce_sum3A_1709[15] : f32 from vector<16xf32>
      %add3A_1711 = arith.constant 1 : i32
      %add3A_1712 = arith.addi %while3A_1646, %add3A_1711 : i32
      %lt3A_1713 = arith.cmpi slt, %add3A_1712, %div3A_1634 : i32
      %convert_element_type3A_1714 = arith.extui %lt3A_1713 : i1 to i32
      %cond3A_1715 = arith.constant 0 : i32
      %cond3A_1716 = arith.cmpi ne, %convert_element_type3A_1714, %cond3A_1715 : i32
      scf.if %cond3A_1716 {
        %add3A_1890 = arith.constant 2 : i32
        %add3A_1891 = arith.addi %mul3A_1648, %add3A_1890 : i32
        %mul3A_1892 = arith.constant 8 : i32
        %mul3A_1893 = arith.muli %add3A_1891, %mul3A_1892 : i32
        %dma_start3A_1894 = tpu.memref_slice %arg7[%mul3A_1893] : memref<512xi32, #tpu.memory_space<vmem>> -> memref<8xi32, #tpu.memory_space<vmem>>
        %dma_start3A_1895 = arith.constant 0 : i32
        %dma_start3A_1896 = arith.constant 0 : i32
        %dma_start3A_1897 = tpu.memref_slice %arg2[%dma_start3A_1895, %dma_start3A_1896] : memref<16384x4096xf32, #tpu.memory_space<hbm>> -> memref<16384x4096xf32, #tpu.memory_space<hbm>>
        tpu.enqueue_indirect_dma source(%dma_start3A_1897 : memref<16384x4096xf32, #tpu.memory_space<hbm>>) target(%arg9 : memref<8x4096xf32, #tpu.memory_space<vmem>>) offsets(%dma_start3A_1894 : memref<8xi32, #tpu.memory_space<vmem>>) semaphore(%arg12 : memref<!tpu.dma_semaphore, #tpu.memory_space<semaphore_mem>>)
      } else {
      }
      %add3A_1717 = arith.constant 1 : i32
      %add3A_1718 = arith.addi %mul3A_1648, %add3A_1717 : i32
      %mul3A_1719 = arith.constant 8 : i32
      %mul3A_1720 = arith.muli %add3A_1718, %mul3A_1719 : i32
      %dma_wait3A_1721 = tpu.memref_slice %arg7[%mul3A_1720] : memref<512xi32, #tpu.memory_space<vmem>> -> memref<8xi32, #tpu.memory_space<vmem>>
      %dma_wait3A_1722 = arith.constant 0 : i32
      %dma_wait3A_1723 = arith.constant 0 : i32
      %dma_wait3A_1724 = tpu.memref_slice %arg2[%dma_wait3A_1722, %dma_wait3A_1723] : memref<16384x4096xf32, #tpu.memory_space<hbm>> -> memref<16384x4096xf32, #tpu.memory_space<hbm>>
      tpu.wait_indirect_dma semaphore(%arg13 : memref<!tpu.dma_semaphore, #tpu.memory_space<semaphore_mem>>) src(%dma_wait3A_1724 : memref<16384x4096xf32, #tpu.memory_space<hbm>>) dst(%arg10 : memref<8x4096xf32, #tpu.memory_space<vmem>>)
      %broadcast_in_dim3A_1725 = arith.constant 0.000000e+00 : f32
      %broadcast_in_dim3A_1726 = vector.broadcast %broadcast_in_dim3A_1725 : f32 to vector<16xf32>
      %broadcast_in_dim3A_1727 = arith.constant 0.000000e+00 : f32
      %broadcast_in_dim3A_1728 = vector.broadcast %broadcast_in_dim3A_1727 : f32 to vector<16xf32>
      %broadcast_in_dim3A_1729 = arith.constant 0.000000e+00 : f32
      %broadcast_in_dim3A_1730 = vector.broadcast %broadcast_in_dim3A_1729 : f32 to vector<16xf32>
      %broadcast_in_dim3A_1731 = arith.constant 0.000000e+00 : f32
      %broadcast_in_dim3A_1732 = vector.broadcast %broadcast_in_dim3A_1731 : f32 to vector<16xf32>
      %broadcast_in_dim3A_1733 = arith.constant 0.000000e+00 : f32
      %broadcast_in_dim3A_1734 = vector.broadcast %broadcast_in_dim3A_1733 : f32 to vector<16xf32>
      %broadcast_in_dim3A_1735 = arith.constant 0.000000e+00 : f32
      %broadcast_in_dim3A_1736 = vector.broadcast %broadcast_in_dim3A_1735 : f32 to vector<16xf32>
      %broadcast_in_dim3A_1737 = arith.constant 0.000000e+00 : f32
      %broadcast_in_dim3A_1738 = vector.broadcast %broadcast_in_dim3A_1737 : f32 to vector<16xf32>
      %broadcast_in_dim3A_1739 = arith.constant 0.000000e+00 : f32
      %broadcast_in_dim3A_1740 = vector.broadcast %broadcast_in_dim3A_1739 : f32 to vector<16xf32>
      %parallel_loop3A_1741 = arith.constant 0 : i32
      %parallel_loop3A_1742 = arith.constant 4096 : i32
      %parallel_loop3A_1743 = arith.constant 16 : i32
      %parallel_loop3A_1744:8 = scf.for %parallel_loop3A_1890 = %parallel_loop3A_1741 to %parallel_loop3A_1742 step %parallel_loop3A_1743 iter_args(%parallel_loop3A_1891 = %broadcast_in_dim3A_1726, %parallel_loop3A_1892 = %broadcast_in_dim3A_1728, %parallel_loop3A_1893 = %broadcast_in_dim3A_1730, %parallel_loop3A_1894 = %broadcast_in_dim3A_1732, %parallel_loop3A_1895 = %broadcast_in_dim3A_1734, %parallel_loop3A_1896 = %broadcast_in_dim3A_1736, %parallel_loop3A_1897 = %broadcast_in_dim3A_1738, %parallel_loop3A_1898 = %broadcast_in_dim3A_1740) -> (vector<16xf32>, vector<16xf32>, vector<16xf32>, vector<16xf32>, vector<16xf32>, vector<16xf32>, vector<16xf32>, vector<16xf32>)  : i32 {
        %parallel_loop3A_1899 = arith.index_cast %parallel_loop3A_1890 : i32 to index
        %parallel_loop3A_1900 = tpu.vector_load %arg8[%parallel_loop3A_1899] {strides = array<i32>} : memref<4096xf32, #tpu.memory_space<vmem>>, vector<16xf32>,
        %parallel_loop3A_1901 = arith.constant 0 : i32
        %parallel_loop3A_1902 = arith.index_cast %parallel_loop3A_1901 : i32 to index
        %parallel_loop3A_1903 = arith.index_cast %parallel_loop3A_1890 : i32 to index
        %parallel_loop3A_1904 = tpu.vector_load %arg10[%parallel_loop3A_1902, %parallel_loop3A_1903] {strides = array<i32>} : memref<8x4096xf32, #tpu.memory_space<vmem>>, vector<16xf32>,
        %parallel_loop3A_1905 = arith.mulf %parallel_loop3A_1904, %parallel_loop3A_1900 : vector<16xf32>
        %parallel_loop3A_1906 = arith.addf %parallel_loop3A_1891, %parallel_loop3A_1905 : vector<16xf32>
        %parallel_loop3A_1907 = arith.constant 1 : i32
        %parallel_loop3A_1908 = arith.index_cast %parallel_loop3A_1907 : i32 to index
        %parallel_loop3A_1909 = arith.index_cast %parallel_loop3A_1890 : i32 to index
        %parallel_loop3A_1910 = tpu.vector_load %arg10[%parallel_loop3A_1908, %parallel_loop3A_1909] {strides = array<i32>} : memref<8x4096xf32, #tpu.memory_space<vmem>>, vector<16xf32>,
        %parallel_loop3A_1911 = arith.mulf %parallel_loop3A_1910, %parallel_loop3A_1900 : vector<16xf32>
        %parallel_loop3A_1912 = arith.addf %parallel_loop3A_1892, %parallel_loop3A_1911 : vector<16xf32>
        %parallel_loop3A_1913 = arith.constant 2 : i32
        %parallel_loop3A_1914 = arith.index_cast %parallel_loop3A_1913 : i32 to index
        %parallel_loop3A_1915 = arith.index_cast %parallel_loop3A_1890 : i32 to index
        %parallel_loop3A_1916 = tpu.vector_load %arg10[%parallel_loop3A_1914, %parallel_loop3A_1915] {strides = array<i32>} : memref<8x4096xf32, #tpu.memory_space<vmem>>, vector<16xf32>,
        %parallel_loop3A_1917 = arith.mulf %parallel_loop3A_1916, %parallel_loop3A_1900 : vector<16xf32>
        %parallel_loop3A_1918 = arith.addf %parallel_loop3A_1893, %parallel_loop3A_1917 : vector<16xf32>
        %parallel_loop3A_1919 = arith.constant 3 : i32
        %parallel_loop3A_1920 = arith.index_cast %parallel_loop3A_1919 : i32 to index
        %parallel_loop3A_1921 = arith.index_cast %parallel_loop3A_1890 : i32 to index
        %parallel_loop3A_1922 = tpu.vector_load %arg10[%parallel_loop3A_1920, %parallel_loop3A_1921] {strides = array<i32>} : memref<8x4096xf32, #tpu.memory_space<vmem>>, vector<16xf32>,
        %parallel_loop3A_1923 = arith.mulf %parallel_loop3A_1922, %parallel_loop3A_1900 : vector<16xf32>
        %parallel_loop3A_1924 = arith.addf %parallel_loop3A_1894, %parallel_loop3A_1923 : vector<16xf32>
        %parallel_loop3A_1925 = arith.constant 4 : i32
        %parallel_loop3A_1926 = arith.index_cast %parallel_loop3A_1925 : i32 to index
        %parallel_loop3A_1927 = arith.index_cast %parallel_loop3A_1890 : i32 to index
        %parallel_loop3A_1928 = tpu.vector_load %arg10[%parallel_loop3A_1926, %parallel_loop3A_1927] {strides = array<i32>} : memref<8x4096xf32, #tpu.memory_space<vmem>>, vector<16xf32>,
        %parallel_loop3A_1929 = arith.mulf %parallel_loop3A_1928, %parallel_loop3A_1900 : vector<16xf32>
        %parallel_loop3A_1930 = arith.addf %parallel_loop3A_1895, %parallel_loop3A_1929 : vector<16xf32>
        %parallel_loop3A_1931 = arith.constant 5 : i32
        %parallel_loop3A_1932 = arith.index_cast %parallel_loop3A_1931 : i32 to index
        %parallel_loop3A_1933 = arith.index_cast %parallel_loop3A_1890 : i32 to index
        %parallel_loop3A_1934 = tpu.vector_load %arg10[%parallel_loop3A_1932, %parallel_loop3A_1933] {strides = array<i32>} : memref<8x4096xf32, #tpu.memory_space<vmem>>, vector<16xf32>,
        %parallel_loop3A_1935 = arith.mulf %parallel_loop3A_1934, %parallel_loop3A_1900 : vector<16xf32>
        %parallel_loop3A_1936 = arith.addf %parallel_loop3A_1896, %parallel_loop3A_1935 : vector<16xf32>
        %parallel_loop3A_1937 = arith.constant 6 : i32
        %parallel_loop3A_1938 = arith.index_cast %parallel_loop3A_1937 : i32 to index
        %parallel_loop3A_1939 = arith.index_cast %parallel_loop3A_1890 : i32 to index
        %parallel_loop3A_1940 = tpu.vector_load %arg10[%parallel_loop3A_1938, %parallel_loop3A_1939] {strides = array<i32>} : memref<8x4096xf32, #tpu.memory_space<vmem>>, vector<16xf32>,
        %parallel_loop3A_1941 = arith.mulf %parallel_loop3A_1940, %parallel_loop3A_1900 : vector<16xf32>
        %parallel_loop3A_1942 = arith.addf %parallel_loop3A_1897, %parallel_loop3A_1941 : vector<16xf32>
        %parallel_loop3A_1943 = arith.constant 7 : i32
        %parallel_loop3A_1944 = arith.index_cast %parallel_loop3A_1943 : i32 to index
        %parallel_loop3A_1945 = arith.index_cast %parallel_loop3A_1890 : i32 to index
        %parallel_loop3A_1946 = tpu.vector_load %arg10[%parallel_loop3A_1944, %parallel_loop3A_1945] {strides = array<i32>} : memref<8x4096xf32, #tpu.memory_space<vmem>>, vector<16xf32>,
        %parallel_loop3A_1947 = arith.mulf %parallel_loop3A_1946, %parallel_loop3A_1900 : vector<16xf32>
        %parallel_loop3A_1948 = arith.addf %parallel_loop3A_1898, %parallel_loop3A_1947 : vector<16xf32>
        scf.yield %parallel_loop3A_1906, %parallel_loop3A_1912, %parallel_loop3A_1918, %parallel_loop3A_1924, %parallel_loop3A_1930, %parallel_loop3A_1936, %parallel_loop3A_1942, %parallel_loop3A_1948 : vector<16xf32>, vector<16xf32>, vector<16xf32>, vector<16xf32>, vector<16xf32>, vector<16xf32>, vector<16xf32>, vector<16xf32>
      } {sc.loop_unroll_factor = 4 : i64, sc.parallel_access}
      %reduce_sum3A_1745 = arith.constant true
      %reduce_sum3A_1746 = vector.broadcast %reduce_sum3A_1745 : i1 to vector<16xi1>
      %reduce_sum3A_1747 = tpu.scan <sum>, %parallel_loop3A_1744#0 masked %reduce_sum3A_1746 : vector<16xf32>, vector<16xi1> -> vector<16xf32>
      %reduce_sum3A_1748 = vector.extract %reduce_sum3A_1747[15] : f32 from vector<16xf32>
      %reduce_sum3A_1749 = arith.constant true
      %reduce_sum3A_1750 = vector.broadcast %reduce_sum3A_1749 : i1 to vector<16xi1>
      %reduce_sum3A_1751 = tpu.scan <sum>, %parallel_loop3A_1744#1 masked %reduce_sum3A_1750 : vector<16xf32>, vector<16xi1> -> vector<16xf32>
      %reduce_sum3A_1752 = vector.extract %reduce_sum3A_1751[15] : f32 from vector<16xf32>
      %reduce_sum3A_1753 = arith.constant true
      %reduce_sum3A_1754 = vector.broadcast %reduce_sum3A_1753 : i1 to vector<16xi1>
      %reduce_sum3A_1755 = tpu.scan <sum>, %parallel_loop3A_1744#2 masked %reduce_sum3A_1754 : vector<16xf32>, vector<16xi1> -> vector<16xf32>
      %reduce_sum3A_1756 = vector.extract %reduce_sum3A_1755[15] : f32 from vector<16xf32>
      %reduce_sum3A_1757 = arith.constant true
      %reduce_sum3A_1758 = vector.broadcast %reduce_sum3A_1757 : i1 to vector<16xi1>
      %reduce_sum3A_1759 = tpu.scan <sum>, %parallel_loop3A_1744#3 masked %reduce_sum3A_1758 : vector<16xf32>, vector<16xi1> -> vector<16xf32>
      %reduce_sum3A_1760 = vector.extract %reduce_sum3A_1759[15] : f32 from vector<16xf32>
      %reduce_sum3A_1761 = arith.constant true
      %reduce_sum3A_1762 = vector.broadcast %reduce_sum3A_1761 : i1 to vector<16xi1>
      %reduce_sum3A_1763 = tpu.scan <sum>, %parallel_loop3A_1744#4 masked %reduce_sum3A_1762 : vector<16xf32>, vector<16xi1> -> vector<16xf32>
      %reduce_sum3A_1764 = vector.extract %reduce_sum3A_1763[15] : f32 from vector<16xf32>
      %reduce_sum3A_1765 = arith.constant true
      %reduce_sum3A_1766 = vector.broadcast %reduce_sum3A_1765 : i1 to vector<16xi1>
      %reduce_sum3A_1767 = tpu.scan <sum>, %parallel_loop3A_1744#5 masked %reduce_sum3A_1766 : vector<16xf32>, vector<16xi1> -> vector<16xf32>
      %reduce_sum3A_1768 = vector.extract %reduce_sum3A_1767[15] : f32 from vector<16xf32>
      %reduce_sum3A_1769 = arith.constant true
      %reduce_sum3A_1770 = vector.broadcast %reduce_sum3A_1769 : i1 to vector<16xi1>
      %reduce_sum3A_1771 = tpu.scan <sum>, %parallel_loop3A_1744#6 masked %reduce_sum3A_1770 : vector<16xf32>, vector<16xi1> -> vector<16xf32>
      %reduce_sum3A_1772 = vector.extract %reduce_sum3A_1771[15] : f32 from vector<16xf32>
      %reduce_sum3A_1773 = arith.constant true
      %reduce_sum3A_1774 = vector.broadcast %reduce_sum3A_1773 : i1 to vector<16xi1>
      %reduce_sum3A_1775 = tpu.scan <sum>, %parallel_loop3A_1744#7 masked %reduce_sum3A_1774 : vector<16xf32>, vector<16xi1> -> vector<16xf32>
      %reduce_sum3A_1776 = vector.extract %reduce_sum3A_1775[15] : f32 from vector<16xf32>
      %broadcast_in_dim3A_1777 = arith.constant 0.000000e+00 : f32
      %broadcast_in_dim3A_1778 = vector.broadcast %broadcast_in_dim3A_1777 : f32 to vector<16xf32>
      %broadcast_in_dim3A_1779 = arith.constant 0.000000e+00 : f32
      %broadcast_in_dim3A_1780 = vector.broadcast %broadcast_in_dim3A_1779 : f32 to vector<16xf32>
      %broadcast_in_dim3A_1781 = arith.constant 0 : i32
      %broadcast_in_dim3A_1782 = vector.broadcast %broadcast_in_dim3A_1781 : i32 to vector<16xi32>
      %eq3A_1783 = arith.cmpi eq, %iota3A, %broadcast_in_dim3A_1782 : vector<16xi32>
      %add3A_1784 = vector.broadcast %reduce_sum3A_1682 : f32 to vector<16xf32>
      %add3A_1785 = arith.addf %broadcast_in_dim3A_1780, %add3A_1784 : vector<16xf32>
      %select_n3A_1786 = arith.select %eq3A_1783, %add3A_1785, %broadcast_in_dim3A_1778 : vector<16xi1>, vector<16xf32>
      %broadcast_in_dim3A_1787 = arith.constant 1 : i32
      %broadcast_in_dim3A_1788 = vector.broadcast %broadcast_in_dim3A_1787 : i32 to vector<16xi32>
      %eq3A_1789 = arith.cmpi eq, %iota3A, %broadcast_in_dim3A_1788 : vector<16xi32>
      %add3A_1790 = vector.broadcast %reduce_sum3A_1686 : f32 to vector<16xf32>
      %add3A_1791 = arith.addf %broadcast_in_dim3A_1780, %add3A_1790 : vector<16xf32>
      %select_n3A_1792 = arith.select %eq3A_1789, %add3A_1791, %select_n3A_1786 : vector<16xi1>, vector<16xf32>
      %broadcast_in_dim3A_1793 = arith.constant 2 : i32
      %broadcast_in_dim3A_1794 = vector.broadcast %broadcast_in_dim3A_1793 : i32 to vector<16xi32>
      %eq3A_1795 = arith.cmpi eq, %iota3A, %broadcast_in_dim3A_1794 : vector<16xi32>
      %add3A_1796 = vector.broadcast %reduce_sum3A_1690 : f32 to vector<16xf32>
      %add3A_1797 = arith.addf %broadcast_in_dim3A_1780, %add3A_1796 : vector<16xf32>
      %select_n3A_1798 = arith.select %eq3A_1795, %add3A_1797, %select_n3A_1792 : vector<16xi1>, vector<16xf32>
      %broadcast_in_dim3A_1799 = arith.constant 3 : i32
      %broadcast_in_dim3A_1800 = vector.broadcast %broadcast_in_dim3A_1799 : i32 to vector<16xi32>
      %eq3A_1801 = arith.cmpi eq, %iota3A, %broadcast_in_dim3A_1800 : vector<16xi32>
      %add3A_1802 = vector.broadcast %reduce_sum3A_1694 : f32 to vector<16xf32>
      %add3A_1803 = arith.addf %broadcast_in_dim3A_1780, %add3A_1802 : vector<16xf32>
      %select_n3A_1804 = arith.select %eq3A_1801, %add3A_1803, %select_n3A_1798 : vector<16xi1>, vector<16xf32>
      %broadcast_in_dim3A_1805 = arith.constant 4 : i32
      %broadcast_in_dim3A_1806 = vector.broadcast %broadcast_in_dim3A_1805 : i32 to vector<16xi32>
      %eq3A_1807 = arith.cmpi eq, %iota3A, %broadcast_in_dim3A_1806 : vector<16xi32>
      %add3A_1808 = vector.broadcast %reduce_sum3A_1698 : f32 to vector<16xf32>
      %add3A_1809 = arith.addf %broadcast_in_dim3A_1780, %add3A_1808 : vector<16xf32>
      %select_n3A_1810 = arith.select %eq3A_1807, %add3A_1809, %select_n3A_1804 : vector<16xi1>, vector<16xf32>
      %broadcast_in_dim3A_1811 = arith.constant 5 : i32
      %broadcast_in_dim3A_1812 = vector.broadcast %broadcast_in_dim3A_1811 : i32 to vector<16xi32>
      %eq3A_1813 = arith.cmpi eq, %iota3A, %broadcast_in_dim3A_1812 : vector<16xi32>
      %add3A_1814 = vector.broadcast %reduce_sum3A_1702 : f32 to vector<16xf32>
      %add3A_1815 = arith.addf %broadcast_in_dim3A_1780, %add3A_1814 : vector<16xf32>
      %select_n3A_1816 = arith.select %eq3A_1813, %add3A_1815, %select_n3A_1810 : vector<16xi1>, vector<16xf32>
      %broadcast_in_dim3A_1817 = arith.constant 6 : i32
      %broadcast_in_dim3A_1818 = vector.broadcast %broadcast_in_dim3A_1817 : i32 to vector<16xi32>
      %eq3A_1819 = arith.cmpi eq, %iota3A, %broadcast_in_dim3A_1818 : vector<16xi32>
      %add3A_1820 = vector.broadcast %reduce_sum3A_1706 : f32 to vector<16xf32>
      %add3A_1821 = arith.addf %broadcast_in_dim3A_1780, %add3A_1820 : vector<16xf32>
      %select_n3A_1822 = arith.select %eq3A_1819, %add3A_1821, %select_n3A_1816 : vector<16xi1>, vector<16xf32>
      %broadcast_in_dim3A_1823 = arith.constant 7 : i32
      %broadcast_in_dim3A_1824 = vector.broadcast %broadcast_in_dim3A_1823 : i32 to vector<16xi32>
      %eq3A_1825 = arith.cmpi eq, %iota3A, %broadcast_in_dim3A_1824 : vector<16xi32>
      %add3A_1826 = vector.broadcast %reduce_sum3A_1710 : f32 to vector<16xf32>
      %add3A_1827 = arith.addf %broadcast_in_dim3A_1780, %add3A_1826 : vector<16xf32>
      %select_n3A_1828 = arith.select %eq3A_1825, %add3A_1827, %select_n3A_1822 : vector<16xi1>, vector<16xf32>
      %broadcast_in_dim3A_1829 = arith.constant 8 : i32
      %broadcast_in_dim3A_1830 = vector.broadcast %broadcast_in_dim3A_1829 : i32 to vector<16xi32>
      %eq3A_1831 = arith.cmpi eq, %iota3A, %broadcast_in_dim3A_1830 : vector<16xi32>
      %add3A_1832 = vector.broadcast %reduce_sum3A_1748 : f32 to vector<16xf32>
      %add3A_1833 = arith.addf %broadcast_in_dim3A_1780, %add3A_1832 : vector<16xf32>
      %select_n3A_1834 = arith.select %eq3A_1831, %add3A_1833, %select_n3A_1828 : vector<16xi1>, vector<16xf32>
      %broadcast_in_dim3A_1835 = arith.constant 9 : i32
      %broadcast_in_dim3A_1836 = vector.broadcast %broadcast_in_dim3A_1835 : i32 to vector<16xi32>
      %eq3A_1837 = arith.cmpi eq, %iota3A, %broadcast_in_dim3A_1836 : vector<16xi32>
      %add3A_1838 = vector.broadcast %reduce_sum3A_1752 : f32 to vector<16xf32>
      %add3A_1839 = arith.addf %broadcast_in_dim3A_1780, %add3A_1838 : vector<16xf32>
      %select_n3A_1840 = arith.select %eq3A_1837, %add3A_1839, %select_n3A_1834 : vector<16xi1>, vector<16xf32>
      %broadcast_in_dim3A_1841 = arith.constant 10 : i32
      %broadcast_in_dim3A_1842 = vector.broadcast %broadcast_in_dim3A_1841 : i32 to vector<16xi32>
      %eq3A_1843 = arith.cmpi eq, %iota3A, %broadcast_in_dim3A_1842 : vector<16xi32>
      %add3A_1844 = vector.broadcast %reduce_sum3A_1756 : f32 to vector<16xf32>
      %add3A_1845 = arith.addf %broadcast_in_dim3A_1780, %add3A_1844 : vector<16xf32>
      %select_n3A_1846 = arith.select %eq3A_1843, %add3A_1845, %select_n3A_1840 : vector<16xi1>, vector<16xf32>
      %broadcast_in_dim3A_1847 = arith.constant 11 : i32
      %broadcast_in_dim3A_1848 = vector.broadcast %broadcast_in_dim3A_1847 : i32 to vector<16xi32>
      %eq3A_1849 = arith.cmpi eq, %iota3A, %broadcast_in_dim3A_1848 : vector<16xi32>
      %add3A_1850 = vector.broadcast %reduce_sum3A_1760 : f32 to vector<16xf32>
      %add3A_1851 = arith.addf %broadcast_in_dim3A_1780, %add3A_1850 : vector<16xf32>
      %select_n3A_1852 = arith.select %eq3A_1849, %add3A_1851, %select_n3A_1846 : vector<16xi1>, vector<16xf32>
      %broadcast_in_dim3A_1853 = arith.constant 12 : i32
      %broadcast_in_dim3A_1854 = vector.broadcast %broadcast_in_dim3A_1853 : i32 to vector<16xi32>
      %eq3A_1855 = arith.cmpi eq, %iota3A, %broadcast_in_dim3A_1854 : vector<16xi32>
      %add3A_1856 = vector.broadcast %reduce_sum3A_1764 : f32 to vector<16xf32>
      %add3A_1857 = arith.addf %broadcast_in_dim3A_1780, %add3A_1856 : vector<16xf32>
      %select_n3A_1858 = arith.select %eq3A_1855, %add3A_1857, %select_n3A_1852 : vector<16xi1>, vector<16xf32>
      %broadcast_in_dim3A_1859 = arith.constant 13 : i32
      %broadcast_in_dim3A_1860 = vector.broadcast %broadcast_in_dim3A_1859 : i32 to vector<16xi32>
      %eq3A_1861 = arith.cmpi eq, %iota3A, %broadcast_in_dim3A_1860 : vector<16xi32>
      %add3A_1862 = vector.broadcast %reduce_sum3A_1768 : f32 to vector<16xf32>
      %add3A_1863 = arith.addf %broadcast_in_dim3A_1780, %add3A_1862 : vector<16xf32>
      %select_n3A_1864 = arith.select %eq3A_1861, %add3A_1863, %select_n3A_1858 : vector<16xi1>, vector<16xf32>
      %broadcast_in_dim3A_1865 = arith.constant 14 : i32
      %broadcast_in_dim3A_1866 = vector.broadcast %broadcast_in_dim3A_1865 : i32 to vector<16xi32>
      %eq3A_1867 = arith.cmpi eq, %iota3A, %broadcast_in_dim3A_1866 : vector<16xi32>
      %add3A_1868 = vector.broadcast %reduce_sum3A_1772 : f32 to vector<16xf32>
      %add3A_1869 = arith.addf %broadcast_in_dim3A_1780, %add3A_1868 : vector<16xf32>
      %select_n3A_1870 = arith.select %eq3A_1867, %add3A_1869, %select_n3A_1864 : vector<16xi1>, vector<16xf32>
      %broadcast_in_dim3A_1871 = arith.constant 15 : i32
      %broadcast_in_dim3A_1872 = vector.broadcast %broadcast_in_dim3A_1871 : i32 to vector<16xi32>
      %eq3A_1873 = arith.cmpi eq, %iota3A, %broadcast_in_dim3A_1872 : vector<16xi32>
      %add3A_1874 = vector.broadcast %reduce_sum3A_1776 : f32 to vector<16xf32>
      %add3A_1875 = arith.addf %broadcast_in_dim3A_1780, %add3A_1874 : vector<16xf32>
      %select_n3A_1876 = arith.select %eq3A_1873, %add3A_1875, %select_n3A_1870 : vector<16xi1>, vector<16xf32>
      %mul3A_1877 = arith.constant 16 : i32
      %mul3A_1878 = arith.muli %while3A_1646, %mul3A_1877 : i32
      %get3A_1879 = arith.index_cast %mul3A_1878 : i32 to index
      %get3A_1880 = tpu.vector_load %arg7[%get3A_1879] {strides = array<i32>} : memref<512xi32, #tpu.memory_space<vmem>>, vector<16xi32>,
      %sub3A_1881 = vector.broadcast %mul3A_2 : i32 to vector<16xi32>
      %sub3A_1882 = arith.subi %get3A_1880, %sub3A_1881 : vector<16xi32>
      %mul3A_1883 = arith.constant 16 : i32
      %mul3A_1884 = arith.muli %while3A_1646, %mul3A_1883 : i32
      %add3A_1885 = vector.broadcast %mul3A_1884 : i32 to vector<16xi32>
      %add3A_1886 = arith.addi %iota3A, %add3A_1885 : vector<16xi32>
      %add3A_1887 = vector.broadcast %add3A_1631 : i32 to vector<16xi32>
      %add3A_1888 = arith.addi %broadcast_in_dim3A_5, %add3A_1887 : vector<16xi32>
      %lt3A_1889 = arith.cmpi slt, %add3A_1886, %add3A_1888 : vector<16xi32>
      tpu.vector_store_idx %arg11[%sub3A_1882], %select_n3A_1876 masked %lt3A_1889 : memref<512xf32, #tpu.memory_space<vmem>>[vector<16xi32>], vector<16xf32>, vector<16xi1>
    }
    "tpu.region"() ({
      %run_scoped3A = tpu.sem_alloc : memref<!tpu.dma_semaphore, #tpu.memory_space<semaphore_mem>>
      %dma_start3A = tpu.memref_slice %arg5[%mul3A_2] : memref<16384xf32, #tpu.memory_space<hbm>> -> memref<512xf32, #tpu.memory_space<hbm>>
      %dma_start3A_1646 = tpu.memref_slice %arg5[%mul3A_2] : memref<16384xf32, #tpu.memory_space<hbm>> -> memref<512xf32, #tpu.memory_space<hbm>>
      tpu.enqueue_dma source(%arg11 : memref<512xf32, #tpu.memory_space<vmem>>) target(%dma_start3A_1646 : memref<512xf32, #tpu.memory_space<hbm>>) target_semaphore(%run_scoped3A : memref<!tpu.dma_semaphore, #tpu.memory_space<semaphore_mem>>)
      %dma_wait3A = tpu.memref_slice %arg5[%mul3A_2] : memref<16384xf32, #tpu.memory_space<hbm>> -> memref<512xf32, #tpu.memory_space<hbm>>
      %dma_wait3A_1647 = tpu.memref_slice %arg5[%mul3A_2] : memref<16384xf32, #tpu.memory_space<hbm>> -> memref<512xf32, #tpu.memory_space<hbm>>
      tpu.wait_dma2 semaphore(%run_scoped3A : memref<!tpu.dma_semaphore, #tpu.memory_space<semaphore_mem>>) src(%arg11 : memref<512xf32, #tpu.memory_space<vmem>>) dst(%dma_wait3A_1647 : memref<512xf32, #tpu.memory_space<hbm>>)
      tpu.yield
    }) : () -> ()
    return
  }
}

module attributes {stable_mosaic.version = 14 : i64} {
  func.func @_fin_body(%arg0: memref<4x4096xf32, #tpu.memory_space<vmem>>, %arg1: memref<4x4096xi32, #tpu.memory_space<vmem>>, %arg2: memref<4x1xi32, #tpu.memory_space<vmem>>, %arg3: memref<1x1xf32, #tpu.memory_space<vmem>>, %arg4: memref<1x1xf32, #tpu.memory_space<vmem>>, %arg5: memref<4x1xi32, #tpu.memory_space<vmem>>) attributes {dimension_semantics = [], scalar_prefetch = 0 : i64, scratch_operands = 0 : i64, tpu.core_type = #tpu.core_type<tc>} {
    %get3A = arith.constant 0 : index
    %get3A_0 = arith.constant 0 : index
    %get3A_1 = vector.load %arg0[%get3A, %get3A_0] : memref<4x4096xf32, #tpu.memory_space<vmem>>, vector<4x4096xf32>
    %get3A_2 = arith.constant 0 : index
    %get3A_3 = arith.constant 0 : index
    %get3A_4 = vector.load %arg3[%get3A_2, %get3A_3] : memref<1x1xf32, #tpu.memory_space<vmem>>, vector<1x1xf32>
    %add3A = vector.broadcast %get3A_4 : vector<1x1xf32> to vector<4x4096xf32>
    %add3A_5 = arith.addf %get3A_1, %add3A : vector<4x4096xf32>
    %get3A_6 = arith.constant 0 : index
    %get3A_7 = arith.constant 0 : index
    %get3A_8 = vector.load %arg1[%get3A_6, %get3A_7] : memref<4x4096xi32, #tpu.memory_space<vmem>>, vector<4x4096xi32>
    %ne3A = arith.constant 0 : i32
    %ne3A_9 = vector.broadcast %ne3A : i32 to vector<4x4096xi32>
    %ne3A_10 = arith.cmpi ne, %get3A_8, %ne3A_9 : vector<4x4096xi32>
    %jit3A = arith.constant 0xFF800000 : f32
    %broadcast_in_dim3A = vector.broadcast %jit3A : f32 to vector<4x4096xf32>
    %select_n3A = arith.select %ne3A_10, %add3A_5, %broadcast_in_dim3A : vector<4x4096xi1>, vector<4x4096xf32>
    %reduce_max3A = arith.constant dense<0xFF800000> : vector<4xf32>
    %reduce_max3A_11 = vector.multi_reduction <maximumf>, %select_n3A, %reduce_max3A [1] : vector<4x4096xf32> to vector<4xf32>
    %broadcast_in_dim3A_12 = vector.shape_cast %reduce_max3A_11 : vector<4xf32> to vector<4x1xf32>
    %eq3A = arith.constant 0xFF800000 : f32
    %eq3A_13 = vector.broadcast %eq3A : f32 to vector<4x1xf32>
    %eq3A_14 = arith.cmpf oeq, %broadcast_in_dim3A_12, %eq3A_13 : vector<4x1xf32>
    %jit3A_15 = arith.constant 0.000000e+00 : f32
    %broadcast_in_dim3A_16 = vector.broadcast %jit3A_15 : f32 to vector<4x1xf32>
    %select_n3A_17 = arith.select %eq3A_14, %broadcast_in_dim3A_16, %broadcast_in_dim3A_12 : vector<4x1xi1>, vector<4x1xf32>
    %sub3A = vector.broadcast %select_n3A_17 : vector<4x1xf32> to vector<4x4096xf32>
    %sub3A_18 = arith.subf %select_n3A, %sub3A : vector<4x4096xf32>
    %exp3A = math.exp %sub3A_18 : vector<4x4096xf32>
    %reduce_sum3A = arith.constant dense<0.000000e+00> : vector<4xf32>
    %reduce_sum3A_19 = vector.multi_reduction <add>, %exp3A, %reduce_sum3A [1] : vector<4x4096xf32> to vector<4xf32>
    %broadcast_in_dim3A_20 = vector.shape_cast %reduce_sum3A_19 : vector<4xf32> to vector<4x1xf32>
    %log3A = math.log %broadcast_in_dim3A_20 : vector<4x1xf32>
    %add3A_21 = arith.addf %select_n3A_17, %log3A : vector<4x1xf32>
    %iota3A = tpu.iota {dimensions = array<i32: 1>} : vector<4x4096xi32>
    %eq3A_22 = vector.broadcast %broadcast_in_dim3A_12 : vector<4x1xf32> to vector<4x4096xf32>
    %eq3A_23 = arith.cmpf oeq, %select_n3A, %eq3A_22 : vector<4x4096xf32>
    %jit3A_24 = arith.constant 1073741824 : i32
    %broadcast_in_dim3A_25 = vector.broadcast %jit3A_24 : i32 to vector<4x4096xi32>
    %select_n3A_26 = arith.select %eq3A_23, %iota3A, %broadcast_in_dim3A_25 : vector<4x4096xi1>, vector<4x4096xi32>
    %reduce_min3A = arith.constant dense<2147483647> : vector<4xi32>
    %reduce_min3A_27 = vector.multi_reduction <minsi>, %select_n3A_26, %reduce_min3A [1] : vector<4x4096xi32> to vector<4xi32>
    %broadcast_in_dim3A_28 = vector.shape_cast %reduce_min3A_27 : vector<4xi32> to vector<4x1xi32>
    %convert_element_type3A = arith.extui %ne3A_10 : vector<4x4096xi1> to vector<4x4096xi32>
    %broadcast_in_dim3A_29 = arith.constant 0 : i32
    %broadcast_in_dim3A_30 = vector.broadcast %broadcast_in_dim3A_29 : i32 to vector<4x1xi32>
    %slice3A = vector.extract_strided_slice %convert_element_type3A {offsets = [0, 0], sizes = [4, 4095], strides = [1, 1]} : vector<4x4096xi32> to vector<4x4095xi32>
    %concatenate3A = tpu.concatenate %broadcast_in_dim3A_30, %slice3A in 1 : vector<4x1xi32>, vector<4x4095xi32> -> vector<4x4096xi32>
    %add3A_31 = arith.addi %convert_element_type3A, %concatenate3A : vector<4x4096xi32>
    %broadcast_in_dim3A_32 = arith.constant 0 : i32
    %broadcast_in_dim3A_33 = vector.broadcast %broadcast_in_dim3A_32 : i32 to vector<4x2xi32>
    %slice3A_34 = vector.extract_strided_slice %add3A_31 {offsets = [0, 0], sizes = [4, 4094], strides = [1, 1]} : vector<4x4096xi32> to vector<4x4094xi32>
    %concatenate3A_35 = tpu.concatenate %broadcast_in_dim3A_33, %slice3A_34 in 1 : vector<4x2xi32>, vector<4x4094xi32> -> vector<4x4096xi32>
    %add3A_36 = arith.addi %add3A_31, %concatenate3A_35 : vector<4x4096xi32>
    %broadcast_in_dim3A_37 = arith.constant 0 : i32
    %broadcast_in_dim3A_38 = vector.broadcast %broadcast_in_dim3A_37 : i32 to vector<4x4xi32>
    %slice3A_39 = vector.extract_strided_slice %add3A_36 {offsets = [0, 0], sizes = [4, 4092], strides = [1, 1]} : vector<4x4096xi32> to vector<4x4092xi32>
    %concatenate3A_40 = tpu.concatenate %broadcast_in_dim3A_38, %slice3A_39 in 1 : vector<4x4xi32>, vector<4x4092xi32> -> vector<4x4096xi32>
    %add3A_41 = arith.addi %add3A_36, %concatenate3A_40 : vector<4x4096xi32>
    %broadcast_in_dim3A_42 = arith.constant 0 : i32
    %broadcast_in_dim3A_43 = vector.broadcast %broadcast_in_dim3A_42 : i32 to vector<4x8xi32>
    %slice3A_44 = vector.extract_strided_slice %add3A_41 {offsets = [0, 0], sizes = [4, 4088], strides = [1, 1]} : vector<4x4096xi32> to vector<4x4088xi32>
    %concatenate3A_45 = tpu.concatenate %broadcast_in_dim3A_43, %slice3A_44 in 1 : vector<4x8xi32>, vector<4x4088xi32> -> vector<4x4096xi32>
    %add3A_46 = arith.addi %add3A_41, %concatenate3A_45 : vector<4x4096xi32>
    %broadcast_in_dim3A_47 = arith.constant 0 : i32
    %broadcast_in_dim3A_48 = vector.broadcast %broadcast_in_dim3A_47 : i32 to vector<4x16xi32>
    %slice3A_49 = vector.extract_strided_slice %add3A_46 {offsets = [0, 0], sizes = [4, 4080], strides = [1, 1]} : vector<4x4096xi32> to vector<4x4080xi32>
    %concatenate3A_50 = tpu.concatenate %broadcast_in_dim3A_48, %slice3A_49 in 1 : vector<4x16xi32>, vector<4x4080xi32> -> vector<4x4096xi32>
    %add3A_51 = arith.addi %add3A_46, %concatenate3A_50 : vector<4x4096xi32>
    %broadcast_in_dim3A_52 = arith.constant 0 : i32
    %broadcast_in_dim3A_53 = vector.broadcast %broadcast_in_dim3A_52 : i32 to vector<4x32xi32>
    %slice3A_54 = vector.extract_strided_slice %add3A_51 {offsets = [0, 0], sizes = [4, 4064], strides = [1, 1]} : vector<4x4096xi32> to vector<4x4064xi32>
    %concatenate3A_55 = tpu.concatenate %broadcast_in_dim3A_53, %slice3A_54 in 1 : vector<4x32xi32>, vector<4x4064xi32> -> vector<4x4096xi32>
    %add3A_56 = arith.addi %add3A_51, %concatenate3A_55 : vector<4x4096xi32>
    %broadcast_in_dim3A_57 = arith.constant 0 : i32
    %broadcast_in_dim3A_58 = vector.broadcast %broadcast_in_dim3A_57 : i32 to vector<4x64xi32>
    %slice3A_59 = vector.extract_strided_slice %add3A_56 {offsets = [0, 0], sizes = [4, 4032], strides = [1, 1]} : vector<4x4096xi32> to vector<4x4032xi32>
    %concatenate3A_60 = tpu.concatenate %broadcast_in_dim3A_58, %slice3A_59 in 1 : vector<4x64xi32>, vector<4x4032xi32> -> vector<4x4096xi32>
    %add3A_61 = arith.addi %add3A_56, %concatenate3A_60 : vector<4x4096xi32>
    %broadcast_in_dim3A_62 = arith.constant 0 : i32
    %broadcast_in_dim3A_63 = vector.broadcast %broadcast_in_dim3A_62 : i32 to vector<4x128xi32>
    %slice3A_64 = vector.extract_strided_slice %add3A_61 {offsets = [0, 0], sizes = [4, 3968], strides = [1, 1]} : vector<4x4096xi32> to vector<4x3968xi32>
    %concatenate3A_65 = tpu.concatenate %broadcast_in_dim3A_63, %slice3A_64 in 1 : vector<4x128xi32>, vector<4x3968xi32> -> vector<4x4096xi32>
    %add3A_66 = arith.addi %add3A_61, %concatenate3A_65 : vector<4x4096xi32>
    %broadcast_in_dim3A_67 = arith.constant 0 : i32
    %broadcast_in_dim3A_68 = vector.broadcast %broadcast_in_dim3A_67 : i32 to vector<4x256xi32>
    %slice3A_69 = vector.extract_strided_slice %add3A_66 {offsets = [0, 0], sizes = [4, 3840], strides = [1, 1]} : vector<4x4096xi32> to vector<4x3840xi32>
    %concatenate3A_70 = tpu.concatenate %broadcast_in_dim3A_68, %slice3A_69 in 1 : vector<4x256xi32>, vector<4x3840xi32> -> vector<4x4096xi32>
    %add3A_71 = arith.addi %add3A_66, %concatenate3A_70 : vector<4x4096xi32>
    %broadcast_in_dim3A_72 = arith.constant 0 : i32
    %broadcast_in_dim3A_73 = vector.broadcast %broadcast_in_dim3A_72 : i32 to vector<4x512xi32>
    %slice3A_74 = vector.extract_strided_slice %add3A_71 {offsets = [0, 0], sizes = [4, 3584], strides = [1, 1]} : vector<4x4096xi32> to vector<4x3584xi32>
    %concatenate3A_75 = tpu.concatenate %broadcast_in_dim3A_73, %slice3A_74 in 1 : vector<4x512xi32>, vector<4x3584xi32> -> vector<4x4096xi32>
    %add3A_76 = arith.addi %add3A_71, %concatenate3A_75 : vector<4x4096xi32>
    %broadcast_in_dim3A_77 = arith.constant 0 : i32
    %broadcast_in_dim3A_78 = vector.broadcast %broadcast_in_dim3A_77 : i32 to vector<4x1024xi32>
    %slice3A_79 = vector.extract_strided_slice %add3A_76 {offsets = [0, 0], sizes = [4, 3072], strides = [1, 1]} : vector<4x4096xi32> to vector<4x3072xi32>
    %concatenate3A_80 = tpu.concatenate %broadcast_in_dim3A_78, %slice3A_79 in 1 : vector<4x1024xi32>, vector<4x3072xi32> -> vector<4x4096xi32>
    %add3A_81 = arith.addi %add3A_76, %concatenate3A_80 : vector<4x4096xi32>
    %broadcast_in_dim3A_82 = arith.constant 0 : i32
    %broadcast_in_dim3A_83 = vector.broadcast %broadcast_in_dim3A_82 : i32 to vector<4x2048xi32>
    %slice3A_84 = vector.extract_strided_slice %add3A_81 {offsets = [0, 0], sizes = [4, 2048], strides = [1, 1]} : vector<4x4096xi32> to vector<4x2048xi32>
    %concatenate3A_85 = tpu.concatenate %broadcast_in_dim3A_83, %slice3A_84 in 1 : vector<4x2048xi32>, vector<4x2048xi32> -> vector<4x4096xi32>
    %add3A_86 = arith.addi %add3A_81, %concatenate3A_85 : vector<4x4096xi32>
    %sub3A_87 = arith.constant 1 : i32
    %sub3A_88 = vector.broadcast %sub3A_87 : i32 to vector<4x4096xi32>
    %sub3A_89 = arith.subi %add3A_86, %sub3A_88 : vector<4x4096xi32>
    %eq3A_90 = vector.broadcast %broadcast_in_dim3A_28 : vector<4x1xi32> to vector<4x4096xi32>
    %eq3A_91 = arith.cmpi eq, %iota3A, %eq3A_90 : vector<4x4096xi32>
    %jit3A_92 = arith.constant 0 : i32
    %broadcast_in_dim3A_93 = vector.broadcast %jit3A_92 : i32 to vector<4x4096xi32>
    %select_n3A_94 = arith.select %eq3A_91, %sub3A_89, %broadcast_in_dim3A_93 : vector<4x4096xi1>, vector<4x4096xi32>
    %reduce_sum3A_95 = arith.constant dense<0> : vector<4xi32>
    %reduce_sum3A_96 = vector.multi_reduction <add>, %select_n3A_94, %reduce_sum3A_95 [1] : vector<4x4096xi32> to vector<4xi32>
    %broadcast_in_dim3A_97 = vector.shape_cast %reduce_sum3A_96 : vector<4xi32> to vector<4x1xi32>
    %get3A_98 = arith.constant 0 : index
    %get3A_99 = arith.constant 0 : index
    %get3A_100 = vector.load %arg2[%get3A_98, %get3A_99] : memref<4x1xi32, #tpu.memory_space<vmem>>, vector<4x1xi32>
    %eq3A_101 = vector.broadcast %get3A_100 : vector<4x1xi32> to vector<4x4096xi32>
    %eq3A_102 = arith.cmpi eq, %sub3A_89, %eq3A_101 : vector<4x4096xi32>
    %and3A = arith.andi %ne3A_10, %eq3A_102 : vector<4x4096xi1>
    %convert_element_type3A_103 = arith.extui %and3A : vector<4x4096xi1> to vector<4x4096xi32>
    %reduce_sum3A_104 = arith.constant dense<0> : vector<4xi32>
    %reduce_sum3A_105 = vector.multi_reduction <add>, %convert_element_type3A_103, %reduce_sum3A_104 [1] : vector<4x4096xi32> to vector<4xi32>
    %broadcast_in_dim3A_106 = vector.shape_cast %reduce_sum3A_105 : vector<4xi32> to vector<4x1xi32>
    %gt3A = arith.constant 0 : i32
    %gt3A_107 = vector.broadcast %gt3A : i32 to vector<4x1xi32>
    %gt3A_108 = arith.cmpi sgt, %broadcast_in_dim3A_106, %gt3A_107 : vector<4x1xi32>
    %jit3A_109 = arith.constant 0.000000e+00 : f32
    %broadcast_in_dim3A_110 = vector.broadcast %jit3A_109 : f32 to vector<4x4096xf32>
    %select_n3A_111 = arith.select %and3A, %add3A_5, %broadcast_in_dim3A_110 : vector<4x4096xi1>, vector<4x4096xf32>
    %reduce_sum3A_112 = arith.constant dense<0.000000e+00> : vector<4xf32>
    %reduce_sum3A_113 = vector.multi_reduction <add>, %select_n3A_111, %reduce_sum3A_112 [1] : vector<4x4096xf32> to vector<4xf32>
    %broadcast_in_dim3A_114 = vector.shape_cast %reduce_sum3A_113 : vector<4xf32> to vector<4x1xf32>
    %slice3A_115 = vector.extract_strided_slice %add3A_5 {offsets = [0, 0], sizes = [4, 1], strides = [1, 1]} : vector<4x4096xf32> to vector<4x1xf32>
    %select_n3A_116 = arith.select %gt3A_108, %broadcast_in_dim3A_114, %slice3A_115 : vector<4x1xi1>, vector<4x1xf32>
    %sub3A_117 = arith.subf %add3A_21, %select_n3A_116 : vector<4x1xf32>
    %reduce_sum3A_118 = vector.shape_cast %sub3A_117 : vector<4x1xf32> to vector<1x4x1xf32>
    %reduce_sum3A_119 = arith.constant dense<0.000000e+00> : vector<1xf32>
    %reduce_sum3A_120 = vector.multi_reduction <add>, %reduce_sum3A_118, %reduce_sum3A_119 [1, 2] : vector<1x4x1xf32> to vector<1xf32>
    %reduce_sum3A_121 = vector.shape_cast %reduce_sum3A_120 : vector<1xf32> to vector<1x1x1xf32>
    %reduce_sum3A_122 = vector.extract %reduce_sum3A_121[0, 0, 0] : f32 from vector<1x1x1xf32>
    %mul3A = arith.constant 2.500000e-01 : f32
    %mul3A_123 = arith.mulf %reduce_sum3A_122, %mul3A : f32
    %reshape3A = vector.broadcast %mul3A_123 : f32 to vector<1x1xf32>
    %swap3A = arith.constant 0 : index
    %swap3A_124 = arith.constant 0 : index
    %swap3A_125 = vector.load %arg4[%swap3A, %swap3A_124] : memref<1x1xf32, #tpu.memory_space<vmem>>, vector<1x1xf32>
    tpu.vector_store %arg4[%swap3A, %swap3A_124], %reshape3A {strides = array<i32>} : memref<1x1xf32, #tpu.memory_space<vmem>>, vector<1x1xf32>,
    %swap3A_126 = arith.constant 0 : index
    %swap3A_127 = arith.constant 0 : index
    %swap3A_128 = vector.load %arg5[%swap3A_126, %swap3A_127] : memref<4x1xi32, #tpu.memory_space<vmem>>, vector<4x1xi32>
    tpu.vector_store %arg5[%swap3A_126, %swap3A_127], %broadcast_in_dim3A_97 {strides = array<i32>} : memref<4x1xi32, #tpu.memory_space<vmem>>, vector<4x1xi32>,
    return
  }
}

</mosaic_0001>

<sc_bundles>
// kernel: kernel.4.cloned.1.call-start
scs
__scs_entry_jumppad:
0x0: {  	(pc) =	sbr.rel $0x88, $3  }
0x1: {  	(tag) =	ssettag $0x0;
	lr =	simm.s32 $0x1  }
0x2: {  	[smem:$0x3F9C] =	sst lr;
	_ =	strace $0xD0000000  }
0x3: {  	_ = 	snop  }
0x4: {  	_ = 	snop  }
0x5: {  	_ = 	snop  }
0x6: {  	_ = 	snop  }
0x7: {  	_ = 	snop  }
__scs_overlays_trampoline_lowered:
0x8: {  	[smem:$0x3FAB] =	sst s0  }
0x9: {  	[smem:$0x3FAC] =	sst s1  }
0xa: {  	[smem:$0x3FAD] =	sst s2  }
0xb: {  	[smem:$0x3FAE] =	sst s3  }
0xc: {  	[smem:$0x3FAF] =	sst s4  }
0xd: {  	[smem:$0x3FB0] =	sst s5  }
0xe: {  	[smem:$0x3FB1] =	sst s6  }
0xf: {  	[smem:$0x3FB2] =	sst s7  }
0x10: {  	[smem:$0x3FB3] =	sst s8  }
0x11: {  	[smem:$0x3FB4] =	sst s9;
	s0 =	simm.s32 @!p0 $0x0  }
0x12: {  	s1 =	sld [smem:$0x3F9A];
	s0 =	simm.s32 @p0 $0x1  }
0x13: {  	[smem:$0x3FB5] =	sst s0;
	s0 =	simm.s32 @!p1 $0x0  }
0x14: {  	s2 =	sld [smem:$0x3F99];
	s0 =	simm.s32 @p1 $0x1  }
0x15: {  	[smem:$0x3FB6] =	sst s0;
	s0 =	simm.s32 @!p2 $0x0  }
0x16: {  	s3 =	sld [smem:$0x3FDB];
	s0 =	simm.s32 @p2 $0x1  }
0x17: {  	s4 =	simm.s32 $0x1BF5;
	[smem:$0x3FB8] =	sst s0  }
0x18: {  	s0 =	sld [smem:$0x3F9B];
	_ =	swait.ge [sflag:s4], $0x0  }
0x19: {  	s7 =	sld [smem:$0x3F9C]  }
0x1a: {  	s8 =	sadd.s32 $0xFFFFE003, lr  }
0x1b: {  	s9 =	sadd.s32 $0xFFFFFEF7, lr;
	s5 =	simm.s32 $0xFFFFFFFF;
	p2 =	slt.u32 s8, $0xFFFFF086  }
0x1c: {  	p1 =	slt.u32 s9, $0xF7A;
	s5 =	simm.s32 @!p2 $0x0  }
0x1d: {  	s5 =	simm.s32 @p1 $0x1;
	p0 =	seq.s32 s7, s2  }
0x1e: {  	s7 =	smul.u32 @!p0 $0xF7A, s2;
	p2 =	seq.s32 @!p0 s5, $0x0  }
0x1f: {  	s9 =	smul.u32 $0xF7A, s1;
	s8 =	simm.s32 @!p0 $0x1BF5;
	p2 =	por !p2, p0  }
0x20: {  	[sflag:s8] =	ssyncset.s32 @!p0 $0xFFFFF086;
	s6 =	sadd.s32 @!p0 s3, s7;
	s7 =	simm.s32 @!p0 $0x108  }
0x21: {  	s3 =	sadd.s32 s3, s9;
	s6 =	sadd.s32 @!p0 $0x88, s6;
	s7 =	simm.s32 @p2 $0x1082  }
0x22: {  	[simem:s7], [sflag:s8] =	dma.local @!p0 [hbm:s6], $0xF7A  }
0x23: {  	s9 =	sor.u32 $0xD0000000, s2;
	s6 =	simm.s32 $0x108;
	_ =	swait.ge @!p0 [sflag:s8], $0x0  }
0x24: {  	s3 =	sadd.s32 $0x88, s3;
	s6 =	simm.s32 @!p1 $0x1082;
	[sflag:s4] =	ssyncset.s32 $0xFFFFF086  }
0x25: {  	[simem:s6], [sflag:s4] =	dma.local [hbm:s3], $0xF7A  }
0x26: {  	[smem:$0x3F9C] =	sst s1;
	(tag) =	ssettag s2;
	_ =	strace s9  }
0x27: {  	s1 =	sld [smem:$0x3FAC]  }
0x28: {  	s2 =	sld [smem:$0x3FAD]  }
0x29: {  	s4 =	sld [smem:$0x3FAF]  }
0x2a: {  	p0 =	seq.s32 s5, $0x0;
	s5 =	sld [smem:$0x3FB0]  }
0x2b: {  	s6 =	sld [smem:$0x3FB1]  }
0x2c: {  	s7 =	sld [smem:$0x3FB2]  }
0x2d: {  	s3 =	simm.s32 $0x108;
	s8 =	sld [smem:$0x3FB3]  }
0x2e: {  	s3 =	simm.s32 @!p0 $0x1082;
	s9 =	sld [smem:$0x3FB4]  }
0x2f: {  	lr =	sadd.s32 s0, s3;
	s0 =	sld [smem:$0x3FAB]  }
0x30: {  	s3 =	sld [smem:$0x3FAE]  }
0x31: {  	[smem:$0x3FB7] =	sst s10  }
0x32: {  	s10 =	sld [smem:$0x3FB5];
	_ =	sdelay $0x3  }
0x33: {  	p0 =	seq.s32 s10, $0x1;
	s10 =	sld [smem:$0x3FB7];
	_ =	sdelay $0x3  }
0x34: {  	[smem:$0x3FB7] =	sst s10  }
0x35: {  	s10 =	sld [smem:$0x3FB6];
	_ =	sdelay $0x3  }
0x36: {  	p1 =	seq.s32 s10, $0x1;
	s10 =	sld [smem:$0x3FB7];
	_ =	sdelay $0x3  }
0x37: {  	[smem:$0x3FB7] =	sst s10  }
0x38: {  	s10 =	sld [smem:$0x3FB8]  }
0x39: {  	_ = 	snop;
	(pc) =	sbr.ind lr, $3  }
0x3a: {  	_ = 	snop  }
0x3b: {  	_ = 	snop  }
0x3c: {  	p2 =	seq.s32 s10, $0x1;
	s10 =	sld [smem:$0x3FB7]  }
0x3d: {  	_ =	shalt  }
0x3e: {  	_ =	shalt  }
0x3f: {  	_ =	shalt  }
0x40: {  	_ =	shalt  }
0x41: {  	_ =	shalt  }
0x42: {  	_ =	shalt  }
0x43: {  	_ =	shalt  }
0x44: {  	_ =	shalt  }
0x45: {  	_ =	shalt  }
0x46: {  	_ =	shalt  }
0x47: {  	_ =	shalt  }
0x48: {  	_ =	shalt  }
0x49: {  	_ =	shalt  }
0x4a: {  	_ =	shalt  }
0x4b: {  	_ =	shalt  }
0x4c: {  	_ =	shalt  }
0x4d: {  	_ =	shalt  }
0x4e: {  	_ =	shalt  }
0x4f: {  	_ =	shalt  }
0x50: {  	_ =	shalt  }
0x51: {  	_ =	shalt  }
0x52: {  	_ =	shalt  }
0x53: {  	_ =	shalt  }
0x54: {  	_ =	shalt  }
0x55: {  	_ =	shalt  }
0x56: {  	_ =	shalt  }
0x57: {  	_ =	shalt  }
0x58: {  	_ =	shalt  }
0x59: {  	_ =	shalt  }
0x5a: {  	_ =	shalt  }
0x5b: {  	_ =	shalt  }
0x5c: {  	_ =	shalt  }
0x5d: {  	_ =	shalt  }
0x5e: {  	_ =	shalt  }
0x5f: {  	_ =	shalt  }
0x60: {  	_ =	shalt  }
0x61: {  	_ =	shalt  }
0x62: {  	_ =	shalt  }
0x63: {  	_ =	shalt  }
0x64: {  	_ =	shalt  }
0x65: {  	_ =	shalt  }
0x66: {  	_ =	shalt  }
0x67: {  	_ =	shalt  }
0x68: {  	_ =	shalt  }
0x69: {  	_ =	shalt  }
0x6a: {  	_ =	shalt  }
0x6b: {  	_ =	shalt  }
0x6c: {  	_ =	shalt  }
0x6d: {  	_ =	shalt  }
0x6e: {  	_ =	shalt  }
0x6f: {  	_ =	shalt  }
0x70: {  	_ =	shalt  }
0x71: {  	_ =	shalt  }
0x72: {  	_ =	shalt  }
0x73: {  	_ =	shalt  }
0x74: {  	_ =	shalt  }
0x75: {  	_ =	shalt  }
0x76: {  	_ =	shalt  }
0x77: {  	_ =	shalt  }
0x78: {  	_ =	shalt  }
0x79: {  	_ =	shalt  }
0x7a: {  	_ =	shalt  }
0x7b: {  	_ =	shalt  }
0x7c: {  	_ =	shalt  }
0x7d: {  	_ =	shalt  }
0x7e: {  	_ =	shalt  }
0x7f: {  	_ =	shalt  }
0x80: {  	_ =	shalt  }
0x81: {  	_ =	shalt  }
0x82: {  	_ =	shalt  }
0x83: {  	_ =	shalt  }
0x84: {  	_ =	shalt  }
0x85: {  	_ =	shalt  }
0x86: {  	_ =	shalt  }
0x87: {  	_ =	shalt  }
.Lfunc_end0:
.L_simem_size_0:
called_computation_lowered:
.L_overlay_start_0:
0x88: {  	s2 =	sld [smem:$0x3FD9]  }
0x89: {  	s3 =	sld [smem:$0x3FFE];
	_ =	sdelay $0x1  }
0x8a: {  	s1 =	srdreg.scid  }
0x8b: {  	s0 =	sand.u32 $0x1, s1  }
0x8c: {  	s17 =	sshll.u32 s0, $0xA;
	s2 =	sadd.s32 s3, s2  }
0x8d: {  	s2 =	sadd.s32 s2, s17  }
0x8e: {  	[smem:$0x3FC3] =	sst s2  }
0x8f: {  	_ = 	snop  }
0x90: {  	s2 =	sld [smem:$0x3FC9]  }
0x91: {  	s18 =	sld [smem:$0x3FC6];
	(tm) =	ssettm $0x1  }
0x92: {  	s4 =	sld [smem:$0x3FFB];
	_ =	sdelay $0x3  }
0x93: {  	_ =	strace s4  }
0x94: {  	s4 =	sld [smem:$0x3FFC];
	_ =	sdelay $0x3  }
0x95: {  	_ =	strace s4  }
0x96: {  	s4 =	sld [smem:$0x3FFD];
	_ =	sdelay $0x3  }
0x97: {  	_ =	strace s4  }
0x98: {  	_ =	strace $0x8FFFFFFF  }
0x99: {  	s19 =	sld [smem:$0x3FDB];
	_ =	sdelay $0x1  }
0x9a: {  	s5 =	simm.s32 $_scs_section_size  }
0x9b: {  	s6 =	simm.s32 $_size__tile_overlayer_lowered;
	s7 =	simm.s32 $_tile_overlayer_lowered  }
0x9c: {  	s22 =	simm.s32 $0x1BFF;
	s21 =	sshll.u32 s7, $0x1;
	s4 =	sadd.s32 s5, s19  }
0x9d: {  	s8 =	simm.s32 $0x0;
	s20 =	sshll.u32 s6, $0x1;
	s6 =	sadd.s32 s21, s4  }
0x9e: {  	[timem:s8], [sflag:s22] =	dma.local [hbm:s6], s20  }
0x9f: {  	_ =	swait.ge [sflag:s22], s20  }
0xa0: {  	s5 =	ssub.s32 $0x0, s20;
	[sflag:s22] =	ssyncset.done $0x0  }
0xa1: {  	[sflag:s22] =	ssyncadd.s32 s5;
	_ =	sdelay $0x1  }
0xa2: {  	s23 =	simm.s32 $0x1B8B  }
0xa3: {  	_ =	swait.ge [sflag:s23], $0x1  }
0xa4: {  	[sflag:s23] =	ssyncset.done $0x0  }
0xa5: {  	s25 =	simm.s32 $0x1B8E;
	s24 =	sld [smem:$0x3FFE];
	[sflag:s23] =	ssyncadd.s32 $0xFFFFFFFF  }
0xa6: {  	s26 =	simm.s32 $execute0_lowered;
	[smem:$0x3FD2] =	sst s25  }
0xa7: {  	s6 =	sshll.u32 s26, $0x1;
	_ =	strace $0x80000046;
	[dreg:$0x1] =	wrdreg $0xFFFFFFFF  }
0xa8: {  	s28 =	simm.s32 $_size_execute0_lowered;
	s4 =	sadd.s32 s4, s6;
	[dreg:$0x0] =	wrdreg $0x0  }
0xa9: {  	s6 =	sshll.u32 s28, $0x1;
	[dreg:$0x2] =	wrdreg s4  }
0xaa: {  	[dreg:$0x3] =	wrdreg s6  }
0xab: {  	[dreg:$0x4] =	wrdreg $0xC0  }
0xac: {  	_ =	task [dreg:s8], $0x5FFFF  }
0xad: {  	[dreg:$0x1] =	wrdreg $0xFFFFFFFF  }
0xae: {  	[dreg:$0x0] =	wrdreg $0x60  }
0xaf: {  	[dreg:$0x2] =	wrdreg s2  }
0xb0: {  	[dreg:$0x3] =	wrdreg s24  }
0xb1: {  	[dreg:$0x4] =	wrdreg s18  }
0xb2: {  	[dreg:$0x5] =	wrdreg $0x9  }
0xb3: {  	_ =	task.clear_ibuf [dreg:s8], $0x6FFFF;
	_ =	strace $0x90000046  }
0xb4: {  	s29 =	simm.s32 $0x9;
	_ =	strace $0x80000048  }
0xb5: {  	_ =	swait.ge [sflag:s29], $0x1  }
0xb6: {  	[sflag:s29] =	ssyncadd.s32 $0xFFFFFFFF  }
0xb7: {  	_ =	strace $0x90000048  }
0xb8: {  	_ =	sfence  }
0xb9: {  	s30 =	sld [smem:$0x0];
	_ =	sdelay $0x2  }
0xba: {  	s31 =	sshll.u32 s1, $0xD;
	s1 =	sshrl.u32 s1, $0x2  }
0xbb: {  	s3 =	sand.u32 $0x4000, s31;
	s1 =	sadd.s32 s1, s30  }
0xbc: {  	s0 =	sor.u32 s3, s0;
	s1 =	sshll.u32 s1, $0x11  }
0xbd: {  	s0 =	sor.u32 s1, s0  }
0xbe: {  	s0 =	sadd.s32 $0x8F2B, s0  }
0xbf: {  	[sflag:s0] =	ssyncadd.remote.s32 $0x1  }
0xc0: {  	_ =	sfence.sel $0xFFFF  }
0xc1: {  	[dreg:$0x0] =	wrdreg $0xFFFFFFFF;
	(pc) =	sbr.abs _section_cstart, $3  }
0xc2: {  	[dreg:$0x1] =	wrdreg $0xFFFFFFFF  }
0xc3: {  	_ =	task.clear_ibuf [dreg:s8], $0x2FFFF;
	_ =	strace $0x9FFFFFFF  }
0xc4: {  	(tm) =	ssettm $0x7FFFFFFF  }
0xc5: {  	_ =	shalt  }
tec
execute0_lowered:
.L_overlay_start_1:
0x0: {  	(tag) =	ssettag $0x1  }
0x1: {  	s0 =	srdreg.scid  }
0x2: {  	s1 =	stileid.u32;
	s3 =	sand.u32 $0x1, s0  }
0x3: {  	s22 =	rddreg [dreg:$0x0];
	s16 =	sshll.u32 s1, $0xA;
	s4 =	sshll.u32 s3, $0x9  }
0x4: {  	s2 =	rddreg [dreg:$0x1];
	s1 =	simm.s32 $0x0;
	s0 =	sor.u32 s4, s16  }
0x5: {  	[smem:$0x7FF] =	sst s1;
	s10 =	sor.u32 $0xE0, s0  }
0x6: {  	_ =	strace $0x80000047;
	s19 =	sor.u32 $0xF0, s0;
	[dreg:$0x19] =	wrdreg s10  }
0x7: {  	s20 =	sor.u32 $0x100, s0;
	[dreg:$0x16] =	wrdreg s19  }
0x8: {  	s21 =	sor.u32 $0x110, s0;
	[dreg:$0x17] =	wrdreg s20  }
0x9: {  	s11 =	sor.u32 $0x140, s0;
	[dreg:$0x18] =	wrdreg s21  }
0xa: {  	s12 =	sor.u32 $0x150, s0;
	[dreg:$0x15] =	wrdreg s11  }
0xb: {  	s13 =	sor.u32 $0x160, s0;
	[dreg:$0x10] =	wrdreg s12  }
0xc: {  	s14 =	sor.u32 $0x170, s0;
	[dreg:$0x11] =	wrdreg s13  }
0xd: {  	s3 =	ssub.s32 $0x2, s3;
	s15 =	sor.u32 $0x180, s0;
	[dreg:$0x12] =	wrdreg s14  }
0xe: {  	s17 =	sshrl.u32 s3, $0x1;
	s16 =	sor.u32 $0x190, s0;
	[dreg:$0xd] =	wrdreg s15  }
0xf: {  	s9 =	ssub.s32 s3, s17;
	s17 =	sor.u32 $0x1A0, s0;
	[dreg:$0xe] =	wrdreg s16  }
0x10: {  	s25 =	smax.u32 s9, $0x1;
	[dreg:$0xf] =	wrdreg s17  }
0x11: {  	s9 =	sor.u32 $0x120, s0;
	[dreg:$0x6] =	wrdreg s25  }
0x12: {  	s10 =	sor.u32 $0x130, s0;
	[dreg:$0x13] =	wrdreg s9  }
0x13: {  	s19 =	sor.u32 $0x1C0, s0;
	[dreg:$0x14] =	wrdreg s10  }
0x14: {  	s20 =	sor.u32 $0x1D0, s0;
	[dreg:$0xb] =	wrdreg s19  }
0x15: {  	s4 =	sshrl.u32 s0, $0x3;
	s21 =	sor.u32 $0x1E0, s0;
	[dreg:$0xc] =	wrdreg s20  }
0x16: {  	v1 =	vlaneseq.u32;
	s8 =	sadd.s32 s4, s2;
	s2 =	sor.u32 $0x10, s0;
	[dreg:$0x8] =	wrdreg s21  }
0x17: {  	s18 =	sadd.s32 $0x600, s8;
	v3 =	vor.u32 s2, v1;
	s2 =	rddreg [dreg:$0x10]  }
0x18: {  	s8 =	sadd.s32 $0xE00, s8;
	[dreg:$0x4] =	wrdreg s18  }
0x19: {  	s3 =	sor.u32 $0x20, s0;
	s25 =	sor.u32 $0x1F0, s0;
	[dreg:$0x5] =	wrdreg s8  }
0x1a: {  	s4 =	sor.u32 $0x30, s0;
	s18 =	sor.u32 $0x1B0, s0;
	[dreg:$0x9] =	wrdreg s25;
	[tilespmem:$0x1FED0] =	vst v3;
	v3 =	vor.u32 s3, v1  }
0x1b: {  	s5 =	sor.u32 $0x40, s0;
	[dreg:$0xa] =	wrdreg s18;
	[tilespmem:$0x1FEE0] =	vst v3;
	v3 =	vor.u32 s4, v1  }
0x1c: {  	s6 =	sor.u32 $0x50, s0;
	s4 =	rddreg [dreg:$0x11];
	[tilespmem:$0x1FEF0] =	vst v3;
	v3 =	vor.u32 s5, v1  }
0x1d: {  	s7 =	sor.u32 $0x60, s0;
	s5 =	rddreg [dreg:$0x12];
	[tilespmem:$0x1FF00] =	vst v3;
	v3 =	vor.u32 s6, v1  }
0x1e: {  	s23 =	sor.u32 $0x70, s0;
	s6 =	rddreg [dreg:$0xd];
	[tilespmem:$0x1FF10] =	vst v3;
	v3 =	vor.u32 s7, v1  }
0x1f: {  	s24 =	sor.u32 $0x80, s0;
	s7 =	rddreg [dreg:$0x19];
	[tilespmem:$0x1FF20] =	vst v3;
	v3 =	vor.u32 s23, v1  }
0x20: {  	s28 =	sor.u32 $0x90, s0;
	s23 =	rddreg [dreg:$0x16];
	[tilespmem:$0x1FF30] =	vst v3;
	v3 =	vor.u32 s24, v1  }
0x21: {  	s29 =	sor.u32 $0xA0, s0;
	s24 =	rddreg [dreg:$0x17];
	[tilespmem:$0x1FF40] =	vst v3;
	v3 =	vor.u32 s28, v1  }
0x22: {  	s26 =	sor.u32 $0xB0, s0;
	s30 =	sor.u32 $0xC0, s0;
	s28 =	rddreg [dreg:$0x13];
	[tilespmem:$0x1FF50] =	vst v3;
	v3 =	vor.u32 s29, v1  }
0x23: {  	s31 =	sor.u32 $0xD0, s0;
	s11 =	sadd.s32 $0x400, s22;
	s29 =	rddreg [dreg:$0x14];
	[tilespmem:$0x1FF60] =	vst v3;
	v3 =	vor.u32 s26, v1  }
0x24: {  	s12 =	sadd.s32 $0x500, s22;
	s13 =	sadd.s32 $0x600, s22;
	s26 =	rddreg [dreg:$0x18];
	[tilespmem:$0x1FF70] =	vst v3;
	v3 =	vor.u32 s30, v1  }
0x25: {  	s14 =	sadd.s32 $0x700, s22;
	s15 =	sadd.s32 $0x800, s22;
	s30 =	rddreg [dreg:$0x15];
	[tilespmem:$0x1FF80] =	vst v3;
	v3 =	vor.u32 s31, v1  }
0x26: {  	v34 =	vimm.s32 $0x0;
	s16 =	sadd.s32 $0x900, s22;
	s17 =	sadd.s32 $0xA00, s22;
	v22 =	vor.u32 s30, v1;
	s30 =	rddreg [dreg:$0x9];
	[tilespmem:$0x1FF90] =	vst v3;
	v3 =	vor.u32 s7, v1  }
0x27: {  	v35 =	vimm.f32 $-Inf;
	v0 =	vmov s0;
	s9 =	sadd.s32 $0x200, s22;
	s10 =	sadd.s32 $0x300, s22;
	s7 =	rddreg [dreg:$0xe];
	[tilespmem:$0x1FFA0] =	vst v3;
	v3 =	vor.u32 s23, v1  }
0x28: {  	v2 =	vor.u32 s0, v1;
	s19 =	sadd.s32 $0xC00, s22;
	s20 =	sadd.s32 $0xD00, s22;
	v23 =	vor.u32 s2, v1;
	s23 =	rddreg [dreg:$0xf];
	[tilespmem:$0x1FFB0] =	vst v3;
	v3 =	vor.u32 s24, v1  }
.Ltmp0:
0x29: {  	s21 =	sadd.s32 $0xE00, s22;
	v24 =	vor.u32 s4, v1;
	v25 =	vor.u32 s5, v1;
	s24 =	rddreg [dreg:$0xa];
	[tilespmem:$0x1FFC0] =	vst v3;
	v3 =	vor.u32 s26, v1;
	(pc) =	sbr.rel .LBB2_1-.Ltmp0, $4  }
0x2a: {  	s8 =	sadd.s32 $0x100, s22;
	s25 =	smov.u32 s22;
	v26 =	vor.u32 s6, v1;
	v33 =	vor.u32 s30, v1;
	s26 =	rddreg [dreg:$0xb];
	[tilespmem:$0x1FFD0] =	vst v3;
	v3 =	vor.u32 s28, v1  }
0x2b: {  	s3 =	simm.s32 $0x3;
	s2 =	simm.s32 $0x2;
	v27 =	vor.u32 s7, v1;
	v28 =	vor.u32 s23, v1;
	s28 =	rddreg [dreg:$0xc];
	[tilespmem:$0x1FFE0] =	vst v3;
	v3 =	vor.u32 s29, v1  }
0x2c: {  	s18 =	sadd.s32 $0xB00, s22;
	s22 =	sadd.s32 $0xF00, s22;
	v29 =	vor.u32 s24, v1;
	v30 =	vor.u32 s26, v1;
	s29 =	rddreg [dreg:$0x8];
	[tilespmem:$0x1FFF0] =	vst v3;
	v3 =	vand.u32 $0xE0F, v2  }
0x2d: {  	s4 =	simm.s32 $0x0;
	s31 =	simm.s32 $0x1;
	s26 =	simm.s32 $0x0;
	v31 =	vor.u32 s28, v1;
	v32 =	vor.u32 s29, v1;
	vm0 =	veq.s32 v3, $0x0  }
.LBB2_8:
0x2e: {  	s1 =	simm.s32 $0x0;
	s0 =	rddreg [dreg:$0x5];
	s3 =	simm.s32 $0x11400  }
0x2f: {  	[hbm4b:s0+s1] =	stream.linear.scatter [tilespmem:s3], [sflag:$0x3], $0x200, $0x38;
	[tilespmem:$0x11600] =	vst v63  }
0x30: {  	s3 =	simm.s32 $0x3  }
0x31: {  	_ =	swait.ge [sflag:s3], $0x200  }
0x32: {  	s4 =	rddreg [dreg:$0x7]  }
0x33: {  	s30 =	rddreg [dreg:$0x6];
	s4 =	sadd.s32 $0x1, s4  }
0x34: {  	p0 =	sne.s32 s4, s30  }
.Ltmp1:
0x35: {  	_ = 	snop;
	(pc) =	sbr.rel @!p0 .LBB2_9-.Ltmp1, $3  }
0x36: {  	_ =	sdelay $0x1  }
0x37: {  	[sflag:s3] =	ssyncset.done $0x0  }
0x38: {  	[sflag:s3] =	ssyncadd.s32 $0xFFFFFE00  }
.LBB2_1:
0x39: {  	[dreg:$0x7] =	wrdreg s4  }
0x3a: {  	s0 =	rddreg [dreg:$0x4]  }
0x3b: {  	[tilespmem:s1], [sflag:$0x3] =	stream.linear.gather [hbm4b:s0+s1], $0x200, $0x38;
	[tilespmem:$0x11600] =	vst v63  }
0x3c: {  	_ =	swait.ge [sflag:s3], $0x200  }
0x3d: {  	[sflag:s3] =	ssyncset.done $0x0  }
0x3e: {  	[sflag:s3] =	ssyncadd.s32 $0xFFFFFE00  }
0x3f: {  	s7 =	simm.s32 $0x400;
	s6 =	rddreg [dreg:$0x2]  }
0x40: {  	[tilespmem:s7], [sflag:$0x3] =	stream.linear.gather [hbm4b:s6+s1], $0x1000, $0x38;
	[tilespmem:$0x11600] =	vst v63  }
0x41: {  	_ =	swait.ge [sflag:s3], $0x1000  }
0x42: {  	[sflag:s3] =	ssyncset.done $0x0  }
0x43: {  	[sflag:s3] =	ssyncadd.s32 $0xFFFFF000  }
0x44: {  	[tilespmem:$0x11400] =	vst v35  }
0x45: {  	[tilespmem:$0x200] =	vst v34  }
0x46: {  	[tilespmem:$0x11410] =	vst v35  }
0x47: {  	[tilespmem:$0x210] =	vst v34  }
0x48: {  	[tilespmem:$0x11420] =	vst v35  }
0x49: {  	[tilespmem:$0x220] =	vst v34  }
0x4a: {  	[tilespmem:$0x11430] =	vst v35  }
0x4b: {  	[tilespmem:$0x230] =	vst v34  }
0x4c: {  	[tilespmem:$0x11440] =	vst v35  }
0x4d: {  	[tilespmem:$0x240] =	vst v34  }
0x4e: {  	[tilespmem:$0x11450] =	vst v35  }
0x4f: {  	[tilespmem:$0x250] =	vst v34  }
0x50: {  	[tilespmem:$0x11460] =	vst v35  }
0x51: {  	[tilespmem:$0x260] =	vst v34  }
0x52: {  	[tilespmem:$0x11470] =	vst v35  }
0x53: {  	[tilespmem:$0x270] =	vst v34  }
0x54: {  	[tilespmem:$0x11480] =	vst v35  }
0x55: {  	[tilespmem:$0x280] =	vst v34  }
0x56: {  	[tilespmem:$0x11490] =	vst v35  }
0x57: {  	[tilespmem:$0x290] =	vst v34  }
0x58: {  	[tilespmem:$0x114A0] =	vst v35  }
0x59: {  	[tilespmem:$0x2A0] =	vst v34  }
0x5a: {  	[tilespmem:$0x114B0] =	vst v35  }
0x5b: {  	[tilespmem:$0x2B0] =	vst v34  }
0x5c: {  	[tilespmem:$0x114C0] =	vst v35  }
0x5d: {  	[tilespmem:$0x2C0] =	vst v34  }
0x5e: {  	[tilespmem:$0x114D0] =	vst v35  }
0x5f: {  	[tilespmem:$0x2D0] =	vst v34  }
0x60: {  	[tilespmem:$0x114E0] =	vst v35  }
0x61: {  	[tilespmem:$0x2E0] =	vst v34  }
0x62: {  	[tilespmem:$0x114F0] =	vst v35  }
0x63: {  	[tilespmem:$0x2F0] =	vst v34  }
0x64: {  	[tilespmem:$0x11500] =	vst v35  }
0x65: {  	[tilespmem:$0x300] =	vst v34  }
0x66: {  	[tilespmem:$0x11510] =	vst v35  }
0x67: {  	[tilespmem:$0x310] =	vst v34  }
0x68: {  	[tilespmem:$0x11520] =	vst v35  }
0x69: {  	[tilespmem:$0x320] =	vst v34  }
0x6a: {  	[tilespmem:$0x11530] =	vst v35  }
0x6b: {  	[tilespmem:$0x330] =	vst v34  }
0x6c: {  	[tilespmem:$0x11540] =	vst v35  }
0x6d: {  	[tilespmem:$0x340] =	vst v34  }
0x6e: {  	[tilespmem:$0x11550] =	vst v35  }
0x6f: {  	[tilespmem:$0x350] =	vst v34  }
0x70: {  	[tilespmem:$0x11560] =	vst v35;
	v3 =	vld [tilespmem:$0x0]  }
0x71: {  	[tilespmem:$0x360] =	vst v34  }
0x72: {  	[tilespmem:$0x11570] =	vst v35  }
0x73: {  	[tilespmem:$0x370] =	vst v34  }
0x74: {  	[tilespmem:$0x11580] =	vst v35  }
0x75: {  	[tilespmem:$0x380] =	vst v34;
	vm1 =	vne.s32 v3, $0x0  }
0x76: {  	[tilespmem:$0x11590] =	vst v35;
	vm1 =	vmor vm0, vm1  }
0x77: {  	[tilespmem:$0x390] =	vst v34;
	v3 =	vsel vm1, $0x1, v34  }
0x78: {  	[tilespmem:$0x115A0] =	vst v35;
	(xrf0) =	vadd.scan.msk.s32 $0xffff, v3  }
0x79: {  	[tilespmem:$0x3A0] =	vst v34  }
0x7a: {  	[tilespmem:$0x115B0] =	vst v35  }
0x7b: {  	[tilespmem:$0x3B0] =	vst v34  }
0x7c: {  	[tilespmem:$0x115C0] =	vst v35  }
0x7d: {  	[tilespmem:$0x3C0] =	vst v34  }
0x7e: {  	[tilespmem:$0x115D0] =	vst v35;
	v3, _, _ =	vpop (xrf0)  }
0x7f: {  	[tilespmem:$0x3D0] =	vst v34;
	v4 =	vadd.s32 $0xFFFFFFFF, v3  }
0x80: {  	[tilespmem:$0x115E0] =	vst v35;
	v3 =	vxor.u32 $0x80000000, v3  }
0x81: {  	[tilespmem:$0x3E0] =	vst v34;
	(xrf0) =	vmax.scan.msk.u32 $0xffff, v3  }
0x82: {  	[tilespmem:$0x115F0] =	vst v35  }
0x83: {  	s0 =	simm.s32 $0x200;
	[tilespmem:$0x3F0] =	vst v34  }
0x84: {  	[tilespmem:v4+s0+$0x0] =	vst.idx.msk vm1, v2  }
0x85: {  	v3 =	vld [tilespmem:$0x10];
	_ =	sdelay $0x1  }
0x86: {  	v55, _, _ =	vpop (xrf0)  }
0x87: {  	(v2sf) =	vpush v55, $0xF;
	_ =	sdelay $0x1  }
0x88: {  	vm1 =	vne.s32 v3, $0x0  }
0x89: {  	v3 =	vsel vm1, $0x1, v34  }
0x8a: {  	(xrf0) =	vadd.scan.msk.s32 $0xffff, v3;
	_ =	sdelay $0x5  }
0x8b: {  	v3, _, _ =	vpop (xrf0)  }
0x8c: {  	v56 =	vxor.u32 $0x80000000, v3  }
0x8d: {  	(xrf0) =	vmax.scan.msk.u32 $0xffff, v56;
	_ =	sdelay $0x2  }
0x8e: {  	s23 =	spop (v2sf)  }
0x8f: {  	s3 =	sxor.u32 $0x80000000, s23  }
0x90: {  	v57 =	vmov s3  }
0x91: {  	v4 =	vadd.s32 $0xFFFFFFFF, v57;
	v5, _, _ =	vpop (xrf0)  }
0x92: {  	v4 =	vbroadcast v4, $0x0;
	(v2sf) =	vpush v5, $0xF;
	_ =	sdelay $0x1  }
0x93: {  	v58 =	vld [tilespmem:$0x1FED0];
	v3 =	vadd.s32 v3, v4;
	_ =	sdelay $0x4  }
0x94: {  	[tilespmem:v3+s0+$0x0] =	vst.idx.msk vm1, v58  }
0x95: {  	v3 =	vld [tilespmem:$0x20];
	_ =	sdelay $0x4  }
0x96: {  	vm1 =	vne.s32 v3, $0x0  }
0x97: {  	v3 =	vsel vm1, $0x1, v34  }
0x98: {  	(xrf0) =	vadd.scan.msk.s32 $0xffff, v3;
	s24 =	spop (v2sf)  }
0x99: {  	s3 =	sadd.s32 s24, s3  }
0x9a: {  	s3 =	sadd.s32 $0x80000000, s3  }
0x9b: {  	v3 =	vmov s3  }
0x9c: {  	v3 =	vadd.s32 $0xFFFFFFFF, v3  }
0x9d: {  	v3 =	vbroadcast v3, $0x0  }
0x9e: {  	v59, _, _ =	vpop (xrf0)  }
0x9f: {  	v60 =	vld [tilespmem:$0x1FEE0];
	v4 =	vxor.u32 $0x80000000, v59;
	v3 =	vadd.s32 v59, v3  }
0xa0: {  	(xrf0) =	vmax.scan.msk.u32 $0xffff, v4;
	_ =	sdelay $0x3  }
0xa1: {  	[tilespmem:v3+s0+$0x0] =	vst.idx.msk vm1, v60  }
0xa2: {  	v3 =	vld [tilespmem:$0x30]  }
0xa3: {  	v61, _, _ =	vpop (xrf0)  }
0xa4: {  	(v2sf) =	vpush v61, $0xF;
	_ =	sdelay $0x2  }
0xa5: {  	vm1 =	vne.s32 v3, $0x0  }
0xa6: {  	v3 =	vsel vm1, $0x1, v34  }
0xa7: {  	(xrf0) =	vadd.scan.msk.s32 $0xffff, v3;
	_ =	sdelay $0x5  }
0xa8: {  	v3, _, _ =	vpop (xrf0)  }
0xa9: {  	v62 =	vxor.u32 $0x80000000, v3  }
0xaa: {  	(xrf0) =	vmax.scan.msk.u32 $0xffff, v62;
	_ =	sdelay $0x1  }
0xab: {  	s28 =	spop (v2sf)  }
0xac: {  	s3 =	sadd.s32 s28, s3  }
0xad: {  	s3 =	sadd.s32 $0x80000000, s3  }
0xae: {  	v63 =	vmov s3  }
0xaf: {  	v4 =	vadd.s32 $0xFFFFFFFF, v63;
	v8, _, _ =	vpop (xrf0)  }
0xb0: {  	v4 =	vbroadcast v4, $0x0;
	(v2sf) =	vpush v8, $0xF;
	_ =	sdelay $0x1  }
0xb1: {  	v9 =	vld [tilespmem:$0x1FEF0];
	v3 =	vadd.s32 v3, v4;
	_ =	sdelay $0x4  }
0xb2: {  	[tilespmem:v3+s0+$0x0] =	vst.idx.msk vm1, v9  }
0xb3: {  	v3 =	vld [tilespmem:$0x40];
	_ =	sdelay $0x4  }
0xb4: {  	vm1 =	vne.s32 v3, $0x0  }
0xb5: {  	v3 =	vsel vm1, $0x1, v34  }
0xb6: {  	(xrf0) =	vadd.scan.msk.s32 $0xffff, v3;
	s29 =	spop (v2sf)  }
0xb7: {  	s3 =	sadd.s32 s29, s3  }
0xb8: {  	s3 =	sadd.s32 $0x80000000, s3  }
0xb9: {  	v3 =	vmov s3  }
0xba: {  	v3 =	vadd.s32 $0xFFFFFFFF, v3  }
0xbb: {  	v3 =	vbroadcast v3, $0x0  }
0xbc: {  	v10, _, _ =	vpop (xrf0)  }
0xbd: {  	v11 =	vld [tilespmem:$0x1FF00];
	v4 =	vxor.u32 $0x80000000, v10;
	v3 =	vadd.s32 v10, v3  }
0xbe: {  	(xrf0) =	vmax.scan.msk.u32 $0xffff, v4;
	_ =	sdelay $0x3  }
0xbf: {  	[tilespmem:v3+s0+$0x0] =	vst.idx.msk vm1, v11  }
0xc0: {  	v3 =	vld [tilespmem:$0x50]  }
0xc1: {  	v12, _, _ =	vpop (xrf0)  }
0xc2: {  	(v2sf) =	vpush v12, $0xF;
	_ =	sdelay $0x2  }
0xc3: {  	vm1 =	vne.s32 v3, $0x0  }
0xc4: {  	v3 =	vsel vm1, $0x1, v34  }
0xc5: {  	(xrf0) =	vadd.scan.msk.s32 $0xffff, v3;
	_ =	sdelay $0x5  }
0xc6: {  	v3, _, _ =	vpop (xrf0)  }
0xc7: {  	v13 =	vxor.u32 $0x80000000, v3  }
0xc8: {  	(xrf0) =	vmax.scan.msk.u32 $0xffff, v13;
	_ =	sdelay $0x1  }
0xc9: {  	s30 =	spop (v2sf)  }
0xca: {  	s3 =	sadd.s32 s30, s3  }
0xcb: {  	s3 =	sadd.s32 $0x80000000, s3  }
0xcc: {  	v14 =	vmov s3  }
0xcd: {  	v4 =	vadd.s32 $0xFFFFFFFF, v14;
	v15, _, _ =	vpop (xrf0)  }
0xce: {  	v4 =	vbroadcast v4, $0x0;
	(v2sf) =	vpush v15, $0xF;
	_ =	sdelay $0x1  }
0xcf: {  	v16 =	vld [tilespmem:$0x1FF10];
	v3 =	vadd.s32 v3, v4;
	_ =	sdelay $0x4  }
0xd0: {  	[tilespmem:v3+s0+$0x0] =	vst.idx.msk vm1, v16  }
0xd1: {  	v3 =	vld [tilespmem:$0x60];
	_ =	sdelay $0x4  }
0xd2: {  	vm1 =	vne.s32 v3, $0x0  }
0xd3: {  	v3 =	vsel vm1, $0x1, v34  }
0xd4: {  	(xrf0) =	vadd.scan.msk.s32 $0xffff, v3;
	s1 =	spop (v2sf)  }
0xd5: {  	s3 =	sadd.s32 s1, s3  }
0xd6: {  	s3 =	sadd.s32 $0x80000000, s3  }
0xd7: {  	v3 =	vmov s3  }
0xd8: {  	v3 =	vadd.s32 $0xFFFFFFFF, v3  }
0xd9: {  	v3 =	vbroadcast v3, $0x0  }
0xda: {  	v17, _, _ =	vpop (xrf0)  }
0xdb: {  	v18 =	vld [tilespmem:$0x1FF20];
	v4 =	vxor.u32 $0x80000000, v17;
	v3 =	vadd.s32 v17, v3  }
0xdc: {  	(xrf0) =	vmax.scan.msk.u32 $0xffff, v4;
	_ =	sdelay $0x3  }
0xdd: {  	[tilespmem:v3+s0+$0x0] =	vst.idx.msk vm1, v18  }
0xde: {  	v3 =	vld [tilespmem:$0x70]  }
0xdf: {  	v19, _, _ =	vpop (xrf0)  }
0xe0: {  	(v2sf) =	vpush v19, $0xF;
	_ =	sdelay $0x2  }
0xe1: {  	vm1 =	vne.s32 v3, $0x0  }
0xe2: {  	v3 =	vsel vm1, $0x1, v34  }
0xe3: {  	(xrf0) =	vadd.scan.msk.s32 $0xffff, v3;
	_ =	sdelay $0x5  }
0xe4: {  	v3, _, _ =	vpop (xrf0)  }
0xe5: {  	v36 =	vxor.u32 $0x80000000, v3  }
0xe6: {  	(xrf0) =	vmax.scan.msk.u32 $0xffff, v36;
	_ =	sdelay $0x1  }
0xe7: {  	s5 =	spop (v2sf)  }
0xe8: {  	s3 =	sadd.s32 s5, s3  }
0xe9: {  	s3 =	sadd.s32 $0x80000000, s3  }
0xea: {  	v37 =	vmov s3  }
0xeb: {  	v4 =	vadd.s32 $0xFFFFFFFF, v37;
	v38, _, _ =	vpop (xrf0)  }
0xec: {  	v4 =	vbroadcast v4, $0x0;
	(v2sf) =	vpush v38, $0xF;
	_ =	sdelay $0x1  }
0xed: {  	v39 =	vld [tilespmem:$0x1FF30];
	v3 =	vadd.s32 v3, v4;
	_ =	sdelay $0x4  }
0xee: {  	[tilespmem:v3+s0+$0x0] =	vst.idx.msk vm1, v39  }
0xef: {  	v3 =	vld [tilespmem:$0x80];
	_ =	sdelay $0x4  }
0xf0: {  	vm1 =	vne.s32 v3, $0x0  }
0xf1: {  	v3 =	vsel vm1, $0x1, v34  }
0xf2: {  	(xrf0) =	vadd.scan.msk.s32 $0xffff, v3;
	s6 =	spop (v2sf)  }
0xf3: {  	s3 =	sadd.s32 s6, s3  }
0xf4: {  	s3 =	sadd.s32 $0x80000000, s3  }
0xf5: {  	v3 =	vmov s3  }
0xf6: {  	v3 =	vadd.s32 $0xFFFFFFFF, v3  }
0xf7: {  	v3 =	vbroadcast v3, $0x0  }
0xf8: {  	v40, _, _ =	vpop (xrf0)  }
0xf9: {  	v41 =	vld [tilespmem:$0x1FF40];
	v4 =	vxor.u32 $0x80000000, v40;
	v3 =	vadd.s32 v40, v3  }
0xfa: {  	(xrf0) =	vmax.scan.msk.u32 $0xffff, v4;
	_ =	sdelay $0x3  }
0xfb: {  	[tilespmem:v3+s0+$0x0] =	vst.idx.msk vm1, v41  }
0xfc: {  	v3 =	vld [tilespmem:$0x90]  }
0xfd: {  	v42, _, _ =	vpop (xrf0)  }
0xfe: {  	(v2sf) =	vpush v42, $0xF;
	_ =	sdelay $0x2  }
0xff: {  	vm1 =	vne.s32 v3, $0x0  }
0x100: {  	v3 =	vsel vm1, $0x1, v34  }
0x101: {  	(xrf0) =	vadd.scan.msk.s32 $0xffff, v3;
	_ =	sdelay $0x5  }
0x102: {  	v3, _, _ =	vpop (xrf0)  }
0x103: {  	v43 =	vxor.u32 $0x80000000, v3  }
0x104: {  	(xrf0) =	vmax.scan.msk.u32 $0xffff, v43;
	_ =	sdelay $0x1  }
0x105: {  	s7 =	spop (v2sf)  }
0x106: {  	s3 =	sadd.s32 s7, s3  }
0x107: {  	s3 =	sadd.s32 $0x80000000, s3  }
0x108: {  	v44 =	vmov s3  }
0x109: {  	v4 =	vadd.s32 $0xFFFFFFFF, v44;
	v45, _, _ =	vpop (xrf0)  }
0x10a: {  	v4 =	vbroadcast v4, $0x0;
	(v2sf) =	vpush v45, $0xF;
	_ =	sdelay $0x1  }
0x10b: {  	v46 =	vld [tilespmem:$0x1FF50];
	v3 =	vadd.s32 v3, v4;
	_ =	sdelay $0x4  }
0x10c: {  	[tilespmem:v3+s0+$0x0] =	vst.idx.msk vm1, v46  }
0x10d: {  	v3 =	vld [tilespmem:$0xA0];
	_ =	sdelay $0x4  }
0x10e: {  	vm1 =	vne.s32 v3, $0x0  }
0x10f: {  	v3 =	vsel vm1, $0x1, v34  }
0x110: {  	(xrf0) =	vadd.scan.msk.s32 $0xffff, v3;
	s23 =	spop (v2sf)  }
0x111: {  	s3 =	sadd.s32 s23, s3  }
0x112: {  	s3 =	sadd.s32 $0x80000000, s3  }
0x113: {  	v3 =	vmov s3  }
0x114: {  	v3 =	vadd.s32 $0xFFFFFFFF, v3  }
0x115: {  	v3 =	vbroadcast v3, $0x0  }
0x116: {  	v47, _, _ =	vpop (xrf0)  }
0x117: {  	v48 =	vld [tilespmem:$0x1FF60];
	v4 =	vxor.u32 $0x80000000, v47;
	v3 =	vadd.s32 v47, v3  }
0x118: {  	(xrf0) =	vmax.scan.msk.u32 $0xffff, v4;
	_ =	sdelay $0x3  }
0x119: {  	[tilespmem:v3+s0+$0x0] =	vst.idx.msk vm1, v48  }
0x11a: {  	v3 =	vld [tilespmem:$0xB0]  }
0x11b: {  	v49, _, _ =	vpop (xrf0)  }
0x11c: {  	(v2sf) =	vpush v49, $0xF;
	_ =	sdelay $0x2  }
0x11d: {  	vm1 =	vne.s32 v3, $0x0  }
0x11e: {  	v3 =	vsel vm1, $0x1, v34  }
0x11f: {  	(xrf0) =	vadd.scan.msk.s32 $0xffff, v3;
	_ =	sdelay $0x5  }
0x120: {  	v3, _, _ =	vpop (xrf0)  }
0x121: {  	v50 =	vxor.u32 $0x80000000, v3  }
0x122: {  	(xrf0) =	vmax.scan.msk.u32 $0xffff, v50;
	_ =	sdelay $0x1  }
0x123: {  	s24 =	spop (v2sf)  }
0x124: {  	s3 =	sadd.s32 s24, s3  }
0x125: {  	s3 =	sadd.s32 $0x80000000, s3  }
0x126: {  	v51 =	vmov s3  }
0x127: {  	v4 =	vadd.s32 $0xFFFFFFFF, v51;
	v52, _, _ =	vpop (xrf0)  }
0x128: {  	v4 =	vbroadcast v4, $0x0;
	(v2sf) =	vpush v52, $0xF;
	_ =	sdelay $0x1  }
0x129: {  	v53 =	vld [tilespmem:$0x1FF70];
	v3 =	vadd.s32 v3, v4;
	_ =	sdelay $0x4  }
0x12a: {  	[tilespmem:v3+s0+$0x0] =	vst.idx.msk vm1, v53  }
0x12b: {  	v3 =	vld [tilespmem:$0xC0];
	_ =	sdelay $0x4  }
0x12c: {  	vm1 =	vne.s32 v3, $0x0  }
0x12d: {  	v3 =	vsel vm1, $0x1, v34  }
0x12e: {  	(xrf0) =	vadd.scan.msk.s32 $0xffff, v3;
	s28 =	spop (v2sf)  }
0x12f: {  	s3 =	sadd.s32 s28, s3  }
0x130: {  	s3 =	sadd.s32 $0x80000000, s3  }
0x131: {  	v3 =	vmov s3  }
0x132: {  	v3 =	vadd.s32 $0xFFFFFFFF, v3  }
0x133: {  	v3 =	vbroadcast v3, $0x0  }
0x134: {  	v54, _, _ =	vpop (xrf0)  }
0x135: {  	v55 =	vld [tilespmem:$0x1FF80];
	v4 =	vxor.u32 $0x80000000, v54;
	v3 =	vadd.s32 v54, v3  }
0x136: {  	(xrf0) =	vmax.scan.msk.u32 $0xffff, v4;
	_ =	sdelay $0x3  }
0x137: {  	[tilespmem:v3+s0+$0x0] =	vst.idx.msk vm1, v55  }
0x138: {  	v3 =	vld [tilespmem:$0xD0]  }
0x139: {  	v56, _, _ =	vpop (xrf0)  }
0x13a: {  	(v2sf) =	vpush v56, $0xF;
	_ =	sdelay $0x2  }
0x13b: {  	vm1 =	vne.s32 v3, $0x0  }
0x13c: {  	v3 =	vsel vm1, $0x1, v34  }
0x13d: {  	(xrf0) =	vadd.scan.msk.s32 $0xffff, v3;
	_ =	sdelay $0x5  }
0x13e: {  	v3, _, _ =	vpop (xrf0)  }
0x13f: {  	v57 =	vxor.u32 $0x80000000, v3  }
0x140: {  	(xrf0) =	vmax.scan.msk.u32 $0xffff, v57;
	_ =	sdelay $0x1  }
0x141: {  	s29 =	spop (v2sf)  }
0x142: {  	s3 =	sadd.s32 s29, s3  }
0x143: {  	s3 =	sadd.s32 $0x80000000, s3  }
0x144: {  	v58 =	vmov s3  }
0x145: {  	v4 =	vadd.s32 $0xFFFFFFFF, v58;
	v59, _, _ =	vpop (xrf0)  }
0x146: {  	v4 =	vbroadcast v4, $0x0;
	(v2sf) =	vpush v59, $0xF;
	_ =	sdelay $0x1  }
0x147: {  	v60 =	vld [tilespmem:$0x1FF90];
	v3 =	vadd.s32 v3, v4;
	_ =	sdelay $0x4  }
0x148: {  	[tilespmem:v3+s0+$0x0] =	vst.idx.msk vm1, v60  }
0x149: {  	v3 =	vld [tilespmem:$0xE0];
	_ =	sdelay $0x4  }
0x14a: {  	vm1 =	vne.s32 v3, $0x0  }
0x14b: {  	v3 =	vsel vm1, $0x1, v34  }
0x14c: {  	(xrf0) =	vadd.scan.msk.s32 $0xffff, v3;
	s30 =	spop (v2sf)  }
0x14d: {  	s3 =	sadd.s32 s30, s3  }
0x14e: {  	s3 =	sadd.s32 $0x80000000, s3  }
0x14f: {  	v3 =	vmov s3  }
0x150: {  	v3 =	vadd.s32 $0xFFFFFFFF, v3  }
0x151: {  	v3 =	vbroadcast v3, $0x0  }
0x152: {  	v61, _, _ =	vpop (xrf0)  }
0x153: {  	v62 =	vld [tilespmem:$0x1FFA0];
	v4 =	vxor.u32 $0x80000000, v61;
	v3 =	vadd.s32 v61, v3  }
0x154: {  	(xrf0) =	vmax.scan.msk.u32 $0xffff, v4;
	_ =	sdelay $0x3  }
0x155: {  	[tilespmem:v3+s0+$0x0] =	vst.idx.msk vm1, v62  }
0x156: {  	v3 =	vld [tilespmem:$0xF0]  }
0x157: {  	v63, _, _ =	vpop (xrf0)  }
0x158: {  	(v2sf) =	vpush v63, $0xF;
	_ =	sdelay $0x2  }
0x159: {  	vm1 =	vne.s32 v3, $0x0  }
0x15a: {  	v3 =	vsel vm1, $0x1, v34  }
0x15b: {  	(xrf0) =	vadd.scan.msk.s32 $0xffff, v3;
	_ =	sdelay $0x5  }
0x15c: {  	v3, _, _ =	vpop (xrf0)  }
0x15d: {  	v8 =	vxor.u32 $0x80000000, v3  }
0x15e: {  	(xrf0) =	vmax.scan.msk.u32 $0xffff, v8;
	_ =	sdelay $0x1  }
0x15f: {  	s1 =	spop (v2sf)  }
0x160: {  	s3 =	sadd.s32 s1, s3  }
0x161: {  	s3 =	sadd.s32 $0x80000000, s3  }
0x162: {  	v9 =	vmov s3  }
0x163: {  	v4 =	vadd.s32 $0xFFFFFFFF, v9;
	v10, _, _ =	vpop (xrf0)  }
0x164: {  	v4 =	vbroadcast v4, $0x0;
	(v2sf) =	vpush v10, $0xF;
	_ =	sdelay $0x1  }
0x165: {  	v11 =	vld [tilespmem:$0x1FFB0];
	v3 =	vadd.s32 v3, v4;
	_ =	sdelay $0x4  }
0x166: {  	[tilespmem:v3+s0+$0x0] =	vst.idx.msk vm1, v11  }
0x167: {  	v3 =	vld [tilespmem:$0x100];
	_ =	sdelay $0x4  }
0x168: {  	vm1 =	vne.s32 v3, $0x0  }
0x169: {  	v3 =	vsel vm1, $0x1, v34  }
0x16a: {  	(xrf0) =	vadd.scan.msk.s32 $0xffff, v3;
	s5 =	spop (v2sf)  }
0x16b: {  	s3 =	sadd.s32 s5, s3  }
0x16c: {  	s3 =	sadd.s32 $0x80000000, s3  }
0x16d: {  	v3 =	vmov s3  }
0x16e: {  	v3 =	vadd.s32 $0xFFFFFFFF, v3  }
0x16f: {  	v3 =	vbroadcast v3, $0x0  }
0x170: {  	v12, _, _ =	vpop (xrf0)  }
0x171: {  	v13 =	vld [tilespmem:$0x1FFC0];
	v4 =	vxor.u32 $0x80000000, v12;
	v3 =	vadd.s32 v12, v3  }
0x172: {  	(xrf0) =	vmax.scan.msk.u32 $0xffff, v4;
	_ =	sdelay $0x3  }
0x173: {  	[tilespmem:v3+s0+$0x0] =	vst.idx.msk vm1, v13  }
0x174: {  	v3 =	vld [tilespmem:$0x110]  }
0x175: {  	v14, _, _ =	vpop (xrf0)  }
0x176: {  	(v2sf) =	vpush v14, $0xF;
	_ =	sdelay $0x2  }
0x177: {  	vm1 =	vne.s32 v3, $0x0  }
0x178: {  	v3 =	vsel vm1, $0x1, v34  }
0x179: {  	(xrf0) =	vadd.scan.msk.s32 $0xffff, v3;
	_ =	sdelay $0x5  }
0x17a: {  	v3, _, _ =	vpop (xrf0)  }
0x17b: {  	v15 =	vxor.u32 $0x80000000, v3  }
0x17c: {  	(xrf0) =	vmax.scan.msk.u32 $0xffff, v15;
	_ =	sdelay $0x1  }
0x17d: {  	s6 =	spop (v2sf)  }
0x17e: {  	s3 =	sadd.s32 s6, s3  }
0x17f: {  	s3 =	sadd.s32 $0x80000000, s3  }
0x180: {  	v16 =	vmov s3  }
0x181: {  	v4 =	vadd.s32 $0xFFFFFFFF, v16;
	v17, _, _ =	vpop (xrf0)  }
0x182: {  	v4 =	vbroadcast v4, $0x0;
	(v2sf) =	vpush v17, $0xF;
	_ =	sdelay $0x1  }
0x183: {  	v18 =	vld [tilespmem:$0x1FFD0];
	v3 =	vadd.s32 v3, v4;
	_ =	sdelay $0x4  }
0x184: {  	[tilespmem:v3+s0+$0x0] =	vst.idx.msk vm1, v18  }
0x185: {  	v3 =	vld [tilespmem:$0x120];
	_ =	sdelay $0x4  }
0x186: {  	vm1 =	vne.s32 v3, $0x0  }
0x187: {  	v3 =	vsel vm1, $0x1, v34  }
0x188: {  	(xrf0) =	vadd.scan.msk.s32 $0xffff, v3;
	s7 =	spop (v2sf)  }
0x189: {  	s3 =	sadd.s32 s7, s3  }
0x18a: {  	s3 =	sadd.s32 $0x80000000, s3  }
0x18b: {  	v3 =	vmov s3  }
0x18c: {  	v3 =	vadd.s32 $0xFFFFFFFF, v3  }
0x18d: {  	v3 =	vbroadcast v3, $0x0  }
0x18e: {  	v19, _, _ =	vpop (xrf0)  }
0x18f: {  	v36 =	vld [tilespmem:$0x1FFE0];
	v4 =	vxor.u32 $0x80000000, v19;
	v3 =	vadd.s32 v19, v3  }
0x190: {  	(xrf0) =	vmax.scan.msk.u32 $0xffff, v4;
	_ =	sdelay $0x3  }
0x191: {  	[tilespmem:v3+s0+$0x0] =	vst.idx.msk vm1, v36  }
0x192: {  	v3 =	vld [tilespmem:$0x130]  }
0x193: {  	v37, _, _ =	vpop (xrf0)  }
0x194: {  	(v2sf) =	vpush v37, $0xF;
	_ =	sdelay $0x2  }
0x195: {  	vm1 =	vne.s32 v3, $0x0  }
0x196: {  	v3 =	vsel vm1, $0x1, v34  }
0x197: {  	(xrf0) =	vadd.scan.msk.s32 $0xffff, v3;
	_ =	sdelay $0x5  }
0x198: {  	v3, _, _ =	vpop (xrf0)  }
0x199: {  	v38 =	vxor.u32 $0x80000000, v3  }
0x19a: {  	(xrf0) =	vmax.scan.msk.u32 $0xffff, v38;
	_ =	sdelay $0x1  }
0x19b: {  	s23 =	spop (v2sf)  }
0x19c: {  	s3 =	sadd.s32 s23, s3  }
0x19d: {  	s3 =	sadd.s32 $0x80000000, s3  }
0x19e: {  	v39 =	vmov s3  }
0x19f: {  	v4 =	vadd.s32 $0xFFFFFFFF, v39;
	v40, _, _ =	vpop (xrf0)  }
0x1a0: {  	v4 =	vbroadcast v4, $0x0;
	(v2sf) =	vpush v40, $0xF;
	_ =	sdelay $0x1  }
0x1a1: {  	v41 =	vld [tilespmem:$0x1FFF0];
	v3 =	vadd.s32 v3, v4;
	_ =	sdelay $0x4  }
0x1a2: {  	[tilespmem:v3+s0+$0x0] =	vst.idx.msk vm1, v41  }
0x1a3: {  	v3 =	vld [tilespmem:$0x140];
	_ =	sdelay $0x4  }
0x1a4: {  	vm1 =	vne.s32 v3, $0x0  }
0x1a5: {  	v3 =	vsel vm1, $0x1, v34  }
0x1a6: {  	(xrf0) =	vadd.scan.msk.s32 $0xffff, v3;
	s24 =	spop (v2sf)  }
0x1a7: {  	s3 =	sadd.s32 s24, s3  }
0x1a8: {  	s3 =	sadd.s32 $0x80000000, s3  }
0x1a9: {  	v3 =	vmov s3  }
0x1aa: {  	v3 =	vadd.s32 $0xFFFFFFFF, v3  }
0x1ab: {  	v3 =	vbroadcast v3, $0x0  }
0x1ac: {  	v42, _, _ =	vpop (xrf0)  }
0x1ad: {  	v4 =	vxor.u32 $0x80000000, v42;
	v3 =	vadd.s32 v42, v3  }
0x1ae: {  	(xrf0) =	vmax.scan.msk.u32 $0xffff, v4;
	_ =	sdelay $0x3  }
0x1af: {  	[tilespmem:v3+s0+$0x0] =	vst.idx.msk vm1, v22  }
0x1b0: {  	v3 =	vld [tilespmem:$0x150]  }
0x1b1: {  	v4, _, _ =	vpop (xrf0)  }
0x1b2: {  	(v2sf) =	vpush v4, $0xF;
	_ =	sdelay $0x2  }
0x1b3: {  	vm1 =	vne.s32 v3, $0x0  }
0x1b4: {  	v3 =	vsel vm1, $0x1, v34  }
0x1b5: {  	(xrf0) =	vadd.scan.msk.s32 $0xffff, v3;
	_ =	sdelay $0x5  }
0x1b6: {  	v3, _, _ =	vpop (xrf0)  }
0x1b7: {  	v43 =	vxor.u32 $0x80000000, v3  }
0x1b8: {  	(xrf0) =	vmax.scan.msk.u32 $0xffff, v43;
	_ =	sdelay $0x1  }
0x1b9: {  	s28 =	spop (v2sf)  }
0x1ba: {  	s3 =	sadd.s32 s28, s3  }
0x1bb: {  	s3 =	sadd.s32 $0x80000000, s3  }
0x1bc: {  	v44 =	vmov s3  }
0x1bd: {  	v4 =	vadd.s32 $0xFFFFFFFF, v44;
	v45, _, _ =	vpop (xrf0)  }
0x1be: {  	v4 =	vbroadcast v4, $0x0;
	(v2sf) =	vpush v45, $0xF;
	_ =	sdelay $0x1  }
0x1bf: {  	v3 =	vadd.s32 v3, v4;
	_ =	sdelay $0x4  }
0x1c0: {  	[tilespmem:v3+s0+$0x0] =	vst.idx.msk vm1, v23  }
0x1c1: {  	v3 =	vld [tilespmem:$0x160];
	_ =	sdelay $0x4  }
0x1c2: {  	vm1 =	vne.s32 v3, $0x0  }
0x1c3: {  	v3 =	vsel vm1, $0x1, v34  }
0x1c4: {  	(xrf0) =	vadd.scan.msk.s32 $0xffff, v3;
	s29 =	spop (v2sf)  }
0x1c5: {  	s3 =	sadd.s32 s29, s3  }
0x1c6: {  	s3 =	sadd.s32 $0x80000000, s3  }
0x1c7: {  	v3 =	vmov s3  }
0x1c8: {  	v3 =	vadd.s32 $0xFFFFFFFF, v3  }
0x1c9: {  	v3 =	vbroadcast v3, $0x0  }
0x1ca: {  	v46, _, _ =	vpop (xrf0)  }
0x1cb: {  	v4 =	vxor.u32 $0x80000000, v46;
	v3 =	vadd.s32 v46, v3  }
0x1cc: {  	(xrf0) =	vmax.scan.msk.u32 $0xffff, v4;
	_ =	sdelay $0x3  }
0x1cd: {  	[tilespmem:v3+s0+$0x0] =	vst.idx.msk vm1, v24  }
0x1ce: {  	v3 =	vld [tilespmem:$0x170]  }
0x1cf: {  	v4, _, _ =	vpop (xrf0)  }
0x1d0: {  	(v2sf) =	vpush v4, $0xF;
	_ =	sdelay $0x2  }
0x1d1: {  	vm1 =	vne.s32 v3, $0x0  }
0x1d2: {  	v3 =	vsel vm1, $0x1, v34  }
0x1d3: {  	(xrf0) =	vadd.scan.msk.s32 $0xffff, v3;
	_ =	sdelay $0x5  }
0x1d4: {  	v3, _, _ =	vpop (xrf0)  }
0x1d5: {  	v47 =	vxor.u32 $0x80000000, v3  }
0x1d6: {  	(xrf0) =	vmax.scan.msk.u32 $0xffff, v47;
	_ =	sdelay $0x1  }
0x1d7: {  	s30 =	spop (v2sf)  }
0x1d8: {  	s3 =	sadd.s32 s30, s3  }
0x1d9: {  	s3 =	sadd.s32 $0x80000000, s3  }
0x1da: {  	v48 =	vmov s3  }
0x1db: {  	v4 =	vadd.s32 $0xFFFFFFFF, v48;
	v49, _, _ =	vpop (xrf0)  }
0x1dc: {  	v4 =	vbroadcast v4, $0x0;
	(v2sf) =	vpush v49, $0xF;
	_ =	sdelay $0x1  }
0x1dd: {  	v3 =	vadd.s32 v3, v4;
	_ =	sdelay $0x4  }
0x1de: {  	[tilespmem:v3+s0+$0x0] =	vst.idx.msk vm1, v25  }
0x1df: {  	v3 =	vld [tilespmem:$0x180];
	_ =	sdelay $0x4  }
0x1e0: {  	vm1 =	vne.s32 v3, $0x0  }
0x1e1: {  	v3 =	vsel vm1, $0x1, v34  }
0x1e2: {  	(xrf0) =	vadd.scan.msk.s32 $0xffff, v3;
	s1 =	spop (v2sf)  }
0x1e3: {  	s3 =	sadd.s32 s1, s3  }
0x1e4: {  	s3 =	sadd.s32 $0x80000000, s3  }
0x1e5: {  	v3 =	vmov s3  }
0x1e6: {  	v3 =	vadd.s32 $0xFFFFFFFF, v3  }
0x1e7: {  	v3 =	vbroadcast v3, $0x0  }
0x1e8: {  	v50, _, _ =	vpop (xrf0)  }
0x1e9: {  	v4 =	vxor.u32 $0x80000000, v50;
	v3 =	vadd.s32 v50, v3  }
0x1ea: {  	(xrf0) =	vmax.scan.msk.u32 $0xffff, v4;
	_ =	sdelay $0x3  }
0x1eb: {  	[tilespmem:v3+s0+$0x0] =	vst.idx.msk vm1, v26  }
0x1ec: {  	v3 =	vld [tilespmem:$0x190]  }
0x1ed: {  	v4, _, _ =	vpop (xrf0)  }
0x1ee: {  	(v2sf) =	vpush v4, $0xF;
	_ =	sdelay $0x2  }
0x1ef: {  	vm1 =	vne.s32 v3, $0x0  }
0x1f0: {  	v3 =	vsel vm1, $0x1, v34  }
0x1f1: {  	(xrf0) =	vadd.scan.msk.s32 $0xffff, v3;
	_ =	sdelay $0x5  }
0x1f2: {  	v3, _, _ =	vpop (xrf0)  }
0x1f3: {  	v51 =	vxor.u32 $0x80000000, v3  }
0x1f4: {  	(xrf0) =	vmax.scan.msk.u32 $0xffff, v51;
	_ =	sdelay $0x1  }
0x1f5: {  	s5 =	spop (v2sf)  }
0x1f6: {  	s3 =	sadd.s32 s5, s3  }
0x1f7: {  	s3 =	sadd.s32 $0x80000000, s3  }
0x1f8: {  	v52 =	vmov s3  }
0x1f9: {  	v4 =	vadd.s32 $0xFFFFFFFF, v52;
	v53, _, _ =	vpop (xrf0)  }
0x1fa: {  	v4 =	vbroadcast v4, $0x0;
	(v2sf) =	vpush v53, $0xF;
	_ =	sdelay $0x1  }
0x1fb: {  	v3 =	vadd.s32 v3, v4;
	_ =	sdelay $0x4  }
0x1fc: {  	[tilespmem:v3+s0+$0x0] =	vst.idx.msk vm1, v27  }
0x1fd: {  	v3 =	vld [tilespmem:$0x1A0];
	_ =	sdelay $0x4  }
0x1fe: {  	vm1 =	vne.s32 v3, $0x0  }
0x1ff: {  	v3 =	vsel vm1, $0x1, v34  }
0x200: {  	(xrf0) =	vadd.scan.msk.s32 $0xffff, v3;
	s6 =	spop (v2sf)  }
0x201: {  	s3 =	sadd.s32 s6, s3  }
0x202: {  	s3 =	sadd.s32 $0x80000000, s3  }
0x203: {  	v3 =	vmov s3  }
0x204: {  	v3 =	vadd.s32 $0xFFFFFFFF, v3  }
0x205: {  	v3 =	vbroadcast v3, $0x0  }
0x206: {  	v54, _, _ =	vpop (xrf0)  }
0x207: {  	v4 =	vxor.u32 $0x80000000, v54;
	v3 =	vadd.s32 v54, v3  }
0x208: {  	(xrf0) =	vmax.scan.msk.u32 $0xffff, v4;
	_ =	sdelay $0x3  }
0x209: {  	[tilespmem:v3+s0+$0x0] =	vst.idx.msk vm1, v28  }
0x20a: {  	v3 =	vld [tilespmem:$0x1B0]  }
0x20b: {  	v4, _, _ =	vpop (xrf0)  }
0x20c: {  	(v2sf) =	vpush v4, $0xF;
	_ =	sdelay $0x2  }
0x20d: {  	vm1 =	vne.s32 v3, $0x0  }
0x20e: {  	v3 =	vsel vm1, $0x1, v34  }
0x20f: {  	(xrf0) =	vadd.scan.msk.s32 $0xffff, v3;
	_ =	sdelay $0x5  }
0x210: {  	v3, _, _ =	vpop (xrf0)  }
0x211: {  	v55 =	vxor.u32 $0x80000000, v3  }
0x212: {  	(xrf0) =	vmax.scan.msk.u32 $0xffff, v55;
	_ =	sdelay $0x1  }
0x213: {  	s7 =	spop (v2sf)  }
0x214: {  	s3 =	sadd.s32 s7, s3  }
0x215: {  	s3 =	sadd.s32 $0x80000000, s3  }
0x216: {  	v56 =	vmov s3  }
0x217: {  	v4 =	vadd.s32 $0xFFFFFFFF, v56;
	v57, _, _ =	vpop (xrf0)  }
0x218: {  	v4 =	vbroadcast v4, $0x0;
	(v2sf) =	vpush v57, $0xF;
	_ =	sdelay $0x1  }
0x219: {  	v3 =	vadd.s32 v3, v4;
	_ =	sdelay $0x4  }
0x21a: {  	[tilespmem:v3+s0+$0x0] =	vst.idx.msk vm1, v29  }
0x21b: {  	v3 =	vld [tilespmem:$0x1C0];
	_ =	sdelay $0x4  }
0x21c: {  	vm1 =	vne.s32 v3, $0x0  }
0x21d: {  	v3 =	vsel vm1, $0x1, v34  }
0x21e: {  	(xrf0) =	vadd.scan.msk.s32 $0xffff, v3;
	s23 =	spop (v2sf)  }
0x21f: {  	s3 =	sadd.s32 s23, s3  }
0x220: {  	s3 =	sadd.s32 $0x80000000, s3  }
0x221: {  	v3 =	vmov s3  }
0x222: {  	v3 =	vadd.s32 $0xFFFFFFFF, v3  }
0x223: {  	v3 =	vbroadcast v3, $0x0  }
0x224: {  	v58, _, _ =	vpop (xrf0)  }
0x225: {  	v4 =	vxor.u32 $0x80000000, v58;
	v3 =	vadd.s32 v58, v3  }
0x226: {  	(xrf0) =	vmax.scan.msk.u32 $0xffff, v4;
	_ =	sdelay $0x3  }
0x227: {  	[tilespmem:v3+s0+$0x0] =	vst.idx.msk vm1, v30  }
0x228: {  	v3 =	vld [tilespmem:$0x1D0]  }
0x229: {  	v4, _, _ =	vpop (xrf0)  }
0x22a: {  	(v2sf) =	vpush v4, $0xF;
	_ =	sdelay $0x2  }
0x22b: {  	vm1 =	vne.s32 v3, $0x0  }
0x22c: {  	v3 =	vsel vm1, $0x1, v34  }
0x22d: {  	(xrf0) =	vadd.scan.msk.s32 $0xffff, v3;
	_ =	sdelay $0x5  }
0x22e: {  	v3, _, _ =	vpop (xrf0)  }
0x22f: {  	v59 =	vxor.u32 $0x80000000, v3  }
0x230: {  	(xrf0) =	vmax.scan.msk.u32 $0xffff, v59;
	_ =	sdelay $0x1  }
0x231: {  	s24 =	spop (v2sf)  }
0x232: {  	s3 =	sadd.s32 s24, s3  }
0x233: {  	s3 =	sadd.s32 $0x80000000, s3  }
0x234: {  	v60 =	vmov s3  }
0x235: {  	v4 =	vadd.s32 $0xFFFFFFFF, v60;
	v61, _, _ =	vpop (xrf0)  }
0x236: {  	v4 =	vbroadcast v4, $0x0;
	(v2sf) =	vpush v61, $0xF;
	_ =	sdelay $0x1  }
0x237: {  	v3 =	vadd.s32 v3, v4;
	_ =	sdelay $0x4  }
0x238: {  	[tilespmem:v3+s0+$0x0] =	vst.idx.msk vm1, v31  }
0x239: {  	v3 =	vld [tilespmem:$0x1E0];
	_ =	sdelay $0x4  }
0x23a: {  	vm1 =	vne.s32 v3, $0x0  }
0x23b: {  	v3 =	vsel vm1, $0x1, v34  }
0x23c: {  	(xrf0) =	vadd.scan.msk.s32 $0xffff, v3;
	s28 =	spop (v2sf)  }
0x23d: {  	s3 =	sadd.s32 s28, s3  }
0x23e: {  	s3 =	sadd.s32 $0x80000000, s3  }
0x23f: {  	v3 =	vmov s3  }
0x240: {  	v3 =	vadd.s32 $0xFFFFFFFF, v3  }
0x241: {  	v3 =	vbroadcast v3, $0x0  }
0x242: {  	v62, _, _ =	vpop (xrf0)  }
0x243: {  	v3 =	vadd.s32 v62, v3;
	_ =	sdelay $0x4  }
0x244: {  	[tilespmem:v3+s0+$0x0] =	vst.idx.msk vm1, v32  }
0x245: {  	v3 =	vld [tilespmem:$0x1F0];
	_ =	sdelay $0x4  }
0x246: {  	v4 =	vxor.u32 $0x80000000, v62;
	vm1 =	vne.s32 v3, $0x0  }
0x247: {  	(xrf0) =	vmax.scan.msk.u32 $0xffff, v4;
	v3 =	vsel vm1, $0x1, v34  }
0x248: {  	(xrf0) =	vadd.scan.msk.s32 $0xffff, v3;
	_ =	sdelay $0x4  }
0x249: {  	v3, _, _ =	vpop (xrf0)  }
0x24a: {  	v63, _, _ =	vpop (xrf0)  }
0x24b: {  	(v2sf) =	vpush v3, $0xF;
	v3 =	vxor.u32 $0x80000000, v63  }
0x24c: {  	(xrf0) =	vmax.scan.msk.u32 $0xffff, v3;
	_ =	sdelay $0x5  }
0x24d: {  	v3, _, _ =	vpop (xrf0)  }
0x24e: {  	(v2sf) =	vpush v3, $0xF;
	_ =	sdelay $0xa  }
0x24f: {  	s29 =	spop (v2sf)  }
0x250: {  	s3 =	sadd.s32 s29, s3  }
0x251: {  	s3 =	sadd.s32 $0x80000000, s3  }
0x252: {  	v3 =	vmov s3  }
0x253: {  	v3 =	vadd.s32 $0xFFFFFFFF, v3;
	s30 =	spop (v2sf)  }
0x254: {  	v3 =	vbroadcast v3, $0x0;
	s3 =	sadd.s32 s30, s3  }
0x255: {  	s4 =	sadd.s32 $0x8000000F, s3  }
0x256: {  	v3 =	vadd.s32 v63, v3;
	p0 =	slt.s32 s4, $0x10  }
.Ltmp2:
0x257: {  	_ = 	snop;
	(pc) =	sbr.rel @p0 .LBB2_8-.Ltmp2, $2  }
0x258: {  	_ =	sdelay $0x2  }
0x259: {  	[tilespmem:v3+s0+$0x0] =	vst.idx.msk vm1, v33  }
0x25a: {  	v3 =	vld.msk [tilespmem:$0x200], $0xff;
	_ =	sdelay $0x4  }
0x25b: {  	v4 =	vshll.u32 v3, $0x5  }
0x25c: {  	v3 =	vand.u32 $0x7, v3;
	v4 =	vand.u32 $0xFFFFFF00, v4  }
0x25d: {  	v36 =	vand.u32 $0x7, v1;
	v63 =	vshrl.u32 v1, $0x3;
	v3 =	vor.u32 v3, v4  }
0x25e: {  	v37 =	vmul.u32 $0x8, v63;
	v3 =	vperm.xlane v3, v36;
	_ =	sdelay $0x1  }
0x25f: {  	v3 =	vadd.s32 v37, v3;
	_ =	sdelay $0x3  }
0x260: {  	vm1 =	vmmov $0xffff;
	s0 =	simm.s32 $0x1400  }
0x261: {  	[tilespmem:s0], [sflag:$0x1] =	stream.indirect_vreg.gather [hbm4b:s25+s26], $0x80, v3, vm1, $0xb8;
	[tilespmem:$0x11600] =	vst v63  }
0x262: {  	s1 =	simm.s32 $0x1C00  }
0x263: {  	[tilespmem:s1], [sflag:$0x1] =	stream.indirect_vreg.gather [hbm4b:s8+s26], $0x80, v3, vm1, $0xb8;
	[tilespmem:$0x11600] =	vst v63  }
0x264: {  	s5 =	simm.s32 $0x2400  }
0x265: {  	[tilespmem:s5], [sflag:$0x1] =	stream.indirect_vreg.gather [hbm4b:s9+s26], $0x80, v3, vm1, $0xb8;
	[tilespmem:$0x11600] =	vst v63  }
0x266: {  	s6 =	simm.s32 $0x2C00  }
0x267: {  	[tilespmem:s6], [sflag:$0x1] =	stream.indirect_vreg.gather [hbm4b:s10+s26], $0x80, v3, vm1, $0xb8;
	[tilespmem:$0x11600] =	vst v63  }
0x268: {  	s7 =	simm.s32 $0x3400  }
0x269: {  	[tilespmem:s7], [sflag:$0x1] =	stream.indirect_vreg.gather [hbm4b:s11+s26], $0x80, v3, vm1, $0xb8;
	[tilespmem:$0x11600] =	vst v63  }
0x26a: {  	s23 =	simm.s32 $0x3C00  }
0x26b: {  	[tilespmem:s23], [sflag:$0x1] =	stream.indirect_vreg.gather [hbm4b:s12+s26], $0x80, v3, vm1, $0xb8;
	[tilespmem:$0x11600] =	vst v63  }
0x26c: {  	s24 =	simm.s32 $0x4400  }
0x26d: {  	[tilespmem:s24], [sflag:$0x1] =	stream.indirect_vreg.gather [hbm4b:s13+s26], $0x80, v3, vm1, $0xb8;
	[tilespmem:$0x11600] =	vst v63  }
0x26e: {  	s29 =	simm.s32 $0x4C00  }
0x26f: {  	[tilespmem:s29], [sflag:$0x1] =	stream.indirect_vreg.gather [hbm4b:s14+s26], $0x80, v3, vm1, $0xb8;
	[tilespmem:$0x11600] =	vst v63  }
0x270: {  	s30 =	simm.s32 $0x5400  }
0x271: {  	[tilespmem:s30], [sflag:$0x1] =	stream.indirect_vreg.gather [hbm4b:s15+s26], $0x80, v3, vm1, $0xb8;
	[tilespmem:$0x11600] =	vst v63  }
0x272: {  	s1 =	simm.s32 $0x5C00  }
0x273: {  	[tilespmem:s1], [sflag:$0x1] =	stream.indirect_vreg.gather [hbm4b:s16+s26], $0x80, v3, vm1, $0xb8;
	[tilespmem:$0x11600] =	vst v63  }
0x274: {  	s5 =	simm.s32 $0x6400  }
0x275: {  	[tilespmem:s5], [sflag:$0x1] =	stream.indirect_vreg.gather [hbm4b:s17+s26], $0x80, v3, vm1, $0xb8;
	[tilespmem:$0x11600] =	vst v63  }
0x276: {  	s6 =	simm.s32 $0x6C00  }
0x277: {  	[tilespmem:s6], [sflag:$0x1] =	stream.indirect_vreg.gather [hbm4b:s18+s26], $0x80, v3, vm1, $0xb8;
	[tilespmem:$0x11600] =	vst v63  }
0x278: {  	s7 =	simm.s32 $0x7400;
	s5 =	sshra.s32 s4, $0x1F  }
0x279: {  	[tilespmem:s7], [sflag:$0x1] =	stream.indirect_vreg.gather [hbm4b:s19+s26], $0x80, v3, vm1, $0xb8;
	[tilespmem:$0x11600] =	vst v63  }
0x27a: {  	s23 =	simm.s32 $0x7C00;
	s5 =	sshrl.u32 s5, $0x1C  }
0x27b: {  	[tilespmem:s23], [sflag:$0x1] =	stream.indirect_vreg.gather [hbm4b:s20+s26], $0x80, v3, vm1, $0xb8;
	[tilespmem:$0x11600] =	vst v63  }
0x27c: {  	s3 =	sadd.s32 $0x80000000, s3;
	s24 =	simm.s32 $0x8400;
	s30 =	sadd.s32 s5, s4  }
0x27d: {  	[tilespmem:s24], [sflag:$0x1] =	stream.indirect_vreg.gather [hbm4b:s21+s26], $0x80, v3, vm1, $0xb8;
	[tilespmem:$0x11600] =	vst v63  }
0x27e: {  	s29 =	simm.s32 $0x8C00;
	s28 =	sshra.s32 s30, $0x4;
	s24 =	simm.s32 $0x0  }
0x27f: {  	v38 =	vmov s3;
	[tilespmem:s29], [sflag:$0x1] =	stream.indirect_vreg.gather [hbm4b:s22+s26], $0x80, v3, vm1, $0xb8;
	[tilespmem:$0x11600] =	vst v63  }
.LBB2_3:
0x280: {  	s3 =	sshll.u32 s24, $0x6  }
0x281: {  	s5 =	sshra.s32 s3, $0x2  }
0x282: {  	v3 =	vld.msk [tilespmem:s5+$0x208], $0xff;
	_ =	sdelay $0x4  }
0x283: {  	v4 =	vshll.u32 v3, $0x5  }
0x284: {  	v3 =	vand.u32 $0x7, v3;
	v4 =	vand.u32 $0xFFFFFF00, v4  }
0x285: {  	v3 =	vor.u32 v3, v4  }
0x286: {  	v3 =	vperm.xlane v3, v36;
	_ =	sdelay $0x1  }
0x287: {  	v3 =	vadd.s32 v37, v3;
	_ =	sdelay $0x3  }
0x288: {  	s0 =	simm.s32 $0x9400  }
0x289: {  	[tilespmem:s0], [sflag:$0x2] =	stream.indirect_vreg.gather [hbm4b:s25+s26], $0x80, v3, vm1, $0xb8;
	[tilespmem:$0x11600] =	vst v63  }
0x28a: {  	s3 =	simm.s32 $0x9C00  }
0x28b: {  	[tilespmem:s3], [sflag:$0x2] =	stream.indirect_vreg.gather [hbm4b:s8+s26], $0x80, v3, vm1, $0xb8;
	[tilespmem:$0x11600] =	vst v63  }
0x28c: {  	s4 =	simm.s32 $0xA400  }
0x28d: {  	[tilespmem:s4], [sflag:$0x2] =	stream.indirect_vreg.gather [hbm4b:s9+s26], $0x80, v3, vm1, $0xb8;
	[tilespmem:$0x11600] =	vst v63  }
0x28e: {  	s6 =	simm.s32 $0xAC00  }
0x28f: {  	[tilespmem:s6], [sflag:$0x2] =	stream.indirect_vreg.gather [hbm4b:s10+s26], $0x80, v3, vm1, $0xb8;
	[tilespmem:$0x11600] =	vst v63  }
0x290: {  	s7 =	simm.s32 $0xB400  }
0x291: {  	[tilespmem:s7], [sflag:$0x2] =	stream.indirect_vreg.gather [hbm4b:s11+s26], $0x80, v3, vm1, $0xb8;
	[tilespmem:$0x11600] =	vst v63  }
0x292: {  	s23 =	simm.s32 $0xBC00  }
0x293: {  	[tilespmem:s23], [sflag:$0x2] =	stream.indirect_vreg.gather [hbm4b:s12+s26], $0x80, v3, vm1, $0xb8;
	[tilespmem:$0x11600] =	vst v63  }
0x294: {  	s29 =	simm.s32 $0xC400  }
0x295: {  	[tilespmem:s29], [sflag:$0x2] =	stream.indirect_vreg.gather [hbm4b:s13+s26], $0x80, v3, vm1, $0xb8;
	[tilespmem:$0x11600] =	vst v63  }
0x296: {  	s30 =	simm.s32 $0xCC00  }
0x297: {  	[tilespmem:s30], [sflag:$0x2] =	stream.indirect_vreg.gather [hbm4b:s14+s26], $0x80, v3, vm1, $0xb8;
	[tilespmem:$0x11600] =	vst v63  }
0x298: {  	s1 =	simm.s32 $0xD400  }
0x299: {  	[tilespmem:s1], [sflag:$0x2] =	stream.indirect_vreg.gather [hbm4b:s15+s26], $0x80, v3, vm1, $0xb8;
	[tilespmem:$0x11600] =	vst v63  }
0x29a: {  	s3 =	simm.s32 $0xDC00  }
0x29b: {  	[tilespmem:s3], [sflag:$0x2] =	stream.indirect_vreg.gather [hbm4b:s16+s26], $0x80, v3, vm1, $0xb8;
	[tilespmem:$0x11600] =	vst v63  }
0x29c: {  	s4 =	simm.s32 $0xE400  }
0x29d: {  	[tilespmem:s4], [sflag:$0x2] =	stream.indirect_vreg.gather [hbm4b:s17+s26], $0x80, v3, vm1, $0xb8;
	[tilespmem:$0x11600] =	vst v63  }
0x29e: {  	s6 =	simm.s32 $0xEC00  }
0x29f: {  	[tilespmem:s6], [sflag:$0x2] =	stream.indirect_vreg.gather [hbm4b:s18+s26], $0x80, v3, vm1, $0xb8;
	[tilespmem:$0x11600] =	vst v63  }
0x2a0: {  	s7 =	simm.s32 $0xF400  }
0x2a1: {  	[tilespmem:s7], [sflag:$0x2] =	stream.indirect_vreg.gather [hbm4b:s19+s26], $0x80, v3, vm1, $0xb8;
	[tilespmem:$0x11600] =	vst v63  }
0x2a2: {  	s23 =	simm.s32 $0xFC00  }
0x2a3: {  	[tilespmem:s23], [sflag:$0x2] =	stream.indirect_vreg.gather [hbm4b:s20+s26], $0x80, v3, vm1, $0xb8;
	[tilespmem:$0x11600] =	vst v63  }
0x2a4: {  	s29 =	simm.s32 $0x10400;
	s3 =	simm.s32 $0x0  }
0x2a5: {  	[tilespmem:s29], [sflag:$0x2] =	stream.indirect_vreg.gather [hbm4b:s21+s26], $0x80, v3, vm1, $0xb8;
	[tilespmem:$0x11600] =	vst v63  }
0x2a6: {  	s30 =	simm.s32 $0x10C00;
	s4 =	sand.u32 $0x40, s3  }
0x2a7: {  	[tilespmem:s30], [sflag:$0x2] =	stream.indirect_vreg.gather [hbm4b:s22+s26], $0x80, v3, vm1, $0xb8;
	[tilespmem:$0x11600] =	vst v63  }
0x2a8: {  	s0 =	sor.u32 $0x30, s4;
	s6 =	sand.u32 $0xF80, s3;
	_ =	swait.ge [sflag:s31], $0x8000  }
0x2a9: {  	s7 =	sand.u32 $0x7C00, s26;
	s23 =	sadd.s32 $0x400, s6;
	[sflag:s31] =	ssyncset.done $0x0  }
0x2aa: {  	s7 =	sadd.s32 $0x1400, s7;
	s29 =	sor.u32 s0, s23;
	[sflag:s31] =	ssyncadd.s32 $0xFFFF8000  }
0x2ab: {  	s6 =	sor.u32 s0, s7;
	v39 =	vld [tilespmem:s29+$0x0]  }
0x2ac: {  	v3 =	vld [tilespmem:s6+$0x0]  }
0x2ad: {  	v4 =	vld [tilespmem:s6+$0x80]  }
0x2ae: {  	s1 =	sor.u32 $0x20, s4;
	v5 =	vld [tilespmem:s6+$0x100]  }
0x2af: {  	s0 =	sor.u32 $0x10, s4;
	s30 =	sor.u32 s1, s23;
	v6 =	vld [tilespmem:s6+$0x180]  }
0x2b0: {  	s23 =	sor.u32 s0, s23;
	v40 =	vld [tilespmem:s30+$0x0]  }
0x2b1: {  	s4 =	sor.u32 s4, s7;
	v41 =	vld [tilespmem:s23+$0x0]  }
0x2b2: {  	v46 =	vld [tilespmem:s4+$0x0]  }
0x2b3: {  	v49 =	vld [tilespmem:s4+$0x80]  }
0x2b4: {  	s29 =	sor.u32 s1, s7;
	v50 =	vld [tilespmem:s4+$0x100]  }
0x2b5: {  	v7 =	vld [tilespmem:s29+$0x0]  }
0x2b6: {  	v8 =	vld [tilespmem:s29+$0x80]  }
0x2b7: {  	v9 =	vld [tilespmem:s29+$0x100]  }
0x2b8: {  	s6 =	simm.s32 $0x400;
	v10 =	vld [tilespmem:s29+$0x180]  }
0x2b9: {  	s1 =	sor.u32 s0, s7;
	v11 =	vld [tilespmem:s6+$0x0]  }
0x2ba: {  	p0 =	por $0x0, $0x0;
	s7 =	simm.s32 $0x1;
	v12 =	vld [tilespmem:s1+$0x0]  }
0x2bb: {  	v13 =	vld [tilespmem:s1+$0x80];
	s7 =	simm.s32 @!p0 $0x0  }
0x2bc: {  	v42 =	vld [tilespmem:s1+$0x100];
	s7 =	sshll.u32 s7, $0x6;
	v48 =	vmul.f32 v3, v39  }
0x2bd: {  	v45 =	vld [tilespmem:s1+$0x180];
	s7 =	sadd.s32 $0x0, s7;
	v47 =	vmul.f32 v4, v39;
	v43 =	vmul.f32 v5, v39  }
0x2be: {  	s23 =	sor.u32 $0x200, s7;
	v3 =	vld [tilespmem:s4+$0x180];
	v44 =	vmul.f32 v6, v39;
	v5 =	vmul.f32 v7, v40  }
0x2bf: {  	s29 =	sor.u32 $0x280, s7;
	v4 =	vld [tilespmem:s23+$0x1400];
	v8 =	vmul.f32 v8, v40;
	v9 =	vmul.f32 v9, v40  }
0x2c0: {  	s0 =	sor.u32 $0x380, s7;
	v6 =	vld [tilespmem:s29+$0x1400];
	v53 =	vmul.f32 v10, v40;
	v10 =	vmul.f32 v12, v41  }
0x2c1: {  	s30 =	sor.u32 $0x300, s7;
	s4 =	sadd.s32 $0x30, s7;
	v17 =	vld [tilespmem:s0+$0x1400];
	v16 =	vmul.f32 v13, v41;
	v51 =	vmul.f32 v42, v41  }
0x2c2: {  	v7 =	vld [tilespmem:s30+$0x1400];
	s1 =	sor.u32 $0x200, s4;
	v49 =	vmul.f32 v49, v11;
	v50 =	vmul.f32 v50, v11  }
0x2c3: {  	s29 =	sadd.s32 $0x20, s7;
	v45 =	vmul.f32 v45, v41;
	v46 =	vmul.f32 v46, v11;
	s30 =	sor.u32 $0x280, s4;
	v42 =	vimm.f32 $0.0e+00;
	v56 =	vld [tilespmem:s1+$0x1400]  }
0x2c4: {  	s0 =	sor.u32 $0x200, s29;
	v57 =	vld [tilespmem:s30+$0x1400];
	v18 =	vadd.f32 v49, v42;
	v60 =	vadd.f32 v50, v42;
	v3 =	vmul.f32 v3, v11  }
0x2c5: {  	s7 =	sadd.s32 $0x10, s7;
	s1 =	sor.u32 $0x280, s29;
	v58 =	vmul.f32 v4, v11;
	v54 =	vmul.f32 v6, v11;
	v4 =	vld [tilespmem:s0+$0x1400];
	v6 =	vadd.f32 v46, v42  }
0x2c6: {  	s30 =	sor.u32 $0x200, s7;
	v19 =	vld [tilespmem:s1+$0x1400];
	v49 =	vimm.f32 $0.0e+00;
	v59 =	vmul.f32 v17, v11;
	v12 =	vadd.f32 v16, v18  }
0x2c7: {  	v52 =	vld [tilespmem:s30+$0x1400];
	s0 =	sor.u32 $0x280, s7;
	v46 =	vimm.f32 $0.0e+00;
	v3 =	vadd.f32 v3, v42;
	v10 =	vadd.f32 v10, v6  }
0x2c8: {  	s1 =	sor.u32 $0x300, s7;
	v55 =	vmul.f32 v7, v11;
	v7 =	vld [tilespmem:s0+$0x1400];
	v50 =	vmul.f32 v56, v39;
	v56 =	vadd.f32 v51, v60  }
0x2c9: {  	s7 =	sor.u32 $0x380, s7;
	v51 =	vmul.f32 v57, v39;
	v6 =	vld [tilespmem:s1+$0x1400];
	v3 =	vadd.f32 v45, v3;
	v11 =	vadd.f32 v5, v10  }
0x2ca: {  	s30 =	sor.u32 $0x300, s29;
	v10 =	vadd.f32 v8, v12;
	v8 =	vadd.f32 v9, v56;
	v60 =	vmul.f32 v4, v40;
	v4 =	vld [tilespmem:s7+$0x1400]  }
0x2cb: {  	s23 =	sor.u32 $0x380, s29;
	v5 =	vld [tilespmem:s30+$0x1400];
	v45 =	vimm.f32 $0.0e+00;
	s7 =	simm.s32 $0x200;
	v9 =	vadd.f32 v53, v3;
	v3 =	vmul.f32 v19, v40  }
.LBB2_4:
0x2cc: {  	s3 =	sadd.s32 $0x40, s3;
	v12 =	vmul.f32 v52, v41;
	v13 =	vld [tilespmem:s23+$0x1400];
	v52 =	vadd.f32 v48, v11;
	v53 =	vadd.f32 v47, v10;
	s29 =	sor.u32 $0x300, s4;
	s6 =	sadd.s32 $0x40, s6  }
0x2cd: {  	s4 =	sor.u32 $0x380, s4;
	s23 =	sand.u32 $0x40, s3;
	s30 =	sand.u32 $0xF80, s3;
	v7 =	vmul.f32 v7, v41;
	v56 =	vadd.f32 v43, v8;
	v57 =	vadd.f32 v44, v9;
	v8 =	vld [tilespmem:s29+$0x1400]  }
0x2ce: {  	v10 =	vadd.f32 v54, v49;
	s29 =	sand.u32 $0x7C00, s7;
	v9 =	vadd.f32 v58, v42;
	s30 =	sadd.s32 $0x400, s30;
	s0 =	sor.u32 $0x30, s23;
	v6 =	vmul.f32 v6, v41;
	v11 =	vld [tilespmem:s4+$0x1400]  }
0x2cf: {  	p1 =	slt.u32 s3, $0xFC0;
	v42 =	vadd.f32 v55, v45;
	v43 =	vadd.f32 v59, v46;
	s4 =	sadd.s32 $0x1400, s29;
	v61 =	vld [tilespmem:s6+$0x0];
	s29 =	sor.u32 s0, s30;
	v4 =	vmul.f32 v4, v41  }
0x2d0: {  	s0 =	sor.u32 s0, s4;
	v9 =	vadd.f32 v12, v9;
	v7 =	vadd.f32 v7, v10;
	v41 =	vld [tilespmem:s29+$0x0];
	v5 =	vmul.f32 v5, v40  }
0x2d1: {  	v6 =	vadd.f32 v6, v42;
	v10 =	vld [tilespmem:s0+$0x0];
	v4 =	vadd.f32 v4, v43;
	v12 =	vmul.f32 v13, v40  }
0x2d2: {  	v9 =	vadd.f32 v60, v9;
	v3 =	vadd.f32 v3, v7;
	v13 =	vld [tilespmem:s0+$0x80];
	v7 =	vmul.f32 v8, v39  }
0x2d3: {  	s29 =	sor.u32 $0x20, s23;
	v5 =	vadd.f32 v5, v6;
	v8 =	vld [tilespmem:s0+$0x100];
	v4 =	vadd.f32 v12, v4;
	v6 =	vmul.f32 v11, v39  }
0x2d4: {  	s1 =	sor.u32 s29, s30;
	v42 =	vadd.f32 v50, v9;
	v49 =	vadd.f32 v51, v3;
	v11 =	vld [tilespmem:s0+$0x180]  }
0x2d5: {  	s0 =	sor.u32 s29, s4;
	v45 =	vadd.f32 v7, v5;
	v40 =	vld [tilespmem:s1+$0x0];
	v46 =	vadd.f32 v6, v4;
	v39 =	vmov v41  }
0x2d6: {  	v3 =	vld [tilespmem:s0+$0x0]  }
0x2d7: {  	v4 =	vld [tilespmem:s0+$0x80]  }
0x2d8: {  	s1 =	sor.u32 $0x10, s23;
	v5 =	vld [tilespmem:s0+$0x100]  }
0x2d9: {  	s29 =	sor.u32 s1, s30;
	v6 =	vld [tilespmem:s0+$0x180]  }
0x2da: {  	s0 =	sor.u32 s1, s4;
	v41 =	vld [tilespmem:s29+$0x0]  }
0x2db: {  	v7 =	vld [tilespmem:s0+$0x0]  }
0x2dc: {  	v9 =	vld [tilespmem:s0+$0x80]  }
0x2dd: {  	v12 =	vld [tilespmem:s0+$0x100]  }
0x2de: {  	p0 =	por !p0, !p0;
	s1 =	sor.u32 s23, s4;
	v50 =	vld [tilespmem:s0+$0x180];
	s0 =	simm.s32 $0x1  }
0x2df: {  	s0 =	simm.s32 @!p0 $0x0;
	v51 =	vld [tilespmem:s1+$0x0]  }
0x2e0: {  	s0 =	sshll.u32 s0, $0x6;
	v54 =	vld [tilespmem:s1+$0x80]  }
0x2e1: {  	v48 =	vmul.f32 v10, v39;
	v47 =	vmul.f32 v13, v39;
	s0 =	sadd.s32 s0, s7;
	v55 =	vld [tilespmem:s1+$0x100]  }
0x2e2: {  	v43 =	vmul.f32 v8, v39;
	v44 =	vmul.f32 v11, v39;
	v10 =	vld [tilespmem:s1+$0x180];
	s1 =	sor.u32 $0x200, s0  }
0x2e3: {  	v3 =	vmul.f32 v3, v40;
	v13 =	vmul.f32 v4, v40;
	v8 =	vld [tilespmem:s1+$0x1400];
	s1 =	sor.u32 $0x280, s0  }
0x2e4: {  	v5 =	vmul.f32 v5, v40;
	v62 =	vmul.f32 v6, v40;
	v4 =	vld [tilespmem:s1+$0x1400];
	s1 =	sor.u32 $0x300, s0  }
0x2e5: {  	v7 =	vmul.f32 v7, v41;
	v9 =	vmul.f32 v9, v41;
	s4 =	sadd.s32 $0x30, s0;
	v6 =	vld [tilespmem:s1+$0x1400];
	s1 =	sor.u32 $0x380, s0  }
0x2e6: {  	v12 =	vmul.f32 v12, v41;
	v60 =	vmul.f32 v50, v41;
	v11 =	vld [tilespmem:s1+$0x1400];
	s1 =	sor.u32 $0x200, s4  }
0x2e7: {  	s23 =	sadd.s32 $0x20, s0;
	v50 =	vmul.f32 v51, v61;
	v51 =	vmul.f32 v54, v61;
	v63 =	vld [tilespmem:s1+$0x1400];
	s1 =	sor.u32 $0x280, s4  }
0x2e8: {  	s29 =	sor.u32 $0x200, s23;
	v59 =	vmul.f32 v55, v61;
	v10 =	vmul.f32 v10, v61;
	v14 =	vld [tilespmem:s1+$0x1400]  }
0x2e9: {  	s0 =	sadd.s32 $0x10, s0;
	v58 =	vmul.f32 v8, v61;
	s1 =	sor.u32 $0x280, s23;
	v54 =	vmul.f32 v4, v61;
	v8 =	vld [tilespmem:s29+$0x1400]  }
0x2ea: {  	v4 =	vadd.f32 v50, v52;
	v50 =	vadd.f32 v51, v53;
	s29 =	sor.u32 $0x200, s0;
	v55 =	vmul.f32 v6, v61;
	v53 =	vld [tilespmem:s1+$0x1400]  }
.Ltmp3:
0x2eb: {  	v10 =	vadd.f32 v10, v57;
	v6 =	vadd.f32 v59, v56;
	s1 =	sor.u32 $0x280, s0;
	v59 =	vmul.f32 v11, v61;
	v52 =	vld [tilespmem:s29+$0x1400];
	(pc) =	sbr.rel @p1 .LBB2_4-.Ltmp3, $4  }
0x2ec: {  	v11 =	vadd.f32 v7, v4;
	v9 =	vadd.f32 v9, v50;
	v7 =	vld [tilespmem:s1+$0x1400];
	s1 =	sor.u32 $0x300, s0;
	v50 =	vmul.f32 v63, v39  }
0x2ed: {  	v56 =	vadd.f32 v60, v10;
	v12 =	vadd.f32 v12, v6;
	s0 =	sor.u32 $0x380, s0;
	v6 =	vld [tilespmem:s1+$0x1400];
	v51 =	vmul.f32 v14, v39  }
0x2ee: {  	v11 =	vadd.f32 v3, v11;
	v10 =	vadd.f32 v13, v9;
	v4 =	vld [tilespmem:s0+$0x1400];
	v60 =	vmul.f32 v8, v40;
	s0 =	sor.u32 $0x300, s23  }
0x2ef: {  	s7 =	sadd.s32 $0x200, s7;
	v9 =	vadd.f32 v62, v56;
	v8 =	vadd.f32 v5, v12;
	s23 =	sor.u32 $0x380, s23;
	v3 =	vmul.f32 v53, v40;
	v5 =	vld [tilespmem:s0+$0x1400]  }
0x2f0: {  	s3 =	sadd.s32 $0x1, s24  }
0x2f1: {  	p0 =	sge.s32 s3, s28  }
0x2f2: {  	v12 =	vld.msk @!p0 [tilespmem:s5+$0x210], $0xff;
	_ =	sdelay $0x4  }
0x2f3: {  	v13 =	vshll.u32 @!p0 v12, $0x5  }
0x2f4: {  	v14 =	vlaneseq.u32 @!p0;
	v12 =	vand.u32 @!p0 $0x7, v12;
	v13 =	vand.u32 @!p0 $0xFFFFFF00, v13  }
0x2f5: {  	v12 =	vor.u32 @!p0 v12, v13;
	v13 =	vand.u32 @!p0 $0x7, v14;
	v14 =	vshrl.u32 @!p0 v14, $0x3  }
0x2f6: {  	v12 =	vperm.xlane @!p0 v12, v13;
	v13 =	vmul.u32 @!p0 $0x8, v14;
	_ =	sdelay $0x1  }
0x2f7: {  	v12 =	vadd.s32 @!p0 v13, v12;
	_ =	sdelay $0x1  }
0x2f8: {  	s5 =	sor.u32 $0x380, s4  }
0x2f9: {  	s0 =	sor.u32 $0x300, s4;
	v53 =	vld [tilespmem:s5+$0x1400]  }
0x2fa: {  	vm2 =	vmmov @!p0 $0xffff;
	s4 =	simm.s32 @!p0 $0x0;
	v14 =	vld [tilespmem:s0+$0x1400];
	s0 =	simm.s32 @!p0 $0x1400  }
0x2fb: {  	v13 =	vld [tilespmem:s23+$0x1400];
	[tilespmem:s0], [sflag:$0x1] =	stream.indirect_vreg.gather @!p0 [hbm4b:s25+s4], $0x80, v12, vm2, $0xb8  }
0x2fc: {  	s0 =	simm.s32 @!p0 $0x1C00  }
0x2fd: {  	[tilespmem:s0], [sflag:$0x1] =	stream.indirect_vreg.gather @!p0 [hbm4b:s8+s4], $0x80, v12, vm2, $0xb8;
	[tilespmem:$0x11600] =	vst v63  }
0x2fe: {  	v11 =	vadd.f32 v48, v11;
	s0 =	simm.s32 @!p0 $0x2400  }
0x2ff: {  	v10 =	vadd.f32 v47, v10;
	[tilespmem:s0], [sflag:$0x1] =	stream.indirect_vreg.gather @!p0 [hbm4b:s9+s4], $0x80, v12, vm2, $0xb8;
	[tilespmem:$0x11600] =	vst v63  }
0x300: {  	v16 =	vmul.f32 v52, v41;
	v42 =	vadd.f32 v58, v42;
	v17 =	vadd.f32 v59, v46;
	(xrf2) =	vadd.scan.msk.f32 $0xffff, v11;
	s0 =	simm.s32 @!p0 $0x2C00  }
0x301: {  	v8 =	vadd.f32 v43, v8;
	v9 =	vadd.f32 v44, v9;
	[tilespmem:s0], [sflag:$0x1] =	stream.indirect_vreg.gather @!p0 [hbm4b:s10+s4], $0x80, v12, vm2, $0xb8;
	[tilespmem:$0x11600] =	vst v63  }
0x302: {  	v7 =	vmul.f32 v7, v41;
	v11 =	vadd.f32 v54, v49;
	v42 =	vadd.f32 v16, v42;
	(xrf2) =	vadd.scan.msk.f32 $0xffff, v10;
	s0 =	simm.s32 @!p0 $0x3400  }
0x303: {  	v6 =	vmul.f32 v6, v41;
	v10 =	vadd.f32 v55, v45;
	[tilespmem:s0], [sflag:$0x1] =	stream.indirect_vreg.gather @!p0 [hbm4b:s11+s4], $0x80, v12, vm2, $0xb8;
	[tilespmem:$0x11600] =	vst v63  }
0x304: {  	v4 =	vmul.f32 v4, v41;
	v7 =	vadd.f32 v7, v11;
	v11 =	vadd.f32 v60, v42;
	(xrf2) =	vadd.scan.msk.f32 $0xffff, v8;
	s0 =	simm.s32 @!p0 $0x3C00  }
0x305: {  	v5 =	vmul.f32 v5, v40;
	v6 =	vadd.f32 v6, v10;
	[tilespmem:s0], [sflag:$0x1] =	stream.indirect_vreg.gather @!p0 [hbm4b:s12+s4], $0x80, v12, vm2, $0xb8;
	[tilespmem:$0x11600] =	vst v63  }
0x306: {  	(xrf2) =	vadd.scan.msk.f32 $0xffff, v9;
	v3 =	vadd.f32 v3, v7;
	v7 =	vadd.f32 v50, v11;
	s0 =	simm.s32 @!p0 $0x4400  }
0x307: {  	v4 =	vadd.f32 v4, v17;
	v5 =	vadd.f32 v5, v6;
	[tilespmem:s0], [sflag:$0x1] =	stream.indirect_vreg.gather @!p0 [hbm4b:s13+s4], $0x80, v12, vm2, $0xb8;
	[tilespmem:$0x11600] =	vst v63  }
0x308: {  	v3 =	vadd.f32 v51, v3;
	(xrf2) =	vadd.scan.msk.f32 $0xffff, v7;
	v9 =	vmul.f32 v14, v39;
	v8 =	vmul.f32 v13, v40;
	s0 =	simm.s32 @!p0 $0x4C00  }
0x309: {  	[tilespmem:s0], [sflag:$0x1] =	stream.indirect_vreg.gather @!p0 [hbm4b:s14+s4], $0x80, v12, vm2, $0xb8;
	[tilespmem:$0x11600] =	vst v63  }
0x30a: {  	v6 =	vmul.f32 v53, v39;
	(xrf2) =	vadd.scan.msk.f32 $0xffff, v3;
	v5 =	vadd.f32 v9, v5;
	v4 =	vadd.f32 v8, v4;
	s0 =	simm.s32 @!p0 $0x5400  }
0x30b: {  	[tilespmem:s0], [sflag:$0x1] =	stream.indirect_vreg.gather @!p0 [hbm4b:s15+s4], $0x80, v12, vm2, $0xb8;
	[tilespmem:$0x11600] =	vst v63  }
0x30c: {  	(xrf2) =	vadd.scan.msk.f32 $0xffff, v5;
	v3 =	vadd.f32 v6, v4;
	s0 =	simm.s32 @!p0 $0x5C00  }
0x30d: {  	[tilespmem:s0], [sflag:$0x1] =	stream.indirect_vreg.gather @!p0 [hbm4b:s16+s4], $0x80, v12, vm2, $0xb8;
	[tilespmem:$0x11600] =	vst v63  }
0x30e: {  	(xrf2) =	vadd.scan.msk.f32 $0xffff, v3;
	s0 =	simm.s32 @!p0 $0x6400  }
0x30f: {  	[tilespmem:s0], [sflag:$0x1] =	stream.indirect_vreg.gather @!p0 [hbm4b:s17+s4], $0x80, v12, vm2, $0xb8;
	[tilespmem:$0x11600] =	vst v63  }
0x310: {  	s0 =	simm.s32 @!p0 $0x6C00  }
0x311: {  	[tilespmem:s0], [sflag:$0x1] =	stream.indirect_vreg.gather @!p0 [hbm4b:s18+s4], $0x80, v12, vm2, $0xb8;
	[tilespmem:$0x11600] =	vst v63  }
0x312: {  	v45, _, _ =	vpop (xrf2);
	s0 =	simm.s32 @!p0 $0x7400  }
0x313: {  	v46, _, _ =	vpop (xrf2);
	[tilespmem:s0], [sflag:$0x1] =	stream.indirect_vreg.gather @!p0 [hbm4b:s19+s4], $0x80, v12, vm2, $0xb8;
	[tilespmem:$0x11600] =	vst v63  }
0x314: {  	v44, _, _ =	vpop (xrf2);
	s0 =	simm.s32 @!p0 $0x7C00  }
0x315: {  	v43, _, _ =	vpop (xrf2);
	[tilespmem:s0], [sflag:$0x1] =	stream.indirect_vreg.gather @!p0 [hbm4b:s20+s4], $0x80, v12, vm2, $0xb8;
	[tilespmem:$0x11600] =	vst v63  }
0x316: {  	s5 =	simm.s32 $0x0;
	v42, _, _ =	vpop (xrf2);
	s0 =	simm.s32 @!p0 $0x8400  }
0x317: {  	v41, _, _ =	vpop (xrf2);
	[tilespmem:s0], [sflag:$0x1] =	stream.indirect_vreg.gather @!p0 [hbm4b:s21+s4], $0x80, v12, vm2, $0xb8;
	[tilespmem:$0x11600] =	vst v63  }
0x318: {  	s6 =	simm.s32 $0x0;
	s1 =	sand.u32 $0x40, s5;
	v40, _, _ =	vpop (xrf2);
	s0 =	simm.s32 @!p0 $0x8C00  }
0x319: {  	v39, _, _ =	vpop (xrf2);
	[tilespmem:s0], [sflag:$0x1] =	stream.indirect_vreg.gather @!p0 [hbm4b:s22+s4], $0x80, v12, vm2, $0xb8;
	[tilespmem:$0x11600] =	vst v63  }
0x31a: {  	s7 =	sand.u32 $0xF80, s5;
	s0 =	sand.u32 $0x7C00, s6;
	_ =	swait.ge [sflag:s2], $0x8000  }
0x31b: {  	s4 =	sadd.s32 $0x400, s7;
	s6 =	sor.u32 $0x30, s1;
	[sflag:s2] =	ssyncset.done $0x0  }
0x31c: {  	s0 =	sadd.s32 $0x9400, s0;
	s7 =	sor.u32 s6, s4;
	[sflag:s2] =	ssyncadd.s32 $0xFFFF8000  }
0x31d: {  	s6 =	sor.u32 s6, s0;
	v47 =	vld [tilespmem:s7+$0x0]  }
0x31e: {  	v3 =	vld [tilespmem:s6+$0x0]  }
0x31f: {  	v4 =	vld [tilespmem:s6+$0x80]  }
0x320: {  	s23 =	sor.u32 $0x20, s1;
	v5 =	vld [tilespmem:s6+$0x100]  }
0x321: {  	s30 =	sor.u32 $0x10, s1;
	s29 =	sor.u32 s23, s4;
	v6 =	vld [tilespmem:s6+$0x180]  }
0x322: {  	s4 =	sor.u32 s30, s4;
	v48 =	vld [tilespmem:s29+$0x0]  }
0x323: {  	s7 =	sor.u32 s23, s0;
	v49 =	vld [tilespmem:s4+$0x0]  }
0x324: {  	v7 =	vld [tilespmem:s7+$0x0]  }
0x325: {  	v8 =	vld [tilespmem:s7+$0x80]  }
0x326: {  	v9 =	vld [tilespmem:s7+$0x100]  }
0x327: {  	s6 =	simm.s32 $0x400;
	v10 =	vld [tilespmem:s7+$0x180]  }
0x328: {  	s23 =	sor.u32 s30, s0;
	v11 =	vld [tilespmem:s6+$0x0]  }
0x329: {  	v12 =	vld [tilespmem:s23+$0x0]  }
0x32a: {  	v13 =	vld [tilespmem:s23+$0x80]  }
0x32b: {  	v14 =	vld [tilespmem:s23+$0x100]  }
0x32c: {  	p0 =	por $0x0, $0x0;
	s0 =	sor.u32 s1, s0;
	s1 =	simm.s32 $0x1;
	v50 =	vld [tilespmem:s23+$0x180]  }
0x32d: {  	s1 =	simm.s32 @!p0 $0x0;
	v18 =	vld [tilespmem:s0+$0x0]  }
0x32e: {  	v19 =	vld [tilespmem:s0+$0x80];
	s1 =	sshll.u32 s1, $0x6;
	v55 =	vmul.f32 v3, v47  }
0x32f: {  	v57 =	vld [tilespmem:s0+$0x100];
	s1 =	sadd.s32 $0x0, s1;
	v56 =	vmul.f32 v4, v47;
	v51 =	vmul.f32 v5, v47  }
0x330: {  	s29 =	sor.u32 $0x200, s1;
	v3 =	vld [tilespmem:s0+$0x180];
	v52 =	vmul.f32 v6, v47;
	v7 =	vmul.f32 v7, v48  }
0x331: {  	s30 =	sor.u32 $0x280, s1;
	v4 =	vld [tilespmem:s29+$0x9400];
	v8 =	vmul.f32 v8, v48;
	v62 =	vmul.f32 v9, v48  }
0x332: {  	s4 =	sor.u32 $0x300, s1;
	v5 =	vld [tilespmem:s30+$0x9400];
	v15 =	vmul.f32 v10, v48;
	v9 =	vmul.f32 v12, v49  }
0x333: {  	s7 =	sor.u32 $0x380, s1;
	v6 =	vld [tilespmem:s4+$0x9400];
	s4 =	sadd.s32 $0x30, s1;
	v10 =	vmul.f32 v13, v49;
	v13 =	vmul.f32 v14, v49  }
0x334: {  	v12 =	vld [tilespmem:s7+$0x9400];
	s23 =	sor.u32 $0x200, s4;
	v53 =	vmul.f32 v18, v11;
	v54 =	vmul.f32 v19, v11  }
0x335: {  	v14 =	vmul.f32 v50, v49;
	s7 =	sadd.s32 $0x20, s1;
	s29 =	sor.u32 $0x280, s4;
	v57 =	vmul.f32 v57, v11;
	v50 =	vimm.f32 $0.0e+00;
	v59 =	vld [tilespmem:s23+$0x9400]  }
0x336: {  	v63 =	vld [tilespmem:s29+$0x9400];
	s30 =	sor.u32 $0x200, s7;
	v53 =	vadd.f32 v53, v50;
	v54 =	vadd.f32 v54, v50;
	v58 =	vmul.f32 v3, v11  }
0x337: {  	s1 =	sadd.s32 $0x10, s1;
	s23 =	sor.u32 $0x280, s7;
	v16 =	vld [tilespmem:s30+$0x9400];
	v57 =	vadd.f32 v57, v50;
	v3 =	vmul.f32 v4, v11;
	v4 =	vmul.f32 v5, v11  }
0x338: {  	s29 =	sor.u32 $0x200, s1;
	v17 =	vld [tilespmem:s23+$0x9400];
	v5 =	vmul.f32 v6, v11;
	v9 =	vadd.f32 v9, v53;
	v53 =	vimm.f32 $0.0e+00  }
0x339: {  	s30 =	sor.u32 $0x280, s1;
	v6 =	vmul.f32 v12, v11;
	v11 =	vadd.f32 v10, v54;
	v18 =	vadd.f32 v58, v50;
	v58 =	vld [tilespmem:s29+$0x9400]  }
0x33a: {  	s23 =	sor.u32 $0x300, s1;
	v61 =	vld [tilespmem:s30+$0x9400];
	v12 =	vadd.f32 v13, v57;
	v57 =	vimm.f32 $0.0e+00;
	v54 =	vimm.f32 $0.0e+00  }
0x33b: {  	v10 =	vld [tilespmem:s23+$0x9400];
	v60 =	vmul.f32 v59, v47;
	v63 =	vmul.f32 v63, v47;
	s29 =	sor.u32 $0x380, s1;
	v14 =	vadd.f32 v14, v18  }
0x33c: {  	s30 =	sor.u32 $0x300, s7;
	v59 =	vadd.f32 v7, v9;
	v13 =	vadd.f32 v8, v11;
	v7 =	vmul.f32 v16, v48;
	v9 =	vld [tilespmem:s29+$0x9400]  }
0x33d: {  	s23 =	sor.u32 $0x380, s7;
	s7 =	simm.s32 $0x200;
	v62 =	vadd.f32 v62, v12;
	v8 =	vmul.f32 v17, v48;
	v11 =	vld [tilespmem:s30+$0x9400];
	v12 =	vadd.f32 v15, v14  }
.LBB2_6:
0x33e: {  	s5 =	sadd.s32 $0x40, s5;
	v14 =	vmul.f32 v58, v49;
	v15 =	vld [tilespmem:s23+$0x9400];
	v58 =	vadd.f32 v55, v59;
	v59 =	vadd.f32 v56, v13;
	s0 =	sor.u32 $0x300, s4;
	s6 =	sadd.s32 $0x40, s6  }
0x33f: {  	s23 =	sand.u32 $0x40, s5;
	s1 =	sand.u32 $0xF80, s5;
	v13 =	vmul.f32 v61, v49;
	v61 =	vadd.f32 v51, v62;
	v62 =	vadd.f32 v52, v12;
	v12 =	vld [tilespmem:s0+$0x9400];
	s0 =	sor.u32 $0x380, s4  }
0x340: {  	v3 =	vadd.f32 v3, v50;
	v4 =	vadd.f32 v4, v57;
	s4 =	sand.u32 $0x7C00, s7;
	s1 =	sadd.s32 $0x400, s1;
	s29 =	sor.u32 $0x30, s23;
	v10 =	vmul.f32 v10, v49;
	v16 =	vld [tilespmem:s0+$0x9400]  }
0x341: {  	v5 =	vadd.f32 v5, v53;
	v6 =	vadd.f32 v6, v54;
	p1 =	slt.u32 s5, $0xFC0;
	s0 =	sadd.s32 $0x9400, s4;
	v17 =	vld [tilespmem:s6+$0x0];
	s4 =	sor.u32 s29, s1;
	v9 =	vmul.f32 v9, v49  }
0x342: {  	v3 =	vadd.f32 v14, v3;
	v4 =	vadd.f32 v13, v4;
	v18 =	vld [tilespmem:s4+$0x0];
	s4 =	sor.u32 s29, s0;
	v11 =	vmul.f32 v11, v48  }
0x343: {  	v5 =	vadd.f32 v10, v5;
	v13 =	vld [tilespmem:s4+$0x0];
	v6 =	vadd.f32 v9, v6;
	v9 =	vmul.f32 v15, v48  }
0x344: {  	v3 =	vadd.f32 v7, v3;
	v4 =	vadd.f32 v8, v4;
	v10 =	vld [tilespmem:s4+$0x80];
	v7 =	vmul.f32 v12, v47  }
0x345: {  	s29 =	sor.u32 $0x20, s23;
	v5 =	vadd.f32 v11, v5;
	v8 =	vld [tilespmem:s4+$0x100];
	v6 =	vadd.f32 v9, v6;
	v9 =	vmul.f32 v16, v47  }
0x346: {  	s30 =	sor.u32 s29, s1;
	v50 =	vadd.f32 v60, v3;
	v57 =	vadd.f32 v63, v4;
	v11 =	vld [tilespmem:s4+$0x180]  }
0x347: {  	s4 =	sor.u32 s29, s0;
	v53 =	vadd.f32 v7, v5;
	v48 =	vld [tilespmem:s30+$0x0];
	v54 =	vadd.f32 v9, v6;
	v47 =	vmov v18  }
0x348: {  	v3 =	vld [tilespmem:s4+$0x0]  }
0x349: {  	v4 =	vld [tilespmem:s4+$0x80]  }
0x34a: {  	s29 =	sor.u32 $0x10, s23;
	v5 =	vld [tilespmem:s4+$0x100]  }
0x34b: {  	s1 =	sor.u32 s29, s1;
	v6 =	vld [tilespmem:s4+$0x180]  }
0x34c: {  	v49 =	vld [tilespmem:s1+$0x0];
	s1 =	sor.u32 s29, s0  }
0x34d: {  	v7 =	vld [tilespmem:s1+$0x0]  }
0x34e: {  	v9 =	vld [tilespmem:s1+$0x80]  }
0x34f: {  	v12 =	vld [tilespmem:s1+$0x100]  }
0x350: {  	p0 =	por !p0, !p0;
	s0 =	sor.u32 s23, s0;
	v14 =	vld [tilespmem:s1+$0x180];
	s1 =	simm.s32 $0x1  }
0x351: {  	s1 =	simm.s32 @!p0 $0x0;
	v15 =	vld [tilespmem:s0+$0x0]  }
0x352: {  	s1 =	sshll.u32 s1, $0x6;
	v16 =	vld [tilespmem:s0+$0x80]  }
0x353: {  	v55 =	vmul.f32 v13, v47;
	v56 =	vmul.f32 v10, v47;
	s1 =	sadd.s32 s1, s7;
	v18 =	vld [tilespmem:s0+$0x100]  }
0x354: {  	v51 =	vmul.f32 v8, v47;
	v52 =	vmul.f32 v11, v47;
	v10 =	vld [tilespmem:s0+$0x180];
	s0 =	sor.u32 $0x200, s1  }
0x355: {  	v11 =	vmul.f32 v3, v48;
	v13 =	vmul.f32 v4, v48;
	v8 =	vld [tilespmem:s0+$0x9400];
	s0 =	sor.u32 $0x280, s1  }
0x356: {  	v19 =	vmul.f32 v5, v48;
	v20 =	vmul.f32 v6, v48;
	v4 =	vld [tilespmem:s0+$0x9400];
	s0 =	sor.u32 $0x300, s1  }
0x357: {  	v7 =	vmul.f32 v7, v49;
	v9 =	vmul.f32 v9, v49;
	s4 =	sadd.s32 $0x30, s1;
	v5 =	vld [tilespmem:s0+$0x9400];
	s0 =	sor.u32 $0x380, s1  }
0x358: {  	v12 =	vmul.f32 v12, v49;
	v14 =	vmul.f32 v14, v49;
	v6 =	vld [tilespmem:s0+$0x9400];
	s0 =	sor.u32 $0x200, s4  }
0x359: {  	s23 =	sadd.s32 $0x20, s1;
	v15 =	vmul.f32 v15, v17;
	v16 =	vmul.f32 v16, v17;
	v60 =	vld [tilespmem:s0+$0x9400];
	s0 =	sor.u32 $0x280, s4  }
0x35a: {  	s29 =	sor.u32 $0x200, s23;
	v18 =	vmul.f32 v18, v17;
	v10 =	vmul.f32 v10, v17;
	v63 =	vld [tilespmem:s0+$0x9400]  }
0x35b: {  	v3 =	vmul.f32 v8, v17;
	s0 =	sadd.s32 $0x10, s1;
	s1 =	sor.u32 $0x280, s23;
	v4 =	vmul.f32 v4, v17;
	v8 =	vld [tilespmem:s29+$0x9400]  }
0x35c: {  	v15 =	vadd.f32 v15, v58;
	v16 =	vadd.f32 v16, v59;
	s29 =	sor.u32 $0x200, s0;
	v5 =	vmul.f32 v5, v17;
	v21 =	vld [tilespmem:s1+$0x9400]  }
.Ltmp4:
0x35d: {  	v18 =	vadd.f32 v18, v61;
	v10 =	vadd.f32 v10, v62;
	s1 =	sor.u32 $0x280, s0;
	v6 =	vmul.f32 v6, v17;
	v58 =	vld [tilespmem:s29+$0x9400];
	(pc) =	sbr.rel @p1 .LBB2_6-.Ltmp4, $4  }
0x35e: {  	v7 =	vadd.f32 v7, v15;
	v15 =	vadd.f32 v9, v16;
	v61 =	vld [tilespmem:s1+$0x9400];
	s1 =	sor.u32 $0x300, s0;
	v60 =	vmul.f32 v60, v47  }
0x35f: {  	v12 =	vadd.f32 v12, v18;
	v14 =	vadd.f32 v14, v10;
	s0 =	sor.u32 $0x380, s0;
	v10 =	vld [tilespmem:s1+$0x9400];
	v63 =	vmul.f32 v63, v47  }
0x360: {  	v59 =	vadd.f32 v11, v7;
	v13 =	vadd.f32 v13, v15;
	v9 =	vld [tilespmem:s0+$0x9400];
	v7 =	vmul.f32 v8, v48;
	s0 =	sor.u32 $0x300, s23  }
0x361: {  	s7 =	sadd.s32 $0x200, s7;
	v62 =	vadd.f32 v19, v12;
	v12 =	vadd.f32 v20, v14;
	s23 =	sor.u32 $0x380, s23;
	v8 =	vmul.f32 v21, v48;
	v11 =	vld [tilespmem:s0+$0x9400]  }
0x362: {  	v15 =	vadd.f32 v55, v59  }
0x363: {  	v13 =	vadd.f32 v56, v13;
	v3 =	vadd.f32 v3, v50  }
0x364: {  	v4 =	vadd.f32 v4, v57;
	v5 =	vadd.f32 v5, v53  }
0x365: {  	v14 =	vmul.f32 v58, v49;
	v6 =	vadd.f32 v6, v54;
	v56 =	vadd.f32 $0.0e+00, v45  }
0x366: {  	v57 =	vadd.f32 $0.0e+00, v46;
	v59 =	vadd.f32 $0.0e+00, v44;
	vm2 =	vmmov $0x1  }
0x367: {  	v16 =	vld [tilespmem:s23+$0x9400];
	v17 =	vmul.f32 v61, v49;
	v18 =	vadd.f32 v51, v62;
	v12 =	vadd.f32 v52, v12  }
0x368: {  	s0 =	sor.u32 $0x300, s4;
	v61 =	vadd.f32 $0.0e+00, v43;
	v10 =	vmul.f32 v10, v49;
	v3 =	vadd.f32 v14, v3  }
0x369: {  	s23 =	sor.u32 $0x380, s4;
	v19 =	vld [tilespmem:s0+$0x9400];
	v62 =	vbroadcast v59, $0xF;
	v9 =	vmul.f32 v9, v49;
	v4 =	vadd.f32 v17, v4  }
0x36a: {  	s29 =	sshll.u32 s24, $0x4;
	v20 =	vld [tilespmem:s23+$0x9400];
	v17 =	vadd.f32 $0.0e+00, v41;
	v41 =	vadd.f32 $0.0e+00, v40;
	v11 =	vmul.f32 v11, v48  }
0x36b: {  	v52 =	vld [tilespmem:s29+$0x200];
	(xrf2) =	vadd.scan.msk.f32 $0xffff, v15;
	v5 =	vadd.f32 v10, v5;
	v3 =	vadd.f32 v7, v3;
	v10 =	vbroadcast v57, $0xF  }
0x36c: {  	(xrf2) =	vadd.scan.msk.f32 $0xffff, v13;
	v6 =	vadd.f32 v9, v6;
	v54 =	vmul.f32 v16, v48;
	v4 =	vadd.f32 v8, v4  }
0x36d: {  	(xrf2) =	vadd.scan.msk.f32 $0xffff, v18;
	v8 =	vbroadcast v56, $0xF;
	v16 =	vadd.f32 $0.0e+00, v42;
	v42 =	vadd.f32 $0.0e+00, v39  }
0x36e: {  	(xrf2) =	vadd.scan.msk.f32 $0xffff, v12;
	v44 =	vbroadcast v41, $0xF;
	v55 =	vmul.f32 v19, v47;
	v5 =	vadd.f32 v11, v5  }
0x36f: {  	v58 =	vmul.f32 v20, v47;
	v3 =	vadd.f32 v60, v3;
	v19 =	vbroadcast v17, $0xF  }
0x370: {  	v60 =	vsub.s32 v52, v0;
	v6 =	vadd.f32 v54, v6;
	v4 =	vadd.f32 v63, v4  }
0x371: {  	v8 =	vsel vm2, v8, v10;
	vm2 =	vmmov $0x3;
	(xrf2) =	vadd.scan.msk.f32 $0xffff, v3;
	v5 =	vadd.f32 v55, v5  }
0x372: {  	v63 =	vbroadcast v61, $0xF;
	v18 =	vbroadcast v16, $0xF;
	v61 =	vor.u32 s29, v1;
	(xrf2) =	vadd.scan.msk.f32 $0xffff, v4  }
0x373: {  	v3 =	vsel vm2, v8, v62;
	vm2 =	vmmov $0x7;
	v8 =	vand.u32 $0xFFFFFF80, v60;
	(xrf2) =	vadd.scan.msk.f32 $0xffff, v5  }
0x374: {  	v3 =	vsel vm2, v3, v63;
	vm2 =	vmmov $0xf;
	v6 =	vadd.f32 v58, v6  }
0x375: {  	v3 =	vsel vm2, v3, v18;
	vm2 =	vmmov $0x1f;
	v5 =	vbroadcast v42, $0xF;
	v43, _, _ =	vpop (xrf2)  }
0x376: {  	v3 =	vsel vm2, v3, v19;
	vm2 =	vmmov $0x3f;
	(xrf2) =	vadd.scan.msk.f32 $0xffff, v6;
	v45, _, _ =	vpop (xrf2);
	v7 =	vadd.f32 $0.0e+00, v43  }
0x377: {  	v3 =	vsel vm2, v3, v44;
	vm2 =	vmmov $0x7f;
	v46 =	vadd.f32 $0.0e+00, v45;
	v47, _, _ =	vpop (xrf2)  }
0x378: {  	v3 =	vsel vm2, v3, v5;
	v48 =	vbroadcast v7, $0xF;
	v49, _, _ =	vpop (xrf2);
	v50 =	vadd.f32 $0.0e+00, v47  }
0x379: {  	vm2 =	vmmov $0xff;
	v4 =	vbroadcast v46, $0xF;
	v51 =	vadd.f32 $0.0e+00, v49  }
0x37a: {  	v3 =	vsel vm2, v3, v48;
	vm2 =	vmmov $0x1ff;
	v54 =	vbroadcast v50, $0xF  }
0x37b: {  	v53, _, _ =	vpop (xrf2);
	v3 =	vsel vm2, v3, v4;
	vm2 =	vmmov $0x3ff;
	v5 =	vbroadcast v51, $0xF  }
0x37c: {  	v55 =	vadd.f32 $0.0e+00, v53;
	v56, _, _ =	vpop (xrf2);
	v3 =	vsel vm2, v3, v54;
	vm2 =	vmmov $0x7ff  }
0x37d: {  	v6 =	vand.u32 $0x7F, v52;
	v57, _, _ =	vpop (xrf2);
	v3 =	vsel vm2, v3, v5;
	v59 =	vadd.f32 $0.0e+00, v56  }
0x37e: {  	vm2 =	vlt.s32 v61, v38;
	v58 =	vbroadcast v55, $0xF;
	v4 =	vadd.f32 $0.0e+00, v57  }
0x37f: {  	vm3 =	vmmov $0xfff;
	p0 =	sne.s32 s3, s28;
	v6 =	vor.u32 v6, v8;
	v7 =	vbroadcast v59, $0xF  }
.Ltmp5:
0x380: {  	v62, _, _ =	vpop (xrf2);
	v3 =	vsel vm3, v3, v58;
	vm3 =	vmmov $0x1fff;
	v4 =	vbroadcast v4, $0xF;
	(pc) =	sbr.rel @p0 .LBB2_3-.Ltmp5, $4  }
.Ltmp6:
0x381: {  	v63 =	vadd.f32 $0.0e+00, v62;
	v3 =	vsel vm3, v3, v7;
	vm3 =	vmmov $0x3fff;
	(pc) =	sbr.rel @!p0 .LBB2_8-.Ltmp6, $4  }
0x382: {  	v3 =	vsel vm3, v3, v4;
	vm3 =	vmmov $0x7fff  }
0x383: {  	s30 =	simm.s32 $0x11400;
	v3 =	vsel vm3, v3, v63  }
0x384: {  	s24 =	smov.u32 s3;
	[tilespmem:v6+s30+$0x0] =	vst.idx.msk vm2, v3  }
0x385: {  	_ = 	snop  }
.LBB2_9:
0x386: {  	_ =	sfence.sel $0x180000  }
0x387: {  	[bflag:$0x0] =	sbarrier.arrive $0xFFFF  }
0x388: {  	_ =	strace $0x90000047  }
0x389: {  	s0 =	stileid.u32;
	[bflag:$0x2] =	sbarrier.arrive $0xFFFF  }
0x38a: {  	p0 =	sne.s32 s0, $0x0;
	s0 =	rddreg [dreg:$0x3]  }
0x38b: {  	s0 =	sadd.s32 @!p0 $0x100000, s0  }
0x38c: {  	[sflag:s0] =	ssyncadd.tile.s32 @!p0 $0x1;
	_ =	shalt  }
.Lfunc_end2:
_tile_overlayer_lowered:
.L_overlay_start_2:
0x38d: {  	(tag) =	ssettag $0x2  }
0x38e: {  	s0 =	rddreg [dreg:$0x0];
	s2 =	stileid.u32  }
0x38f: {  	s1 =	rddreg [dreg:$0x1];
	p0 =	sne.s32 s2, $0x0  }
0x390: {  	s3 =	rddreg [dreg:$0x2];
	[bflag:$0x3] =	sbarrier.arrive $0xFFFF;
	s2 =	simm.s32 @!p0 $0x1C03  }
0x391: {  	[timem:s3], [sflag:s2] =	dma.local @!p0 [hbm:s0], s1  }
0x392: {  	s0 =	simm.s32 @!p0 $0x3  }
0x393: {  	_ =	swait.ge @!p0 [sflag:s0], s1  }
0x394: {  	s1 =	ssub.s32 @!p0 $0x0, s1;
	[sflag:s0] =	ssyncset.done @!p0 $0x0  }
0x395: {  	[sflag:s0] =	ssyncadd.s32 @!p0 s1  }
0x396: {  	[bflag:$0x3] =	sbarrier.arrive $0xFFFF  }
0x397: {  	_ =	shalt  }

</sc_bundles>
